<compile_context>
chip_gen: v7x
topology: tpu7x:2x2x1
jax: 0.10.2.dev20260603
libtpu: 0.0.44.dev20260713+nightly
codegen_flags: <defaults>
</compile_context>

<pallas_src>
import jax
import jax.numpy as jnp
from jax import lax
from jax.experimental import pallas as pl
from jax.experimental.pallas import tpu as pltpu
from jax.experimental.pallas import tpu_sc as plsc

B = 16384
D = 200
F = 14
CAT = 100000
NC = 2
NS = 16
NW = NC * NS
RPW = B // NW
NJ = D // 16
TOFF = D - 16
ICH = 128


def _bf16r(x):
    b = plsc.bitcast(x, jnp.uint32)
    b = b + jnp.uint32(0x7FFF) + ((b >> jnp.uint32(16)) & jnp.uint32(1))
    b = b & jnp.uint32(0xFFFF0000)
    return plsc.bitcast(b, jnp.float32)


def _round2(a, b):
    return _bf16r(a), _bf16r(b)


def _body(cat_hbm, freq_hbm, cfe_hbm, wh_hbm, wo_hbm, bh_hbm, bo_hbm,
          out_hbm,
          idx_v, frq_v, fea_v, wh_v, wo_v, bh_v, bo_v,
          sa_v, ss_v, s_v, out_v, sem_a):
    wid = lax.axis_index("s") * NC + lax.axis_index("c")
    base = wid * RPW

    lanes = jnp.arange(16, dtype=jnp.int32)
    tailm = lanes >= (16 - (D - NJ * 16))
    zero = jnp.zeros((16,), jnp.float32)

    pltpu.sync_copy(cat_hbm.at[pl.ds(base, RPW)], idx_v)
    copies = []
    for k in range(RPW // ICH):
        copies.append(pltpu.async_copy(
            cfe_hbm.at[idx_v.at[pl.ds(k * ICH, ICH)]],
            fea_v.at[pl.ds(k * ICH, ICH)], sem_a))
    pltpu.sync_copy(freq_hbm.at[pl.ds(base, RPW)], frq_v)
    pltpu.sync_copy(wh_hbm, wh_v)
    pltpu.sync_copy(wo_hbm, wo_v)
    pltpu.sync_copy(bh_hbm, bh_v)
    pltpu.sync_copy(bo_hbm, bo_v)
    for c in copies:
        c.wait()

    wrows = []
    for i in range(16):
        ai, bi = _round2(wh_v[pl.ds(32 * i, 16)], wh_v[pl.ds(32 * i + 16, 16)])
        wrows.append((ai, bi))
    wa01 = wrows[0][0] + wrows[1][0]
    wb01 = wrows[0][1] + wrows[1][1]
    woa, wob = _round2(wo_v[pl.ds(8, 16)], wo_v[pl.ds(24, 16)])
    bha = bh_v[pl.ds(0, 16)]
    bhb = bh_v[pl.ds(16, 16)]
    bo_splat = plsc.load_gather(bo_v, [jnp.full((16,), 1, jnp.int32)])

    def group_body(g, _):
        for rr in range(16):
            r = g * 16 + rr
            acc = zero
            for j in range(NJ):
                acc = acc + frq_v[r, pl.ds(16 * j, 16)]
            acc = acc + jnp.where(tailm, frq_v[r, pl.ds(TOFF, 16)], 0.0)
            sa_v[pl.ds(16 * rr, 16)] = acc
        sum1 = zero
        for c in range(16):
            sum1 = sum1 + plsc.load_gather(sa_v, [lanes * 16 + c])
        ss_v[pl.ds(16, 16)] = _bf16r(sum1)
        for rr in range(16):
            r = g * 16 + rr
            s_spl = plsc.load_gather(ss_v, [jnp.full((16,), 16 + rr, jnp.int32)])
            fe = jnp.where(lanes < F, fea_v[r, pl.ds(0, 16)], 0.0)
            ss_v[pl.ds(32, 16)] = _bf16r(fe)
            ha = s_spl * wa01 + bha
            hb = s_spl * wb01 + bhb
            for m in range(F):
                fm = plsc.load_gather(ss_v, [jnp.full((16,), 32 + m, jnp.int32)])
                ha = ha + fm * wrows[2 + m][0]
                hb = hb + fm * wrows[2 + m][1]
            har, hbr = _round2(ha, hb)
            s_v[pl.ds(16 * rr, 16)] = har * woa + hbr * wob
        ov = bo_splat
        for c in range(16):
            ov = ov + plsc.load_gather(s_v, [lanes * 16 + c])
        out_v[pl.ds(g * 16, 16)] = ov
        return 0

    lax.fori_loop(0, RPW // 16, group_body, 0)

    pltpu.sync_copy(out_v, out_hbm.at[pl.ds(base, RPW)])


@jax.jit
def _run(cat, freq, cfe, wh_flat, wo_pad, bh, bo_pad):
    mesh = plsc.VectorSubcoreMesh(
        core_axis_name="c", subcore_axis_name="s", num_cores=NC, num_subcores=NS)
    f32 = jnp.float32
    call = pl.kernel(
        _body,
        out_type=jax.ShapeDtypeStruct((B,), f32),
        mesh=mesh,
        scratch_types=[
            pltpu.VMEM((RPW,), jnp.int32),
            pltpu.VMEM((RPW, D), f32),
            pltpu.VMEM((RPW, 16), f32),
            pltpu.VMEM((512,), f32),
            pltpu.VMEM((40,), f32),
            pltpu.VMEM((32,), f32),
            pltpu.VMEM((8,), f32),
            pltpu.VMEM((256,), f32),
            pltpu.VMEM((48,), f32),
            pltpu.VMEM((256,), f32),
            pltpu.VMEM((RPW,), f32),
            pltpu.SemaphoreType.DMA,
        ],
        compiler_params=pltpu.CompilerParams(
            needs_layout_passes=False, use_tc_tiling_on_sc=False),
    )
    return call(cat, freq, cfe, wh_flat, wo_pad, bh, bo_pad)


def kernel(cat, freq_vec_seq, cat_pos_weight, overall_pos_emb, cat_feat_emb,
           W_h, b_h, W_o, b_o):
    del cat_pos_weight, overall_pos_emb
    cfe_pad = jnp.pad(cat_feat_emb, ((0, 0), (0, 16 - F)))
    wo_pad = jnp.pad(W_o.reshape(32), (8, 0))
    bo_pad = jnp.pad(b_o, (1, 6))
    out = _run(cat, freq_vec_seq, cfe_pad, W_h.reshape(512), wo_pad,
               b_h, bo_pad)
    return out.reshape(B, 1)

# --- scband reference (transcript-rebuilt; emitter-appended) ---
"""Pipeline reference for scband-candidate-filter-model-25400436588972 (READ-ONLY COPY).

The authoritative reference and input builder live on the scoring server;
editing this copy changes nothing except your own understanding.
"""

import jax, jax.numpy as jnp
import numpy as np

B = 16384
CAT_NUM = 100000
FREQ_MAX_LEN = 200

def setup_inputs(seed: int = 0) -> dict:
    key = jax.random.key(seed)
    k1, k2, k3, k4, k5, k6, k7 = jax.random.split(key, 7)
    cat = jax.random.randint(k1, (B,), 0, CAT_NUM, dtype=jnp.int32)
    freq_vec_seq = jax.random.uniform(k2, (B, FREQ_MAX_LEN), dtype=jnp.float32)
    # learned parameters
    cat_pos_weight = jnp.ones((CAT_NUM, FREQ_MAX_LEN), dtype=jnp.float32)  # nn.init.constant_(1.0)
    overall_pos_emb = jnp.ones((1, FREQ_MAX_LEN), dtype=jnp.float32)       # nn.init.constant_(1.0)
    cat_feat_emb = jax.random.normal(k3, (CAT_NUM, 14), dtype=jnp.float32)
    W_h = jax.random.normal(k4, (16, 32), dtype=jnp.float32) * (1.0 / np.sqrt(16))
    b_h = jax.random.uniform(k5, (32,), dtype=jnp.float32, minval=-1.0/np.sqrt(16), maxval=1.0/np.sqrt(16))
    W_o = jax.random.normal(k6, (32, 1), dtype=jnp.float32) * (1.0 / np.sqrt(32))
    b_o = jax.random.uniform(k7, (1,), dtype=jnp.float32, minval=-1.0/np.sqrt(32), maxval=1.0/np.sqrt(32))
    return {"cat": cat, "freq_vec_seq": freq_vec_seq,
            "cat_pos_weight": cat_pos_weight, "overall_pos_emb": overall_pos_emb,
            "cat_feat_emb": cat_feat_emb, "W_h": W_h, "b_h": b_h, "W_o": W_o, "b_o": b_o}

def reference(cat, freq_vec_seq, cat_pos_weight, overall_pos_emb, cat_feat_emb, W_h, b_h, W_o, b_o):
    # cat_pos_weight lookup: [B, freq_max_len]
    cpw = jnp.take(cat_pos_weight, cat, axis=0)
    cat_rep_score = jnp.sum(freq_vec_seq * cpw, axis=1)[:, None]
    # overall position weight: lookup of index 0 broadcast over batch
    overall_v = jnp.zeros_like(cat)
    opw = jnp.take(overall_pos_emb, overall_v, axis=0)
    overall_rep_score = jnp.sum(freq_vec_seq * opw, axis=1)[:, None]
    # model_version == 'v1'
    cat_feat = jnp.take(cat_feat_emb, cat, axis=0)
    feat = jnp.concatenate([cat_rep_score, overall_rep_score, cat_feat], axis=1)
    hidden = feat @ W_h + b_h
    output = hidden @ W_o + b_o
    return output

if __name__ == "__main__":
    import jax
    _d = setup_inputs()
    print(jax.jit(kernel)(*tuple(_d.values())))

</pallas_src>

<mosaic_0001>
#map = affine_map<(d0, d1) -> (0)>
#map1 = affine_map<(d0, d1) -> (0, 0)>
module attributes {stable_mosaic.version = 14 : i64} {
  func.func @_body(%arg0: i32, %arg1: i32, %arg2: memref<16384xi32, #tpu.memory_space<hbm>>, %arg3: memref<16384x200xf32, #tpu.memory_space<hbm>>, %arg4: memref<100000x16xf32, #tpu.memory_space<hbm>>, %arg5: memref<512xf32, #tpu.memory_space<hbm>>, %arg6: memref<40xf32, #tpu.memory_space<hbm>>, %arg7: memref<32xf32, #tpu.memory_space<hbm>>, %arg8: memref<8xf32, #tpu.memory_space<hbm>>, %arg9: memref<16384xf32, #tpu.memory_space<hbm>>, %arg10: memref<512xi32, #tpu.memory_space<vmem>>, %arg11: memref<512x200xf32, #tpu.memory_space<vmem>>, %arg12: memref<512x16xf32, #tpu.memory_space<vmem>>, %arg13: memref<512xf32, #tpu.memory_space<vmem>>, %arg14: memref<40xf32, #tpu.memory_space<vmem>>, %arg15: memref<32xf32, #tpu.memory_space<vmem>>, %arg16: memref<8xf32, #tpu.memory_space<vmem>>, %arg17: memref<256xf32, #tpu.memory_space<vmem>>, %arg18: memref<48xf32, #tpu.memory_space<vmem>>, %arg19: memref<256xf32, #tpu.memory_space<vmem>>, %arg20: memref<512xf32, #tpu.memory_space<vmem>>, %arg21: memref<!tpu.dma_semaphore, #tpu.memory_space<semaphore_mem>>) attributes {dimension_semantics = [#tpu.dimension_semantics<core_parallel>, #tpu.dimension_semantics<subcore_parallel>], iteration_bounds = array<i64: 2, 16>, scalar_prefetch = 0 : i64, scratch_operands = 12 : i64, tpu.core_type = #tpu.core_type<sc_vector_subcore>, window_params = [{transform_indices = #map}, {transform_indices = #map1}, {transform_indices = #map1}, {transform_indices = #map}, {transform_indices = #map}, {transform_indices = #map}, {transform_indices = #map}, {transform_indices = #map}]} {
    %mul3A = arith.constant 2 : i32
    %mul3A_0 = arith.muli %arg1, %mul3A : i32
    %add3A = arith.addi %mul3A_0, %arg0 : i32
    %mul3A_1 = arith.constant 512 : i32
    %mul3A_2 = arith.muli %add3A, %mul3A_1 : i32
    %iota3A = tpu.iota {dimensions = array<i32: 0>} : vector<16xi32>
    %ge3A = arith.constant 8 : i32
    %ge3A_3 = vector.broadcast %ge3A : i32 to vector<16xi32>
    %ge3A_4 = arith.cmpi sge, %iota3A, %ge3A_3 : vector<16xi32>
    %broadcast_in_dim3A = arith.constant 0.000000e+00 : f32
    %broadcast_in_dim3A_5 = vector.broadcast %broadcast_in_dim3A : f32 to vector<16xf32>
    "tpu.region"() ({
      %run_scoped3A = tpu.sem_alloc : memref<!tpu.dma_semaphore, #tpu.memory_space<semaphore_mem>>
      %dma_start3A_656 = tpu.memref_slice %arg2[%mul3A_2] : memref<16384xi32, #tpu.memory_space<hbm>> -> memref<512xi32, #tpu.memory_space<hbm>>
      %dma_start3A_657 = tpu.memref_slice %arg2[%mul3A_2] : memref<16384xi32, #tpu.memory_space<hbm>> -> memref<512xi32, #tpu.memory_space<hbm>>
      tpu.enqueue_dma source(%dma_start3A_657 : memref<512xi32, #tpu.memory_space<hbm>>) target(%arg10 : memref<512xi32, #tpu.memory_space<vmem>>) target_semaphore(%run_scoped3A : memref<!tpu.dma_semaphore, #tpu.memory_space<semaphore_mem>>)
      %dma_wait3A_658 = tpu.memref_slice %arg2[%mul3A_2] : memref<16384xi32, #tpu.memory_space<hbm>> -> memref<512xi32, #tpu.memory_space<hbm>>
      %dma_wait3A_659 = tpu.memref_slice %arg2[%mul3A_2] : memref<16384xi32, #tpu.memory_space<hbm>> -> memref<512xi32, #tpu.memory_space<hbm>>
      tpu.wait_dma2 semaphore(%run_scoped3A : memref<!tpu.dma_semaphore, #tpu.memory_space<semaphore_mem>>) src(%dma_wait3A_659 : memref<512xi32, #tpu.memory_space<hbm>>) dst(%arg10 : memref<512xi32, #tpu.memory_space<vmem>>)
      tpu.yield
    }) : () -> ()
    %dma_start3A = arith.constant 0 : i32
    %dma_start3A_6 = arith.constant 0 : i32
    %dma_start3A_7 = tpu.memref_slice %arg12[%dma_start3A, %dma_start3A_6] : memref<512x16xf32, #tpu.memory_space<vmem>> -> memref<128x16xf32, #tpu.memory_space<vmem>>
    %dma_start3A_8 = arith.constant 0 : i32
    %dma_start3A_9 = tpu.memref_slice %arg10[%dma_start3A_8] : memref<512xi32, #tpu.memory_space<vmem>> -> memref<128xi32, #tpu.memory_space<vmem>>
    %dma_start3A_10 = arith.constant 0 : i32
    %dma_start3A_11 = arith.constant 0 : i32
    %dma_start3A_12 = tpu.memref_slice %arg4[%dma_start3A_10, %dma_start3A_11] : memref<100000x16xf32, #tpu.memory_space<hbm>> -> memref<100000x16xf32, #tpu.memory_space<hbm>>
    tpu.enqueue_indirect_dma source(%dma_start3A_12 : memref<100000x16xf32, #tpu.memory_space<hbm>>) target(%dma_start3A_7 : memref<128x16xf32, #tpu.memory_space<vmem>>) offsets(%dma_start3A_9 : memref<128xi32, #tpu.memory_space<vmem>>) semaphore(%arg21 : memref<!tpu.dma_semaphore, #tpu.memory_space<semaphore_mem>>)
    %dma_start3A_13 = arith.constant 128 : i32
    %dma_start3A_14 = arith.constant 0 : i32
    %dma_start3A_15 = tpu.memref_slice %arg12[%dma_start3A_13, %dma_start3A_14] : memref<512x16xf32, #tpu.memory_space<vmem>> -> memref<128x16xf32, #tpu.memory_space<vmem>>
    %dma_start3A_16 = arith.constant 128 : i32
    %dma_start3A_17 = tpu.memref_slice %arg10[%dma_start3A_16] : memref<512xi32, #tpu.memory_space<vmem>> -> memref<128xi32, #tpu.memory_space<vmem>>
    %dma_start3A_18 = arith.constant 0 : i32
    %dma_start3A_19 = arith.constant 0 : i32
    %dma_start3A_20 = tpu.memref_slice %arg4[%dma_start3A_18, %dma_start3A_19] : memref<100000x16xf32, #tpu.memory_space<hbm>> -> memref<100000x16xf32, #tpu.memory_space<hbm>>
    tpu.enqueue_indirect_dma source(%dma_start3A_20 : memref<100000x16xf32, #tpu.memory_space<hbm>>) target(%dma_start3A_15 : memref<128x16xf32, #tpu.memory_space<vmem>>) offsets(%dma_start3A_17 : memref<128xi32, #tpu.memory_space<vmem>>) semaphore(%arg21 : memref<!tpu.dma_semaphore, #tpu.memory_space<semaphore_mem>>)
    %dma_start3A_21 = arith.constant 256 : i32
    %dma_start3A_22 = arith.constant 0 : i32
    %dma_start3A_23 = tpu.memref_slice %arg12[%dma_start3A_21, %dma_start3A_22] : memref<512x16xf32, #tpu.memory_space<vmem>> -> memref<128x16xf32, #tpu.memory_space<vmem>>
    %dma_start3A_24 = arith.constant 256 : i32
    %dma_start3A_25 = tpu.memref_slice %arg10[%dma_start3A_24] : memref<512xi32, #tpu.memory_space<vmem>> -> memref<128xi32, #tpu.memory_space<vmem>>
    %dma_start3A_26 = arith.constant 0 : i32
    %dma_start3A_27 = arith.constant 0 : i32
    %dma_start3A_28 = tpu.memref_slice %arg4[%dma_start3A_26, %dma_start3A_27] : memref<100000x16xf32, #tpu.memory_space<hbm>> -> memref<100000x16xf32, #tpu.memory_space<hbm>>
    tpu.enqueue_indirect_dma source(%dma_start3A_28 : memref<100000x16xf32, #tpu.memory_space<hbm>>) target(%dma_start3A_23 : memref<128x16xf32, #tpu.memory_space<vmem>>) offsets(%dma_start3A_25 : memref<128xi32, #tpu.memory_space<vmem>>) semaphore(%arg21 : memref<!tpu.dma_semaphore, #tpu.memory_space<semaphore_mem>>)
    %dma_start3A_29 = arith.constant 384 : i32
    %dma_start3A_30 = arith.constant 0 : i32
    %dma_start3A_31 = tpu.memref_slice %arg12[%dma_start3A_29, %dma_start3A_30] : memref<512x16xf32, #tpu.memory_space<vmem>> -> memref<128x16xf32, #tpu.memory_space<vmem>>
    %dma_start3A_32 = arith.constant 384 : i32
    %dma_start3A_33 = tpu.memref_slice %arg10[%dma_start3A_32] : memref<512xi32, #tpu.memory_space<vmem>> -> memref<128xi32, #tpu.memory_space<vmem>>
    %dma_start3A_34 = arith.constant 0 : i32
    %dma_start3A_35 = arith.constant 0 : i32
    %dma_start3A_36 = tpu.memref_slice %arg4[%dma_start3A_34, %dma_start3A_35] : memref<100000x16xf32, #tpu.memory_space<hbm>> -> memref<100000x16xf32, #tpu.memory_space<hbm>>
    tpu.enqueue_indirect_dma source(%dma_start3A_36 : memref<100000x16xf32, #tpu.memory_space<hbm>>) target(%dma_start3A_31 : memref<128x16xf32, #tpu.memory_space<vmem>>) offsets(%dma_start3A_33 : memref<128xi32, #tpu.memory_space<vmem>>) semaphore(%arg21 : memref<!tpu.dma_semaphore, #tpu.memory_space<semaphore_mem>>)
    "tpu.region"() ({
      %run_scoped3A = tpu.sem_alloc : memref<!tpu.dma_semaphore, #tpu.memory_space<semaphore_mem>>
      %dma_start3A_656 = arith.constant 0 : i32
      %dma_start3A_657 = tpu.memref_slice %arg3[%mul3A_2, %dma_start3A_656] : memref<16384x200xf32, #tpu.memory_space<hbm>> -> memref<512x200xf32, #tpu.memory_space<hbm>>
      %dma_start3A_658 = arith.constant 0 : i32
      %dma_start3A_659 = tpu.memref_slice %arg3[%mul3A_2, %dma_start3A_658] : memref<16384x200xf32, #tpu.memory_space<hbm>> -> memref<512x200xf32, #tpu.memory_space<hbm>>
      tpu.enqueue_dma source(%dma_start3A_659 : memref<512x200xf32, #tpu.memory_space<hbm>>) target(%arg11 : memref<512x200xf32, #tpu.memory_space<vmem>>) target_semaphore(%run_scoped3A : memref<!tpu.dma_semaphore, #tpu.memory_space<semaphore_mem>>)
      %dma_wait3A_660 = arith.constant 0 : i32
      %dma_wait3A_661 = tpu.memref_slice %arg3[%mul3A_2, %dma_wait3A_660] : memref<16384x200xf32, #tpu.memory_space<hbm>> -> memref<512x200xf32, #tpu.memory_space<hbm>>
      %dma_wait3A_662 = arith.constant 0 : i32
      %dma_wait3A_663 = tpu.memref_slice %arg3[%mul3A_2, %dma_wait3A_662] : memref<16384x200xf32, #tpu.memory_space<hbm>> -> memref<512x200xf32, #tpu.memory_space<hbm>>
      tpu.wait_dma2 semaphore(%run_scoped3A : memref<!tpu.dma_semaphore, #tpu.memory_space<semaphore_mem>>) src(%dma_wait3A_663 : memref<512x200xf32, #tpu.memory_space<hbm>>) dst(%arg11 : memref<512x200xf32, #tpu.memory_space<vmem>>)
      tpu.yield
    }) : () -> ()
    "tpu.region"() ({
      %run_scoped3A = tpu.sem_alloc : memref<!tpu.dma_semaphore, #tpu.memory_space<semaphore_mem>>
      tpu.enqueue_dma source(%arg5 : memref<512xf32, #tpu.memory_space<hbm>>) target(%arg13 : memref<512xf32, #tpu.memory_space<vmem>>) target_semaphore(%run_scoped3A : memref<!tpu.dma_semaphore, #tpu.memory_space<semaphore_mem>>)
      tpu.wait_dma2 semaphore(%run_scoped3A : memref<!tpu.dma_semaphore, #tpu.memory_space<semaphore_mem>>) src(%arg5 : memref<512xf32, #tpu.memory_space<hbm>>) dst(%arg13 : memref<512xf32, #tpu.memory_space<vmem>>)
      tpu.yield
    }) : () -> ()
    "tpu.region"() ({
      %run_scoped3A = tpu.sem_alloc : memref<!tpu.dma_semaphore, #tpu.memory_space<semaphore_mem>>
      tpu.enqueue_dma source(%arg6 : memref<40xf32, #tpu.memory_space<hbm>>) target(%arg14 : memref<40xf32, #tpu.memory_space<vmem>>) target_semaphore(%run_scoped3A : memref<!tpu.dma_semaphore, #tpu.memory_space<semaphore_mem>>)
      tpu.wait_dma2 semaphore(%run_scoped3A : memref<!tpu.dma_semaphore, #tpu.memory_space<semaphore_mem>>) src(%arg6 : memref<40xf32, #tpu.memory_space<hbm>>) dst(%arg14 : memref<40xf32, #tpu.memory_space<vmem>>)
      tpu.yield
    }) : () -> ()
    "tpu.region"() ({
      %run_scoped3A = tpu.sem_alloc : memref<!tpu.dma_semaphore, #tpu.memory_space<semaphore_mem>>
      tpu.enqueue_dma source(%arg7 : memref<32xf32, #tpu.memory_space<hbm>>) target(%arg15 : memref<32xf32, #tpu.memory_space<vmem>>) target_semaphore(%run_scoped3A : memref<!tpu.dma_semaphore, #tpu.memory_space<semaphore_mem>>)
      tpu.wait_dma2 semaphore(%run_scoped3A : memref<!tpu.dma_semaphore, #tpu.memory_space<semaphore_mem>>) src(%arg7 : memref<32xf32, #tpu.memory_space<hbm>>) dst(%arg15 : memref<32xf32, #tpu.memory_space<vmem>>)
      tpu.yield
    }) : () -> ()
    "tpu.region"() ({
      %run_scoped3A = tpu.sem_alloc : memref<!tpu.dma_semaphore, #tpu.memory_space<semaphore_mem>>
      tpu.enqueue_dma source(%arg8 : memref<8xf32, #tpu.memory_space<hbm>>) target(%arg16 : memref<8xf32, #tpu.memory_space<vmem>>) target_semaphore(%run_scoped3A : memref<!tpu.dma_semaphore, #tpu.memory_space<semaphore_mem>>)
      tpu.wait_dma2 semaphore(%run_scoped3A : memref<!tpu.dma_semaphore, #tpu.memory_space<semaphore_mem>>) src(%arg8 : memref<8xf32, #tpu.memory_space<hbm>>) dst(%arg16 : memref<8xf32, #tpu.memory_space<vmem>>)
      tpu.yield
    }) : () -> ()
    %dma_wait3A = arith.constant 0 : i32
    %dma_wait3A_37 = arith.constant 0 : i32
    %dma_wait3A_38 = tpu.memref_slice %arg12[%dma_wait3A, %dma_wait3A_37] : memref<512x16xf32, #tpu.memory_space<vmem>> -> memref<128x16xf32, #tpu.memory_space<vmem>>
    %dma_wait3A_39 = arith.constant 0 : i32
    %dma_wait3A_40 = tpu.memref_slice %arg10[%dma_wait3A_39] : memref<512xi32, #tpu.memory_space<vmem>> -> memref<128xi32, #tpu.memory_space<vmem>>
    %dma_wait3A_41 = arith.constant 0 : i32
    %dma_wait3A_42 = arith.constant 0 : i32
    %dma_wait3A_43 = tpu.memref_slice %arg4[%dma_wait3A_41, %dma_wait3A_42] : memref<100000x16xf32, #tpu.memory_space<hbm>> -> memref<100000x16xf32, #tpu.memory_space<hbm>>
    tpu.wait_indirect_dma semaphore(%arg21 : memref<!tpu.dma_semaphore, #tpu.memory_space<semaphore_mem>>) src(%dma_wait3A_43 : memref<100000x16xf32, #tpu.memory_space<hbm>>) dst(%dma_wait3A_38 : memref<128x16xf32, #tpu.memory_space<vmem>>)
    %dma_wait3A_44 = arith.constant 128 : i32
    %dma_wait3A_45 = arith.constant 0 : i32
    %dma_wait3A_46 = tpu.memref_slice %arg12[%dma_wait3A_44, %dma_wait3A_45] : memref<512x16xf32, #tpu.memory_space<vmem>> -> memref<128x16xf32, #tpu.memory_space<vmem>>
    %dma_wait3A_47 = arith.constant 128 : i32
    %dma_wait3A_48 = tpu.memref_slice %arg10[%dma_wait3A_47] : memref<512xi32, #tpu.memory_space<vmem>> -> memref<128xi32, #tpu.memory_space<vmem>>
    %dma_wait3A_49 = arith.constant 0 : i32
    %dma_wait3A_50 = arith.constant 0 : i32
    %dma_wait3A_51 = tpu.memref_slice %arg4[%dma_wait3A_49, %dma_wait3A_50] : memref<100000x16xf32, #tpu.memory_space<hbm>> -> memref<100000x16xf32, #tpu.memory_space<hbm>>
    tpu.wait_indirect_dma semaphore(%arg21 : memref<!tpu.dma_semaphore, #tpu.memory_space<semaphore_mem>>) src(%dma_wait3A_51 : memref<100000x16xf32, #tpu.memory_space<hbm>>) dst(%dma_wait3A_46 : memref<128x16xf32, #tpu.memory_space<vmem>>)
    %dma_wait3A_52 = arith.constant 256 : i32
    %dma_wait3A_53 = arith.constant 0 : i32
    %dma_wait3A_54 = tpu.memref_slice %arg12[%dma_wait3A_52, %dma_wait3A_53] : memref<512x16xf32, #tpu.memory_space<vmem>> -> memref<128x16xf32, #tpu.memory_space<vmem>>
    %dma_wait3A_55 = arith.constant 256 : i32
    %dma_wait3A_56 = tpu.memref_slice %arg10[%dma_wait3A_55] : memref<512xi32, #tpu.memory_space<vmem>> -> memref<128xi32, #tpu.memory_space<vmem>>
    %dma_wait3A_57 = arith.constant 0 : i32
    %dma_wait3A_58 = arith.constant 0 : i32
    %dma_wait3A_59 = tpu.memref_slice %arg4[%dma_wait3A_57, %dma_wait3A_58] : memref<100000x16xf32, #tpu.memory_space<hbm>> -> memref<100000x16xf32, #tpu.memory_space<hbm>>
    tpu.wait_indirect_dma semaphore(%arg21 : memref<!tpu.dma_semaphore, #tpu.memory_space<semaphore_mem>>) src(%dma_wait3A_59 : memref<100000x16xf32, #tpu.memory_space<hbm>>) dst(%dma_wait3A_54 : memref<128x16xf32, #tpu.memory_space<vmem>>)
    %dma_wait3A_60 = arith.constant 384 : i32
    %dma_wait3A_61 = arith.constant 0 : i32
    %dma_wait3A_62 = tpu.memref_slice %arg12[%dma_wait3A_60, %dma_wait3A_61] : memref<512x16xf32, #tpu.memory_space<vmem>> -> memref<128x16xf32, #tpu.memory_space<vmem>>
    %dma_wait3A_63 = arith.constant 384 : i32
    %dma_wait3A_64 = tpu.memref_slice %arg10[%dma_wait3A_63] : memref<512xi32, #tpu.memory_space<vmem>> -> memref<128xi32, #tpu.memory_space<vmem>>
    %dma_wait3A_65 = arith.constant 0 : i32
    %dma_wait3A_66 = arith.constant 0 : i32
    %dma_wait3A_67 = tpu.memref_slice %arg4[%dma_wait3A_65, %dma_wait3A_66] : memref<100000x16xf32, #tpu.memory_space<hbm>> -> memref<100000x16xf32, #tpu.memory_space<hbm>>
    tpu.wait_indirect_dma semaphore(%arg21 : memref<!tpu.dma_semaphore, #tpu.memory_space<semaphore_mem>>) src(%dma_wait3A_67 : memref<100000x16xf32, #tpu.memory_space<hbm>>) dst(%dma_wait3A_62 : memref<128x16xf32, #tpu.memory_space<vmem>>)
    %get3A = arith.constant 0 : index
    %get3A_68 = tpu.vector_load %arg13[%get3A] {strides = array<i32>} : memref<512xf32, #tpu.memory_space<vmem>>, vector<16xf32>,
    %get3A_69 = arith.constant 16 : index
    %get3A_70 = tpu.vector_load %arg13[%get3A_69] {strides = array<i32>} : memref<512xf32, #tpu.memory_space<vmem>>, vector<16xf32>,
    %bitcast3A = vector.bitcast %get3A_68 : vector<16xf32> to vector<16xi32>
    %add3A_71 = arith.constant 32767 : i32
    %add3A_72 = vector.broadcast %add3A_71 : i32 to vector<16xi32>
    %add3A_73 = arith.addi %bitcast3A, %add3A_72 : vector<16xi32>
    %shift_right_logical3A = arith.constant 16 : i32
    %shift_right_logical3A_74 = vector.broadcast %shift_right_logical3A : i32 to vector<16xi32>
    %shift_right_logical3A_75 = arith.shrui %bitcast3A, %shift_right_logical3A_74 : vector<16xi32>
    %and3A = arith.constant 1 : i32
    %and3A_76 = vector.broadcast %and3A : i32 to vector<16xi32>
    %and3A_77 = arith.andi %shift_right_logical3A_75, %and3A_76 : vector<16xi32>
    %add3A_78 = arith.addi %add3A_73, %and3A_77 : vector<16xi32>
    %and3A_79 = arith.constant -65536 : i32
    %and3A_80 = vector.broadcast %and3A_79 : i32 to vector<16xi32>
    %and3A_81 = arith.andi %add3A_78, %and3A_80 : vector<16xi32>
    %bitcast3A_82 = vector.bitcast %and3A_81 : vector<16xi32> to vector<16xf32>
    %bitcast3A_83 = vector.bitcast %get3A_70 : vector<16xf32> to vector<16xi32>
    %add3A_84 = arith.constant 32767 : i32
    %add3A_85 = vector.broadcast %add3A_84 : i32 to vector<16xi32>
    %add3A_86 = arith.addi %bitcast3A_83, %add3A_85 : vector<16xi32>
    %shift_right_logical3A_87 = arith.constant 16 : i32
    %shift_right_logical3A_88 = vector.broadcast %shift_right_logical3A_87 : i32 to vector<16xi32>
    %shift_right_logical3A_89 = arith.shrui %bitcast3A_83, %shift_right_logical3A_88 : vector<16xi32>
    %and3A_90 = arith.constant 1 : i32
    %and3A_91 = vector.broadcast %and3A_90 : i32 to vector<16xi32>
    %and3A_92 = arith.andi %shift_right_logical3A_89, %and3A_91 : vector<16xi32>
    %add3A_93 = arith.addi %add3A_86, %and3A_92 : vector<16xi32>
    %and3A_94 = arith.constant -65536 : i32
    %and3A_95 = vector.broadcast %and3A_94 : i32 to vector<16xi32>
    %and3A_96 = arith.andi %add3A_93, %and3A_95 : vector<16xi32>
    %bitcast3A_97 = vector.bitcast %and3A_96 : vector<16xi32> to vector<16xf32>
    %get3A_98 = arith.constant 32 : index
    %get3A_99 = tpu.vector_load %arg13[%get3A_98] {strides = array<i32>} : memref<512xf32, #tpu.memory_space<vmem>>, vector<16xf32>,
    %get3A_100 = arith.constant 48 : index
    %get3A_101 = tpu.vector_load %arg13[%get3A_100] {strides = array<i32>} : memref<512xf32, #tpu.memory_space<vmem>>, vector<16xf32>,
    %bitcast3A_102 = vector.bitcast %get3A_99 : vector<16xf32> to vector<16xi32>
    %add3A_103 = arith.constant 32767 : i32
    %add3A_104 = vector.broadcast %add3A_103 : i32 to vector<16xi32>
    %add3A_105 = arith.addi %bitcast3A_102, %add3A_104 : vector<16xi32>
    %shift_right_logical3A_106 = arith.constant 16 : i32
    %shift_right_logical3A_107 = vector.broadcast %shift_right_logical3A_106 : i32 to vector<16xi32>
    %shift_right_logical3A_108 = arith.shrui %bitcast3A_102, %shift_right_logical3A_107 : vector<16xi32>
    %and3A_109 = arith.constant 1 : i32
    %and3A_110 = vector.broadcast %and3A_109 : i32 to vector<16xi32>
    %and3A_111 = arith.andi %shift_right_logical3A_108, %and3A_110 : vector<16xi32>
    %add3A_112 = arith.addi %add3A_105, %and3A_111 : vector<16xi32>
    %and3A_113 = arith.constant -65536 : i32
    %and3A_114 = vector.broadcast %and3A_113 : i32 to vector<16xi32>
    %and3A_115 = arith.andi %add3A_112, %and3A_114 : vector<16xi32>
    %bitcast3A_116 = vector.bitcast %and3A_115 : vector<16xi32> to vector<16xf32>
    %bitcast3A_117 = vector.bitcast %get3A_101 : vector<16xf32> to vector<16xi32>
    %add3A_118 = arith.constant 32767 : i32
    %add3A_119 = vector.broadcast %add3A_118 : i32 to vector<16xi32>
    %add3A_120 = arith.addi %bitcast3A_117, %add3A_119 : vector<16xi32>
    %shift_right_logical3A_121 = arith.constant 16 : i32
    %shift_right_logical3A_122 = vector.broadcast %shift_right_logical3A_121 : i32 to vector<16xi32>
    %shift_right_logical3A_123 = arith.shrui %bitcast3A_117, %shift_right_logical3A_122 : vector<16xi32>
    %and3A_124 = arith.constant 1 : i32
    %and3A_125 = vector.broadcast %and3A_124 : i32 to vector<16xi32>
    %and3A_126 = arith.andi %shift_right_logical3A_123, %and3A_125 : vector<16xi32>
    %add3A_127 = arith.addi %add3A_120, %and3A_126 : vector<16xi32>
    %and3A_128 = arith.constant -65536 : i32
    %and3A_129 = vector.broadcast %and3A_128 : i32 to vector<16xi32>
    %and3A_130 = arith.andi %add3A_127, %and3A_129 : vector<16xi32>
    %bitcast3A_131 = vector.bitcast %and3A_130 : vector<16xi32> to vector<16xf32>
    %get3A_132 = arith.constant 64 : index
    %get3A_133 = tpu.vector_load %arg13[%get3A_132] {strides = array<i32>} : memref<512xf32, #tpu.memory_space<vmem>>, vector<16xf32>,
    %get3A_134 = arith.constant 80 : index
    %get3A_135 = tpu.vector_load %arg13[%get3A_134] {strides = array<i32>} : memref<512xf32, #tpu.memory_space<vmem>>, vector<16xf32>,
    %bitcast3A_136 = vector.bitcast %get3A_133 : vector<16xf32> to vector<16xi32>
    %add3A_137 = arith.constant 32767 : i32
    %add3A_138 = vector.broadcast %add3A_137 : i32 to vector<16xi32>
    %add3A_139 = arith.addi %bitcast3A_136, %add3A_138 : vector<16xi32>
    %shift_right_logical3A_140 = arith.constant 16 : i32
    %shift_right_logical3A_141 = vector.broadcast %shift_right_logical3A_140 : i32 to vector<16xi32>
    %shift_right_logical3A_142 = arith.shrui %bitcast3A_136, %shift_right_logical3A_141 : vector<16xi32>
    %and3A_143 = arith.constant 1 : i32
    %and3A_144 = vector.broadcast %and3A_143 : i32 to vector<16xi32>
    %and3A_145 = arith.andi %shift_right_logical3A_142, %and3A_144 : vector<16xi32>
    %add3A_146 = arith.addi %add3A_139, %and3A_145 : vector<16xi32>
    %and3A_147 = arith.constant -65536 : i32
    %and3A_148 = vector.broadcast %and3A_147 : i32 to vector<16xi32>
    %and3A_149 = arith.andi %add3A_146, %and3A_148 : vector<16xi32>
    %bitcast3A_150 = vector.bitcast %and3A_149 : vector<16xi32> to vector<16xf32>
    %bitcast3A_151 = vector.bitcast %get3A_135 : vector<16xf32> to vector<16xi32>
    %add3A_152 = arith.constant 32767 : i32
    %add3A_153 = vector.broadcast %add3A_152 : i32 to vector<16xi32>
    %add3A_154 = arith.addi %bitcast3A_151, %add3A_153 : vector<16xi32>
    %shift_right_logical3A_155 = arith.constant 16 : i32
    %shift_right_logical3A_156 = vector.broadcast %shift_right_logical3A_155 : i32 to vector<16xi32>
    %shift_right_logical3A_157 = arith.shrui %bitcast3A_151, %shift_right_logical3A_156 : vector<16xi32>
    %and3A_158 = arith.constant 1 : i32
    %and3A_159 = vector.broadcast %and3A_158 : i32 to vector<16xi32>
    %and3A_160 = arith.andi %shift_right_logical3A_157, %and3A_159 : vector<16xi32>
    %add3A_161 = arith.addi %add3A_154, %and3A_160 : vector<16xi32>
    %and3A_162 = arith.constant -65536 : i32
    %and3A_163 = vector.broadcast %and3A_162 : i32 to vector<16xi32>
    %and3A_164 = arith.andi %add3A_161, %and3A_163 : vector<16xi32>
    %bitcast3A_165 = vector.bitcast %and3A_164 : vector<16xi32> to vector<16xf32>
    %get3A_166 = arith.constant 96 : index
    %get3A_167 = tpu.vector_load %arg13[%get3A_166] {strides = array<i32>} : memref<512xf32, #tpu.memory_space<vmem>>, vector<16xf32>,
    %get3A_168 = arith.constant 112 : index
    %get3A_169 = tpu.vector_load %arg13[%get3A_168] {strides = array<i32>} : memref<512xf32, #tpu.memory_space<vmem>>, vector<16xf32>,
    %bitcast3A_170 = vector.bitcast %get3A_167 : vector<16xf32> to vector<16xi32>
    %add3A_171 = arith.constant 32767 : i32
    %add3A_172 = vector.broadcast %add3A_171 : i32 to vector<16xi32>
    %add3A_173 = arith.addi %bitcast3A_170, %add3A_172 : vector<16xi32>
    %shift_right_logical3A_174 = arith.constant 16 : i32
    %shift_right_logical3A_175 = vector.broadcast %shift_right_logical3A_174 : i32 to vector<16xi32>
    %shift_right_logical3A_176 = arith.shrui %bitcast3A_170, %shift_right_logical3A_175 : vector<16xi32>
    %and3A_177 = arith.constant 1 : i32
    %and3A_178 = vector.broadcast %and3A_177 : i32 to vector<16xi32>
    %and3A_179 = arith.andi %shift_right_logical3A_176, %and3A_178 : vector<16xi32>
    %add3A_180 = arith.addi %add3A_173, %and3A_179 : vector<16xi32>
    %and3A_181 = arith.constant -65536 : i32
    %and3A_182 = vector.broadcast %and3A_181 : i32 to vector<16xi32>
    %and3A_183 = arith.andi %add3A_180, %and3A_182 : vector<16xi32>
    %bitcast3A_184 = vector.bitcast %and3A_183 : vector<16xi32> to vector<16xf32>
    %bitcast3A_185 = vector.bitcast %get3A_169 : vector<16xf32> to vector<16xi32>
    %add3A_186 = arith.constant 32767 : i32
    %add3A_187 = vector.broadcast %add3A_186 : i32 to vector<16xi32>
    %add3A_188 = arith.addi %bitcast3A_185, %add3A_187 : vector<16xi32>
    %shift_right_logical3A_189 = arith.constant 16 : i32
    %shift_right_logical3A_190 = vector.broadcast %shift_right_logical3A_189 : i32 to vector<16xi32>
    %shift_right_logical3A_191 = arith.shrui %bitcast3A_185, %shift_right_logical3A_190 : vector<16xi32>
    %and3A_192 = arith.constant 1 : i32
    %and3A_193 = vector.broadcast %and3A_192 : i32 to vector<16xi32>
    %and3A_194 = arith.andi %shift_right_logical3A_191, %and3A_193 : vector<16xi32>
    %add3A_195 = arith.addi %add3A_188, %and3A_194 : vector<16xi32>
    %and3A_196 = arith.constant -65536 : i32
    %and3A_197 = vector.broadcast %and3A_196 : i32 to vector<16xi32>
    %and3A_198 = arith.andi %add3A_195, %and3A_197 : vector<16xi32>
    %bitcast3A_199 = vector.bitcast %and3A_198 : vector<16xi32> to vector<16xf32>
    %get3A_200 = arith.constant 128 : index
    %get3A_201 = tpu.vector_load %arg13[%get3A_200] {strides = array<i32>} : memref<512xf32, #tpu.memory_space<vmem>>, vector<16xf32>,
    %get3A_202 = arith.constant 144 : index
    %get3A_203 = tpu.vector_load %arg13[%get3A_202] {strides = array<i32>} : memref<512xf32, #tpu.memory_space<vmem>>, vector<16xf32>,
    %bitcast3A_204 = vector.bitcast %get3A_201 : vector<16xf32> to vector<16xi32>
    %add3A_205 = arith.constant 32767 : i32
    %add3A_206 = vector.broadcast %add3A_205 : i32 to vector<16xi32>
    %add3A_207 = arith.addi %bitcast3A_204, %add3A_206 : vector<16xi32>
    %shift_right_logical3A_208 = arith.constant 16 : i32
    %shift_right_logical3A_209 = vector.broadcast %shift_right_logical3A_208 : i32 to vector<16xi32>
    %shift_right_logical3A_210 = arith.shrui %bitcast3A_204, %shift_right_logical3A_209 : vector<16xi32>
    %and3A_211 = arith.constant 1 : i32
    %and3A_212 = vector.broadcast %and3A_211 : i32 to vector<16xi32>
    %and3A_213 = arith.andi %shift_right_logical3A_210, %and3A_212 : vector<16xi32>
    %add3A_214 = arith.addi %add3A_207, %and3A_213 : vector<16xi32>
    %and3A_215 = arith.constant -65536 : i32
    %and3A_216 = vector.broadcast %and3A_215 : i32 to vector<16xi32>
    %and3A_217 = arith.andi %add3A_214, %and3A_216 : vector<16xi32>
    %bitcast3A_218 = vector.bitcast %and3A_217 : vector<16xi32> to vector<16xf32>
    %bitcast3A_219 = vector.bitcast %get3A_203 : vector<16xf32> to vector<16xi32>
    %add3A_220 = arith.constant 32767 : i32
    %add3A_221 = vector.broadcast %add3A_220 : i32 to vector<16xi32>
    %add3A_222 = arith.addi %bitcast3A_219, %add3A_221 : vector<16xi32>
    %shift_right_logical3A_223 = arith.constant 16 : i32
    %shift_right_logical3A_224 = vector.broadcast %shift_right_logical3A_223 : i32 to vector<16xi32>
    %shift_right_logical3A_225 = arith.shrui %bitcast3A_219, %shift_right_logical3A_224 : vector<16xi32>
    %and3A_226 = arith.constant 1 : i32
    %and3A_227 = vector.broadcast %and3A_226 : i32 to vector<16xi32>
    %and3A_228 = arith.andi %shift_right_logical3A_225, %and3A_227 : vector<16xi32>
    %add3A_229 = arith.addi %add3A_222, %and3A_228 : vector<16xi32>
    %and3A_230 = arith.constant -65536 : i32
    %and3A_231 = vector.broadcast %and3A_230 : i32 to vector<16xi32>
    %and3A_232 = arith.andi %add3A_229, %and3A_231 : vector<16xi32>
    %bitcast3A_233 = vector.bitcast %and3A_232 : vector<16xi32> to vector<16xf32>
    %get3A_234 = arith.constant 160 : index
    %get3A_235 = tpu.vector_load %arg13[%get3A_234] {strides = array<i32>} : memref<512xf32, #tpu.memory_space<vmem>>, vector<16xf32>,
    %get3A_236 = arith.constant 176 : index
    %get3A_237 = tpu.vector_load %arg13[%get3A_236] {strides = array<i32>} : memref<512xf32, #tpu.memory_space<vmem>>, vector<16xf32>,
    %bitcast3A_238 = vector.bitcast %get3A_235 : vector<16xf32> to vector<16xi32>
    %add3A_239 = arith.constant 32767 : i32
    %add3A_240 = vector.broadcast %add3A_239 : i32 to vector<16xi32>
    %add3A_241 = arith.addi %bitcast3A_238, %add3A_240 : vector<16xi32>
    %shift_right_logical3A_242 = arith.constant 16 : i32
    %shift_right_logical3A_243 = vector.broadcast %shift_right_logical3A_242 : i32 to vector<16xi32>
    %shift_right_logical3A_244 = arith.shrui %bitcast3A_238, %shift_right_logical3A_243 : vector<16xi32>
    %and3A_245 = arith.constant 1 : i32
    %and3A_246 = vector.broadcast %and3A_245 : i32 to vector<16xi32>
    %and3A_247 = arith.andi %shift_right_logical3A_244, %and3A_246 : vector<16xi32>
    %add3A_248 = arith.addi %add3A_241, %and3A_247 : vector<16xi32>
    %and3A_249 = arith.constant -65536 : i32
    %and3A_250 = vector.broadcast %and3A_249 : i32 to vector<16xi32>
    %and3A_251 = arith.andi %add3A_248, %and3A_250 : vector<16xi32>
    %bitcast3A_252 = vector.bitcast %and3A_251 : vector<16xi32> to vector<16xf32>
    %bitcast3A_253 = vector.bitcast %get3A_237 : vector<16xf32> to vector<16xi32>
    %add3A_254 = arith.constant 32767 : i32
    %add3A_255 = vector.broadcast %add3A_254 : i32 to vector<16xi32>
    %add3A_256 = arith.addi %bitcast3A_253, %add3A_255 : vector<16xi32>
    %shift_right_logical3A_257 = arith.constant 16 : i32
    %shift_right_logical3A_258 = vector.broadcast %shift_right_logical3A_257 : i32 to vector<16xi32>
    %shift_right_logical3A_259 = arith.shrui %bitcast3A_253, %shift_right_logical3A_258 : vector<16xi32>
    %and3A_260 = arith.constant 1 : i32
    %and3A_261 = vector.broadcast %and3A_260 : i32 to vector<16xi32>
    %and3A_262 = arith.andi %shift_right_logical3A_259, %and3A_261 : vector<16xi32>
    %add3A_263 = arith.addi %add3A_256, %and3A_262 : vector<16xi32>
    %and3A_264 = arith.constant -65536 : i32
    %and3A_265 = vector.broadcast %and3A_264 : i32 to vector<16xi32>
    %and3A_266 = arith.andi %add3A_263, %and3A_265 : vector<16xi32>
    %bitcast3A_267 = vector.bitcast %and3A_266 : vector<16xi32> to vector<16xf32>
    %get3A_268 = arith.constant 192 : index
    %get3A_269 = tpu.vector_load %arg13[%get3A_268] {strides = array<i32>} : memref<512xf32, #tpu.memory_space<vmem>>, vector<16xf32>,
    %get3A_270 = arith.constant 208 : index
    %get3A_271 = tpu.vector_load %arg13[%get3A_270] {strides = array<i32>} : memref<512xf32, #tpu.memory_space<vmem>>, vector<16xf32>,
    %bitcast3A_272 = vector.bitcast %get3A_269 : vector<16xf32> to vector<16xi32>
    %add3A_273 = arith.constant 32767 : i32
    %add3A_274 = vector.broadcast %add3A_273 : i32 to vector<16xi32>
    %add3A_275 = arith.addi %bitcast3A_272, %add3A_274 : vector<16xi32>
    %shift_right_logical3A_276 = arith.constant 16 : i32
    %shift_right_logical3A_277 = vector.broadcast %shift_right_logical3A_276 : i32 to vector<16xi32>
    %shift_right_logical3A_278 = arith.shrui %bitcast3A_272, %shift_right_logical3A_277 : vector<16xi32>
    %and3A_279 = arith.constant 1 : i32
    %and3A_280 = vector.broadcast %and3A_279 : i32 to vector<16xi32>
    %and3A_281 = arith.andi %shift_right_logical3A_278, %and3A_280 : vector<16xi32>
    %add3A_282 = arith.addi %add3A_275, %and3A_281 : vector<16xi32>
    %and3A_283 = arith.constant -65536 : i32
    %and3A_284 = vector.broadcast %and3A_283 : i32 to vector<16xi32>
    %and3A_285 = arith.andi %add3A_282, %and3A_284 : vector<16xi32>
    %bitcast3A_286 = vector.bitcast %and3A_285 : vector<16xi32> to vector<16xf32>
    %bitcast3A_287 = vector.bitcast %get3A_271 : vector<16xf32> to vector<16xi32>
    %add3A_288 = arith.constant 32767 : i32
    %add3A_289 = vector.broadcast %add3A_288 : i32 to vector<16xi32>
    %add3A_290 = arith.addi %bitcast3A_287, %add3A_289 : vector<16xi32>
    %shift_right_logical3A_291 = arith.constant 16 : i32
    %shift_right_logical3A_292 = vector.broadcast %shift_right_logical3A_291 : i32 to vector<16xi32>
    %shift_right_logical3A_293 = arith.shrui %bitcast3A_287, %shift_right_logical3A_292 : vector<16xi32>
    %and3A_294 = arith.constant 1 : i32
    %and3A_295 = vector.broadcast %and3A_294 : i32 to vector<16xi32>
    %and3A_296 = arith.andi %shift_right_logical3A_293, %and3A_295 : vector<16xi32>
    %add3A_297 = arith.addi %add3A_290, %and3A_296 : vector<16xi32>
    %and3A_298 = arith.constant -65536 : i32
    %and3A_299 = vector.broadcast %and3A_298 : i32 to vector<16xi32>
    %and3A_300 = arith.andi %add3A_297, %and3A_299 : vector<16xi32>
    %bitcast3A_301 = vector.bitcast %and3A_300 : vector<16xi32> to vector<16xf32>
    %get3A_302 = arith.constant 224 : index
    %get3A_303 = tpu.vector_load %arg13[%get3A_302] {strides = array<i32>} : memref<512xf32, #tpu.memory_space<vmem>>, vector<16xf32>,
    %get3A_304 = arith.constant 240 : index
    %get3A_305 = tpu.vector_load %arg13[%get3A_304] {strides = array<i32>} : memref<512xf32, #tpu.memory_space<vmem>>, vector<16xf32>,
    %bitcast3A_306 = vector.bitcast %get3A_303 : vector<16xf32> to vector<16xi32>
    %add3A_307 = arith.constant 32767 : i32
    %add3A_308 = vector.broadcast %add3A_307 : i32 to vector<16xi32>
    %add3A_309 = arith.addi %bitcast3A_306, %add3A_308 : vector<16xi32>
    %shift_right_logical3A_310 = arith.constant 16 : i32
    %shift_right_logical3A_311 = vector.broadcast %shift_right_logical3A_310 : i32 to vector<16xi32>
    %shift_right_logical3A_312 = arith.shrui %bitcast3A_306, %shift_right_logical3A_311 : vector<16xi32>
    %and3A_313 = arith.constant 1 : i32
    %and3A_314 = vector.broadcast %and3A_313 : i32 to vector<16xi32>
    %and3A_315 = arith.andi %shift_right_logical3A_312, %and3A_314 : vector<16xi32>
    %add3A_316 = arith.addi %add3A_309, %and3A_315 : vector<16xi32>
    %and3A_317 = arith.constant -65536 : i32
    %and3A_318 = vector.broadcast %and3A_317 : i32 to vector<16xi32>
    %and3A_319 = arith.andi %add3A_316, %and3A_318 : vector<16xi32>
    %bitcast3A_320 = vector.bitcast %and3A_319 : vector<16xi32> to vector<16xf32>
    %bitcast3A_321 = vector.bitcast %get3A_305 : vector<16xf32> to vector<16xi32>
    %add3A_322 = arith.constant 32767 : i32
    %add3A_323 = vector.broadcast %add3A_322 : i32 to vector<16xi32>
    %add3A_324 = arith.addi %bitcast3A_321, %add3A_323 : vector<16xi32>
    %shift_right_logical3A_325 = arith.constant 16 : i32
    %shift_right_logical3A_326 = vector.broadcast %shift_right_logical3A_325 : i32 to vector<16xi32>
    %shift_right_logical3A_327 = arith.shrui %bitcast3A_321, %shift_right_logical3A_326 : vector<16xi32>
    %and3A_328 = arith.constant 1 : i32
    %and3A_329 = vector.broadcast %and3A_328 : i32 to vector<16xi32>
    %and3A_330 = arith.andi %shift_right_logical3A_327, %and3A_329 : vector<16xi32>
    %add3A_331 = arith.addi %add3A_324, %and3A_330 : vector<16xi32>
    %and3A_332 = arith.constant -65536 : i32
    %and3A_333 = vector.broadcast %and3A_332 : i32 to vector<16xi32>
    %and3A_334 = arith.andi %add3A_331, %and3A_333 : vector<16xi32>
    %bitcast3A_335 = vector.bitcast %and3A_334 : vector<16xi32> to vector<16xf32>
    %get3A_336 = arith.constant 256 : index
    %get3A_337 = tpu.vector_load %arg13[%get3A_336] {strides = array<i32>} : memref<512xf32, #tpu.memory_space<vmem>>, vector<16xf32>,
    %get3A_338 = arith.constant 272 : index
    %get3A_339 = tpu.vector_load %arg13[%get3A_338] {strides = array<i32>} : memref<512xf32, #tpu.memory_space<vmem>>, vector<16xf32>,
    %bitcast3A_340 = vector.bitcast %get3A_337 : vector<16xf32> to vector<16xi32>
    %add3A_341 = arith.constant 32767 : i32
    %add3A_342 = vector.broadcast %add3A_341 : i32 to vector<16xi32>
    %add3A_343 = arith.addi %bitcast3A_340, %add3A_342 : vector<16xi32>
    %shift_right_logical3A_344 = arith.constant 16 : i32
    %shift_right_logical3A_345 = vector.broadcast %shift_right_logical3A_344 : i32 to vector<16xi32>
    %shift_right_logical3A_346 = arith.shrui %bitcast3A_340, %shift_right_logical3A_345 : vector<16xi32>
    %and3A_347 = arith.constant 1 : i32
    %and3A_348 = vector.broadcast %and3A_347 : i32 to vector<16xi32>
    %and3A_349 = arith.andi %shift_right_logical3A_346, %and3A_348 : vector<16xi32>
    %add3A_350 = arith.addi %add3A_343, %and3A_349 : vector<16xi32>
    %and3A_351 = arith.constant -65536 : i32
    %and3A_352 = vector.broadcast %and3A_351 : i32 to vector<16xi32>
    %and3A_353 = arith.andi %add3A_350, %and3A_352 : vector<16xi32>
    %bitcast3A_354 = vector.bitcast %and3A_353 : vector<16xi32> to vector<16xf32>
    %bitcast3A_355 = vector.bitcast %get3A_339 : vector<16xf32> to vector<16xi32>
    %add3A_356 = arith.constant 32767 : i32
    %add3A_357 = vector.broadcast %add3A_356 : i32 to vector<16xi32>
    %add3A_358 = arith.addi %bitcast3A_355, %add3A_357 : vector<16xi32>
    %shift_right_logical3A_359 = arith.constant 16 : i32
    %shift_right_logical3A_360 = vector.broadcast %shift_right_logical3A_359 : i32 to vector<16xi32>
    %shift_right_logical3A_361 = arith.shrui %bitcast3A_355, %shift_right_logical3A_360 : vector<16xi32>
    %and3A_362 = arith.constant 1 : i32
    %and3A_363 = vector.broadcast %and3A_362 : i32 to vector<16xi32>
    %and3A_364 = arith.andi %shift_right_logical3A_361, %and3A_363 : vector<16xi32>
    %add3A_365 = arith.addi %add3A_358, %and3A_364 : vector<16xi32>
    %and3A_366 = arith.constant -65536 : i32
    %and3A_367 = vector.broadcast %and3A_366 : i32 to vector<16xi32>
    %and3A_368 = arith.andi %add3A_365, %and3A_367 : vector<16xi32>
    %bitcast3A_369 = vector.bitcast %and3A_368 : vector<16xi32> to vector<16xf32>
    %get3A_370 = arith.constant 288 : index
    %get3A_371 = tpu.vector_load %arg13[%get3A_370] {strides = array<i32>} : memref<512xf32, #tpu.memory_space<vmem>>, vector<16xf32>,
    %get3A_372 = arith.constant 304 : index
    %get3A_373 = tpu.vector_load %arg13[%get3A_372] {strides = array<i32>} : memref<512xf32, #tpu.memory_space<vmem>>, vector<16xf32>,
    %bitcast3A_374 = vector.bitcast %get3A_371 : vector<16xf32> to vector<16xi32>
    %add3A_375 = arith.constant 32767 : i32
    %add3A_376 = vector.broadcast %add3A_375 : i32 to vector<16xi32>
    %add3A_377 = arith.addi %bitcast3A_374, %add3A_376 : vector<16xi32>
    %shift_right_logical3A_378 = arith.constant 16 : i32
    %shift_right_logical3A_379 = vector.broadcast %shift_right_logical3A_378 : i32 to vector<16xi32>
    %shift_right_logical3A_380 = arith.shrui %bitcast3A_374, %shift_right_logical3A_379 : vector<16xi32>
    %and3A_381 = arith.constant 1 : i32
    %and3A_382 = vector.broadcast %and3A_381 : i32 to vector<16xi32>
    %and3A_383 = arith.andi %shift_right_logical3A_380, %and3A_382 : vector<16xi32>
    %add3A_384 = arith.addi %add3A_377, %and3A_383 : vector<16xi32>
    %and3A_385 = arith.constant -65536 : i32
    %and3A_386 = vector.broadcast %and3A_385 : i32 to vector<16xi32>
    %and3A_387 = arith.andi %add3A_384, %and3A_386 : vector<16xi32>
    %bitcast3A_388 = vector.bitcast %and3A_387 : vector<16xi32> to vector<16xf32>
    %bitcast3A_389 = vector.bitcast %get3A_373 : vector<16xf32> to vector<16xi32>
    %add3A_390 = arith.constant 32767 : i32
    %add3A_391 = vector.broadcast %add3A_390 : i32 to vector<16xi32>
    %add3A_392 = arith.addi %bitcast3A_389, %add3A_391 : vector<16xi32>
    %shift_right_logical3A_393 = arith.constant 16 : i32
    %shift_right_logical3A_394 = vector.broadcast %shift_right_logical3A_393 : i32 to vector<16xi32>
    %shift_right_logical3A_395 = arith.shrui %bitcast3A_389, %shift_right_logical3A_394 : vector<16xi32>
    %and3A_396 = arith.constant 1 : i32
    %and3A_397 = vector.broadcast %and3A_396 : i32 to vector<16xi32>
    %and3A_398 = arith.andi %shift_right_logical3A_395, %and3A_397 : vector<16xi32>
    %add3A_399 = arith.addi %add3A_392, %and3A_398 : vector<16xi32>
    %and3A_400 = arith.constant -65536 : i32
    %and3A_401 = vector.broadcast %and3A_400 : i32 to vector<16xi32>
    %and3A_402 = arith.andi %add3A_399, %and3A_401 : vector<16xi32>
    %bitcast3A_403 = vector.bitcast %and3A_402 : vector<16xi32> to vector<16xf32>
    %get3A_404 = arith.constant 320 : index
    %get3A_405 = tpu.vector_load %arg13[%get3A_404] {strides = array<i32>} : memref<512xf32, #tpu.memory_space<vmem>>, vector<16xf32>,
    %get3A_406 = arith.constant 336 : index
    %get3A_407 = tpu.vector_load %arg13[%get3A_406] {strides = array<i32>} : memref<512xf32, #tpu.memory_space<vmem>>, vector<16xf32>,
    %bitcast3A_408 = vector.bitcast %get3A_405 : vector<16xf32> to vector<16xi32>
    %add3A_409 = arith.constant 32767 : i32
    %add3A_410 = vector.broadcast %add3A_409 : i32 to vector<16xi32>
    %add3A_411 = arith.addi %bitcast3A_408, %add3A_410 : vector<16xi32>
    %shift_right_logical3A_412 = arith.constant 16 : i32
    %shift_right_logical3A_413 = vector.broadcast %shift_right_logical3A_412 : i32 to vector<16xi32>
    %shift_right_logical3A_414 = arith.shrui %bitcast3A_408, %shift_right_logical3A_413 : vector<16xi32>
    %and3A_415 = arith.constant 1 : i32
    %and3A_416 = vector.broadcast %and3A_415 : i32 to vector<16xi32>
    %and3A_417 = arith.andi %shift_right_logical3A_414, %and3A_416 : vector<16xi32>
    %add3A_418 = arith.addi %add3A_411, %and3A_417 : vector<16xi32>
    %and3A_419 = arith.constant -65536 : i32
    %and3A_420 = vector.broadcast %and3A_419 : i32 to vector<16xi32>
    %and3A_421 = arith.andi %add3A_418, %and3A_420 : vector<16xi32>
    %bitcast3A_422 = vector.bitcast %and3A_421 : vector<16xi32> to vector<16xf32>
    %bitcast3A_423 = vector.bitcast %get3A_407 : vector<16xf32> to vector<16xi32>
    %add3A_424 = arith.constant 32767 : i32
    %add3A_425 = vector.broadcast %add3A_424 : i32 to vector<16xi32>
    %add3A_426 = arith.addi %bitcast3A_423, %add3A_425 : vector<16xi32>
    %shift_right_logical3A_427 = arith.constant 16 : i32
    %shift_right_logical3A_428 = vector.broadcast %shift_right_logical3A_427 : i32 to vector<16xi32>
    %shift_right_logical3A_429 = arith.shrui %bitcast3A_423, %shift_right_logical3A_428 : vector<16xi32>
    %and3A_430 = arith.constant 1 : i32
    %and3A_431 = vector.broadcast %and3A_430 : i32 to vector<16xi32>
    %and3A_432 = arith.andi %shift_right_logical3A_429, %and3A_431 : vector<16xi32>
    %add3A_433 = arith.addi %add3A_426, %and3A_432 : vector<16xi32>
    %and3A_434 = arith.constant -65536 : i32
    %and3A_435 = vector.broadcast %and3A_434 : i32 to vector<16xi32>
    %and3A_436 = arith.andi %add3A_433, %and3A_435 : vector<16xi32>
    %bitcast3A_437 = vector.bitcast %and3A_436 : vector<16xi32> to vector<16xf32>
    %get3A_438 = arith.constant 352 : index
    %get3A_439 = tpu.vector_load %arg13[%get3A_438] {strides = array<i32>} : memref<512xf32, #tpu.memory_space<vmem>>, vector<16xf32>,
    %get3A_440 = arith.constant 368 : index
    %get3A_441 = tpu.vector_load %arg13[%get3A_440] {strides = array<i32>} : memref<512xf32, #tpu.memory_space<vmem>>, vector<16xf32>,
    %bitcast3A_442 = vector.bitcast %get3A_439 : vector<16xf32> to vector<16xi32>
    %add3A_443 = arith.constant 32767 : i32
    %add3A_444 = vector.broadcast %add3A_443 : i32 to vector<16xi32>
    %add3A_445 = arith.addi %bitcast3A_442, %add3A_444 : vector<16xi32>
    %shift_right_logical3A_446 = arith.constant 16 : i32
    %shift_right_logical3A_447 = vector.broadcast %shift_right_logical3A_446 : i32 to vector<16xi32>
    %shift_right_logical3A_448 = arith.shrui %bitcast3A_442, %shift_right_logical3A_447 : vector<16xi32>
    %and3A_449 = arith.constant 1 : i32
    %and3A_450 = vector.broadcast %and3A_449 : i32 to vector<16xi32>
    %and3A_451 = arith.andi %shift_right_logical3A_448, %and3A_450 : vector<16xi32>
    %add3A_452 = arith.addi %add3A_445, %and3A_451 : vector<16xi32>
    %and3A_453 = arith.constant -65536 : i32
    %and3A_454 = vector.broadcast %and3A_453 : i32 to vector<16xi32>
    %and3A_455 = arith.andi %add3A_452, %and3A_454 : vector<16xi32>
    %bitcast3A_456 = vector.bitcast %and3A_455 : vector<16xi32> to vector<16xf32>
    %bitcast3A_457 = vector.bitcast %get3A_441 : vector<16xf32> to vector<16xi32>
    %add3A_458 = arith.constant 32767 : i32
    %add3A_459 = vector.broadcast %add3A_458 : i32 to vector<16xi32>
    %add3A_460 = arith.addi %bitcast3A_457, %add3A_459 : vector<16xi32>
    %shift_right_logical3A_461 = arith.constant 16 : i32
    %shift_right_logical3A_462 = vector.broadcast %shift_right_logical3A_461 : i32 to vector<16xi32>
    %shift_right_logical3A_463 = arith.shrui %bitcast3A_457, %shift_right_logical3A_462 : vector<16xi32>
    %and3A_464 = arith.constant 1 : i32
    %and3A_465 = vector.broadcast %and3A_464 : i32 to vector<16xi32>
    %and3A_466 = arith.andi %shift_right_logical3A_463, %and3A_465 : vector<16xi32>
    %add3A_467 = arith.addi %add3A_460, %and3A_466 : vector<16xi32>
    %and3A_468 = arith.constant -65536 : i32
    %and3A_469 = vector.broadcast %and3A_468 : i32 to vector<16xi32>
    %and3A_470 = arith.andi %add3A_467, %and3A_469 : vector<16xi32>
    %bitcast3A_471 = vector.bitcast %and3A_470 : vector<16xi32> to vector<16xf32>
    %get3A_472 = arith.constant 384 : index
    %get3A_473 = tpu.vector_load %arg13[%get3A_472] {strides = array<i32>} : memref<512xf32, #tpu.memory_space<vmem>>, vector<16xf32>,
    %get3A_474 = arith.constant 400 : index
    %get3A_475 = tpu.vector_load %arg13[%get3A_474] {strides = array<i32>} : memref<512xf32, #tpu.memory_space<vmem>>, vector<16xf32>,
    %bitcast3A_476 = vector.bitcast %get3A_473 : vector<16xf32> to vector<16xi32>
    %add3A_477 = arith.constant 32767 : i32
    %add3A_478 = vector.broadcast %add3A_477 : i32 to vector<16xi32>
    %add3A_479 = arith.addi %bitcast3A_476, %add3A_478 : vector<16xi32>
    %shift_right_logical3A_480 = arith.constant 16 : i32
    %shift_right_logical3A_481 = vector.broadcast %shift_right_logical3A_480 : i32 to vector<16xi32>
    %shift_right_logical3A_482 = arith.shrui %bitcast3A_476, %shift_right_logical3A_481 : vector<16xi32>
    %and3A_483 = arith.constant 1 : i32
    %and3A_484 = vector.broadcast %and3A_483 : i32 to vector<16xi32>
    %and3A_485 = arith.andi %shift_right_logical3A_482, %and3A_484 : vector<16xi32>
    %add3A_486 = arith.addi %add3A_479, %and3A_485 : vector<16xi32>
    %and3A_487 = arith.constant -65536 : i32
    %and3A_488 = vector.broadcast %and3A_487 : i32 to vector<16xi32>
    %and3A_489 = arith.andi %add3A_486, %and3A_488 : vector<16xi32>
    %bitcast3A_490 = vector.bitcast %and3A_489 : vector<16xi32> to vector<16xf32>
    %bitcast3A_491 = vector.bitcast %get3A_475 : vector<16xf32> to vector<16xi32>
    %add3A_492 = arith.constant 32767 : i32
    %add3A_493 = vector.broadcast %add3A_492 : i32 to vector<16xi32>
    %add3A_494 = arith.addi %bitcast3A_491, %add3A_493 : vector<16xi32>
    %shift_right_logical3A_495 = arith.constant 16 : i32
    %shift_right_logical3A_496 = vector.broadcast %shift_right_logical3A_495 : i32 to vector<16xi32>
    %shift_right_logical3A_497 = arith.shrui %bitcast3A_491, %shift_right_logical3A_496 : vector<16xi32>
    %and3A_498 = arith.constant 1 : i32
    %and3A_499 = vector.broadcast %and3A_498 : i32 to vector<16xi32>
    %and3A_500 = arith.andi %shift_right_logical3A_497, %and3A_499 : vector<16xi32>
    %add3A_501 = arith.addi %add3A_494, %and3A_500 : vector<16xi32>
    %and3A_502 = arith.constant -65536 : i32
    %and3A_503 = vector.broadcast %and3A_502 : i32 to vector<16xi32>
    %and3A_504 = arith.andi %add3A_501, %and3A_503 : vector<16xi32>
    %bitcast3A_505 = vector.bitcast %and3A_504 : vector<16xi32> to vector<16xf32>
    %get3A_506 = arith.constant 416 : index
    %get3A_507 = tpu.vector_load %arg13[%get3A_506] {strides = array<i32>} : memref<512xf32, #tpu.memory_space<vmem>>, vector<16xf32>,
    %get3A_508 = arith.constant 432 : index
    %get3A_509 = tpu.vector_load %arg13[%get3A_508] {strides = array<i32>} : memref<512xf32, #tpu.memory_space<vmem>>, vector<16xf32>,
    %bitcast3A_510 = vector.bitcast %get3A_507 : vector<16xf32> to vector<16xi32>
    %add3A_511 = arith.constant 32767 : i32
    %add3A_512 = vector.broadcast %add3A_511 : i32 to vector<16xi32>
    %add3A_513 = arith.addi %bitcast3A_510, %add3A_512 : vector<16xi32>
    %shift_right_logical3A_514 = arith.constant 16 : i32
    %shift_right_logical3A_515 = vector.broadcast %shift_right_logical3A_514 : i32 to vector<16xi32>
    %shift_right_logical3A_516 = arith.shrui %bitcast3A_510, %shift_right_logical3A_515 : vector<16xi32>
    %and3A_517 = arith.constant 1 : i32
    %and3A_518 = vector.broadcast %and3A_517 : i32 to vector<16xi32>
    %and3A_519 = arith.andi %shift_right_logical3A_516, %and3A_518 : vector<16xi32>
    %add3A_520 = arith.addi %add3A_513, %and3A_519 : vector<16xi32>
    %and3A_521 = arith.constant -65536 : i32
    %and3A_522 = vector.broadcast %and3A_521 : i32 to vector<16xi32>
    %and3A_523 = arith.andi %add3A_520, %and3A_522 : vector<16xi32>
    %bitcast3A_524 = vector.bitcast %and3A_523 : vector<16xi32> to vector<16xf32>
    %bitcast3A_525 = vector.bitcast %get3A_509 : vector<16xf32> to vector<16xi32>
    %add3A_526 = arith.constant 32767 : i32
    %add3A_527 = vector.broadcast %add3A_526 : i32 to vector<16xi32>
    %add3A_528 = arith.addi %bitcast3A_525, %add3A_527 : vector<16xi32>
    %shift_right_logical3A_529 = arith.constant 16 : i32
    %shift_right_logical3A_530 = vector.broadcast %shift_right_logical3A_529 : i32 to vector<16xi32>
    %shift_right_logical3A_531 = arith.shrui %bitcast3A_525, %shift_right_logical3A_530 : vector<16xi32>
    %and3A_532 = arith.constant 1 : i32
    %and3A_533 = vector.broadcast %and3A_532 : i32 to vector<16xi32>
    %and3A_534 = arith.andi %shift_right_logical3A_531, %and3A_533 : vector<16xi32>
    %add3A_535 = arith.addi %add3A_528, %and3A_534 : vector<16xi32>
    %and3A_536 = arith.constant -65536 : i32
    %and3A_537 = vector.broadcast %and3A_536 : i32 to vector<16xi32>
    %and3A_538 = arith.andi %add3A_535, %and3A_537 : vector<16xi32>
    %bitcast3A_539 = vector.bitcast %and3A_538 : vector<16xi32> to vector<16xf32>
    %get3A_540 = arith.constant 448 : index
    %get3A_541 = tpu.vector_load %arg13[%get3A_540] {strides = array<i32>} : memref<512xf32, #tpu.memory_space<vmem>>, vector<16xf32>,
    %get3A_542 = arith.constant 464 : index
    %get3A_543 = tpu.vector_load %arg13[%get3A_542] {strides = array<i32>} : memref<512xf32, #tpu.memory_space<vmem>>, vector<16xf32>,
    %bitcast3A_544 = vector.bitcast %get3A_541 : vector<16xf32> to vector<16xi32>
    %add3A_545 = arith.constant 32767 : i32
    %add3A_546 = vector.broadcast %add3A_545 : i32 to vector<16xi32>
    %add3A_547 = arith.addi %bitcast3A_544, %add3A_546 : vector<16xi32>
    %shift_right_logical3A_548 = arith.constant 16 : i32
    %shift_right_logical3A_549 = vector.broadcast %shift_right_logical3A_548 : i32 to vector<16xi32>
    %shift_right_logical3A_550 = arith.shrui %bitcast3A_544, %shift_right_logical3A_549 : vector<16xi32>
    %and3A_551 = arith.constant 1 : i32
    %and3A_552 = vector.broadcast %and3A_551 : i32 to vector<16xi32>
    %and3A_553 = arith.andi %shift_right_logical3A_550, %and3A_552 : vector<16xi32>
    %add3A_554 = arith.addi %add3A_547, %and3A_553 : vector<16xi32>
    %and3A_555 = arith.constant -65536 : i32
    %and3A_556 = vector.broadcast %and3A_555 : i32 to vector<16xi32>
    %and3A_557 = arith.andi %add3A_554, %and3A_556 : vector<16xi32>
    %bitcast3A_558 = vector.bitcast %and3A_557 : vector<16xi32> to vector<16xf32>
    %bitcast3A_559 = vector.bitcast %get3A_543 : vector<16xf32> to vector<16xi32>
    %add3A_560 = arith.constant 32767 : i32
    %add3A_561 = vector.broadcast %add3A_560 : i32 to vector<16xi32>
    %add3A_562 = arith.addi %bitcast3A_559, %add3A_561 : vector<16xi32>
    %shift_right_logical3A_563 = arith.constant 16 : i32
    %shift_right_logical3A_564 = vector.broadcast %shift_right_logical3A_563 : i32 to vector<16xi32>
    %shift_right_logical3A_565 = arith.shrui %bitcast3A_559, %shift_right_logical3A_564 : vector<16xi32>
    %and3A_566 = arith.constant 1 : i32
    %and3A_567 = vector.broadcast %and3A_566 : i32 to vector<16xi32>
    %and3A_568 = arith.andi %shift_right_logical3A_565, %and3A_567 : vector<16xi32>
    %add3A_569 = arith.addi %add3A_562, %and3A_568 : vector<16xi32>
    %and3A_570 = arith.constant -65536 : i32
    %and3A_571 = vector.broadcast %and3A_570 : i32 to vector<16xi32>
    %and3A_572 = arith.andi %add3A_569, %and3A_571 : vector<16xi32>
    %bitcast3A_573 = vector.bitcast %and3A_572 : vector<16xi32> to vector<16xf32>
    %get3A_574 = arith.constant 480 : index
    %get3A_575 = tpu.vector_load %arg13[%get3A_574] {strides = array<i32>} : memref<512xf32, #tpu.memory_space<vmem>>, vector<16xf32>,
    %get3A_576 = arith.constant 496 : index
    %get3A_577 = tpu.vector_load %arg13[%get3A_576] {strides = array<i32>} : memref<512xf32, #tpu.memory_space<vmem>>, vector<16xf32>,
    %bitcast3A_578 = vector.bitcast %get3A_575 : vector<16xf32> to vector<16xi32>
    %add3A_579 = arith.constant 32767 : i32
    %add3A_580 = vector.broadcast %add3A_579 : i32 to vector<16xi32>
    %add3A_581 = arith.addi %bitcast3A_578, %add3A_580 : vector<16xi32>
    %shift_right_logical3A_582 = arith.constant 16 : i32
    %shift_right_logical3A_583 = vector.broadcast %shift_right_logical3A_582 : i32 to vector<16xi32>
    %shift_right_logical3A_584 = arith.shrui %bitcast3A_578, %shift_right_logical3A_583 : vector<16xi32>
    %and3A_585 = arith.constant 1 : i32
    %and3A_586 = vector.broadcast %and3A_585 : i32 to vector<16xi32>
    %and3A_587 = arith.andi %shift_right_logical3A_584, %and3A_586 : vector<16xi32>
    %add3A_588 = arith.addi %add3A_581, %and3A_587 : vector<16xi32>
    %and3A_589 = arith.constant -65536 : i32
    %and3A_590 = vector.broadcast %and3A_589 : i32 to vector<16xi32>
    %and3A_591 = arith.andi %add3A_588, %and3A_590 : vector<16xi32>
    %bitcast3A_592 = vector.bitcast %and3A_591 : vector<16xi32> to vector<16xf32>
    %bitcast3A_593 = vector.bitcast %get3A_577 : vector<16xf32> to vector<16xi32>
    %add3A_594 = arith.constant 32767 : i32
    %add3A_595 = vector.broadcast %add3A_594 : i32 to vector<16xi32>
    %add3A_596 = arith.addi %bitcast3A_593, %add3A_595 : vector<16xi32>
    %shift_right_logical3A_597 = arith.constant 16 : i32
    %shift_right_logical3A_598 = vector.broadcast %shift_right_logical3A_597 : i32 to vector<16xi32>
    %shift_right_logical3A_599 = arith.shrui %bitcast3A_593, %shift_right_logical3A_598 : vector<16xi32>
    %and3A_600 = arith.constant 1 : i32
    %and3A_601 = vector.broadcast %and3A_600 : i32 to vector<16xi32>
    %and3A_602 = arith.andi %shift_right_logical3A_599, %and3A_601 : vector<16xi32>
    %add3A_603 = arith.addi %add3A_596, %and3A_602 : vector<16xi32>
    %and3A_604 = arith.constant -65536 : i32
    %and3A_605 = vector.broadcast %and3A_604 : i32 to vector<16xi32>
    %and3A_606 = arith.andi %add3A_603, %and3A_605 : vector<16xi32>
    %bitcast3A_607 = vector.bitcast %and3A_606 : vector<16xi32> to vector<16xf32>
    %add3A_608 = arith.addf %bitcast3A_82, %bitcast3A_116 : vector<16xf32>
    %add3A_609 = arith.addf %bitcast3A_97, %bitcast3A_131 : vector<16xf32>
    %get3A_610 = arith.constant 8 : index
    %get3A_611 = tpu.vector_load %arg14[%get3A_610] {strides = array<i32>} : memref<40xf32, #tpu.memory_space<vmem>>, vector<16xf32>,
    %get3A_612 = arith.constant 24 : index
    %get3A_613 = tpu.vector_load %arg14[%get3A_612] {strides = array<i32>} : memref<40xf32, #tpu.memory_space<vmem>>, vector<16xf32>,
    %bitcast3A_614 = vector.bitcast %get3A_611 : vector<16xf32> to vector<16xi32>
    %add3A_615 = arith.constant 32767 : i32
    %add3A_616 = vector.broadcast %add3A_615 : i32 to vector<16xi32>
    %add3A_617 = arith.addi %bitcast3A_614, %add3A_616 : vector<16xi32>
    %shift_right_logical3A_618 = arith.constant 16 : i32
    %shift_right_logical3A_619 = vector.broadcast %shift_right_logical3A_618 : i32 to vector<16xi32>
    %shift_right_logical3A_620 = arith.shrui %bitcast3A_614, %shift_right_logical3A_619 : vector<16xi32>
    %and3A_621 = arith.constant 1 : i32
    %and3A_622 = vector.broadcast %and3A_621 : i32 to vector<16xi32>
    %and3A_623 = arith.andi %shift_right_logical3A_620, %and3A_622 : vector<16xi32>
    %add3A_624 = arith.addi %add3A_617, %and3A_623 : vector<16xi32>
    %and3A_625 = arith.constant -65536 : i32
    %and3A_626 = vector.broadcast %and3A_625 : i32 to vector<16xi32>
    %and3A_627 = arith.andi %add3A_624, %and3A_626 : vector<16xi32>
    %bitcast3A_628 = vector.bitcast %and3A_627 : vector<16xi32> to vector<16xf32>
    %bitcast3A_629 = vector.bitcast %get3A_613 : vector<16xf32> to vector<16xi32>
    %add3A_630 = arith.constant 32767 : i32
    %add3A_631 = vector.broadcast %add3A_630 : i32 to vector<16xi32>
    %add3A_632 = arith.addi %bitcast3A_629, %add3A_631 : vector<16xi32>
    %shift_right_logical3A_633 = arith.constant 16 : i32
    %shift_right_logical3A_634 = vector.broadcast %shift_right_logical3A_633 : i32 to vector<16xi32>
    %shift_right_logical3A_635 = arith.shrui %bitcast3A_629, %shift_right_logical3A_634 : vector<16xi32>
    %and3A_636 = arith.constant 1 : i32
    %and3A_637 = vector.broadcast %and3A_636 : i32 to vector<16xi32>
    %and3A_638 = arith.andi %shift_right_logical3A_635, %and3A_637 : vector<16xi32>
    %add3A_639 = arith.addi %add3A_632, %and3A_638 : vector<16xi32>
    %and3A_640 = arith.constant -65536 : i32
    %and3A_641 = vector.broadcast %and3A_640 : i32 to vector<16xi32>
    %and3A_642 = arith.andi %add3A_639, %and3A_641 : vector<16xi32>
    %bitcast3A_643 = vector.bitcast %and3A_642 : vector<16xi32> to vector<16xf32>
    %get3A_644 = arith.constant 0 : index
    %get3A_645 = tpu.vector_load %arg15[%get3A_644] {strides = array<i32>} : memref<32xf32, #tpu.memory_space<vmem>>, vector<16xf32>,
    %get3A_646 = arith.constant 16 : index
    %get3A_647 = tpu.vector_load %arg15[%get3A_646] {strides = array<i32>} : memref<32xf32, #tpu.memory_space<vmem>>, vector<16xf32>,
    %broadcast_in_dim3A_648 = arith.constant 1 : i32
    %broadcast_in_dim3A_649 = vector.broadcast %broadcast_in_dim3A_648 : i32 to vector<16xi32>
    %gather3A = tpu.vector_load_idx %arg16[%broadcast_in_dim3A_649] : memref<8xf32, #tpu.memory_space<vmem>>[vector<16xi32>], vector<16xf32>,
    %scan3A = arith.constant 0 : i32
    %scan3A_650 = arith.constant 0 : i32
    %scan3A_651 = arith.constant 32 : i32
    %scan3A_652 = arith.addi %scan3A_650, %scan3A_651 : i32
    %scan3A_653 = arith.constant 1 : i32
    %scan3A_654 = scf.for %scan3A_656 = %scan3A_650 to %scan3A_652 step %scan3A_653 iter_args(%scan3A_657 = %scan3A) -> (i32)  : i32 {
      %mul3A_658 = arith.constant 16 : i32
      %mul3A_659 = arith.muli %scan3A_656, %mul3A_658 : i32
      %add3A_660 = arith.constant 0 : i32
      %add3A_661 = arith.addi %mul3A_659, %add3A_660 : i32
      %get3A_662 = arith.index_cast %add3A_661 : i32 to index
      %get3A_663 = arith.constant 0 : index
      %get3A_664 = tpu.vector_load %arg11[%get3A_662, %get3A_663] {strides = array<i32>} : memref<512x200xf32, #tpu.memory_space<vmem>>, vector<16xf32>,
      %add3A_665 = arith.addf %broadcast_in_dim3A_5, %get3A_664 : vector<16xf32>
      %get3A_666 = arith.index_cast %add3A_661 : i32 to index
      %get3A_667 = arith.constant 16 : index
      %get3A_668 = tpu.vector_load %arg11[%get3A_666, %get3A_667] {strides = array<i32>} : memref<512x200xf32, #tpu.memory_space<vmem>>, vector<16xf32>,
      %add3A_669 = arith.addf %add3A_665, %get3A_668 : vector<16xf32>
      %get3A_670 = arith.index_cast %add3A_661 : i32 to index
      %get3A_671 = arith.constant 32 : index
      %get3A_672 = tpu.vector_load %arg11[%get3A_670, %get3A_671] {strides = array<i32>} : memref<512x200xf32, #tpu.memory_space<vmem>>, vector<16xf32>,
      %add3A_673 = arith.addf %add3A_669, %get3A_672 : vector<16xf32>
      %get3A_674 = arith.index_cast %add3A_661 : i32 to index
      %get3A_675 = arith.constant 48 : index
      %get3A_676 = tpu.vector_load %arg11[%get3A_674, %get3A_675] {strides = array<i32>} : memref<512x200xf32, #tpu.memory_space<vmem>>, vector<16xf32>,
      %add3A_677 = arith.addf %add3A_673, %get3A_676 : vector<16xf32>
      %get3A_678 = arith.index_cast %add3A_661 : i32 to index
      %get3A_679 = arith.constant 64 : index
      %get3A_680 = tpu.vector_load %arg11[%get3A_678, %get3A_679] {strides = array<i32>} : memref<512x200xf32, #tpu.memory_space<vmem>>, vector<16xf32>,
      %add3A_681 = arith.addf %add3A_677, %get3A_680 : vector<16xf32>
      %get3A_682 = arith.index_cast %add3A_661 : i32 to index
      %get3A_683 = arith.constant 80 : index
      %get3A_684 = tpu.vector_load %arg11[%get3A_682, %get3A_683] {strides = array<i32>} : memref<512x200xf32, #tpu.memory_space<vmem>>, vector<16xf32>,
      %add3A_685 = arith.addf %add3A_681, %get3A_684 : vector<16xf32>
      %get3A_686 = arith.index_cast %add3A_661 : i32 to index
      %get3A_687 = arith.constant 96 : index
      %get3A_688 = tpu.vector_load %arg11[%get3A_686, %get3A_687] {strides = array<i32>} : memref<512x200xf32, #tpu.memory_space<vmem>>, vector<16xf32>,
      %add3A_689 = arith.addf %add3A_685, %get3A_688 : vector<16xf32>
      %get3A_690 = arith.index_cast %add3A_661 : i32 to index
      %get3A_691 = arith.constant 112 : index
      %get3A_692 = tpu.vector_load %arg11[%get3A_690, %get3A_691] {strides = array<i32>} : memref<512x200xf32, #tpu.memory_space<vmem>>, vector<16xf32>,
      %add3A_693 = arith.addf %add3A_689, %get3A_692 : vector<16xf32>
      %get3A_694 = arith.index_cast %add3A_661 : i32 to index
      %get3A_695 = arith.constant 128 : index
      %get3A_696 = tpu.vector_load %arg11[%get3A_694, %get3A_695] {strides = array<i32>} : memref<512x200xf32, #tpu.memory_space<vmem>>, vector<16xf32>,
      %add3A_697 = arith.addf %add3A_693, %get3A_696 : vector<16xf32>
      %get3A_698 = arith.index_cast %add3A_661 : i32 to index
      %get3A_699 = arith.constant 144 : index
      %get3A_700 = tpu.vector_load %arg11[%get3A_698, %get3A_699] {strides = array<i32>} : memref<512x200xf32, #tpu.memory_space<vmem>>, vector<16xf32>,
      %add3A_701 = arith.addf %add3A_697, %get3A_700 : vector<16xf32>
      %get3A_702 = arith.index_cast %add3A_661 : i32 to index
      %get3A_703 = arith.constant 160 : index
      %get3A_704 = tpu.vector_load %arg11[%get3A_702, %get3A_703] {strides = array<i32>} : memref<512x200xf32, #tpu.memory_space<vmem>>, vector<16xf32>,
      %add3A_705 = arith.addf %add3A_701, %get3A_704 : vector<16xf32>
      %get3A_706 = arith.index_cast %add3A_661 : i32 to index
      %get3A_707 = arith.constant 176 : index
      %get3A_708 = tpu.vector_load %arg11[%get3A_706, %get3A_707] {strides = array<i32>} : memref<512x200xf32, #tpu.memory_space<vmem>>, vector<16xf32>,
      %add3A_709 = arith.addf %add3A_705, %get3A_708 : vector<16xf32>
      %get3A_710 = arith.index_cast %add3A_661 : i32 to index
      %get3A_711 = arith.constant 184 : index
      %get3A_712 = tpu.vector_load %arg11[%get3A_710, %get3A_711] {strides = array<i32>} : memref<512x200xf32, #tpu.memory_space<vmem>>, vector<16xf32>,
      %jit3A = arith.constant 0.000000e+00 : f32
      %broadcast_in_dim3A_713 = vector.broadcast %jit3A : f32 to vector<16xf32>
      %select_n3A = arith.select %ge3A_4, %get3A_712, %broadcast_in_dim3A_713 : vector<16xi1>, vector<16xf32>
      %add3A_714 = arith.addf %add3A_709, %select_n3A : vector<16xf32>
      %swap3A = arith.constant 0 : index
      %swap3A_715 = tpu.vector_load %arg17[%swap3A] {strides = array<i32>} : memref<256xf32, #tpu.memory_space<vmem>>, vector<16xf32>,
      tpu.vector_store %arg17[%swap3A], %add3A_714 {strides = array<i32>} : memref<256xf32, #tpu.memory_space<vmem>>, vector<16xf32>,
      %mul3A_716 = arith.constant 16 : i32
      %mul3A_717 = arith.muli %scan3A_656, %mul3A_716 : i32
      %add3A_718 = arith.constant 1 : i32
      %add3A_719 = arith.addi %mul3A_717, %add3A_718 : i32
      %get3A_720 = arith.index_cast %add3A_719 : i32 to index
      %get3A_721 = arith.constant 0 : index
      %get3A_722 = tpu.vector_load %arg11[%get3A_720, %get3A_721] {strides = array<i32>} : memref<512x200xf32, #tpu.memory_space<vmem>>, vector<16xf32>,
      %add3A_723 = arith.addf %broadcast_in_dim3A_5, %get3A_722 : vector<16xf32>
      %get3A_724 = arith.index_cast %add3A_719 : i32 to index
      %get3A_725 = arith.constant 16 : index
      %get3A_726 = tpu.vector_load %arg11[%get3A_724, %get3A_725] {strides = array<i32>} : memref<512x200xf32, #tpu.memory_space<vmem>>, vector<16xf32>,
      %add3A_727 = arith.addf %add3A_723, %get3A_726 : vector<16xf32>
      %get3A_728 = arith.index_cast %add3A_719 : i32 to index
      %get3A_729 = arith.constant 32 : index
      %get3A_730 = tpu.vector_load %arg11[%get3A_728, %get3A_729] {strides = array<i32>} : memref<512x200xf32, #tpu.memory_space<vmem>>, vector<16xf32>,
      %add3A_731 = arith.addf %add3A_727, %get3A_730 : vector<16xf32>
      %get3A_732 = arith.index_cast %add3A_719 : i32 to index
      %get3A_733 = arith.constant 48 : index
      %get3A_734 = tpu.vector_load %arg11[%get3A_732, %get3A_733] {strides = array<i32>} : memref<512x200xf32, #tpu.memory_space<vmem>>, vector<16xf32>,
      %add3A_735 = arith.addf %add3A_731, %get3A_734 : vector<16xf32>
      %get3A_736 = arith.index_cast %add3A_719 : i32 to index
      %get3A_737 = arith.constant 64 : index
      %get3A_738 = tpu.vector_load %arg11[%get3A_736, %get3A_737] {strides = array<i32>} : memref<512x200xf32, #tpu.memory_space<vmem>>, vector<16xf32>,
      %add3A_739 = arith.addf %add3A_735, %get3A_738 : vector<16xf32>
      %get3A_740 = arith.index_cast %add3A_719 : i32 to index
      %get3A_741 = arith.constant 80 : index
      %get3A_742 = tpu.vector_load %arg11[%get3A_740, %get3A_741] {strides = array<i32>} : memref<512x200xf32, #tpu.memory_space<vmem>>, vector<16xf32>,
      %add3A_743 = arith.addf %add3A_739, %get3A_742 : vector<16xf32>
      %get3A_744 = arith.index_cast %add3A_719 : i32 to index
      %get3A_745 = arith.constant 96 : index
      %get3A_746 = tpu.vector_load %arg11[%get3A_744, %get3A_745] {strides = array<i32>} : memref<512x200xf32, #tpu.memory_space<vmem>>, vector<16xf32>,
      %add3A_747 = arith.addf %add3A_743, %get3A_746 : vector<16xf32>
      %get3A_748 = arith.index_cast %add3A_719 : i32 to index
      %get3A_749 = arith.constant 112 : index
      %get3A_750 = tpu.vector_load %arg11[%get3A_748, %get3A_749] {strides = array<i32>} : memref<512x200xf32, #tpu.memory_space<vmem>>, vector<16xf32>,
      %add3A_751 = arith.addf %add3A_747, %get3A_750 : vector<16xf32>
      %get3A_752 = arith.index_cast %add3A_719 : i32 to index
      %get3A_753 = arith.constant 128 : index
      %get3A_754 = tpu.vector_load %arg11[%get3A_752, %get3A_753] {strides = array<i32>} : memref<512x200xf32, #tpu.memory_space<vmem>>, vector<16xf32>,
      %add3A_755 = arith.addf %add3A_751, %get3A_754 : vector<16xf32>
      %get3A_756 = arith.index_cast %add3A_719 : i32 to index
      %get3A_757 = arith.constant 144 : index
      %get3A_758 = tpu.vector_load %arg11[%get3A_756, %get3A_757] {strides = array<i32>} : memref<512x200xf32, #tpu.memory_space<vmem>>, vector<16xf32>,
      %add3A_759 = arith.addf %add3A_755, %get3A_758 : vector<16xf32>
      %get3A_760 = arith.index_cast %add3A_719 : i32 to index
      %get3A_761 = arith.constant 160 : index
      %get3A_762 = tpu.vector_load %arg11[%get3A_760, %get3A_761] {strides = array<i32>} : memref<512x200xf32, #tpu.memory_space<vmem>>, vector<16xf32>,
      %add3A_763 = arith.addf %add3A_759, %get3A_762 : vector<16xf32>
      %get3A_764 = arith.index_cast %add3A_719 : i32 to index
      %get3A_765 = arith.constant 176 : index
      %get3A_766 = tpu.vector_load %arg11[%get3A_764, %get3A_765] {strides = array<i32>} : memref<512x200xf32, #tpu.memory_space<vmem>>, vector<16xf32>,
      %add3A_767 = arith.addf %add3A_763, %get3A_766 : vector<16xf32>
      %get3A_768 = arith.index_cast %add3A_719 : i32 to index
      %get3A_769 = arith.constant 184 : index
      %get3A_770 = tpu.vector_load %arg11[%get3A_768, %get3A_769] {strides = array<i32>} : memref<512x200xf32, #tpu.memory_space<vmem>>, vector<16xf32>,
      %jit3A_771 = arith.constant 0.000000e+00 : f32
      %broadcast_in_dim3A_772 = vector.broadcast %jit3A_771 : f32 to vector<16xf32>
      %select_n3A_773 = arith.select %ge3A_4, %get3A_770, %broadcast_in_dim3A_772 : vector<16xi1>, vector<16xf32>
      %add3A_774 = arith.addf %add3A_767, %select_n3A_773 : vector<16xf32>
      %swap3A_775 = arith.constant 16 : index
      %swap3A_776 = tpu.vector_load %arg17[%swap3A_775] {strides = array<i32>} : memref<256xf32, #tpu.memory_space<vmem>>, vector<16xf32>,
      tpu.vector_store %arg17[%swap3A_775], %add3A_774 {strides = array<i32>} : memref<256xf32, #tpu.memory_space<vmem>>, vector<16xf32>,
      %mul3A_777 = arith.constant 16 : i32
      %mul3A_778 = arith.muli %scan3A_656, %mul3A_777 : i32
      %add3A_779 = arith.constant 2 : i32
      %add3A_780 = arith.addi %mul3A_778, %add3A_779 : i32
      %get3A_781 = arith.index_cast %add3A_780 : i32 to index
      %get3A_782 = arith.constant 0 : index
      %get3A_783 = tpu.vector_load %arg11[%get3A_781, %get3A_782] {strides = array<i32>} : memref<512x200xf32, #tpu.memory_space<vmem>>, vector<16xf32>,
      %add3A_784 = arith.addf %broadcast_in_dim3A_5, %get3A_783 : vector<16xf32>
      %get3A_785 = arith.index_cast %add3A_780 : i32 to index
      %get3A_786 = arith.constant 16 : index
      %get3A_787 = tpu.vector_load %arg11[%get3A_785, %get3A_786] {strides = array<i32>} : memref<512x200xf32, #tpu.memory_space<vmem>>, vector<16xf32>,
      %add3A_788 = arith.addf %add3A_784, %get3A_787 : vector<16xf32>
      %get3A_789 = arith.index_cast %add3A_780 : i32 to index
      %get3A_790 = arith.constant 32 : index
      %get3A_791 = tpu.vector_load %arg11[%get3A_789, %get3A_790] {strides = array<i32>} : memref<512x200xf32, #tpu.memory_space<vmem>>, vector<16xf32>,
      %add3A_792 = arith.addf %add3A_788, %get3A_791 : vector<16xf32>
      %get3A_793 = arith.index_cast %add3A_780 : i32 to index
      %get3A_794 = arith.constant 48 : index
      %get3A_795 = tpu.vector_load %arg11[%get3A_793, %get3A_794] {strides = array<i32>} : memref<512x200xf32, #tpu.memory_space<vmem>>, vector<16xf32>,
      %add3A_796 = arith.addf %add3A_792, %get3A_795 : vector<16xf32>
      %get3A_797 = arith.index_cast %add3A_780 : i32 to index
      %get3A_798 = arith.constant 64 : index
      %get3A_799 = tpu.vector_load %arg11[%get3A_797, %get3A_798] {strides = array<i32>} : memref<512x200xf32, #tpu.memory_space<vmem>>, vector<16xf32>,
      %add3A_800 = arith.addf %add3A_796, %get3A_799 : vector<16xf32>
      %get3A_801 = arith.index_cast %add3A_780 : i32 to index
      %get3A_802 = arith.constant 80 : index
      %get3A_803 = tpu.vector_load %arg11[%get3A_801, %get3A_802] {strides = array<i32>} : memref<512x200xf32, #tpu.memory_space<vmem>>, vector<16xf32>,
      %add3A_804 = arith.addf %add3A_800, %get3A_803 : vector<16xf32>
      %get3A_805 = arith.index_cast %add3A_780 : i32 to index
      %get3A_806 = arith.constant 96 : index
      %get3A_807 = tpu.vector_load %arg11[%get3A_805, %get3A_806] {strides = array<i32>} : memref<512x200xf32, #tpu.memory_space<vmem>>, vector<16xf32>,
      %add3A_808 = arith.addf %add3A_804, %get3A_807 : vector<16xf32>
      %get3A_809 = arith.index_cast %add3A_780 : i32 to index
      %get3A_810 = arith.constant 112 : index
      %get3A_811 = tpu.vector_load %arg11[%get3A_809, %get3A_810] {strides = array<i32>} : memref<512x200xf32, #tpu.memory_space<vmem>>, vector<16xf32>,
      %add3A_812 = arith.addf %add3A_808, %get3A_811 : vector<16xf32>
      %get3A_813 = arith.index_cast %add3A_780 : i32 to index
      %get3A_814 = arith.constant 128 : index
      %get3A_815 = tpu.vector_load %arg11[%get3A_813, %get3A_814] {strides = array<i32>} : memref<512x200xf32, #tpu.memory_space<vmem>>, vector<16xf32>,
      %add3A_816 = arith.addf %add3A_812, %get3A_815 : vector<16xf32>
      %get3A_817 = arith.index_cast %add3A_780 : i32 to index
      %get3A_818 = arith.constant 144 : index
      %get3A_819 = tpu.vector_load %arg11[%get3A_817, %get3A_818] {strides = array<i32>} : memref<512x200xf32, #tpu.memory_space<vmem>>, vector<16xf32>,
      %add3A_820 = arith.addf %add3A_816, %get3A_819 : vector<16xf32>
      %get3A_821 = arith.index_cast %add3A_780 : i32 to index
      %get3A_822 = arith.constant 160 : index
      %get3A_823 = tpu.vector_load %arg11[%get3A_821, %get3A_822] {strides = array<i32>} : memref<512x200xf32, #tpu.memory_space<vmem>>, vector<16xf32>,
      %add3A_824 = arith.addf %add3A_820, %get3A_823 : vector<16xf32>
      %get3A_825 = arith.index_cast %add3A_780 : i32 to index
      %get3A_826 = arith.constant 176 : index
      %get3A_827 = tpu.vector_load %arg11[%get3A_825, %get3A_826] {strides = array<i32>} : memref<512x200xf32, #tpu.memory_space<vmem>>, vector<16xf32>,
      %add3A_828 = arith.addf %add3A_824, %get3A_827 : vector<16xf32>
      %get3A_829 = arith.index_cast %add3A_780 : i32 to index
      %get3A_830 = arith.constant 184 : index
      %get3A_831 = tpu.vector_load %arg11[%get3A_829, %get3A_830] {strides = array<i32>} : memref<512x200xf32, #tpu.memory_space<vmem>>, vector<16xf32>,
      %jit3A_832 = arith.constant 0.000000e+00 : f32
      %broadcast_in_dim3A_833 = vector.broadcast %jit3A_832 : f32 to vector<16xf32>
      %select_n3A_834 = arith.select %ge3A_4, %get3A_831, %broadcast_in_dim3A_833 : vector<16xi1>, vector<16xf32>
      %add3A_835 = arith.addf %add3A_828, %select_n3A_834 : vector<16xf32>
      %swap3A_836 = arith.constant 32 : index
      %swap3A_837 = tpu.vector_load %arg17[%swap3A_836] {strides = array<i32>} : memref<256xf32, #tpu.memory_space<vmem>>, vector<16xf32>,
      tpu.vector_store %arg17[%swap3A_836], %add3A_835 {strides = array<i32>} : memref<256xf32, #tpu.memory_space<vmem>>, vector<16xf32>,
      %mul3A_838 = arith.constant 16 : i32
      %mul3A_839 = arith.muli %scan3A_656, %mul3A_838 : i32
      %add3A_840 = arith.constant 3 : i32
      %add3A_841 = arith.addi %mul3A_839, %add3A_840 : i32
      %get3A_842 = arith.index_cast %add3A_841 : i32 to index
      %get3A_843 = arith.constant 0 : index
      %get3A_844 = tpu.vector_load %arg11[%get3A_842, %get3A_843] {strides = array<i32>} : memref<512x200xf32, #tpu.memory_space<vmem>>, vector<16xf32>,
      %add3A_845 = arith.addf %broadcast_in_dim3A_5, %get3A_844 : vector<16xf32>
      %get3A_846 = arith.index_cast %add3A_841 : i32 to index
      %get3A_847 = arith.constant 16 : index
      %get3A_848 = tpu.vector_load %arg11[%get3A_846, %get3A_847] {strides = array<i32>} : memref<512x200xf32, #tpu.memory_space<vmem>>, vector<16xf32>,
      %add3A_849 = arith.addf %add3A_845, %get3A_848 : vector<16xf32>
      %get3A_850 = arith.index_cast %add3A_841 : i32 to index
      %get3A_851 = arith.constant 32 : index
      %get3A_852 = tpu.vector_load %arg11[%get3A_850, %get3A_851] {strides = array<i32>} : memref<512x200xf32, #tpu.memory_space<vmem>>, vector<16xf32>,
      %add3A_853 = arith.addf %add3A_849, %get3A_852 : vector<16xf32>
      %get3A_854 = arith.index_cast %add3A_841 : i32 to index
      %get3A_855 = arith.constant 48 : index
      %get3A_856 = tpu.vector_load %arg11[%get3A_854, %get3A_855] {strides = array<i32>} : memref<512x200xf32, #tpu.memory_space<vmem>>, vector<16xf32>,
      %add3A_857 = arith.addf %add3A_853, %get3A_856 : vector<16xf32>
      %get3A_858 = arith.index_cast %add3A_841 : i32 to index
      %get3A_859 = arith.constant 64 : index
      %get3A_860 = tpu.vector_load %arg11[%get3A_858, %get3A_859] {strides = array<i32>} : memref<512x200xf32, #tpu.memory_space<vmem>>, vector<16xf32>,
      %add3A_861 = arith.addf %add3A_857, %get3A_860 : vector<16xf32>
      %get3A_862 = arith.index_cast %add3A_841 : i32 to index
      %get3A_863 = arith.constant 80 : index
      %get3A_864 = tpu.vector_load %arg11[%get3A_862, %get3A_863] {strides = array<i32>} : memref<512x200xf32, #tpu.memory_space<vmem>>, vector<16xf32>,
      %add3A_865 = arith.addf %add3A_861, %get3A_864 : vector<16xf32>
      %get3A_866 = arith.index_cast %add3A_841 : i32 to index
      %get3A_867 = arith.constant 96 : index
      %get3A_868 = tpu.vector_load %arg11[%get3A_866, %get3A_867] {strides = array<i32>} : memref<512x200xf32, #tpu.memory_space<vmem>>, vector<16xf32>,
      %add3A_869 = arith.addf %add3A_865, %get3A_868 : vector<16xf32>
      %get3A_870 = arith.index_cast %add3A_841 : i32 to index
      %get3A_871 = arith.constant 112 : index
      %get3A_872 = tpu.vector_load %arg11[%get3A_870, %get3A_871] {strides = array<i32>} : memref<512x200xf32, #tpu.memory_space<vmem>>, vector<16xf32>,
      %add3A_873 = arith.addf %add3A_869, %get3A_872 : vector<16xf32>
      %get3A_874 = arith.index_cast %add3A_841 : i32 to index
      %get3A_875 = arith.constant 128 : index
      %get3A_876 = tpu.vector_load %arg11[%get3A_874, %get3A_875] {strides = array<i32>} : memref<512x200xf32, #tpu.memory_space<vmem>>, vector<16xf32>,
      %add3A_877 = arith.addf %add3A_873, %get3A_876 : vector<16xf32>
      %get3A_878 = arith.index_cast %add3A_841 : i32 to index
      %get3A_879 = arith.constant 144 : index
      %get3A_880 = tpu.vector_load %arg11[%get3A_878, %get3A_879] {strides = array<i32>} : memref<512x200xf32, #tpu.memory_space<vmem>>, vector<16xf32>,
      %add3A_881 = arith.addf %add3A_877, %get3A_880 : vector<16xf32>
      %get3A_882 = arith.index_cast %add3A_841 : i32 to index
      %get3A_883 = arith.constant 160 : index
      %get3A_884 = tpu.vector_load %arg11[%get3A_882, %get3A_883] {strides = array<i32>} : memref<512x200xf32, #tpu.memory_space<vmem>>, vector<16xf32>,
      %add3A_885 = arith.addf %add3A_881, %get3A_884 : vector<16xf32>
      %get3A_886 = arith.index_cast %add3A_841 : i32 to index
      %get3A_887 = arith.constant 176 : index
      %get3A_888 = tpu.vector_load %arg11[%get3A_886, %get3A_887] {strides = array<i32>} : memref<512x200xf32, #tpu.memory_space<vmem>>, vector<16xf32>,
      %add3A_889 = arith.addf %add3A_885, %get3A_888 : vector<16xf32>
      %get3A_890 = arith.index_cast %add3A_841 : i32 to index
      %get3A_891 = arith.constant 184 : index
      %get3A_892 = tpu.vector_load %arg11[%get3A_890, %get3A_891] {strides = array<i32>} : memref<512x200xf32, #tpu.memory_space<vmem>>, vector<16xf32>,
      %jit3A_893 = arith.constant 0.000000e+00 : f32
      %broadcast_in_dim3A_894 = vector.broadcast %jit3A_893 : f32 to vector<16xf32>
      %select_n3A_895 = arith.select %ge3A_4, %get3A_892, %broadcast_in_dim3A_894 : vector<16xi1>, vector<16xf32>
      %add3A_896 = arith.addf %add3A_889, %select_n3A_895 : vector<16xf32>
      %swap3A_897 = arith.constant 48 : index
      %swap3A_898 = tpu.vector_load %arg17[%swap3A_897] {strides = array<i32>} : memref<256xf32, #tpu.memory_space<vmem>>, vector<16xf32>,
      tpu.vector_store %arg17[%swap3A_897], %add3A_896 {strides = array<i32>} : memref<256xf32, #tpu.memory_space<vmem>>, vector<16xf32>,
      %mul3A_899 = arith.constant 16 : i32
      %mul3A_900 = arith.muli %scan3A_656, %mul3A_899 : i32
      %add3A_901 = arith.constant 4 : i32
      %add3A_902 = arith.addi %mul3A_900, %add3A_901 : i32
      %get3A_903 = arith.index_cast %add3A_902 : i32 to index
      %get3A_904 = arith.constant 0 : index
      %get3A_905 = tpu.vector_load %arg11[%get3A_903, %get3A_904] {strides = array<i32>} : memref<512x200xf32, #tpu.memory_space<vmem>>, vector<16xf32>,
      %add3A_906 = arith.addf %broadcast_in_dim3A_5, %get3A_905 : vector<16xf32>
      %get3A_907 = arith.index_cast %add3A_902 : i32 to index
      %get3A_908 = arith.constant 16 : index
      %get3A_909 = tpu.vector_load %arg11[%get3A_907, %get3A_908] {strides = array<i32>} : memref<512x200xf32, #tpu.memory_space<vmem>>, vector<16xf32>,
      %add3A_910 = arith.addf %add3A_906, %get3A_909 : vector<16xf32>
      %get3A_911 = arith.index_cast %add3A_902 : i32 to index
      %get3A_912 = arith.constant 32 : index
      %get3A_913 = tpu.vector_load %arg11[%get3A_911, %get3A_912] {strides = array<i32>} : memref<512x200xf32, #tpu.memory_space<vmem>>, vector<16xf32>,
      %add3A_914 = arith.addf %add3A_910, %get3A_913 : vector<16xf32>
      %get3A_915 = arith.index_cast %add3A_902 : i32 to index
      %get3A_916 = arith.constant 48 : index
      %get3A_917 = tpu.vector_load %arg11[%get3A_915, %get3A_916] {strides = array<i32>} : memref<512x200xf32, #tpu.memory_space<vmem>>, vector<16xf32>,
      %add3A_918 = arith.addf %add3A_914, %get3A_917 : vector<16xf32>
      %get3A_919 = arith.index_cast %add3A_902 : i32 to index
      %get3A_920 = arith.constant 64 : index
      %get3A_921 = tpu.vector_load %arg11[%get3A_919, %get3A_920] {strides = array<i32>} : memref<512x200xf32, #tpu.memory_space<vmem>>, vector<16xf32>,
      %add3A_922 = arith.addf %add3A_918, %get3A_921 : vector<16xf32>
      %get3A_923 = arith.index_cast %add3A_902 : i32 to index
      %get3A_924 = arith.constant 80 : index
      %get3A_925 = tpu.vector_load %arg11[%get3A_923, %get3A_924] {strides = array<i32>} : memref<512x200xf32, #tpu.memory_space<vmem>>, vector<16xf32>,
      %add3A_926 = arith.addf %add3A_922, %get3A_925 : vector<16xf32>
      %get3A_927 = arith.index_cast %add3A_902 : i32 to index
      %get3A_928 = arith.constant 96 : index
      %get3A_929 = tpu.vector_load %arg11[%get3A_927, %get3A_928] {strides = array<i32>} : memref<512x200xf32, #tpu.memory_space<vmem>>, vector<16xf32>,
      %add3A_930 = arith.addf %add3A_926, %get3A_929 : vector<16xf32>
      %get3A_931 = arith.index_cast %add3A_902 : i32 to index
      %get3A_932 = arith.constant 112 : index
      %get3A_933 = tpu.vector_load %arg11[%get3A_931, %get3A_932] {strides = array<i32>} : memref<512x200xf32, #tpu.memory_space<vmem>>, vector<16xf32>,
      %add3A_934 = arith.addf %add3A_930, %get3A_933 : vector<16xf32>
      %get3A_935 = arith.index_cast %add3A_902 : i32 to index
      %get3A_936 = arith.constant 128 : index
      %get3A_937 = tpu.vector_load %arg11[%get3A_935, %get3A_936] {strides = array<i32>} : memref<512x200xf32, #tpu.memory_space<vmem>>, vector<16xf32>,
      %add3A_938 = arith.addf %add3A_934, %get3A_937 : vector<16xf32>
      %get3A_939 = arith.index_cast %add3A_902 : i32 to index
      %get3A_940 = arith.constant 144 : index
      %get3A_941 = tpu.vector_load %arg11[%get3A_939, %get3A_940] {strides = array<i32>} : memref<512x200xf32, #tpu.memory_space<vmem>>, vector<16xf32>,
      %add3A_942 = arith.addf %add3A_938, %get3A_941 : vector<16xf32>
      %get3A_943 = arith.index_cast %add3A_902 : i32 to index
      %get3A_944 = arith.constant 160 : index
      %get3A_945 = tpu.vector_load %arg11[%get3A_943, %get3A_944] {strides = array<i32>} : memref<512x200xf32, #tpu.memory_space<vmem>>, vector<16xf32>,
      %add3A_946 = arith.addf %add3A_942, %get3A_945 : vector<16xf32>
      %get3A_947 = arith.index_cast %add3A_902 : i32 to index
      %get3A_948 = arith.constant 176 : index
      %get3A_949 = tpu.vector_load %arg11[%get3A_947, %get3A_948] {strides = array<i32>} : memref<512x200xf32, #tpu.memory_space<vmem>>, vector<16xf32>,
      %add3A_950 = arith.addf %add3A_946, %get3A_949 : vector<16xf32>
      %get3A_951 = arith.index_cast %add3A_902 : i32 to index
      %get3A_952 = arith.constant 184 : index
      %get3A_953 = tpu.vector_load %arg11[%get3A_951, %get3A_952] {strides = array<i32>} : memref<512x200xf32, #tpu.memory_space<vmem>>, vector<16xf32>,
      %jit3A_954 = arith.constant 0.000000e+00 : f32
      %broadcast_in_dim3A_955 = vector.broadcast %jit3A_954 : f32 to vector<16xf32>
      %select_n3A_956 = arith.select %ge3A_4, %get3A_953, %broadcast_in_dim3A_955 : vector<16xi1>, vector<16xf32>
      %add3A_957 = arith.addf %add3A_950, %select_n3A_956 : vector<16xf32>
      %swap3A_958 = arith.constant 64 : index
      %swap3A_959 = tpu.vector_load %arg17[%swap3A_958] {strides = array<i32>} : memref<256xf32, #tpu.memory_space<vmem>>, vector<16xf32>,
      tpu.vector_store %arg17[%swap3A_958], %add3A_957 {strides = array<i32>} : memref<256xf32, #tpu.memory_space<vmem>>, vector<16xf32>,
      %mul3A_960 = arith.constant 16 : i32
      %mul3A_961 = arith.muli %scan3A_656, %mul3A_960 : i32
      %add3A_962 = arith.constant 5 : i32
      %add3A_963 = arith.addi %mul3A_961, %add3A_962 : i32
      %get3A_964 = arith.index_cast %add3A_963 : i32 to index
      %get3A_965 = arith.constant 0 : index
      %get3A_966 = tpu.vector_load %arg11[%get3A_964, %get3A_965] {strides = array<i32>} : memref<512x200xf32, #tpu.memory_space<vmem>>, vector<16xf32>,
      %add3A_967 = arith.addf %broadcast_in_dim3A_5, %get3A_966 : vector<16xf32>
      %get3A_968 = arith.index_cast %add3A_963 : i32 to index
      %get3A_969 = arith.constant 16 : index
      %get3A_970 = tpu.vector_load %arg11[%get3A_968, %get3A_969] {strides = array<i32>} : memref<512x200xf32, #tpu.memory_space<vmem>>, vector<16xf32>,
      %add3A_971 = arith.addf %add3A_967, %get3A_970 : vector<16xf32>
      %get3A_972 = arith.index_cast %add3A_963 : i32 to index
      %get3A_973 = arith.constant 32 : index
      %get3A_974 = tpu.vector_load %arg11[%get3A_972, %get3A_973] {strides = array<i32>} : memref<512x200xf32, #tpu.memory_space<vmem>>, vector<16xf32>,
      %add3A_975 = arith.addf %add3A_971, %get3A_974 : vector<16xf32>
      %get3A_976 = arith.index_cast %add3A_963 : i32 to index
      %get3A_977 = arith.constant 48 : index
      %get3A_978 = tpu.vector_load %arg11[%get3A_976, %get3A_977] {strides = array<i32>} : memref<512x200xf32, #tpu.memory_space<vmem>>, vector<16xf32>,
      %add3A_979 = arith.addf %add3A_975, %get3A_978 : vector<16xf32>
      %get3A_980 = arith.index_cast %add3A_963 : i32 to index
      %get3A_981 = arith.constant 64 : index
      %get3A_982 = tpu.vector_load %arg11[%get3A_980, %get3A_981] {strides = array<i32>} : memref<512x200xf32, #tpu.memory_space<vmem>>, vector<16xf32>,
      %add3A_983 = arith.addf %add3A_979, %get3A_982 : vector<16xf32>
      %get3A_984 = arith.index_cast %add3A_963 : i32 to index
      %get3A_985 = arith.constant 80 : index
      %get3A_986 = tpu.vector_load %arg11[%get3A_984, %get3A_985] {strides = array<i32>} : memref<512x200xf32, #tpu.memory_space<vmem>>, vector<16xf32>,
      %add3A_987 = arith.addf %add3A_983, %get3A_986 : vector<16xf32>
      %get3A_988 = arith.index_cast %add3A_963 : i32 to index
      %get3A_989 = arith.constant 96 : index
      %get3A_990 = tpu.vector_load %arg11[%get3A_988, %get3A_989] {strides = array<i32>} : memref<512x200xf32, #tpu.memory_space<vmem>>, vector<16xf32>,
      %add3A_991 = arith.addf %add3A_987, %get3A_990 : vector<16xf32>
      %get3A_992 = arith.index_cast %add3A_963 : i32 to index
      %get3A_993 = arith.constant 112 : index
      %get3A_994 = tpu.vector_load %arg11[%get3A_992, %get3A_993] {strides = array<i32>} : memref<512x200xf32, #tpu.memory_space<vmem>>, vector<16xf32>,
      %add3A_995 = arith.addf %add3A_991, %get3A_994 : vector<16xf32>
      %get3A_996 = arith.index_cast %add3A_963 : i32 to index
      %get3A_997 = arith.constant 128 : index
      %get3A_998 = tpu.vector_load %arg11[%get3A_996, %get3A_997] {strides = array<i32>} : memref<512x200xf32, #tpu.memory_space<vmem>>, vector<16xf32>,
      %add3A_999 = arith.addf %add3A_995, %get3A_998 : vector<16xf32>
      %get3A_1000 = arith.index_cast %add3A_963 : i32 to index
      %get3A_1001 = arith.constant 144 : index
      %get3A_1002 = tpu.vector_load %arg11[%get3A_1000, %get3A_1001] {strides = array<i32>} : memref<512x200xf32, #tpu.memory_space<vmem>>, vector<16xf32>,
      %add3A_1003 = arith.addf %add3A_999, %get3A_1002 : vector<16xf32>
      %get3A_1004 = arith.index_cast %add3A_963 : i32 to index
      %get3A_1005 = arith.constant 160 : index
      %get3A_1006 = tpu.vector_load %arg11[%get3A_1004, %get3A_1005] {strides = array<i32>} : memref<512x200xf32, #tpu.memory_space<vmem>>, vector<16xf32>,
      %add3A_1007 = arith.addf %add3A_1003, %get3A_1006 : vector<16xf32>
      %get3A_1008 = arith.index_cast %add3A_963 : i32 to index
      %get3A_1009 = arith.constant 176 : index
      %get3A_1010 = tpu.vector_load %arg11[%get3A_1008, %get3A_1009] {strides = array<i32>} : memref<512x200xf32, #tpu.memory_space<vmem>>, vector<16xf32>,
      %add3A_1011 = arith.addf %add3A_1007, %get3A_1010 : vector<16xf32>
      %get3A_1012 = arith.index_cast %add3A_963 : i32 to index
      %get3A_1013 = arith.constant 184 : index
      %get3A_1014 = tpu.vector_load %arg11[%get3A_1012, %get3A_1013] {strides = array<i32>} : memref<512x200xf32, #tpu.memory_space<vmem>>, vector<16xf32>,
      %jit3A_1015 = arith.constant 0.000000e+00 : f32
      %broadcast_in_dim3A_1016 = vector.broadcast %jit3A_1015 : f32 to vector<16xf32>
      %select_n3A_1017 = arith.select %ge3A_4, %get3A_1014, %broadcast_in_dim3A_1016 : vector<16xi1>, vector<16xf32>
      %add3A_1018 = arith.addf %add3A_1011, %select_n3A_1017 : vector<16xf32>
      %swap3A_1019 = arith.constant 80 : index
      %swap3A_1020 = tpu.vector_load %arg17[%swap3A_1019] {strides = array<i32>} : memref<256xf32, #tpu.memory_space<vmem>>, vector<16xf32>,
      tpu.vector_store %arg17[%swap3A_1019], %add3A_1018 {strides = array<i32>} : memref<256xf32, #tpu.memory_space<vmem>>, vector<16xf32>,
      %mul3A_1021 = arith.constant 16 : i32
      %mul3A_1022 = arith.muli %scan3A_656, %mul3A_1021 : i32
      %add3A_1023 = arith.constant 6 : i32
      %add3A_1024 = arith.addi %mul3A_1022, %add3A_1023 : i32
      %get3A_1025 = arith.index_cast %add3A_1024 : i32 to index
      %get3A_1026 = arith.constant 0 : index
      %get3A_1027 = tpu.vector_load %arg11[%get3A_1025, %get3A_1026] {strides = array<i32>} : memref<512x200xf32, #tpu.memory_space<vmem>>, vector<16xf32>,
      %add3A_1028 = arith.addf %broadcast_in_dim3A_5, %get3A_1027 : vector<16xf32>
      %get3A_1029 = arith.index_cast %add3A_1024 : i32 to index
      %get3A_1030 = arith.constant 16 : index
      %get3A_1031 = tpu.vector_load %arg11[%get3A_1029, %get3A_1030] {strides = array<i32>} : memref<512x200xf32, #tpu.memory_space<vmem>>, vector<16xf32>,
      %add3A_1032 = arith.addf %add3A_1028, %get3A_1031 : vector<16xf32>
      %get3A_1033 = arith.index_cast %add3A_1024 : i32 to index
      %get3A_1034 = arith.constant 32 : index
      %get3A_1035 = tpu.vector_load %arg11[%get3A_1033, %get3A_1034] {strides = array<i32>} : memref<512x200xf32, #tpu.memory_space<vmem>>, vector<16xf32>,
      %add3A_1036 = arith.addf %add3A_1032, %get3A_1035 : vector<16xf32>
      %get3A_1037 = arith.index_cast %add3A_1024 : i32 to index
      %get3A_1038 = arith.constant 48 : index
      %get3A_1039 = tpu.vector_load %arg11[%get3A_1037, %get3A_1038] {strides = array<i32>} : memref<512x200xf32, #tpu.memory_space<vmem>>, vector<16xf32>,
      %add3A_1040 = arith.addf %add3A_1036, %get3A_1039 : vector<16xf32>
      %get3A_1041 = arith.index_cast %add3A_1024 : i32 to index
      %get3A_1042 = arith.constant 64 : index
      %get3A_1043 = tpu.vector_load %arg11[%get3A_1041, %get3A_1042] {strides = array<i32>} : memref<512x200xf32, #tpu.memory_space<vmem>>, vector<16xf32>,
      %add3A_1044 = arith.addf %add3A_1040, %get3A_1043 : vector<16xf32>
      %get3A_1045 = arith.index_cast %add3A_1024 : i32 to index
      %get3A_1046 = arith.constant 80 : index
      %get3A_1047 = tpu.vector_load %arg11[%get3A_1045, %get3A_1046] {strides = array<i32>} : memref<512x200xf32, #tpu.memory_space<vmem>>, vector<16xf32>,
      %add3A_1048 = arith.addf %add3A_1044, %get3A_1047 : vector<16xf32>
      %get3A_1049 = arith.index_cast %add3A_1024 : i32 to index
      %get3A_1050 = arith.constant 96 : index
      %get3A_1051 = tpu.vector_load %arg11[%get3A_1049, %get3A_1050] {strides = array<i32>} : memref<512x200xf32, #tpu.memory_space<vmem>>, vector<16xf32>,
      %add3A_1052 = arith.addf %add3A_1048, %get3A_1051 : vector<16xf32>
      %get3A_1053 = arith.index_cast %add3A_1024 : i32 to index
      %get3A_1054 = arith.constant 112 : index
      %get3A_1055 = tpu.vector_load %arg11[%get3A_1053, %get3A_1054] {strides = array<i32>} : memref<512x200xf32, #tpu.memory_space<vmem>>, vector<16xf32>,
      %add3A_1056 = arith.addf %add3A_1052, %get3A_1055 : vector<16xf32>
      %get3A_1057 = arith.index_cast %add3A_1024 : i32 to index
      %get3A_1058 = arith.constant 128 : index
      %get3A_1059 = tpu.vector_load %arg11[%get3A_1057, %get3A_1058] {strides = array<i32>} : memref<512x200xf32, #tpu.memory_space<vmem>>, vector<16xf32>,
      %add3A_1060 = arith.addf %add3A_1056, %get3A_1059 : vector<16xf32>
      %get3A_1061 = arith.index_cast %add3A_1024 : i32 to index
      %get3A_1062 = arith.constant 144 : index
      %get3A_1063 = tpu.vector_load %arg11[%get3A_1061, %get3A_1062] {strides = array<i32>} : memref<512x200xf32, #tpu.memory_space<vmem>>, vector<16xf32>,
      %add3A_1064 = arith.addf %add3A_1060, %get3A_1063 : vector<16xf32>
      %get3A_1065 = arith.index_cast %add3A_1024 : i32 to index
      %get3A_1066 = arith.constant 160 : index
      %get3A_1067 = tpu.vector_load %arg11[%get3A_1065, %get3A_1066] {strides = array<i32>} : memref<512x200xf32, #tpu.memory_space<vmem>>, vector<16xf32>,
      %add3A_1068 = arith.addf %add3A_1064, %get3A_1067 : vector<16xf32>
      %get3A_1069 = arith.index_cast %add3A_1024 : i32 to index
      %get3A_1070 = arith.constant 176 : index
      %get3A_1071 = tpu.vector_load %arg11[%get3A_1069, %get3A_1070] {strides = array<i32>} : memref<512x200xf32, #tpu.memory_space<vmem>>, vector<16xf32>,
      %add3A_1072 = arith.addf %add3A_1068, %get3A_1071 : vector<16xf32>
      %get3A_1073 = arith.index_cast %add3A_1024 : i32 to index
      %get3A_1074 = arith.constant 184 : index
      %get3A_1075 = tpu.vector_load %arg11[%get3A_1073, %get3A_1074] {strides = array<i32>} : memref<512x200xf32, #tpu.memory_space<vmem>>, vector<16xf32>,
      %jit3A_1076 = arith.constant 0.000000e+00 : f32
      %broadcast_in_dim3A_1077 = vector.broadcast %jit3A_1076 : f32 to vector<16xf32>
      %select_n3A_1078 = arith.select %ge3A_4, %get3A_1075, %broadcast_in_dim3A_1077 : vector<16xi1>, vector<16xf32>
      %add3A_1079 = arith.addf %add3A_1072, %select_n3A_1078 : vector<16xf32>
      %swap3A_1080 = arith.constant 96 : index
      %swap3A_1081 = tpu.vector_load %arg17[%swap3A_1080] {strides = array<i32>} : memref<256xf32, #tpu.memory_space<vmem>>, vector<16xf32>,
      tpu.vector_store %arg17[%swap3A_1080], %add3A_1079 {strides = array<i32>} : memref<256xf32, #tpu.memory_space<vmem>>, vector<16xf32>,
      %mul3A_1082 = arith.constant 16 : i32
      %mul3A_1083 = arith.muli %scan3A_656, %mul3A_1082 : i32
      %add3A_1084 = arith.constant 7 : i32
      %add3A_1085 = arith.addi %mul3A_1083, %add3A_1084 : i32
      %get3A_1086 = arith.index_cast %add3A_1085 : i32 to index
      %get3A_1087 = arith.constant 0 : index
      %get3A_1088 = tpu.vector_load %arg11[%get3A_1086, %get3A_1087] {strides = array<i32>} : memref<512x200xf32, #tpu.memory_space<vmem>>, vector<16xf32>,
      %add3A_1089 = arith.addf %broadcast_in_dim3A_5, %get3A_1088 : vector<16xf32>
      %get3A_1090 = arith.index_cast %add3A_1085 : i32 to index
      %get3A_1091 = arith.constant 16 : index
      %get3A_1092 = tpu.vector_load %arg11[%get3A_1090, %get3A_1091] {strides = array<i32>} : memref<512x200xf32, #tpu.memory_space<vmem>>, vector<16xf32>,
      %add3A_1093 = arith.addf %add3A_1089, %get3A_1092 : vector<16xf32>
      %get3A_1094 = arith.index_cast %add3A_1085 : i32 to index
      %get3A_1095 = arith.constant 32 : index
      %get3A_1096 = tpu.vector_load %arg11[%get3A_1094, %get3A_1095] {strides = array<i32>} : memref<512x200xf32, #tpu.memory_space<vmem>>, vector<16xf32>,
      %add3A_1097 = arith.addf %add3A_1093, %get3A_1096 : vector<16xf32>
      %get3A_1098 = arith.index_cast %add3A_1085 : i32 to index
      %get3A_1099 = arith.constant 48 : index
      %get3A_1100 = tpu.vector_load %arg11[%get3A_1098, %get3A_1099] {strides = array<i32>} : memref<512x200xf32, #tpu.memory_space<vmem>>, vector<16xf32>,
      %add3A_1101 = arith.addf %add3A_1097, %get3A_1100 : vector<16xf32>
      %get3A_1102 = arith.index_cast %add3A_1085 : i32 to index
      %get3A_1103 = arith.constant 64 : index
      %get3A_1104 = tpu.vector_load %arg11[%get3A_1102, %get3A_1103] {strides = array<i32>} : memref<512x200xf32, #tpu.memory_space<vmem>>, vector<16xf32>,
      %add3A_1105 = arith.addf %add3A_1101, %get3A_1104 : vector<16xf32>
      %get3A_1106 = arith.index_cast %add3A_1085 : i32 to index
      %get3A_1107 = arith.constant 80 : index
      %get3A_1108 = tpu.vector_load %arg11[%get3A_1106, %get3A_1107] {strides = array<i32>} : memref<512x200xf32, #tpu.memory_space<vmem>>, vector<16xf32>,
      %add3A_1109 = arith.addf %add3A_1105, %get3A_1108 : vector<16xf32>
      %get3A_1110 = arith.index_cast %add3A_1085 : i32 to index
      %get3A_1111 = arith.constant 96 : index
      %get3A_1112 = tpu.vector_load %arg11[%get3A_1110, %get3A_1111] {strides = array<i32>} : memref<512x200xf32, #tpu.memory_space<vmem>>, vector<16xf32>,
      %add3A_1113 = arith.addf %add3A_1109, %get3A_1112 : vector<16xf32>
      %get3A_1114 = arith.index_cast %add3A_1085 : i32 to index
      %get3A_1115 = arith.constant 112 : index
      %get3A_1116 = tpu.vector_load %arg11[%get3A_1114, %get3A_1115] {strides = array<i32>} : memref<512x200xf32, #tpu.memory_space<vmem>>, vector<16xf32>,
      %add3A_1117 = arith.addf %add3A_1113, %get3A_1116 : vector<16xf32>
      %get3A_1118 = arith.index_cast %add3A_1085 : i32 to index
      %get3A_1119 = arith.constant 128 : index
      %get3A_1120 = tpu.vector_load %arg11[%get3A_1118, %get3A_1119] {strides = array<i32>} : memref<512x200xf32, #tpu.memory_space<vmem>>, vector<16xf32>,
      %add3A_1121 = arith.addf %add3A_1117, %get3A_1120 : vector<16xf32>
      %get3A_1122 = arith.index_cast %add3A_1085 : i32 to index
      %get3A_1123 = arith.constant 144 : index
      %get3A_1124 = tpu.vector_load %arg11[%get3A_1122, %get3A_1123] {strides = array<i32>} : memref<512x200xf32, #tpu.memory_space<vmem>>, vector<16xf32>,
      %add3A_1125 = arith.addf %add3A_1121, %get3A_1124 : vector<16xf32>
      %get3A_1126 = arith.index_cast %add3A_1085 : i32 to index
      %get3A_1127 = arith.constant 160 : index
      %get3A_1128 = tpu.vector_load %arg11[%get3A_1126, %get3A_1127] {strides = array<i32>} : memref<512x200xf32, #tpu.memory_space<vmem>>, vector<16xf32>,
      %add3A_1129 = arith.addf %add3A_1125, %get3A_1128 : vector<16xf32>
      %get3A_1130 = arith.index_cast %add3A_1085 : i32 to index
      %get3A_1131 = arith.constant 176 : index
      %get3A_1132 = tpu.vector_load %arg11[%get3A_1130, %get3A_1131] {strides = array<i32>} : memref<512x200xf32, #tpu.memory_space<vmem>>, vector<16xf32>,
      %add3A_1133 = arith.addf %add3A_1129, %get3A_1132 : vector<16xf32>
      %get3A_1134 = arith.index_cast %add3A_1085 : i32 to index
      %get3A_1135 = arith.constant 184 : index
      %get3A_1136 = tpu.vector_load %arg11[%get3A_1134, %get3A_1135] {strides = array<i32>} : memref<512x200xf32, #tpu.memory_space<vmem>>, vector<16xf32>,
      %jit3A_1137 = arith.constant 0.000000e+00 : f32
      %broadcast_in_dim3A_1138 = vector.broadcast %jit3A_1137 : f32 to vector<16xf32>
      %select_n3A_1139 = arith.select %ge3A_4, %get3A_1136, %broadcast_in_dim3A_1138 : vector<16xi1>, vector<16xf32>
      %add3A_1140 = arith.addf %add3A_1133, %select_n3A_1139 : vector<16xf32>
      %swap3A_1141 = arith.constant 112 : index
      %swap3A_1142 = tpu.vector_load %arg17[%swap3A_1141] {strides = array<i32>} : memref<256xf32, #tpu.memory_space<vmem>>, vector<16xf32>,
      tpu.vector_store %arg17[%swap3A_1141], %add3A_1140 {strides = array<i32>} : memref<256xf32, #tpu.memory_space<vmem>>, vector<16xf32>,
      %mul3A_1143 = arith.constant 16 : i32
      %mul3A_1144 = arith.muli %scan3A_656, %mul3A_1143 : i32
      %add3A_1145 = arith.constant 8 : i32
      %add3A_1146 = arith.addi %mul3A_1144, %add3A_1145 : i32
      %get3A_1147 = arith.index_cast %add3A_1146 : i32 to index
      %get3A_1148 = arith.constant 0 : index
      %get3A_1149 = tpu.vector_load %arg11[%get3A_1147, %get3A_1148] {strides = array<i32>} : memref<512x200xf32, #tpu.memory_space<vmem>>, vector<16xf32>,
      %add3A_1150 = arith.addf %broadcast_in_dim3A_5, %get3A_1149 : vector<16xf32>
      %get3A_1151 = arith.index_cast %add3A_1146 : i32 to index
      %get3A_1152 = arith.constant 16 : index
      %get3A_1153 = tpu.vector_load %arg11[%get3A_1151, %get3A_1152] {strides = array<i32>} : memref<512x200xf32, #tpu.memory_space<vmem>>, vector<16xf32>,
      %add3A_1154 = arith.addf %add3A_1150, %get3A_1153 : vector<16xf32>
      %get3A_1155 = arith.index_cast %add3A_1146 : i32 to index
      %get3A_1156 = arith.constant 32 : index
      %get3A_1157 = tpu.vector_load %arg11[%get3A_1155, %get3A_1156] {strides = array<i32>} : memref<512x200xf32, #tpu.memory_space<vmem>>, vector<16xf32>,
      %add3A_1158 = arith.addf %add3A_1154, %get3A_1157 : vector<16xf32>
      %get3A_1159 = arith.index_cast %add3A_1146 : i32 to index
      %get3A_1160 = arith.constant 48 : index
      %get3A_1161 = tpu.vector_load %arg11[%get3A_1159, %get3A_1160] {strides = array<i32>} : memref<512x200xf32, #tpu.memory_space<vmem>>, vector<16xf32>,
      %add3A_1162 = arith.addf %add3A_1158, %get3A_1161 : vector<16xf32>
      %get3A_1163 = arith.index_cast %add3A_1146 : i32 to index
      %get3A_1164 = arith.constant 64 : index
      %get3A_1165 = tpu.vector_load %arg11[%get3A_1163, %get3A_1164] {strides = array<i32>} : memref<512x200xf32, #tpu.memory_space<vmem>>, vector<16xf32>,
      %add3A_1166 = arith.addf %add3A_1162, %get3A_1165 : vector<16xf32>
      %get3A_1167 = arith.index_cast %add3A_1146 : i32 to index
      %get3A_1168 = arith.constant 80 : index
      %get3A_1169 = tpu.vector_load %arg11[%get3A_1167, %get3A_1168] {strides = array<i32>} : memref<512x200xf32, #tpu.memory_space<vmem>>, vector<16xf32>,
      %add3A_1170 = arith.addf %add3A_1166, %get3A_1169 : vector<16xf32>
      %get3A_1171 = arith.index_cast %add3A_1146 : i32 to index
      %get3A_1172 = arith.constant 96 : index
      %get3A_1173 = tpu.vector_load %arg11[%get3A_1171, %get3A_1172] {strides = array<i32>} : memref<512x200xf32, #tpu.memory_space<vmem>>, vector<16xf32>,
      %add3A_1174 = arith.addf %add3A_1170, %get3A_1173 : vector<16xf32>
      %get3A_1175 = arith.index_cast %add3A_1146 : i32 to index
      %get3A_1176 = arith.constant 112 : index
      %get3A_1177 = tpu.vector_load %arg11[%get3A_1175, %get3A_1176] {strides = array<i32>} : memref<512x200xf32, #tpu.memory_space<vmem>>, vector<16xf32>,
      %add3A_1178 = arith.addf %add3A_1174, %get3A_1177 : vector<16xf32>
      %get3A_1179 = arith.index_cast %add3A_1146 : i32 to index
      %get3A_1180 = arith.constant 128 : index
      %get3A_1181 = tpu.vector_load %arg11[%get3A_1179, %get3A_1180] {strides = array<i32>} : memref<512x200xf32, #tpu.memory_space<vmem>>, vector<16xf32>,
      %add3A_1182 = arith.addf %add3A_1178, %get3A_1181 : vector<16xf32>
      %get3A_1183 = arith.index_cast %add3A_1146 : i32 to index
      %get3A_1184 = arith.constant 144 : index
      %get3A_1185 = tpu.vector_load %arg11[%get3A_1183, %get3A_1184] {strides = array<i32>} : memref<512x200xf32, #tpu.memory_space<vmem>>, vector<16xf32>,
      %add3A_1186 = arith.addf %add3A_1182, %get3A_1185 : vector<16xf32>
      %get3A_1187 = arith.index_cast %add3A_1146 : i32 to index
      %get3A_1188 = arith.constant 160 : index
      %get3A_1189 = tpu.vector_load %arg11[%get3A_1187, %get3A_1188] {strides = array<i32>} : memref<512x200xf32, #tpu.memory_space<vmem>>, vector<16xf32>,
      %add3A_1190 = arith.addf %add3A_1186, %get3A_1189 : vector<16xf32>
      %get3A_1191 = arith.index_cast %add3A_1146 : i32 to index
      %get3A_1192 = arith.constant 176 : index
      %get3A_1193 = tpu.vector_load %arg11[%get3A_1191, %get3A_1192] {strides = array<i32>} : memref<512x200xf32, #tpu.memory_space<vmem>>, vector<16xf32>,
      %add3A_1194 = arith.addf %add3A_1190, %get3A_1193 : vector<16xf32>
      %get3A_1195 = arith.index_cast %add3A_1146 : i32 to index
      %get3A_1196 = arith.constant 184 : index
      %get3A_1197 = tpu.vector_load %arg11[%get3A_1195, %get3A_1196] {strides = array<i32>} : memref<512x200xf32, #tpu.memory_space<vmem>>, vector<16xf32>,
      %jit3A_1198 = arith.constant 0.000000e+00 : f32
      %broadcast_in_dim3A_1199 = vector.broadcast %jit3A_1198 : f32 to vector<16xf32>
      %select_n3A_1200 = arith.select %ge3A_4, %get3A_1197, %broadcast_in_dim3A_1199 : vector<16xi1>, vector<16xf32>
      %add3A_1201 = arith.addf %add3A_1194, %select_n3A_1200 : vector<16xf32>
      %swap3A_1202 = arith.constant 128 : index
      %swap3A_1203 = tpu.vector_load %arg17[%swap3A_1202] {strides = array<i32>} : memref<256xf32, #tpu.memory_space<vmem>>, vector<16xf32>,
      tpu.vector_store %arg17[%swap3A_1202], %add3A_1201 {strides = array<i32>} : memref<256xf32, #tpu.memory_space<vmem>>, vector<16xf32>,
      %mul3A_1204 = arith.constant 16 : i32
      %mul3A_1205 = arith.muli %scan3A_656, %mul3A_1204 : i32
      %add3A_1206 = arith.constant 9 : i32
      %add3A_1207 = arith.addi %mul3A_1205, %add3A_1206 : i32
      %get3A_1208 = arith.index_cast %add3A_1207 : i32 to index
      %get3A_1209 = arith.constant 0 : index
      %get3A_1210 = tpu.vector_load %arg11[%get3A_1208, %get3A_1209] {strides = array<i32>} : memref<512x200xf32, #tpu.memory_space<vmem>>, vector<16xf32>,
      %add3A_1211 = arith.addf %broadcast_in_dim3A_5, %get3A_1210 : vector<16xf32>
      %get3A_1212 = arith.index_cast %add3A_1207 : i32 to index
      %get3A_1213 = arith.constant 16 : index
      %get3A_1214 = tpu.vector_load %arg11[%get3A_1212, %get3A_1213] {strides = array<i32>} : memref<512x200xf32, #tpu.memory_space<vmem>>, vector<16xf32>,
      %add3A_1215 = arith.addf %add3A_1211, %get3A_1214 : vector<16xf32>
      %get3A_1216 = arith.index_cast %add3A_1207 : i32 to index
      %get3A_1217 = arith.constant 32 : index
      %get3A_1218 = tpu.vector_load %arg11[%get3A_1216, %get3A_1217] {strides = array<i32>} : memref<512x200xf32, #tpu.memory_space<vmem>>, vector<16xf32>,
      %add3A_1219 = arith.addf %add3A_1215, %get3A_1218 : vector<16xf32>
      %get3A_1220 = arith.index_cast %add3A_1207 : i32 to index
      %get3A_1221 = arith.constant 48 : index
      %get3A_1222 = tpu.vector_load %arg11[%get3A_1220, %get3A_1221] {strides = array<i32>} : memref<512x200xf32, #tpu.memory_space<vmem>>, vector<16xf32>,
      %add3A_1223 = arith.addf %add3A_1219, %get3A_1222 : vector<16xf32>
      %get3A_1224 = arith.index_cast %add3A_1207 : i32 to index
      %get3A_1225 = arith.constant 64 : index
      %get3A_1226 = tpu.vector_load %arg11[%get3A_1224, %get3A_1225] {strides = array<i32>} : memref<512x200xf32, #tpu.memory_space<vmem>>, vector<16xf32>,
      %add3A_1227 = arith.addf %add3A_1223, %get3A_1226 : vector<16xf32>
      %get3A_1228 = arith.index_cast %add3A_1207 : i32 to index
      %get3A_1229 = arith.constant 80 : index
      %get3A_1230 = tpu.vector_load %arg11[%get3A_1228, %get3A_1229] {strides = array<i32>} : memref<512x200xf32, #tpu.memory_space<vmem>>, vector<16xf32>,
      %add3A_1231 = arith.addf %add3A_1227, %get3A_1230 : vector<16xf32>
      %get3A_1232 = arith.index_cast %add3A_1207 : i32 to index
      %get3A_1233 = arith.constant 96 : index
      %get3A_1234 = tpu.vector_load %arg11[%get3A_1232, %get3A_1233] {strides = array<i32>} : memref<512x200xf32, #tpu.memory_space<vmem>>, vector<16xf32>,
      %add3A_1235 = arith.addf %add3A_1231, %get3A_1234 : vector<16xf32>
      %get3A_1236 = arith.index_cast %add3A_1207 : i32 to index
      %get3A_1237 = arith.constant 112 : index
      %get3A_1238 = tpu.vector_load %arg11[%get3A_1236, %get3A_1237] {strides = array<i32>} : memref<512x200xf32, #tpu.memory_space<vmem>>, vector<16xf32>,
      %add3A_1239 = arith.addf %add3A_1235, %get3A_1238 : vector<16xf32>
      %get3A_1240 = arith.index_cast %add3A_1207 : i32 to index
      %get3A_1241 = arith.constant 128 : index
      %get3A_1242 = tpu.vector_load %arg11[%get3A_1240, %get3A_1241] {strides = array<i32>} : memref<512x200xf32, #tpu.memory_space<vmem>>, vector<16xf32>,
      %add3A_1243 = arith.addf %add3A_1239, %get3A_1242 : vector<16xf32>
      %get3A_1244 = arith.index_cast %add3A_1207 : i32 to index
      %get3A_1245 = arith.constant 144 : index
      %get3A_1246 = tpu.vector_load %arg11[%get3A_1244, %get3A_1245] {strides = array<i32>} : memref<512x200xf32, #tpu.memory_space<vmem>>, vector<16xf32>,
      %add3A_1247 = arith.addf %add3A_1243, %get3A_1246 : vector<16xf32>
      %get3A_1248 = arith.index_cast %add3A_1207 : i32 to index
      %get3A_1249 = arith.constant 160 : index
      %get3A_1250 = tpu.vector_load %arg11[%get3A_1248, %get3A_1249] {strides = array<i32>} : memref<512x200xf32, #tpu.memory_space<vmem>>, vector<16xf32>,
      %add3A_1251 = arith.addf %add3A_1247, %get3A_1250 : vector<16xf32>
      %get3A_1252 = arith.index_cast %add3A_1207 : i32 to index
      %get3A_1253 = arith.constant 176 : index
      %get3A_1254 = tpu.vector_load %arg11[%get3A_1252, %get3A_1253] {strides = array<i32>} : memref<512x200xf32, #tpu.memory_space<vmem>>, vector<16xf32>,
      %add3A_1255 = arith.addf %add3A_1251, %get3A_1254 : vector<16xf32>
      %get3A_1256 = arith.index_cast %add3A_1207 : i32 to index
      %get3A_1257 = arith.constant 184 : index
      %get3A_1258 = tpu.vector_load %arg11[%get3A_1256, %get3A_1257] {strides = array<i32>} : memref<512x200xf32, #tpu.memory_space<vmem>>, vector<16xf32>,
      %jit3A_1259 = arith.constant 0.000000e+00 : f32
      %broadcast_in_dim3A_1260 = vector.broadcast %jit3A_1259 : f32 to vector<16xf32>
      %select_n3A_1261 = arith.select %ge3A_4, %get3A_1258, %broadcast_in_dim3A_1260 : vector<16xi1>, vector<16xf32>
      %add3A_1262 = arith.addf %add3A_1255, %select_n3A_1261 : vector<16xf32>
      %swap3A_1263 = arith.constant 144 : index
      %swap3A_1264 = tpu.vector_load %arg17[%swap3A_1263] {strides = array<i32>} : memref<256xf32, #tpu.memory_space<vmem>>, vector<16xf32>,
      tpu.vector_store %arg17[%swap3A_1263], %add3A_1262 {strides = array<i32>} : memref<256xf32, #tpu.memory_space<vmem>>, vector<16xf32>,
      %mul3A_1265 = arith.constant 16 : i32
      %mul3A_1266 = arith.muli %scan3A_656, %mul3A_1265 : i32
      %add3A_1267 = arith.constant 10 : i32
      %add3A_1268 = arith.addi %mul3A_1266, %add3A_1267 : i32
      %get3A_1269 = arith.index_cast %add3A_1268 : i32 to index
      %get3A_1270 = arith.constant 0 : index
      %get3A_1271 = tpu.vector_load %arg11[%get3A_1269, %get3A_1270] {strides = array<i32>} : memref<512x200xf32, #tpu.memory_space<vmem>>, vector<16xf32>,
      %add3A_1272 = arith.addf %broadcast_in_dim3A_5, %get3A_1271 : vector<16xf32>
      %get3A_1273 = arith.index_cast %add3A_1268 : i32 to index
      %get3A_1274 = arith.constant 16 : index
      %get3A_1275 = tpu.vector_load %arg11[%get3A_1273, %get3A_1274] {strides = array<i32>} : memref<512x200xf32, #tpu.memory_space<vmem>>, vector<16xf32>,
      %add3A_1276 = arith.addf %add3A_1272, %get3A_1275 : vector<16xf32>
      %get3A_1277 = arith.index_cast %add3A_1268 : i32 to index
      %get3A_1278 = arith.constant 32 : index
      %get3A_1279 = tpu.vector_load %arg11[%get3A_1277, %get3A_1278] {strides = array<i32>} : memref<512x200xf32, #tpu.memory_space<vmem>>, vector<16xf32>,
      %add3A_1280 = arith.addf %add3A_1276, %get3A_1279 : vector<16xf32>
      %get3A_1281 = arith.index_cast %add3A_1268 : i32 to index
      %get3A_1282 = arith.constant 48 : index
      %get3A_1283 = tpu.vector_load %arg11[%get3A_1281, %get3A_1282] {strides = array<i32>} : memref<512x200xf32, #tpu.memory_space<vmem>>, vector<16xf32>,
      %add3A_1284 = arith.addf %add3A_1280, %get3A_1283 : vector<16xf32>
      %get3A_1285 = arith.index_cast %add3A_1268 : i32 to index
      %get3A_1286 = arith.constant 64 : index
      %get3A_1287 = tpu.vector_load %arg11[%get3A_1285, %get3A_1286] {strides = array<i32>} : memref<512x200xf32, #tpu.memory_space<vmem>>, vector<16xf32>,
      %add3A_1288 = arith.addf %add3A_1284, %get3A_1287 : vector<16xf32>
      %get3A_1289 = arith.index_cast %add3A_1268 : i32 to index
      %get3A_1290 = arith.constant 80 : index
      %get3A_1291 = tpu.vector_load %arg11[%get3A_1289, %get3A_1290] {strides = array<i32>} : memref<512x200xf32, #tpu.memory_space<vmem>>, vector<16xf32>,
      %add3A_1292 = arith.addf %add3A_1288, %get3A_1291 : vector<16xf32>
      %get3A_1293 = arith.index_cast %add3A_1268 : i32 to index
      %get3A_1294 = arith.constant 96 : index
      %get3A_1295 = tpu.vector_load %arg11[%get3A_1293, %get3A_1294] {strides = array<i32>} : memref<512x200xf32, #tpu.memory_space<vmem>>, vector<16xf32>,
      %add3A_1296 = arith.addf %add3A_1292, %get3A_1295 : vector<16xf32>
      %get3A_1297 = arith.index_cast %add3A_1268 : i32 to index
      %get3A_1298 = arith.constant 112 : index
      %get3A_1299 = tpu.vector_load %arg11[%get3A_1297, %get3A_1298] {strides = array<i32>} : memref<512x200xf32, #tpu.memory_space<vmem>>, vector<16xf32>,
      %add3A_1300 = arith.addf %add3A_1296, %get3A_1299 : vector<16xf32>
      %get3A_1301 = arith.index_cast %add3A_1268 : i32 to index
      %get3A_1302 = arith.constant 128 : index
      %get3A_1303 = tpu.vector_load %arg11[%get3A_1301, %get3A_1302] {strides = array<i32>} : memref<512x200xf32, #tpu.memory_space<vmem>>, vector<16xf32>,
      %add3A_1304 = arith.addf %add3A_1300, %get3A_1303 : vector<16xf32>
      %get3A_1305 = arith.index_cast %add3A_1268 : i32 to index
      %get3A_1306 = arith.constant 144 : index
      %get3A_1307 = tpu.vector_load %arg11[%get3A_1305, %get3A_1306] {strides = array<i32>} : memref<512x200xf32, #tpu.memory_space<vmem>>, vector<16xf32>,
      %add3A_1308 = arith.addf %add3A_1304, %get3A_1307 : vector<16xf32>
      %get3A_1309 = arith.index_cast %add3A_1268 : i32 to index
      %get3A_1310 = arith.constant 160 : index
      %get3A_1311 = tpu.vector_load %arg11[%get3A_1309, %get3A_1310] {strides = array<i32>} : memref<512x200xf32, #tpu.memory_space<vmem>>, vector<16xf32>,
      %add3A_1312 = arith.addf %add3A_1308, %get3A_1311 : vector<16xf32>
      %get3A_1313 = arith.index_cast %add3A_1268 : i32 to index
      %get3A_1314 = arith.constant 176 : index
      %get3A_1315 = tpu.vector_load %arg11[%get3A_1313, %get3A_1314] {strides = array<i32>} : memref<512x200xf32, #tpu.memory_space<vmem>>, vector<16xf32>,
      %add3A_1316 = arith.addf %add3A_1312, %get3A_1315 : vector<16xf32>
      %get3A_1317 = arith.index_cast %add3A_1268 : i32 to index
      %get3A_1318 = arith.constant 184 : index
      %get3A_1319 = tpu.vector_load %arg11[%get3A_1317, %get3A_1318] {strides = array<i32>} : memref<512x200xf32, #tpu.memory_space<vmem>>, vector<16xf32>,
      %jit3A_1320 = arith.constant 0.000000e+00 : f32
      %broadcast_in_dim3A_1321 = vector.broadcast %jit3A_1320 : f32 to vector<16xf32>
      %select_n3A_1322 = arith.select %ge3A_4, %get3A_1319, %broadcast_in_dim3A_1321 : vector<16xi1>, vector<16xf32>
      %add3A_1323 = arith.addf %add3A_1316, %select_n3A_1322 : vector<16xf32>
      %swap3A_1324 = arith.constant 160 : index
      %swap3A_1325 = tpu.vector_load %arg17[%swap3A_1324] {strides = array<i32>} : memref<256xf32, #tpu.memory_space<vmem>>, vector<16xf32>,
      tpu.vector_store %arg17[%swap3A_1324], %add3A_1323 {strides = array<i32>} : memref<256xf32, #tpu.memory_space<vmem>>, vector<16xf32>,
      %mul3A_1326 = arith.constant 16 : i32
      %mul3A_1327 = arith.muli %scan3A_656, %mul3A_1326 : i32
      %add3A_1328 = arith.constant 11 : i32
      %add3A_1329 = arith.addi %mul3A_1327, %add3A_1328 : i32
      %get3A_1330 = arith.index_cast %add3A_1329 : i32 to index
      %get3A_1331 = arith.constant 0 : index
      %get3A_1332 = tpu.vector_load %arg11[%get3A_1330, %get3A_1331] {strides = array<i32>} : memref<512x200xf32, #tpu.memory_space<vmem>>, vector<16xf32>,
      %add3A_1333 = arith.addf %broadcast_in_dim3A_5, %get3A_1332 : vector<16xf32>
      %get3A_1334 = arith.index_cast %add3A_1329 : i32 to index
      %get3A_1335 = arith.constant 16 : index
      %get3A_1336 = tpu.vector_load %arg11[%get3A_1334, %get3A_1335] {strides = array<i32>} : memref<512x200xf32, #tpu.memory_space<vmem>>, vector<16xf32>,
      %add3A_1337 = arith.addf %add3A_1333, %get3A_1336 : vector<16xf32>
      %get3A_1338 = arith.index_cast %add3A_1329 : i32 to index
      %get3A_1339 = arith.constant 32 : index
      %get3A_1340 = tpu.vector_load %arg11[%get3A_1338, %get3A_1339] {strides = array<i32>} : memref<512x200xf32, #tpu.memory_space<vmem>>, vector<16xf32>,
      %add3A_1341 = arith.addf %add3A_1337, %get3A_1340 : vector<16xf32>
      %get3A_1342 = arith.index_cast %add3A_1329 : i32 to index
      %get3A_1343 = arith.constant 48 : index
      %get3A_1344 = tpu.vector_load %arg11[%get3A_1342, %get3A_1343] {strides = array<i32>} : memref<512x200xf32, #tpu.memory_space<vmem>>, vector<16xf32>,
      %add3A_1345 = arith.addf %add3A_1341, %get3A_1344 : vector<16xf32>
      %get3A_1346 = arith.index_cast %add3A_1329 : i32 to index
      %get3A_1347 = arith.constant 64 : index
      %get3A_1348 = tpu.vector_load %arg11[%get3A_1346, %get3A_1347] {strides = array<i32>} : memref<512x200xf32, #tpu.memory_space<vmem>>, vector<16xf32>,
      %add3A_1349 = arith.addf %add3A_1345, %get3A_1348 : vector<16xf32>
      %get3A_1350 = arith.index_cast %add3A_1329 : i32 to index
      %get3A_1351 = arith.constant 80 : index
      %get3A_1352 = tpu.vector_load %arg11[%get3A_1350, %get3A_1351] {strides = array<i32>} : memref<512x200xf32, #tpu.memory_space<vmem>>, vector<16xf32>,
      %add3A_1353 = arith.addf %add3A_1349, %get3A_1352 : vector<16xf32>
      %get3A_1354 = arith.index_cast %add3A_1329 : i32 to index
      %get3A_1355 = arith.constant 96 : index
      %get3A_1356 = tpu.vector_load %arg11[%get3A_1354, %get3A_1355] {strides = array<i32>} : memref<512x200xf32, #tpu.memory_space<vmem>>, vector<16xf32>,
      %add3A_1357 = arith.addf %add3A_1353, %get3A_1356 : vector<16xf32>
      %get3A_1358 = arith.index_cast %add3A_1329 : i32 to index
      %get3A_1359 = arith.constant 112 : index
      %get3A_1360 = tpu.vector_load %arg11[%get3A_1358, %get3A_1359] {strides = array<i32>} : memref<512x200xf32, #tpu.memory_space<vmem>>, vector<16xf32>,
      %add3A_1361 = arith.addf %add3A_1357, %get3A_1360 : vector<16xf32>
      %get3A_1362 = arith.index_cast %add3A_1329 : i32 to index
      %get3A_1363 = arith.constant 128 : index
      %get3A_1364 = tpu.vector_load %arg11[%get3A_1362, %get3A_1363] {strides = array<i32>} : memref<512x200xf32, #tpu.memory_space<vmem>>, vector<16xf32>,
      %add3A_1365 = arith.addf %add3A_1361, %get3A_1364 : vector<16xf32>
      %get3A_1366 = arith.index_cast %add3A_1329 : i32 to index
      %get3A_1367 = arith.constant 144 : index
      %get3A_1368 = tpu.vector_load %arg11[%get3A_1366, %get3A_1367] {strides = array<i32>} : memref<512x200xf32, #tpu.memory_space<vmem>>, vector<16xf32>,
      %add3A_1369 = arith.addf %add3A_1365, %get3A_1368 : vector<16xf32>
      %get3A_1370 = arith.index_cast %add3A_1329 : i32 to index
      %get3A_1371 = arith.constant 160 : index
      %get3A_1372 = tpu.vector_load %arg11[%get3A_1370, %get3A_1371] {strides = array<i32>} : memref<512x200xf32, #tpu.memory_space<vmem>>, vector<16xf32>,
      %add3A_1373 = arith.addf %add3A_1369, %get3A_1372 : vector<16xf32>
      %get3A_1374 = arith.index_cast %add3A_1329 : i32 to index
      %get3A_1375 = arith.constant 176 : index
      %get3A_1376 = tpu.vector_load %arg11[%get3A_1374, %get3A_1375] {strides = array<i32>} : memref<512x200xf32, #tpu.memory_space<vmem>>, vector<16xf32>,
      %add3A_1377 = arith.addf %add3A_1373, %get3A_1376 : vector<16xf32>
      %get3A_1378 = arith.index_cast %add3A_1329 : i32 to index
      %get3A_1379 = arith.constant 184 : index
      %get3A_1380 = tpu.vector_load %arg11[%get3A_1378, %get3A_1379] {strides = array<i32>} : memref<512x200xf32, #tpu.memory_space<vmem>>, vector<16xf32>,
      %jit3A_1381 = arith.constant 0.000000e+00 : f32
      %broadcast_in_dim3A_1382 = vector.broadcast %jit3A_1381 : f32 to vector<16xf32>
      %select_n3A_1383 = arith.select %ge3A_4, %get3A_1380, %broadcast_in_dim3A_1382 : vector<16xi1>, vector<16xf32>
      %add3A_1384 = arith.addf %add3A_1377, %select_n3A_1383 : vector<16xf32>
      %swap3A_1385 = arith.constant 176 : index
      %swap3A_1386 = tpu.vector_load %arg17[%swap3A_1385] {strides = array<i32>} : memref<256xf32, #tpu.memory_space<vmem>>, vector<16xf32>,
      tpu.vector_store %arg17[%swap3A_1385], %add3A_1384 {strides = array<i32>} : memref<256xf32, #tpu.memory_space<vmem>>, vector<16xf32>,
      %mul3A_1387 = arith.constant 16 : i32
      %mul3A_1388 = arith.muli %scan3A_656, %mul3A_1387 : i32
      %add3A_1389 = arith.constant 12 : i32
      %add3A_1390 = arith.addi %mul3A_1388, %add3A_1389 : i32
      %get3A_1391 = arith.index_cast %add3A_1390 : i32 to index
      %get3A_1392 = arith.constant 0 : index
      %get3A_1393 = tpu.vector_load %arg11[%get3A_1391, %get3A_1392] {strides = array<i32>} : memref<512x200xf32, #tpu.memory_space<vmem>>, vector<16xf32>,
      %add3A_1394 = arith.addf %broadcast_in_dim3A_5, %get3A_1393 : vector<16xf32>
      %get3A_1395 = arith.index_cast %add3A_1390 : i32 to index
      %get3A_1396 = arith.constant 16 : index
      %get3A_1397 = tpu.vector_load %arg11[%get3A_1395, %get3A_1396] {strides = array<i32>} : memref<512x200xf32, #tpu.memory_space<vmem>>, vector<16xf32>,
      %add3A_1398 = arith.addf %add3A_1394, %get3A_1397 : vector<16xf32>
      %get3A_1399 = arith.index_cast %add3A_1390 : i32 to index
      %get3A_1400 = arith.constant 32 : index
      %get3A_1401 = tpu.vector_load %arg11[%get3A_1399, %get3A_1400] {strides = array<i32>} : memref<512x200xf32, #tpu.memory_space<vmem>>, vector<16xf32>,
      %add3A_1402 = arith.addf %add3A_1398, %get3A_1401 : vector<16xf32>
      %get3A_1403 = arith.index_cast %add3A_1390 : i32 to index
      %get3A_1404 = arith.constant 48 : index
      %get3A_1405 = tpu.vector_load %arg11[%get3A_1403, %get3A_1404] {strides = array<i32>} : memref<512x200xf32, #tpu.memory_space<vmem>>, vector<16xf32>,
      %add3A_1406 = arith.addf %add3A_1402, %get3A_1405 : vector<16xf32>
      %get3A_1407 = arith.index_cast %add3A_1390 : i32 to index
      %get3A_1408 = arith.constant 64 : index
      %get3A_1409 = tpu.vector_load %arg11[%get3A_1407, %get3A_1408] {strides = array<i32>} : memref<512x200xf32, #tpu.memory_space<vmem>>, vector<16xf32>,
      %add3A_1410 = arith.addf %add3A_1406, %get3A_1409 : vector<16xf32>
      %get3A_1411 = arith.index_cast %add3A_1390 : i32 to index
      %get3A_1412 = arith.constant 80 : index
      %get3A_1413 = tpu.vector_load %arg11[%get3A_1411, %get3A_1412] {strides = array<i32>} : memref<512x200xf32, #tpu.memory_space<vmem>>, vector<16xf32>,
      %add3A_1414 = arith.addf %add3A_1410, %get3A_1413 : vector<16xf32>
      %get3A_1415 = arith.index_cast %add3A_1390 : i32 to index
      %get3A_1416 = arith.constant 96 : index
      %get3A_1417 = tpu.vector_load %arg11[%get3A_1415, %get3A_1416] {strides = array<i32>} : memref<512x200xf32, #tpu.memory_space<vmem>>, vector<16xf32>,
      %add3A_1418 = arith.addf %add3A_1414, %get3A_1417 : vector<16xf32>
      %get3A_1419 = arith.index_cast %add3A_1390 : i32 to index
      %get3A_1420 = arith.constant 112 : index
      %get3A_1421 = tpu.vector_load %arg11[%get3A_1419, %get3A_1420] {strides = array<i32>} : memref<512x200xf32, #tpu.memory_space<vmem>>, vector<16xf32>,
      %add3A_1422 = arith.addf %add3A_1418, %get3A_1421 : vector<16xf32>
      %get3A_1423 = arith.index_cast %add3A_1390 : i32 to index
      %get3A_1424 = arith.constant 128 : index
      %get3A_1425 = tpu.vector_load %arg11[%get3A_1423, %get3A_1424] {strides = array<i32>} : memref<512x200xf32, #tpu.memory_space<vmem>>, vector<16xf32>,
      %add3A_1426 = arith.addf %add3A_1422, %get3A_1425 : vector<16xf32>
      %get3A_1427 = arith.index_cast %add3A_1390 : i32 to index
      %get3A_1428 = arith.constant 144 : index
      %get3A_1429 = tpu.vector_load %arg11[%get3A_1427, %get3A_1428] {strides = array<i32>} : memref<512x200xf32, #tpu.memory_space<vmem>>, vector<16xf32>,
      %add3A_1430 = arith.addf %add3A_1426, %get3A_1429 : vector<16xf32>
      %get3A_1431 = arith.index_cast %add3A_1390 : i32 to index
      %get3A_1432 = arith.constant 160 : index
      %get3A_1433 = tpu.vector_load %arg11[%get3A_1431, %get3A_1432] {strides = array<i32>} : memref<512x200xf32, #tpu.memory_space<vmem>>, vector<16xf32>,
      %add3A_1434 = arith.addf %add3A_1430, %get3A_1433 : vector<16xf32>
      %get3A_1435 = arith.index_cast %add3A_1390 : i32 to index
      %get3A_1436 = arith.constant 176 : index
      %get3A_1437 = tpu.vector_load %arg11[%get3A_1435, %get3A_1436] {strides = array<i32>} : memref<512x200xf32, #tpu.memory_space<vmem>>, vector<16xf32>,
      %add3A_1438 = arith.addf %add3A_1434, %get3A_1437 : vector<16xf32>
      %get3A_1439 = arith.index_cast %add3A_1390 : i32 to index
      %get3A_1440 = arith.constant 184 : index
      %get3A_1441 = tpu.vector_load %arg11[%get3A_1439, %get3A_1440] {strides = array<i32>} : memref<512x200xf32, #tpu.memory_space<vmem>>, vector<16xf32>,
      %jit3A_1442 = arith.constant 0.000000e+00 : f32
      %broadcast_in_dim3A_1443 = vector.broadcast %jit3A_1442 : f32 to vector<16xf32>
      %select_n3A_1444 = arith.select %ge3A_4, %get3A_1441, %broadcast_in_dim3A_1443 : vector<16xi1>, vector<16xf32>
      %add3A_1445 = arith.addf %add3A_1438, %select_n3A_1444 : vector<16xf32>
      %swap3A_1446 = arith.constant 192 : index
      %swap3A_1447 = tpu.vector_load %arg17[%swap3A_1446] {strides = array<i32>} : memref<256xf32, #tpu.memory_space<vmem>>, vector<16xf32>,
      tpu.vector_store %arg17[%swap3A_1446], %add3A_1445 {strides = array<i32>} : memref<256xf32, #tpu.memory_space<vmem>>, vector<16xf32>,
      %mul3A_1448 = arith.constant 16 : i32
      %mul3A_1449 = arith.muli %scan3A_656, %mul3A_1448 : i32
      %add3A_1450 = arith.constant 13 : i32
      %add3A_1451 = arith.addi %mul3A_1449, %add3A_1450 : i32
      %get3A_1452 = arith.index_cast %add3A_1451 : i32 to index
      %get3A_1453 = arith.constant 0 : index
      %get3A_1454 = tpu.vector_load %arg11[%get3A_1452, %get3A_1453] {strides = array<i32>} : memref<512x200xf32, #tpu.memory_space<vmem>>, vector<16xf32>,
      %add3A_1455 = arith.addf %broadcast_in_dim3A_5, %get3A_1454 : vector<16xf32>
      %get3A_1456 = arith.index_cast %add3A_1451 : i32 to index
      %get3A_1457 = arith.constant 16 : index
      %get3A_1458 = tpu.vector_load %arg11[%get3A_1456, %get3A_1457] {strides = array<i32>} : memref<512x200xf32, #tpu.memory_space<vmem>>, vector<16xf32>,
      %add3A_1459 = arith.addf %add3A_1455, %get3A_1458 : vector<16xf32>
      %get3A_1460 = arith.index_cast %add3A_1451 : i32 to index
      %get3A_1461 = arith.constant 32 : index
      %get3A_1462 = tpu.vector_load %arg11[%get3A_1460, %get3A_1461] {strides = array<i32>} : memref<512x200xf32, #tpu.memory_space<vmem>>, vector<16xf32>,
      %add3A_1463 = arith.addf %add3A_1459, %get3A_1462 : vector<16xf32>
      %get3A_1464 = arith.index_cast %add3A_1451 : i32 to index
      %get3A_1465 = arith.constant 48 : index
      %get3A_1466 = tpu.vector_load %arg11[%get3A_1464, %get3A_1465] {strides = array<i32>} : memref<512x200xf32, #tpu.memory_space<vmem>>, vector<16xf32>,
      %add3A_1467 = arith.addf %add3A_1463, %get3A_1466 : vector<16xf32>
      %get3A_1468 = arith.index_cast %add3A_1451 : i32 to index
      %get3A_1469 = arith.constant 64 : index
      %get3A_1470 = tpu.vector_load %arg11[%get3A_1468, %get3A_1469] {strides = array<i32>} : memref<512x200xf32, #tpu.memory_space<vmem>>, vector<16xf32>,
      %add3A_1471 = arith.addf %add3A_1467, %get3A_1470 : vector<16xf32>
      %get3A_1472 = arith.index_cast %add3A_1451 : i32 to index
      %get3A_1473 = arith.constant 80 : index
      %get3A_1474 = tpu.vector_load %arg11[%get3A_1472, %get3A_1473] {strides = array<i32>} : memref<512x200xf32, #tpu.memory_space<vmem>>, vector<16xf32>,
      %add3A_1475 = arith.addf %add3A_1471, %get3A_1474 : vector<16xf32>
      %get3A_1476 = arith.index_cast %add3A_1451 : i32 to index
      %get3A_1477 = arith.constant 96 : index
      %get3A_1478 = tpu.vector_load %arg11[%get3A_1476, %get3A_1477] {strides = array<i32>} : memref<512x200xf32, #tpu.memory_space<vmem>>, vector<16xf32>,
      %add3A_1479 = arith.addf %add3A_1475, %get3A_1478 : vector<16xf32>
      %get3A_1480 = arith.index_cast %add3A_1451 : i32 to index
      %get3A_1481 = arith.constant 112 : index
      %get3A_1482 = tpu.vector_load %arg11[%get3A_1480, %get3A_1481] {strides = array<i32>} : memref<512x200xf32, #tpu.memory_space<vmem>>, vector<16xf32>,
      %add3A_1483 = arith.addf %add3A_1479, %get3A_1482 : vector<16xf32>
      %get3A_1484 = arith.index_cast %add3A_1451 : i32 to index
      %get3A_1485 = arith.constant 128 : index
      %get3A_1486 = tpu.vector_load %arg11[%get3A_1484, %get3A_1485] {strides = array<i32>} : memref<512x200xf32, #tpu.memory_space<vmem>>, vector<16xf32>,
      %add3A_1487 = arith.addf %add3A_1483, %get3A_1486 : vector<16xf32>
      %get3A_1488 = arith.index_cast %add3A_1451 : i32 to index
      %get3A_1489 = arith.constant 144 : index
      %get3A_1490 = tpu.vector_load %arg11[%get3A_1488, %get3A_1489] {strides = array<i32>} : memref<512x200xf32, #tpu.memory_space<vmem>>, vector<16xf32>,
      %add3A_1491 = arith.addf %add3A_1487, %get3A_1490 : vector<16xf32>
      %get3A_1492 = arith.index_cast %add3A_1451 : i32 to index
      %get3A_1493 = arith.constant 160 : index
      %get3A_1494 = tpu.vector_load %arg11[%get3A_1492, %get3A_1493] {strides = array<i32>} : memref<512x200xf32, #tpu.memory_space<vmem>>, vector<16xf32>,
      %add3A_1495 = arith.addf %add3A_1491, %get3A_1494 : vector<16xf32>
      %get3A_1496 = arith.index_cast %add3A_1451 : i32 to index
      %get3A_1497 = arith.constant 176 : index
      %get3A_1498 = tpu.vector_load %arg11[%get3A_1496, %get3A_1497] {strides = array<i32>} : memref<512x200xf32, #tpu.memory_space<vmem>>, vector<16xf32>,
      %add3A_1499 = arith.addf %add3A_1495, %get3A_1498 : vector<16xf32>
      %get3A_1500 = arith.index_cast %add3A_1451 : i32 to index
      %get3A_1501 = arith.constant 184 : index
      %get3A_1502 = tpu.vector_load %arg11[%get3A_1500, %get3A_1501] {strides = array<i32>} : memref<512x200xf32, #tpu.memory_space<vmem>>, vector<16xf32>,
      %jit3A_1503 = arith.constant 0.000000e+00 : f32
      %broadcast_in_dim3A_1504 = vector.broadcast %jit3A_1503 : f32 to vector<16xf32>
      %select_n3A_1505 = arith.select %ge3A_4, %get3A_1502, %broadcast_in_dim3A_1504 : vector<16xi1>, vector<16xf32>
      %add3A_1506 = arith.addf %add3A_1499, %select_n3A_1505 : vector<16xf32>
      %swap3A_1507 = arith.constant 208 : index
      %swap3A_1508 = tpu.vector_load %arg17[%swap3A_1507] {strides = array<i32>} : memref<256xf32, #tpu.memory_space<vmem>>, vector<16xf32>,
      tpu.vector_store %arg17[%swap3A_1507], %add3A_1506 {strides = array<i32>} : memref<256xf32, #tpu.memory_space<vmem>>, vector<16xf32>,
      %mul3A_1509 = arith.constant 16 : i32
      %mul3A_1510 = arith.muli %scan3A_656, %mul3A_1509 : i32
      %add3A_1511 = arith.constant 14 : i32
      %add3A_1512 = arith.addi %mul3A_1510, %add3A_1511 : i32
      %get3A_1513 = arith.index_cast %add3A_1512 : i32 to index
      %get3A_1514 = arith.constant 0 : index
      %get3A_1515 = tpu.vector_load %arg11[%get3A_1513, %get3A_1514] {strides = array<i32>} : memref<512x200xf32, #tpu.memory_space<vmem>>, vector<16xf32>,
      %add3A_1516 = arith.addf %broadcast_in_dim3A_5, %get3A_1515 : vector<16xf32>
      %get3A_1517 = arith.index_cast %add3A_1512 : i32 to index
      %get3A_1518 = arith.constant 16 : index
      %get3A_1519 = tpu.vector_load %arg11[%get3A_1517, %get3A_1518] {strides = array<i32>} : memref<512x200xf32, #tpu.memory_space<vmem>>, vector<16xf32>,
      %add3A_1520 = arith.addf %add3A_1516, %get3A_1519 : vector<16xf32>
      %get3A_1521 = arith.index_cast %add3A_1512 : i32 to index
      %get3A_1522 = arith.constant 32 : index
      %get3A_1523 = tpu.vector_load %arg11[%get3A_1521, %get3A_1522] {strides = array<i32>} : memref<512x200xf32, #tpu.memory_space<vmem>>, vector<16xf32>,
      %add3A_1524 = arith.addf %add3A_1520, %get3A_1523 : vector<16xf32>
      %get3A_1525 = arith.index_cast %add3A_1512 : i32 to index
      %get3A_1526 = arith.constant 48 : index
      %get3A_1527 = tpu.vector_load %arg11[%get3A_1525, %get3A_1526] {strides = array<i32>} : memref<512x200xf32, #tpu.memory_space<vmem>>, vector<16xf32>,
      %add3A_1528 = arith.addf %add3A_1524, %get3A_1527 : vector<16xf32>
      %get3A_1529 = arith.index_cast %add3A_1512 : i32 to index
      %get3A_1530 = arith.constant 64 : index
      %get3A_1531 = tpu.vector_load %arg11[%get3A_1529, %get3A_1530] {strides = array<i32>} : memref<512x200xf32, #tpu.memory_space<vmem>>, vector<16xf32>,
      %add3A_1532 = arith.addf %add3A_1528, %get3A_1531 : vector<16xf32>
      %get3A_1533 = arith.index_cast %add3A_1512 : i32 to index
      %get3A_1534 = arith.constant 80 : index
      %get3A_1535 = tpu.vector_load %arg11[%get3A_1533, %get3A_1534] {strides = array<i32>} : memref<512x200xf32, #tpu.memory_space<vmem>>, vector<16xf32>,
      %add3A_1536 = arith.addf %add3A_1532, %get3A_1535 : vector<16xf32>
      %get3A_1537 = arith.index_cast %add3A_1512 : i32 to index
      %get3A_1538 = arith.constant 96 : index
      %get3A_1539 = tpu.vector_load %arg11[%get3A_1537, %get3A_1538] {strides = array<i32>} : memref<512x200xf32, #tpu.memory_space<vmem>>, vector<16xf32>,
      %add3A_1540 = arith.addf %add3A_1536, %get3A_1539 : vector<16xf32>
      %get3A_1541 = arith.index_cast %add3A_1512 : i32 to index
      %get3A_1542 = arith.constant 112 : index
      %get3A_1543 = tpu.vector_load %arg11[%get3A_1541, %get3A_1542] {strides = array<i32>} : memref<512x200xf32, #tpu.memory_space<vmem>>, vector<16xf32>,
      %add3A_1544 = arith.addf %add3A_1540, %get3A_1543 : vector<16xf32>
      %get3A_1545 = arith.index_cast %add3A_1512 : i32 to index
      %get3A_1546 = arith.constant 128 : index
      %get3A_1547 = tpu.vector_load %arg11[%get3A_1545, %get3A_1546] {strides = array<i32>} : memref<512x200xf32, #tpu.memory_space<vmem>>, vector<16xf32>,
      %add3A_1548 = arith.addf %add3A_1544, %get3A_1547 : vector<16xf32>
      %get3A_1549 = arith.index_cast %add3A_1512 : i32 to index
      %get3A_1550 = arith.constant 144 : index
      %get3A_1551 = tpu.vector_load %arg11[%get3A_1549, %get3A_1550] {strides = array<i32>} : memref<512x200xf32, #tpu.memory_space<vmem>>, vector<16xf32>,
      %add3A_1552 = arith.addf %add3A_1548, %get3A_1551 : vector<16xf32>
      %get3A_1553 = arith.index_cast %add3A_1512 : i32 to index
      %get3A_1554 = arith.constant 160 : index
      %get3A_1555 = tpu.vector_load %arg11[%get3A_1553, %get3A_1554] {strides = array<i32>} : memref<512x200xf32, #tpu.memory_space<vmem>>, vector<16xf32>,
      %add3A_1556 = arith.addf %add3A_1552, %get3A_1555 : vector<16xf32>
      %get3A_1557 = arith.index_cast %add3A_1512 : i32 to index
      %get3A_1558 = arith.constant 176 : index
      %get3A_1559 = tpu.vector_load %arg11[%get3A_1557, %get3A_1558] {strides = array<i32>} : memref<512x200xf32, #tpu.memory_space<vmem>>, vector<16xf32>,
      %add3A_1560 = arith.addf %add3A_1556, %get3A_1559 : vector<16xf32>
      %get3A_1561 = arith.index_cast %add3A_1512 : i32 to index
      %get3A_1562 = arith.constant 184 : index
      %get3A_1563 = tpu.vector_load %arg11[%get3A_1561, %get3A_1562] {strides = array<i32>} : memref<512x200xf32, #tpu.memory_space<vmem>>, vector<16xf32>,
      %jit3A_1564 = arith.constant 0.000000e+00 : f32
      %broadcast_in_dim3A_1565 = vector.broadcast %jit3A_1564 : f32 to vector<16xf32>
      %select_n3A_1566 = arith.select %ge3A_4, %get3A_1563, %broadcast_in_dim3A_1565 : vector<16xi1>, vector<16xf32>
      %add3A_1567 = arith.addf %add3A_1560, %select_n3A_1566 : vector<16xf32>
      %swap3A_1568 = arith.constant 224 : index
      %swap3A_1569 = tpu.vector_load %arg17[%swap3A_1568] {strides = array<i32>} : memref<256xf32, #tpu.memory_space<vmem>>, vector<16xf32>,
      tpu.vector_store %arg17[%swap3A_1568], %add3A_1567 {strides = array<i32>} : memref<256xf32, #tpu.memory_space<vmem>>, vector<16xf32>,
      %mul3A_1570 = arith.constant 16 : i32
      %mul3A_1571 = arith.muli %scan3A_656, %mul3A_1570 : i32
      %add3A_1572 = arith.constant 15 : i32
      %add3A_1573 = arith.addi %mul3A_1571, %add3A_1572 : i32
      %get3A_1574 = arith.index_cast %add3A_1573 : i32 to index
      %get3A_1575 = arith.constant 0 : index
      %get3A_1576 = tpu.vector_load %arg11[%get3A_1574, %get3A_1575] {strides = array<i32>} : memref<512x200xf32, #tpu.memory_space<vmem>>, vector<16xf32>,
      %add3A_1577 = arith.addf %broadcast_in_dim3A_5, %get3A_1576 : vector<16xf32>
      %get3A_1578 = arith.index_cast %add3A_1573 : i32 to index
      %get3A_1579 = arith.constant 16 : index
      %get3A_1580 = tpu.vector_load %arg11[%get3A_1578, %get3A_1579] {strides = array<i32>} : memref<512x200xf32, #tpu.memory_space<vmem>>, vector<16xf32>,
      %add3A_1581 = arith.addf %add3A_1577, %get3A_1580 : vector<16xf32>
      %get3A_1582 = arith.index_cast %add3A_1573 : i32 to index
      %get3A_1583 = arith.constant 32 : index
      %get3A_1584 = tpu.vector_load %arg11[%get3A_1582, %get3A_1583] {strides = array<i32>} : memref<512x200xf32, #tpu.memory_space<vmem>>, vector<16xf32>,
      %add3A_1585 = arith.addf %add3A_1581, %get3A_1584 : vector<16xf32>
      %get3A_1586 = arith.index_cast %add3A_1573 : i32 to index
      %get3A_1587 = arith.constant 48 : index
      %get3A_1588 = tpu.vector_load %arg11[%get3A_1586, %get3A_1587] {strides = array<i32>} : memref<512x200xf32, #tpu.memory_space<vmem>>, vector<16xf32>,
      %add3A_1589 = arith.addf %add3A_1585, %get3A_1588 : vector<16xf32>
      %get3A_1590 = arith.index_cast %add3A_1573 : i32 to index
      %get3A_1591 = arith.constant 64 : index
      %get3A_1592 = tpu.vector_load %arg11[%get3A_1590, %get3A_1591] {strides = array<i32>} : memref<512x200xf32, #tpu.memory_space<vmem>>, vector<16xf32>,
      %add3A_1593 = arith.addf %add3A_1589, %get3A_1592 : vector<16xf32>
      %get3A_1594 = arith.index_cast %add3A_1573 : i32 to index
      %get3A_1595 = arith.constant 80 : index
      %get3A_1596 = tpu.vector_load %arg11[%get3A_1594, %get3A_1595] {strides = array<i32>} : memref<512x200xf32, #tpu.memory_space<vmem>>, vector<16xf32>,
      %add3A_1597 = arith.addf %add3A_1593, %get3A_1596 : vector<16xf32>
      %get3A_1598 = arith.index_cast %add3A_1573 : i32 to index
      %get3A_1599 = arith.constant 96 : index
      %get3A_1600 = tpu.vector_load %arg11[%get3A_1598, %get3A_1599] {strides = array<i32>} : memref<512x200xf32, #tpu.memory_space<vmem>>, vector<16xf32>,
      %add3A_1601 = arith.addf %add3A_1597, %get3A_1600 : vector<16xf32>
      %get3A_1602 = arith.index_cast %add3A_1573 : i32 to index
      %get3A_1603 = arith.constant 112 : index
      %get3A_1604 = tpu.vector_load %arg11[%get3A_1602, %get3A_1603] {strides = array<i32>} : memref<512x200xf32, #tpu.memory_space<vmem>>, vector<16xf32>,
      %add3A_1605 = arith.addf %add3A_1601, %get3A_1604 : vector<16xf32>
      %get3A_1606 = arith.index_cast %add3A_1573 : i32 to index
      %get3A_1607 = arith.constant 128 : index
      %get3A_1608 = tpu.vector_load %arg11[%get3A_1606, %get3A_1607] {strides = array<i32>} : memref<512x200xf32, #tpu.memory_space<vmem>>, vector<16xf32>,
      %add3A_1609 = arith.addf %add3A_1605, %get3A_1608 : vector<16xf32>
      %get3A_1610 = arith.index_cast %add3A_1573 : i32 to index
      %get3A_1611 = arith.constant 144 : index
      %get3A_1612 = tpu.vector_load %arg11[%get3A_1610, %get3A_1611] {strides = array<i32>} : memref<512x200xf32, #tpu.memory_space<vmem>>, vector<16xf32>,
      %add3A_1613 = arith.addf %add3A_1609, %get3A_1612 : vector<16xf32>
      %get3A_1614 = arith.index_cast %add3A_1573 : i32 to index
      %get3A_1615 = arith.constant 160 : index
      %get3A_1616 = tpu.vector_load %arg11[%get3A_1614, %get3A_1615] {strides = array<i32>} : memref<512x200xf32, #tpu.memory_space<vmem>>, vector<16xf32>,
      %add3A_1617 = arith.addf %add3A_1613, %get3A_1616 : vector<16xf32>
      %get3A_1618 = arith.index_cast %add3A_1573 : i32 to index
      %get3A_1619 = arith.constant 176 : index
      %get3A_1620 = tpu.vector_load %arg11[%get3A_1618, %get3A_1619] {strides = array<i32>} : memref<512x200xf32, #tpu.memory_space<vmem>>, vector<16xf32>,
      %add3A_1621 = arith.addf %add3A_1617, %get3A_1620 : vector<16xf32>
      %get3A_1622 = arith.index_cast %add3A_1573 : i32 to index
      %get3A_1623 = arith.constant 184 : index
      %get3A_1624 = tpu.vector_load %arg11[%get3A_1622, %get3A_1623] {strides = array<i32>} : memref<512x200xf32, #tpu.memory_space<vmem>>, vector<16xf32>,
      %jit3A_1625 = arith.constant 0.000000e+00 : f32
      %broadcast_in_dim3A_1626 = vector.broadcast %jit3A_1625 : f32 to vector<16xf32>
      %select_n3A_1627 = arith.select %ge3A_4, %get3A_1624, %broadcast_in_dim3A_1626 : vector<16xi1>, vector<16xf32>
      %add3A_1628 = arith.addf %add3A_1621, %select_n3A_1627 : vector<16xf32>
      %swap3A_1629 = arith.constant 240 : index
      %swap3A_1630 = tpu.vector_load %arg17[%swap3A_1629] {strides = array<i32>} : memref<256xf32, #tpu.memory_space<vmem>>, vector<16xf32>,
      tpu.vector_store %arg17[%swap3A_1629], %add3A_1628 {strides = array<i32>} : memref<256xf32, #tpu.memory_space<vmem>>, vector<16xf32>,
      %mul3A_1631 = arith.constant 16 : i32
      %mul3A_1632 = vector.broadcast %mul3A_1631 : i32 to vector<16xi32>
      %mul3A_1633 = arith.muli %iota3A, %mul3A_1632 : vector<16xi32>
      %add3A_1634 = arith.constant 0 : i32
      %add3A_1635 = vector.broadcast %add3A_1634 : i32 to vector<16xi32>
      %add3A_1636 = arith.addi %mul3A_1633, %add3A_1635 : vector<16xi32>
      %gather3A_1637 = tpu.vector_load_idx %arg17[%add3A_1636] : memref<256xf32, #tpu.memory_space<vmem>>[vector<16xi32>], vector<16xf32>,
      %add3A_1638 = arith.addf %broadcast_in_dim3A_5, %gather3A_1637 : vector<16xf32>
      %mul3A_1639 = arith.constant 16 : i32
      %mul3A_1640 = vector.broadcast %mul3A_1639 : i32 to vector<16xi32>
      %mul3A_1641 = arith.muli %iota3A, %mul3A_1640 : vector<16xi32>
      %add3A_1642 = arith.constant 1 : i32
      %add3A_1643 = vector.broadcast %add3A_1642 : i32 to vector<16xi32>
      %add3A_1644 = arith.addi %mul3A_1641, %add3A_1643 : vector<16xi32>
      %gather3A_1645 = tpu.vector_load_idx %arg17[%add3A_1644] : memref<256xf32, #tpu.memory_space<vmem>>[vector<16xi32>], vector<16xf32>,
      %add3A_1646 = arith.addf %add3A_1638, %gather3A_1645 : vector<16xf32>
      %mul3A_1647 = arith.constant 16 : i32
      %mul3A_1648 = vector.broadcast %mul3A_1647 : i32 to vector<16xi32>
      %mul3A_1649 = arith.muli %iota3A, %mul3A_1648 : vector<16xi32>
      %add3A_1650 = arith.constant 2 : i32
      %add3A_1651 = vector.broadcast %add3A_1650 : i32 to vector<16xi32>
      %add3A_1652 = arith.addi %mul3A_1649, %add3A_1651 : vector<16xi32>
      %gather3A_1653 = tpu.vector_load_idx %arg17[%add3A_1652] : memref<256xf32, #tpu.memory_space<vmem>>[vector<16xi32>], vector<16xf32>,
      %add3A_1654 = arith.addf %add3A_1646, %gather3A_1653 : vector<16xf32>
      %mul3A_1655 = arith.constant 16 : i32
      %mul3A_1656 = vector.broadcast %mul3A_1655 : i32 to vector<16xi32>
      %mul3A_1657 = arith.muli %iota3A, %mul3A_1656 : vector<16xi32>
      %add3A_1658 = arith.constant 3 : i32
      %add3A_1659 = vector.broadcast %add3A_1658 : i32 to vector<16xi32>
      %add3A_1660 = arith.addi %mul3A_1657, %add3A_1659 : vector<16xi32>
      %gather3A_1661 = tpu.vector_load_idx %arg17[%add3A_1660] : memref<256xf32, #tpu.memory_space<vmem>>[vector<16xi32>], vector<16xf32>,
      %add3A_1662 = arith.addf %add3A_1654, %gather3A_1661 : vector<16xf32>
      %mul3A_1663 = arith.constant 16 : i32
      %mul3A_1664 = vector.broadcast %mul3A_1663 : i32 to vector<16xi32>
      %mul3A_1665 = arith.muli %iota3A, %mul3A_1664 : vector<16xi32>
      %add3A_1666 = arith.constant 4 : i32
      %add3A_1667 = vector.broadcast %add3A_1666 : i32 to vector<16xi32>
      %add3A_1668 = arith.addi %mul3A_1665, %add3A_1667 : vector<16xi32>
      %gather3A_1669 = tpu.vector_load_idx %arg17[%add3A_1668] : memref<256xf32, #tpu.memory_space<vmem>>[vector<16xi32>], vector<16xf32>,
      %add3A_1670 = arith.addf %add3A_1662, %gather3A_1669 : vector<16xf32>
      %mul3A_1671 = arith.constant 16 : i32
      %mul3A_1672 = vector.broadcast %mul3A_1671 : i32 to vector<16xi32>
      %mul3A_1673 = arith.muli %iota3A, %mul3A_1672 : vector<16xi32>
      %add3A_1674 = arith.constant 5 : i32
      %add3A_1675 = vector.broadcast %add3A_1674 : i32 to vector<16xi32>
      %add3A_1676 = arith.addi %mul3A_1673, %add3A_1675 : vector<16xi32>
      %gather3A_1677 = tpu.vector_load_idx %arg17[%add3A_1676] : memref<256xf32, #tpu.memory_space<vmem>>[vector<16xi32>], vector<16xf32>,
      %add3A_1678 = arith.addf %add3A_1670, %gather3A_1677 : vector<16xf32>
      %mul3A_1679 = arith.constant 16 : i32
      %mul3A_1680 = vector.broadcast %mul3A_1679 : i32 to vector<16xi32>
      %mul3A_1681 = arith.muli %iota3A, %mul3A_1680 : vector<16xi32>
      %add3A_1682 = arith.constant 6 : i32
      %add3A_1683 = vector.broadcast %add3A_1682 : i32 to vector<16xi32>
      %add3A_1684 = arith.addi %mul3A_1681, %add3A_1683 : vector<16xi32>
      %gather3A_1685 = tpu.vector_load_idx %arg17[%add3A_1684] : memref<256xf32, #tpu.memory_space<vmem>>[vector<16xi32>], vector<16xf32>,
      %add3A_1686 = arith.addf %add3A_1678, %gather3A_1685 : vector<16xf32>
      %mul3A_1687 = arith.constant 16 : i32
      %mul3A_1688 = vector.broadcast %mul3A_1687 : i32 to vector<16xi32>
      %mul3A_1689 = arith.muli %iota3A, %mul3A_1688 : vector<16xi32>
      %add3A_1690 = arith.constant 7 : i32
      %add3A_1691 = vector.broadcast %add3A_1690 : i32 to vector<16xi32>
      %add3A_1692 = arith.addi %mul3A_1689, %add3A_1691 : vector<16xi32>
      %gather3A_1693 = tpu.vector_load_idx %arg17[%add3A_1692] : memref<256xf32, #tpu.memory_space<vmem>>[vector<16xi32>], vector<16xf32>,
      %add3A_1694 = arith.addf %add3A_1686, %gather3A_1693 : vector<16xf32>
      %mul3A_1695 = arith.constant 16 : i32
      %mul3A_1696 = vector.broadcast %mul3A_1695 : i32 to vector<16xi32>
      %mul3A_1697 = arith.muli %iota3A, %mul3A_1696 : vector<16xi32>
      %add3A_1698 = arith.constant 8 : i32
      %add3A_1699 = vector.broadcast %add3A_1698 : i32 to vector<16xi32>
      %add3A_1700 = arith.addi %mul3A_1697, %add3A_1699 : vector<16xi32>
      %gather3A_1701 = tpu.vector_load_idx %arg17[%add3A_1700] : memref<256xf32, #tpu.memory_space<vmem>>[vector<16xi32>], vector<16xf32>,
      %add3A_1702 = arith.addf %add3A_1694, %gather3A_1701 : vector<16xf32>
      %mul3A_1703 = arith.constant 16 : i32
      %mul3A_1704 = vector.broadcast %mul3A_1703 : i32 to vector<16xi32>
      %mul3A_1705 = arith.muli %iota3A, %mul3A_1704 : vector<16xi32>
      %add3A_1706 = arith.constant 9 : i32
      %add3A_1707 = vector.broadcast %add3A_1706 : i32 to vector<16xi32>
      %add3A_1708 = arith.addi %mul3A_1705, %add3A_1707 : vector<16xi32>
      %gather3A_1709 = tpu.vector_load_idx %arg17[%add3A_1708] : memref<256xf32, #tpu.memory_space<vmem>>[vector<16xi32>], vector<16xf32>,
      %add3A_1710 = arith.addf %add3A_1702, %gather3A_1709 : vector<16xf32>
      %mul3A_1711 = arith.constant 16 : i32
      %mul3A_1712 = vector.broadcast %mul3A_1711 : i32 to vector<16xi32>
      %mul3A_1713 = arith.muli %iota3A, %mul3A_1712 : vector<16xi32>
      %add3A_1714 = arith.constant 10 : i32
      %add3A_1715 = vector.broadcast %add3A_1714 : i32 to vector<16xi32>
      %add3A_1716 = arith.addi %mul3A_1713, %add3A_1715 : vector<16xi32>
      %gather3A_1717 = tpu.vector_load_idx %arg17[%add3A_1716] : memref<256xf32, #tpu.memory_space<vmem>>[vector<16xi32>], vector<16xf32>,
      %add3A_1718 = arith.addf %add3A_1710, %gather3A_1717 : vector<16xf32>
      %mul3A_1719 = arith.constant 16 : i32
      %mul3A_1720 = vector.broadcast %mul3A_1719 : i32 to vector<16xi32>
      %mul3A_1721 = arith.muli %iota3A, %mul3A_1720 : vector<16xi32>
      %add3A_1722 = arith.constant 11 : i32
      %add3A_1723 = vector.broadcast %add3A_1722 : i32 to vector<16xi32>
      %add3A_1724 = arith.addi %mul3A_1721, %add3A_1723 : vector<16xi32>
      %gather3A_1725 = tpu.vector_load_idx %arg17[%add3A_1724] : memref<256xf32, #tpu.memory_space<vmem>>[vector<16xi32>], vector<16xf32>,
      %add3A_1726 = arith.addf %add3A_1718, %gather3A_1725 : vector<16xf32>
      %mul3A_1727 = arith.constant 16 : i32
      %mul3A_1728 = vector.broadcast %mul3A_1727 : i32 to vector<16xi32>
      %mul3A_1729 = arith.muli %iota3A, %mul3A_1728 : vector<16xi32>
      %add3A_1730 = arith.constant 12 : i32
      %add3A_1731 = vector.broadcast %add3A_1730 : i32 to vector<16xi32>
      %add3A_1732 = arith.addi %mul3A_1729, %add3A_1731 : vector<16xi32>
      %gather3A_1733 = tpu.vector_load_idx %arg17[%add3A_1732] : memref<256xf32, #tpu.memory_space<vmem>>[vector<16xi32>], vector<16xf32>,
      %add3A_1734 = arith.addf %add3A_1726, %gather3A_1733 : vector<16xf32>
      %mul3A_1735 = arith.constant 16 : i32
      %mul3A_1736 = vector.broadcast %mul3A_1735 : i32 to vector<16xi32>
      %mul3A_1737 = arith.muli %iota3A, %mul3A_1736 : vector<16xi32>
      %add3A_1738 = arith.constant 13 : i32
      %add3A_1739 = vector.broadcast %add3A_1738 : i32 to vector<16xi32>
      %add3A_1740 = arith.addi %mul3A_1737, %add3A_1739 : vector<16xi32>
      %gather3A_1741 = tpu.vector_load_idx %arg17[%add3A_1740] : memref<256xf32, #tpu.memory_space<vmem>>[vector<16xi32>], vector<16xf32>,
      %add3A_1742 = arith.addf %add3A_1734, %gather3A_1741 : vector<16xf32>
      %mul3A_1743 = arith.constant 16 : i32
      %mul3A_1744 = vector.broadcast %mul3A_1743 : i32 to vector<16xi32>
      %mul3A_1745 = arith.muli %iota3A, %mul3A_1744 : vector<16xi32>
      %add3A_1746 = arith.constant 14 : i32
      %add3A_1747 = vector.broadcast %add3A_1746 : i32 to vector<16xi32>
      %add3A_1748 = arith.addi %mul3A_1745, %add3A_1747 : vector<16xi32>
      %gather3A_1749 = tpu.vector_load_idx %arg17[%add3A_1748] : memref<256xf32, #tpu.memory_space<vmem>>[vector<16xi32>], vector<16xf32>,
      %add3A_1750 = arith.addf %add3A_1742, %gather3A_1749 : vector<16xf32>
      %mul3A_1751 = arith.constant 16 : i32
      %mul3A_1752 = vector.broadcast %mul3A_1751 : i32 to vector<16xi32>
      %mul3A_1753 = arith.muli %iota3A, %mul3A_1752 : vector<16xi32>
      %add3A_1754 = arith.constant 15 : i32
      %add3A_1755 = vector.broadcast %add3A_1754 : i32 to vector<16xi32>
      %add3A_1756 = arith.addi %mul3A_1753, %add3A_1755 : vector<16xi32>
      %gather3A_1757 = tpu.vector_load_idx %arg17[%add3A_1756] : memref<256xf32, #tpu.memory_space<vmem>>[vector<16xi32>], vector<16xf32>,
      %add3A_1758 = arith.addf %add3A_1750, %gather3A_1757 : vector<16xf32>
      %bitcast3A_1759 = vector.bitcast %add3A_1758 : vector<16xf32> to vector<16xi32>
      %add3A_1760 = arith.constant 32767 : i32
      %add3A_1761 = vector.broadcast %add3A_1760 : i32 to vector<16xi32>
      %add3A_1762 = arith.addi %bitcast3A_1759, %add3A_1761 : vector<16xi32>
      %shift_right_logical3A_1763 = arith.constant 16 : i32
      %shift_right_logical3A_1764 = vector.broadcast %shift_right_logical3A_1763 : i32 to vector<16xi32>
      %shift_right_logical3A_1765 = arith.shrui %bitcast3A_1759, %shift_right_logical3A_1764 : vector<16xi32>
      %and3A_1766 = arith.constant 1 : i32
      %and3A_1767 = vector.broadcast %and3A_1766 : i32 to vector<16xi32>
      %and3A_1768 = arith.andi %shift_right_logical3A_1765, %and3A_1767 : vector<16xi32>
      %add3A_1769 = arith.addi %add3A_1762, %and3A_1768 : vector<16xi32>
      %and3A_1770 = arith.constant -65536 : i32
      %and3A_1771 = vector.broadcast %and3A_1770 : i32 to vector<16xi32>
      %and3A_1772 = arith.andi %add3A_1769, %and3A_1771 : vector<16xi32>
      %bitcast3A_1773 = vector.bitcast %and3A_1772 : vector<16xi32> to vector<16xf32>
      %swap3A_1774 = arith.constant 16 : index
      %swap3A_1775 = tpu.vector_load %arg18[%swap3A_1774] {strides = array<i32>} : memref<48xf32, #tpu.memory_space<vmem>>, vector<16xf32>,
      tpu.vector_store %arg18[%swap3A_1774], %bitcast3A_1773 {strides = array<i32>} : memref<48xf32, #tpu.memory_space<vmem>>, vector<16xf32>,
      %mul3A_1776 = arith.constant 16 : i32
      %mul3A_1777 = arith.muli %scan3A_656, %mul3A_1776 : i32
      %add3A_1778 = arith.constant 0 : i32
      %add3A_1779 = arith.addi %mul3A_1777, %add3A_1778 : i32
      %broadcast_in_dim3A_1780 = arith.constant 16 : i32
      %broadcast_in_dim3A_1781 = vector.broadcast %broadcast_in_dim3A_1780 : i32 to vector<16xi32>
      %gather3A_1782 = tpu.vector_load_idx %arg18[%broadcast_in_dim3A_1781] : memref<48xf32, #tpu.memory_space<vmem>>[vector<16xi32>], vector<16xf32>,
      %lt3A = arith.constant 14 : i32
      %lt3A_1783 = vector.broadcast %lt3A : i32 to vector<16xi32>
      %lt3A_1784 = arith.cmpi slt, %iota3A, %lt3A_1783 : vector<16xi32>
      %get3A_1785 = arith.index_cast %add3A_1779 : i32 to index
      %get3A_1786 = arith.constant 0 : index
      %get3A_1787 = tpu.vector_load %arg12[%get3A_1785, %get3A_1786] {strides = array<i32>} : memref<512x16xf32, #tpu.memory_space<vmem>>, vector<16xf32>,
      %jit3A_1788 = arith.constant 0.000000e+00 : f32
      %broadcast_in_dim3A_1789 = vector.broadcast %jit3A_1788 : f32 to vector<16xf32>
      %select_n3A_1790 = arith.select %lt3A_1784, %get3A_1787, %broadcast_in_dim3A_1789 : vector<16xi1>, vector<16xf32>
      %bitcast3A_1791 = vector.bitcast %select_n3A_1790 : vector<16xf32> to vector<16xi32>
      %add3A_1792 = arith.constant 32767 : i32
      %add3A_1793 = vector.broadcast %add3A_1792 : i32 to vector<16xi32>
      %add3A_1794 = arith.addi %bitcast3A_1791, %add3A_1793 : vector<16xi32>
      %shift_right_logical3A_1795 = arith.constant 16 : i32
      %shift_right_logical3A_1796 = vector.broadcast %shift_right_logical3A_1795 : i32 to vector<16xi32>
      %shift_right_logical3A_1797 = arith.shrui %bitcast3A_1791, %shift_right_logical3A_1796 : vector<16xi32>
      %and3A_1798 = arith.constant 1 : i32
      %and3A_1799 = vector.broadcast %and3A_1798 : i32 to vector<16xi32>
      %and3A_1800 = arith.andi %shift_right_logical3A_1797, %and3A_1799 : vector<16xi32>
      %add3A_1801 = arith.addi %add3A_1794, %and3A_1800 : vector<16xi32>
      %and3A_1802 = arith.constant -65536 : i32
      %and3A_1803 = vector.broadcast %and3A_1802 : i32 to vector<16xi32>
      %and3A_1804 = arith.andi %add3A_1801, %and3A_1803 : vector<16xi32>
      %bitcast3A_1805 = vector.bitcast %and3A_1804 : vector<16xi32> to vector<16xf32>
      %swap3A_1806 = arith.constant 32 : index
      %swap3A_1807 = tpu.vector_load %arg18[%swap3A_1806] {strides = array<i32>} : memref<48xf32, #tpu.memory_space<vmem>>, vector<16xf32>,
      tpu.vector_store %arg18[%swap3A_1806], %bitcast3A_1805 {strides = array<i32>} : memref<48xf32, #tpu.memory_space<vmem>>, vector<16xf32>,
      %mul3A_1808 = arith.mulf %gather3A_1782, %add3A_608 : vector<16xf32>
      %add3A_1809 = arith.addf %mul3A_1808, %get3A_645 : vector<16xf32>
      %mul3A_1810 = arith.mulf %gather3A_1782, %add3A_609 : vector<16xf32>
      %add3A_1811 = arith.addf %mul3A_1810, %get3A_647 : vector<16xf32>
      %broadcast_in_dim3A_1812 = arith.constant 32 : i32
      %broadcast_in_dim3A_1813 = vector.broadcast %broadcast_in_dim3A_1812 : i32 to vector<16xi32>
      %gather3A_1814 = tpu.vector_load_idx %arg18[%broadcast_in_dim3A_1813] : memref<48xf32, #tpu.memory_space<vmem>>[vector<16xi32>], vector<16xf32>,
      %mul3A_1815 = arith.mulf %gather3A_1814, %bitcast3A_150 : vector<16xf32>
      %add3A_1816 = arith.addf %add3A_1809, %mul3A_1815 : vector<16xf32>
      %mul3A_1817 = arith.mulf %gather3A_1814, %bitcast3A_165 : vector<16xf32>
      %add3A_1818 = arith.addf %add3A_1811, %mul3A_1817 : vector<16xf32>
      %broadcast_in_dim3A_1819 = arith.constant 33 : i32
      %broadcast_in_dim3A_1820 = vector.broadcast %broadcast_in_dim3A_1819 : i32 to vector<16xi32>
      %gather3A_1821 = tpu.vector_load_idx %arg18[%broadcast_in_dim3A_1820] : memref<48xf32, #tpu.memory_space<vmem>>[vector<16xi32>], vector<16xf32>,
      %mul3A_1822 = arith.mulf %gather3A_1821, %bitcast3A_184 : vector<16xf32>
      %add3A_1823 = arith.addf %add3A_1816, %mul3A_1822 : vector<16xf32>
      %mul3A_1824 = arith.mulf %gather3A_1821, %bitcast3A_199 : vector<16xf32>
      %add3A_1825 = arith.addf %add3A_1818, %mul3A_1824 : vector<16xf32>
      %broadcast_in_dim3A_1826 = arith.constant 34 : i32
      %broadcast_in_dim3A_1827 = vector.broadcast %broadcast_in_dim3A_1826 : i32 to vector<16xi32>
      %gather3A_1828 = tpu.vector_load_idx %arg18[%broadcast_in_dim3A_1827] : memref<48xf32, #tpu.memory_space<vmem>>[vector<16xi32>], vector<16xf32>,
      %mul3A_1829 = arith.mulf %gather3A_1828, %bitcast3A_218 : vector<16xf32>
      %add3A_1830 = arith.addf %add3A_1823, %mul3A_1829 : vector<16xf32>
      %mul3A_1831 = arith.mulf %gather3A_1828, %bitcast3A_233 : vector<16xf32>
      %add3A_1832 = arith.addf %add3A_1825, %mul3A_1831 : vector<16xf32>
      %broadcast_in_dim3A_1833 = arith.constant 35 : i32
      %broadcast_in_dim3A_1834 = vector.broadcast %broadcast_in_dim3A_1833 : i32 to vector<16xi32>
      %gather3A_1835 = tpu.vector_load_idx %arg18[%broadcast_in_dim3A_1834] : memref<48xf32, #tpu.memory_space<vmem>>[vector<16xi32>], vector<16xf32>,
      %mul3A_1836 = arith.mulf %gather3A_1835, %bitcast3A_252 : vector<16xf32>
      %add3A_1837 = arith.addf %add3A_1830, %mul3A_1836 : vector<16xf32>
      %mul3A_1838 = arith.mulf %gather3A_1835, %bitcast3A_267 : vector<16xf32>
      %add3A_1839 = arith.addf %add3A_1832, %mul3A_1838 : vector<16xf32>
      %broadcast_in_dim3A_1840 = arith.constant 36 : i32
      %broadcast_in_dim3A_1841 = vector.broadcast %broadcast_in_dim3A_1840 : i32 to vector<16xi32>
      %gather3A_1842 = tpu.vector_load_idx %arg18[%broadcast_in_dim3A_1841] : memref<48xf32, #tpu.memory_space<vmem>>[vector<16xi32>], vector<16xf32>,
      %mul3A_1843 = arith.mulf %gather3A_1842, %bitcast3A_286 : vector<16xf32>
      %add3A_1844 = arith.addf %add3A_1837, %mul3A_1843 : vector<16xf32>
      %mul3A_1845 = arith.mulf %gather3A_1842, %bitcast3A_301 : vector<16xf32>
      %add3A_1846 = arith.addf %add3A_1839, %mul3A_1845 : vector<16xf32>
      %broadcast_in_dim3A_1847 = arith.constant 37 : i32
      %broadcast_in_dim3A_1848 = vector.broadcast %broadcast_in_dim3A_1847 : i32 to vector<16xi32>
      %gather3A_1849 = tpu.vector_load_idx %arg18[%broadcast_in_dim3A_1848] : memref<48xf32, #tpu.memory_space<vmem>>[vector<16xi32>], vector<16xf32>,
      %mul3A_1850 = arith.mulf %gather3A_1849, %bitcast3A_320 : vector<16xf32>
      %add3A_1851 = arith.addf %add3A_1844, %mul3A_1850 : vector<16xf32>
      %mul3A_1852 = arith.mulf %gather3A_1849, %bitcast3A_335 : vector<16xf32>
      %add3A_1853 = arith.addf %add3A_1846, %mul3A_1852 : vector<16xf32>
      %broadcast_in_dim3A_1854 = arith.constant 38 : i32
      %broadcast_in_dim3A_1855 = vector.broadcast %broadcast_in_dim3A_1854 : i32 to vector<16xi32>
      %gather3A_1856 = tpu.vector_load_idx %arg18[%broadcast_in_dim3A_1855] : memref<48xf32, #tpu.memory_space<vmem>>[vector<16xi32>], vector<16xf32>,
      %mul3A_1857 = arith.mulf %gather3A_1856, %bitcast3A_354 : vector<16xf32>
      %add3A_1858 = arith.addf %add3A_1851, %mul3A_1857 : vector<16xf32>
      %mul3A_1859 = arith.mulf %gather3A_1856, %bitcast3A_369 : vector<16xf32>
      %add3A_1860 = arith.addf %add3A_1853, %mul3A_1859 : vector<16xf32>
      %broadcast_in_dim3A_1861 = arith.constant 39 : i32
      %broadcast_in_dim3A_1862 = vector.broadcast %broadcast_in_dim3A_1861 : i32 to vector<16xi32>
      %gather3A_1863 = tpu.vector_load_idx %arg18[%broadcast_in_dim3A_1862] : memref<48xf32, #tpu.memory_space<vmem>>[vector<16xi32>], vector<16xf32>,
      %mul3A_1864 = arith.mulf %gather3A_1863, %bitcast3A_388 : vector<16xf32>
      %add3A_1865 = arith.addf %add3A_1858, %mul3A_1864 : vector<16xf32>
      %mul3A_1866 = arith.mulf %gather3A_1863, %bitcast3A_403 : vector<16xf32>
      %add3A_1867 = arith.addf %add3A_1860, %mul3A_1866 : vector<16xf32>
      %broadcast_in_dim3A_1868 = arith.constant 40 : i32
      %broadcast_in_dim3A_1869 = vector.broadcast %broadcast_in_dim3A_1868 : i32 to vector<16xi32>
      %gather3A_1870 = tpu.vector_load_idx %arg18[%broadcast_in_dim3A_1869] : memref<48xf32, #tpu.memory_space<vmem>>[vector<16xi32>], vector<16xf32>,
      %mul3A_1871 = arith.mulf %gather3A_1870, %bitcast3A_422 : vector<16xf32>
      %add3A_1872 = arith.addf %add3A_1865, %mul3A_1871 : vector<16xf32>
      %mul3A_1873 = arith.mulf %gather3A_1870, %bitcast3A_437 : vector<16xf32>
      %add3A_1874 = arith.addf %add3A_1867, %mul3A_1873 : vector<16xf32>
      %broadcast_in_dim3A_1875 = arith.constant 41 : i32
      %broadcast_in_dim3A_1876 = vector.broadcast %broadcast_in_dim3A_1875 : i32 to vector<16xi32>
      %gather3A_1877 = tpu.vector_load_idx %arg18[%broadcast_in_dim3A_1876] : memref<48xf32, #tpu.memory_space<vmem>>[vector<16xi32>], vector<16xf32>,
      %mul3A_1878 = arith.mulf %gather3A_1877, %bitcast3A_456 : vector<16xf32>
      %add3A_1879 = arith.addf %add3A_1872, %mul3A_1878 : vector<16xf32>
      %mul3A_1880 = arith.mulf %gather3A_1877, %bitcast3A_471 : vector<16xf32>
      %add3A_1881 = arith.addf %add3A_1874, %mul3A_1880 : vector<16xf32>
      %broadcast_in_dim3A_1882 = arith.constant 42 : i32
      %broadcast_in_dim3A_1883 = vector.broadcast %broadcast_in_dim3A_1882 : i32 to vector<16xi32>
      %gather3A_1884 = tpu.vector_load_idx %arg18[%broadcast_in_dim3A_1883] : memref<48xf32, #tpu.memory_space<vmem>>[vector<16xi32>], vector<16xf32>,
      %mul3A_1885 = arith.mulf %gather3A_1884, %bitcast3A_490 : vector<16xf32>
      %add3A_1886 = arith.addf %add3A_1879, %mul3A_1885 : vector<16xf32>
      %mul3A_1887 = arith.mulf %gather3A_1884, %bitcast3A_505 : vector<16xf32>
      %add3A_1888 = arith.addf %add3A_1881, %mul3A_1887 : vector<16xf32>
      %broadcast_in_dim3A_1889 = arith.constant 43 : i32
      %broadcast_in_dim3A_1890 = vector.broadcast %broadcast_in_dim3A_1889 : i32 to vector<16xi32>
      %gather3A_1891 = tpu.vector_load_idx %arg18[%broadcast_in_dim3A_1890] : memref<48xf32, #tpu.memory_space<vmem>>[vector<16xi32>], vector<16xf32>,
      %mul3A_1892 = arith.mulf %gather3A_1891, %bitcast3A_524 : vector<16xf32>
      %add3A_1893 = arith.addf %add3A_1886, %mul3A_1892 : vector<16xf32>
      %mul3A_1894 = arith.mulf %gather3A_1891, %bitcast3A_539 : vector<16xf32>
      %add3A_1895 = arith.addf %add3A_1888, %mul3A_1894 : vector<16xf32>
      %broadcast_in_dim3A_1896 = arith.constant 44 : i32
      %broadcast_in_dim3A_1897 = vector.broadcast %broadcast_in_dim3A_1896 : i32 to vector<16xi32>
      %gather3A_1898 = tpu.vector_load_idx %arg18[%broadcast_in_dim3A_1897] : memref<48xf32, #tpu.memory_space<vmem>>[vector<16xi32>], vector<16xf32>,
      %mul3A_1899 = arith.mulf %gather3A_1898, %bitcast3A_558 : vector<16xf32>
      %add3A_1900 = arith.addf %add3A_1893, %mul3A_1899 : vector<16xf32>
      %mul3A_1901 = arith.mulf %gather3A_1898, %bitcast3A_573 : vector<16xf32>
      %add3A_1902 = arith.addf %add3A_1895, %mul3A_1901 : vector<16xf32>
      %broadcast_in_dim3A_1903 = arith.constant 45 : i32
      %broadcast_in_dim3A_1904 = vector.broadcast %broadcast_in_dim3A_1903 : i32 to vector<16xi32>
      %gather3A_1905 = tpu.vector_load_idx %arg18[%broadcast_in_dim3A_1904] : memref<48xf32, #tpu.memory_space<vmem>>[vector<16xi32>], vector<16xf32>,
      %mul3A_1906 = arith.mulf %gather3A_1905, %bitcast3A_592 : vector<16xf32>
      %add3A_1907 = arith.addf %add3A_1900, %mul3A_1906 : vector<16xf32>
      %mul3A_1908 = arith.mulf %gather3A_1905, %bitcast3A_607 : vector<16xf32>
      %add3A_1909 = arith.addf %add3A_1902, %mul3A_1908 : vector<16xf32>
      %bitcast3A_1910 = vector.bitcast %add3A_1907 : vector<16xf32> to vector<16xi32>
      %add3A_1911 = arith.constant 32767 : i32
      %add3A_1912 = vector.broadcast %add3A_1911 : i32 to vector<16xi32>
      %add3A_1913 = arith.addi %bitcast3A_1910, %add3A_1912 : vector<16xi32>
      %shift_right_logical3A_1914 = arith.constant 16 : i32
      %shift_right_logical3A_1915 = vector.broadcast %shift_right_logical3A_1914 : i32 to vector<16xi32>
      %shift_right_logical3A_1916 = arith.shrui %bitcast3A_1910, %shift_right_logical3A_1915 : vector<16xi32>
      %and3A_1917 = arith.constant 1 : i32
      %and3A_1918 = vector.broadcast %and3A_1917 : i32 to vector<16xi32>
      %and3A_1919 = arith.andi %shift_right_logical3A_1916, %and3A_1918 : vector<16xi32>
      %add3A_1920 = arith.addi %add3A_1913, %and3A_1919 : vector<16xi32>
      %and3A_1921 = arith.constant -65536 : i32
      %and3A_1922 = vector.broadcast %and3A_1921 : i32 to vector<16xi32>
      %and3A_1923 = arith.andi %add3A_1920, %and3A_1922 : vector<16xi32>
      %bitcast3A_1924 = vector.bitcast %and3A_1923 : vector<16xi32> to vector<16xf32>
      %bitcast3A_1925 = vector.bitcast %add3A_1909 : vector<16xf32> to vector<16xi32>
      %add3A_1926 = arith.constant 32767 : i32
      %add3A_1927 = vector.broadcast %add3A_1926 : i32 to vector<16xi32>
      %add3A_1928 = arith.addi %bitcast3A_1925, %add3A_1927 : vector<16xi32>
      %shift_right_logical3A_1929 = arith.constant 16 : i32
      %shift_right_logical3A_1930 = vector.broadcast %shift_right_logical3A_1929 : i32 to vector<16xi32>
      %shift_right_logical3A_1931 = arith.shrui %bitcast3A_1925, %shift_right_logical3A_1930 : vector<16xi32>
      %and3A_1932 = arith.constant 1 : i32
      %and3A_1933 = vector.broadcast %and3A_1932 : i32 to vector<16xi32>
      %and3A_1934 = arith.andi %shift_right_logical3A_1931, %and3A_1933 : vector<16xi32>
      %add3A_1935 = arith.addi %add3A_1928, %and3A_1934 : vector<16xi32>
      %and3A_1936 = arith.constant -65536 : i32
      %and3A_1937 = vector.broadcast %and3A_1936 : i32 to vector<16xi32>
      %and3A_1938 = arith.andi %add3A_1935, %and3A_1937 : vector<16xi32>
      %bitcast3A_1939 = vector.bitcast %and3A_1938 : vector<16xi32> to vector<16xf32>
      %mul3A_1940 = arith.mulf %bitcast3A_1924, %bitcast3A_628 : vector<16xf32>
      %mul3A_1941 = arith.mulf %bitcast3A_1939, %bitcast3A_643 : vector<16xf32>
      %add3A_1942 = arith.addf %mul3A_1940, %mul3A_1941 : vector<16xf32>
      %swap3A_1943 = arith.constant 0 : index
      %swap3A_1944 = tpu.vector_load %arg19[%swap3A_1943] {strides = array<i32>} : memref<256xf32, #tpu.memory_space<vmem>>, vector<16xf32>,
      tpu.vector_store %arg19[%swap3A_1943], %add3A_1942 {strides = array<i32>} : memref<256xf32, #tpu.memory_space<vmem>>, vector<16xf32>,
      %mul3A_1945 = arith.constant 16 : i32
      %mul3A_1946 = arith.muli %scan3A_656, %mul3A_1945 : i32
      %add3A_1947 = arith.constant 1 : i32
      %add3A_1948 = arith.addi %mul3A_1946, %add3A_1947 : i32
      %broadcast_in_dim3A_1949 = arith.constant 17 : i32
      %broadcast_in_dim3A_1950 = vector.broadcast %broadcast_in_dim3A_1949 : i32 to vector<16xi32>
      %gather3A_1951 = tpu.vector_load_idx %arg18[%broadcast_in_dim3A_1950] : memref<48xf32, #tpu.memory_space<vmem>>[vector<16xi32>], vector<16xf32>,
      %lt3A_1952 = arith.constant 14 : i32
      %lt3A_1953 = vector.broadcast %lt3A_1952 : i32 to vector<16xi32>
      %lt3A_1954 = arith.cmpi slt, %iota3A, %lt3A_1953 : vector<16xi32>
      %get3A_1955 = arith.index_cast %add3A_1948 : i32 to index
      %get3A_1956 = arith.constant 0 : index
      %get3A_1957 = tpu.vector_load %arg12[%get3A_1955, %get3A_1956] {strides = array<i32>} : memref<512x16xf32, #tpu.memory_space<vmem>>, vector<16xf32>,
      %jit3A_1958 = arith.constant 0.000000e+00 : f32
      %broadcast_in_dim3A_1959 = vector.broadcast %jit3A_1958 : f32 to vector<16xf32>
      %select_n3A_1960 = arith.select %lt3A_1954, %get3A_1957, %broadcast_in_dim3A_1959 : vector<16xi1>, vector<16xf32>
      %bitcast3A_1961 = vector.bitcast %select_n3A_1960 : vector<16xf32> to vector<16xi32>
      %add3A_1962 = arith.constant 32767 : i32
      %add3A_1963 = vector.broadcast %add3A_1962 : i32 to vector<16xi32>
      %add3A_1964 = arith.addi %bitcast3A_1961, %add3A_1963 : vector<16xi32>
      %shift_right_logical3A_1965 = arith.constant 16 : i32
      %shift_right_logical3A_1966 = vector.broadcast %shift_right_logical3A_1965 : i32 to vector<16xi32>
      %shift_right_logical3A_1967 = arith.shrui %bitcast3A_1961, %shift_right_logical3A_1966 : vector<16xi32>
      %and3A_1968 = arith.constant 1 : i32
      %and3A_1969 = vector.broadcast %and3A_1968 : i32 to vector<16xi32>
      %and3A_1970 = arith.andi %shift_right_logical3A_1967, %and3A_1969 : vector<16xi32>
      %add3A_1971 = arith.addi %add3A_1964, %and3A_1970 : vector<16xi32>
      %and3A_1972 = arith.constant -65536 : i32
      %and3A_1973 = vector.broadcast %and3A_1972 : i32 to vector<16xi32>
      %and3A_1974 = arith.andi %add3A_1971, %and3A_1973 : vector<16xi32>
      %bitcast3A_1975 = vector.bitcast %and3A_1974 : vector<16xi32> to vector<16xf32>
      %swap3A_1976 = arith.constant 32 : index
      %swap3A_1977 = tpu.vector_load %arg18[%swap3A_1976] {strides = array<i32>} : memref<48xf32, #tpu.memory_space<vmem>>, vector<16xf32>,
      tpu.vector_store %arg18[%swap3A_1976], %bitcast3A_1975 {strides = array<i32>} : memref<48xf32, #tpu.memory_space<vmem>>, vector<16xf32>,
      %mul3A_1978 = arith.mulf %gather3A_1951, %add3A_608 : vector<16xf32>
      %add3A_1979 = arith.addf %mul3A_1978, %get3A_645 : vector<16xf32>
      %mul3A_1980 = arith.mulf %gather3A_1951, %add3A_609 : vector<16xf32>
      %add3A_1981 = arith.addf %mul3A_1980, %get3A_647 : vector<16xf32>
      %broadcast_in_dim3A_1982 = arith.constant 32 : i32
      %broadcast_in_dim3A_1983 = vector.broadcast %broadcast_in_dim3A_1982 : i32 to vector<16xi32>
      %gather3A_1984 = tpu.vector_load_idx %arg18[%broadcast_in_dim3A_1983] : memref<48xf32, #tpu.memory_space<vmem>>[vector<16xi32>], vector<16xf32>,
      %mul3A_1985 = arith.mulf %gather3A_1984, %bitcast3A_150 : vector<16xf32>
      %add3A_1986 = arith.addf %add3A_1979, %mul3A_1985 : vector<16xf32>
      %mul3A_1987 = arith.mulf %gather3A_1984, %bitcast3A_165 : vector<16xf32>
      %add3A_1988 = arith.addf %add3A_1981, %mul3A_1987 : vector<16xf32>
      %broadcast_in_dim3A_1989 = arith.constant 33 : i32
      %broadcast_in_dim3A_1990 = vector.broadcast %broadcast_in_dim3A_1989 : i32 to vector<16xi32>
      %gather3A_1991 = tpu.vector_load_idx %arg18[%broadcast_in_dim3A_1990] : memref<48xf32, #tpu.memory_space<vmem>>[vector<16xi32>], vector<16xf32>,
      %mul3A_1992 = arith.mulf %gather3A_1991, %bitcast3A_184 : vector<16xf32>
      %add3A_1993 = arith.addf %add3A_1986, %mul3A_1992 : vector<16xf32>
      %mul3A_1994 = arith.mulf %gather3A_1991, %bitcast3A_199 : vector<16xf32>
      %add3A_1995 = arith.addf %add3A_1988, %mul3A_1994 : vector<16xf32>
      %broadcast_in_dim3A_1996 = arith.constant 34 : i32
      %broadcast_in_dim3A_1997 = vector.broadcast %broadcast_in_dim3A_1996 : i32 to vector<16xi32>
      %gather3A_1998 = tpu.vector_load_idx %arg18[%broadcast_in_dim3A_1997] : memref<48xf32, #tpu.memory_space<vmem>>[vector<16xi32>], vector<16xf32>,
      %mul3A_1999 = arith.mulf %gather3A_1998, %bitcast3A_218 : vector<16xf32>
      %add3A_2000 = arith.addf %add3A_1993, %mul3A_1999 : vector<16xf32>
      %mul3A_2001 = arith.mulf %gather3A_1998, %bitcast3A_233 : vector<16xf32>
      %add3A_2002 = arith.addf %add3A_1995, %mul3A_2001 : vector<16xf32>
      %broadcast_in_dim3A_2003 = arith.constant 35 : i32
      %broadcast_in_dim3A_2004 = vector.broadcast %broadcast_in_dim3A_2003 : i32 to vector<16xi32>
      %gather3A_2005 = tpu.vector_load_idx %arg18[%broadcast_in_dim3A_2004] : memref<48xf32, #tpu.memory_space<vmem>>[vector<16xi32>], vector<16xf32>,
      %mul3A_2006 = arith.mulf %gather3A_2005, %bitcast3A_252 : vector<16xf32>
      %add3A_2007 = arith.addf %add3A_2000, %mul3A_2006 : vector<16xf32>
      %mul3A_2008 = arith.mulf %gather3A_2005, %bitcast3A_267 : vector<16xf32>
      %add3A_2009 = arith.addf %add3A_2002, %mul3A_2008 : vector<16xf32>
      %broadcast_in_dim3A_2010 = arith.constant 36 : i32
      %broadcast_in_dim3A_2011 = vector.broadcast %broadcast_in_dim3A_2010 : i32 to vector<16xi32>
      %gather3A_2012 = tpu.vector_load_idx %arg18[%broadcast_in_dim3A_2011] : memref<48xf32, #tpu.memory_space<vmem>>[vector<16xi32>], vector<16xf32>,
      %mul3A_2013 = arith.mulf %gather3A_2012, %bitcast3A_286 : vector<16xf32>
      %add3A_2014 = arith.addf %add3A_2007, %mul3A_2013 : vector<16xf32>
      %mul3A_2015 = arith.mulf %gather3A_2012, %bitcast3A_301 : vector<16xf32>
      %add3A_2016 = arith.addf %add3A_2009, %mul3A_2015 : vector<16xf32>
      %broadcast_in_dim3A_2017 = arith.constant 37 : i32
      %broadcast_in_dim3A_2018 = vector.broadcast %broadcast_in_dim3A_2017 : i32 to vector<16xi32>
      %gather3A_2019 = tpu.vector_load_idx %arg18[%broadcast_in_dim3A_2018] : memref<48xf32, #tpu.memory_space<vmem>>[vector<16xi32>], vector<16xf32>,
      %mul3A_2020 = arith.mulf %gather3A_2019, %bitcast3A_320 : vector<16xf32>
      %add3A_2021 = arith.addf %add3A_2014, %mul3A_2020 : vector<16xf32>
      %mul3A_2022 = arith.mulf %gather3A_2019, %bitcast3A_335 : vector<16xf32>
      %add3A_2023 = arith.addf %add3A_2016, %mul3A_2022 : vector<16xf32>
      %broadcast_in_dim3A_2024 = arith.constant 38 : i32
      %broadcast_in_dim3A_2025 = vector.broadcast %broadcast_in_dim3A_2024 : i32 to vector<16xi32>
      %gather3A_2026 = tpu.vector_load_idx %arg18[%broadcast_in_dim3A_2025] : memref<48xf32, #tpu.memory_space<vmem>>[vector<16xi32>], vector<16xf32>,
      %mul3A_2027 = arith.mulf %gather3A_2026, %bitcast3A_354 : vector<16xf32>
      %add3A_2028 = arith.addf %add3A_2021, %mul3A_2027 : vector<16xf32>
      %mul3A_2029 = arith.mulf %gather3A_2026, %bitcast3A_369 : vector<16xf32>
      %add3A_2030 = arith.addf %add3A_2023, %mul3A_2029 : vector<16xf32>
      %broadcast_in_dim3A_2031 = arith.constant 39 : i32
      %broadcast_in_dim3A_2032 = vector.broadcast %broadcast_in_dim3A_2031 : i32 to vector<16xi32>
      %gather3A_2033 = tpu.vector_load_idx %arg18[%broadcast_in_dim3A_2032] : memref<48xf32, #tpu.memory_space<vmem>>[vector<16xi32>], vector<16xf32>,
      %mul3A_2034 = arith.mulf %gather3A_2033, %bitcast3A_388 : vector<16xf32>
      %add3A_2035 = arith.addf %add3A_2028, %mul3A_2034 : vector<16xf32>
      %mul3A_2036 = arith.mulf %gather3A_2033, %bitcast3A_403 : vector<16xf32>
      %add3A_2037 = arith.addf %add3A_2030, %mul3A_2036 : vector<16xf32>
      %broadcast_in_dim3A_2038 = arith.constant 40 : i32
      %broadcast_in_dim3A_2039 = vector.broadcast %broadcast_in_dim3A_2038 : i32 to vector<16xi32>
      %gather3A_2040 = tpu.vector_load_idx %arg18[%broadcast_in_dim3A_2039] : memref<48xf32, #tpu.memory_space<vmem>>[vector<16xi32>], vector<16xf32>,
      %mul3A_2041 = arith.mulf %gather3A_2040, %bitcast3A_422 : vector<16xf32>
      %add3A_2042 = arith.addf %add3A_2035, %mul3A_2041 : vector<16xf32>
      %mul3A_2043 = arith.mulf %gather3A_2040, %bitcast3A_437 : vector<16xf32>
      %add3A_2044 = arith.addf %add3A_2037, %mul3A_2043 : vector<16xf32>
      %broadcast_in_dim3A_2045 = arith.constant 41 : i32
      %broadcast_in_dim3A_2046 = vector.broadcast %broadcast_in_dim3A_2045 : i32 to vector<16xi32>
      %gather3A_2047 = tpu.vector_load_idx %arg18[%broadcast_in_dim3A_2046] : memref<48xf32, #tpu.memory_space<vmem>>[vector<16xi32>], vector<16xf32>,
      %mul3A_2048 = arith.mulf %gather3A_2047, %bitcast3A_456 : vector<16xf32>
      %add3A_2049 = arith.addf %add3A_2042, %mul3A_2048 : vector<16xf32>
      %mul3A_2050 = arith.mulf %gather3A_2047, %bitcast3A_471 : vector<16xf32>
      %add3A_2051 = arith.addf %add3A_2044, %mul3A_2050 : vector<16xf32>
      %broadcast_in_dim3A_2052 = arith.constant 42 : i32
      %broadcast_in_dim3A_2053 = vector.broadcast %broadcast_in_dim3A_2052 : i32 to vector<16xi32>
      %gather3A_2054 = tpu.vector_load_idx %arg18[%broadcast_in_dim3A_2053] : memref<48xf32, #tpu.memory_space<vmem>>[vector<16xi32>], vector<16xf32>,
      %mul3A_2055 = arith.mulf %gather3A_2054, %bitcast3A_490 : vector<16xf32>
      %add3A_2056 = arith.addf %add3A_2049, %mul3A_2055 : vector<16xf32>
      %mul3A_2057 = arith.mulf %gather3A_2054, %bitcast3A_505 : vector<16xf32>
      %add3A_2058 = arith.addf %add3A_2051, %mul3A_2057 : vector<16xf32>
      %broadcast_in_dim3A_2059 = arith.constant 43 : i32
      %broadcast_in_dim3A_2060 = vector.broadcast %broadcast_in_dim3A_2059 : i32 to vector<16xi32>
      %gather3A_2061 = tpu.vector_load_idx %arg18[%broadcast_in_dim3A_2060] : memref<48xf32, #tpu.memory_space<vmem>>[vector<16xi32>], vector<16xf32>,
      %mul3A_2062 = arith.mulf %gather3A_2061, %bitcast3A_524 : vector<16xf32>
      %add3A_2063 = arith.addf %add3A_2056, %mul3A_2062 : vector<16xf32>
      %mul3A_2064 = arith.mulf %gather3A_2061, %bitcast3A_539 : vector<16xf32>
      %add3A_2065 = arith.addf %add3A_2058, %mul3A_2064 : vector<16xf32>
      %broadcast_in_dim3A_2066 = arith.constant 44 : i32
      %broadcast_in_dim3A_2067 = vector.broadcast %broadcast_in_dim3A_2066 : i32 to vector<16xi32>
      %gather3A_2068 = tpu.vector_load_idx %arg18[%broadcast_in_dim3A_2067] : memref<48xf32, #tpu.memory_space<vmem>>[vector<16xi32>], vector<16xf32>,
      %mul3A_2069 = arith.mulf %gather3A_2068, %bitcast3A_558 : vector<16xf32>
      %add3A_2070 = arith.addf %add3A_2063, %mul3A_2069 : vector<16xf32>
      %mul3A_2071 = arith.mulf %gather3A_2068, %bitcast3A_573 : vector<16xf32>
      %add3A_2072 = arith.addf %add3A_2065, %mul3A_2071 : vector<16xf32>
      %broadcast_in_dim3A_2073 = arith.constant 45 : i32
      %broadcast_in_dim3A_2074 = vector.broadcast %broadcast_in_dim3A_2073 : i32 to vector<16xi32>
      %gather3A_2075 = tpu.vector_load_idx %arg18[%broadcast_in_dim3A_2074] : memref<48xf32, #tpu.memory_space<vmem>>[vector<16xi32>], vector<16xf32>,
      %mul3A_2076 = arith.mulf %gather3A_2075, %bitcast3A_592 : vector<16xf32>
      %add3A_2077 = arith.addf %add3A_2070, %mul3A_2076 : vector<16xf32>
      %mul3A_2078 = arith.mulf %gather3A_2075, %bitcast3A_607 : vector<16xf32>
      %add3A_2079 = arith.addf %add3A_2072, %mul3A_2078 : vector<16xf32>
      %bitcast3A_2080 = vector.bitcast %add3A_2077 : vector<16xf32> to vector<16xi32>
      %add3A_2081 = arith.constant 32767 : i32
      %add3A_2082 = vector.broadcast %add3A_2081 : i32 to vector<16xi32>
      %add3A_2083 = arith.addi %bitcast3A_2080, %add3A_2082 : vector<16xi32>
      %shift_right_logical3A_2084 = arith.constant 16 : i32
      %shift_right_logical3A_2085 = vector.broadcast %shift_right_logical3A_2084 : i32 to vector<16xi32>
      %shift_right_logical3A_2086 = arith.shrui %bitcast3A_2080, %shift_right_logical3A_2085 : vector<16xi32>
      %and3A_2087 = arith.constant 1 : i32
      %and3A_2088 = vector.broadcast %and3A_2087 : i32 to vector<16xi32>
      %and3A_2089 = arith.andi %shift_right_logical3A_2086, %and3A_2088 : vector<16xi32>
      %add3A_2090 = arith.addi %add3A_2083, %and3A_2089 : vector<16xi32>
      %and3A_2091 = arith.constant -65536 : i32
      %and3A_2092 = vector.broadcast %and3A_2091 : i32 to vector<16xi32>
      %and3A_2093 = arith.andi %add3A_2090, %and3A_2092 : vector<16xi32>
      %bitcast3A_2094 = vector.bitcast %and3A_2093 : vector<16xi32> to vector<16xf32>
      %bitcast3A_2095 = vector.bitcast %add3A_2079 : vector<16xf32> to vector<16xi32>
      %add3A_2096 = arith.constant 32767 : i32
      %add3A_2097 = vector.broadcast %add3A_2096 : i32 to vector<16xi32>
      %add3A_2098 = arith.addi %bitcast3A_2095, %add3A_2097 : vector<16xi32>
      %shift_right_logical3A_2099 = arith.constant 16 : i32
      %shift_right_logical3A_2100 = vector.broadcast %shift_right_logical3A_2099 : i32 to vector<16xi32>
      %shift_right_logical3A_2101 = arith.shrui %bitcast3A_2095, %shift_right_logical3A_2100 : vector<16xi32>
      %and3A_2102 = arith.constant 1 : i32
      %and3A_2103 = vector.broadcast %and3A_2102 : i32 to vector<16xi32>
      %and3A_2104 = arith.andi %shift_right_logical3A_2101, %and3A_2103 : vector<16xi32>
      %add3A_2105 = arith.addi %add3A_2098, %and3A_2104 : vector<16xi32>
      %and3A_2106 = arith.constant -65536 : i32
      %and3A_2107 = vector.broadcast %and3A_2106 : i32 to vector<16xi32>
      %and3A_2108 = arith.andi %add3A_2105, %and3A_2107 : vector<16xi32>
      %bitcast3A_2109 = vector.bitcast %and3A_2108 : vector<16xi32> to vector<16xf32>
      %mul3A_2110 = arith.mulf %bitcast3A_2094, %bitcast3A_628 : vector<16xf32>
      %mul3A_2111 = arith.mulf %bitcast3A_2109, %bitcast3A_643 : vector<16xf32>
      %add3A_2112 = arith.addf %mul3A_2110, %mul3A_2111 : vector<16xf32>
      %swap3A_2113 = arith.constant 16 : index
      %swap3A_2114 = tpu.vector_load %arg19[%swap3A_2113] {strides = array<i32>} : memref<256xf32, #tpu.memory_space<vmem>>, vector<16xf32>,
      tpu.vector_store %arg19[%swap3A_2113], %add3A_2112 {strides = array<i32>} : memref<256xf32, #tpu.memory_space<vmem>>, vector<16xf32>,
      %mul3A_2115 = arith.constant 16 : i32
      %mul3A_2116 = arith.muli %scan3A_656, %mul3A_2115 : i32
      %add3A_2117 = arith.constant 2 : i32
      %add3A_2118 = arith.addi %mul3A_2116, %add3A_2117 : i32
      %broadcast_in_dim3A_2119 = arith.constant 18 : i32
      %broadcast_in_dim3A_2120 = vector.broadcast %broadcast_in_dim3A_2119 : i32 to vector<16xi32>
      %gather3A_2121 = tpu.vector_load_idx %arg18[%broadcast_in_dim3A_2120] : memref<48xf32, #tpu.memory_space<vmem>>[vector<16xi32>], vector<16xf32>,
      %lt3A_2122 = arith.constant 14 : i32
      %lt3A_2123 = vector.broadcast %lt3A_2122 : i32 to vector<16xi32>
      %lt3A_2124 = arith.cmpi slt, %iota3A, %lt3A_2123 : vector<16xi32>
      %get3A_2125 = arith.index_cast %add3A_2118 : i32 to index
      %get3A_2126 = arith.constant 0 : index
      %get3A_2127 = tpu.vector_load %arg12[%get3A_2125, %get3A_2126] {strides = array<i32>} : memref<512x16xf32, #tpu.memory_space<vmem>>, vector<16xf32>,
      %jit3A_2128 = arith.constant 0.000000e+00 : f32
      %broadcast_in_dim3A_2129 = vector.broadcast %jit3A_2128 : f32 to vector<16xf32>
      %select_n3A_2130 = arith.select %lt3A_2124, %get3A_2127, %broadcast_in_dim3A_2129 : vector<16xi1>, vector<16xf32>
      %bitcast3A_2131 = vector.bitcast %select_n3A_2130 : vector<16xf32> to vector<16xi32>
      %add3A_2132 = arith.constant 32767 : i32
      %add3A_2133 = vector.broadcast %add3A_2132 : i32 to vector<16xi32>
      %add3A_2134 = arith.addi %bitcast3A_2131, %add3A_2133 : vector<16xi32>
      %shift_right_logical3A_2135 = arith.constant 16 : i32
      %shift_right_logical3A_2136 = vector.broadcast %shift_right_logical3A_2135 : i32 to vector<16xi32>
      %shift_right_logical3A_2137 = arith.shrui %bitcast3A_2131, %shift_right_logical3A_2136 : vector<16xi32>
      %and3A_2138 = arith.constant 1 : i32
      %and3A_2139 = vector.broadcast %and3A_2138 : i32 to vector<16xi32>
      %and3A_2140 = arith.andi %shift_right_logical3A_2137, %and3A_2139 : vector<16xi32>
      %add3A_2141 = arith.addi %add3A_2134, %and3A_2140 : vector<16xi32>
      %and3A_2142 = arith.constant -65536 : i32
      %and3A_2143 = vector.broadcast %and3A_2142 : i32 to vector<16xi32>
      %and3A_2144 = arith.andi %add3A_2141, %and3A_2143 : vector<16xi32>
      %bitcast3A_2145 = vector.bitcast %and3A_2144 : vector<16xi32> to vector<16xf32>
      %swap3A_2146 = arith.constant 32 : index
      %swap3A_2147 = tpu.vector_load %arg18[%swap3A_2146] {strides = array<i32>} : memref<48xf32, #tpu.memory_space<vmem>>, vector<16xf32>,
      tpu.vector_store %arg18[%swap3A_2146], %bitcast3A_2145 {strides = array<i32>} : memref<48xf32, #tpu.memory_space<vmem>>, vector<16xf32>,
      %mul3A_2148 = arith.mulf %gather3A_2121, %add3A_608 : vector<16xf32>
      %add3A_2149 = arith.addf %mul3A_2148, %get3A_645 : vector<16xf32>
      %mul3A_2150 = arith.mulf %gather3A_2121, %add3A_609 : vector<16xf32>
      %add3A_2151 = arith.addf %mul3A_2150, %get3A_647 : vector<16xf32>
      %broadcast_in_dim3A_2152 = arith.constant 32 : i32
      %broadcast_in_dim3A_2153 = vector.broadcast %broadcast_in_dim3A_2152 : i32 to vector<16xi32>
      %gather3A_2154 = tpu.vector_load_idx %arg18[%broadcast_in_dim3A_2153] : memref<48xf32, #tpu.memory_space<vmem>>[vector<16xi32>], vector<16xf32>,
      %mul3A_2155 = arith.mulf %gather3A_2154, %bitcast3A_150 : vector<16xf32>
      %add3A_2156 = arith.addf %add3A_2149, %mul3A_2155 : vector<16xf32>
      %mul3A_2157 = arith.mulf %gather3A_2154, %bitcast3A_165 : vector<16xf32>
      %add3A_2158 = arith.addf %add3A_2151, %mul3A_2157 : vector<16xf32>
      %broadcast_in_dim3A_2159 = arith.constant 33 : i32
      %broadcast_in_dim3A_2160 = vector.broadcast %broadcast_in_dim3A_2159 : i32 to vector<16xi32>
      %gather3A_2161 = tpu.vector_load_idx %arg18[%broadcast_in_dim3A_2160] : memref<48xf32, #tpu.memory_space<vmem>>[vector<16xi32>], vector<16xf32>,
      %mul3A_2162 = arith.mulf %gather3A_2161, %bitcast3A_184 : vector<16xf32>
      %add3A_2163 = arith.addf %add3A_2156, %mul3A_2162 : vector<16xf32>
      %mul3A_2164 = arith.mulf %gather3A_2161, %bitcast3A_199 : vector<16xf32>
      %add3A_2165 = arith.addf %add3A_2158, %mul3A_2164 : vector<16xf32>
      %broadcast_in_dim3A_2166 = arith.constant 34 : i32
      %broadcast_in_dim3A_2167 = vector.broadcast %broadcast_in_dim3A_2166 : i32 to vector<16xi32>
      %gather3A_2168 = tpu.vector_load_idx %arg18[%broadcast_in_dim3A_2167] : memref<48xf32, #tpu.memory_space<vmem>>[vector<16xi32>], vector<16xf32>,
      %mul3A_2169 = arith.mulf %gather3A_2168, %bitcast3A_218 : vector<16xf32>
      %add3A_2170 = arith.addf %add3A_2163, %mul3A_2169 : vector<16xf32>
      %mul3A_2171 = arith.mulf %gather3A_2168, %bitcast3A_233 : vector<16xf32>
      %add3A_2172 = arith.addf %add3A_2165, %mul3A_2171 : vector<16xf32>
      %broadcast_in_dim3A_2173 = arith.constant 35 : i32
      %broadcast_in_dim3A_2174 = vector.broadcast %broadcast_in_dim3A_2173 : i32 to vector<16xi32>
      %gather3A_2175 = tpu.vector_load_idx %arg18[%broadcast_in_dim3A_2174] : memref<48xf32, #tpu.memory_space<vmem>>[vector<16xi32>], vector<16xf32>,
      %mul3A_2176 = arith.mulf %gather3A_2175, %bitcast3A_252 : vector<16xf32>
      %add3A_2177 = arith.addf %add3A_2170, %mul3A_2176 : vector<16xf32>
      %mul3A_2178 = arith.mulf %gather3A_2175, %bitcast3A_267 : vector<16xf32>
      %add3A_2179 = arith.addf %add3A_2172, %mul3A_2178 : vector<16xf32>
      %broadcast_in_dim3A_2180 = arith.constant 36 : i32
      %broadcast_in_dim3A_2181 = vector.broadcast %broadcast_in_dim3A_2180 : i32 to vector<16xi32>
      %gather3A_2182 = tpu.vector_load_idx %arg18[%broadcast_in_dim3A_2181] : memref<48xf32, #tpu.memory_space<vmem>>[vector<16xi32>], vector<16xf32>,
      %mul3A_2183 = arith.mulf %gather3A_2182, %bitcast3A_286 : vector<16xf32>
      %add3A_2184 = arith.addf %add3A_2177, %mul3A_2183 : vector<16xf32>
      %mul3A_2185 = arith.mulf %gather3A_2182, %bitcast3A_301 : vector<16xf32>
      %add3A_2186 = arith.addf %add3A_2179, %mul3A_2185 : vector<16xf32>
      %broadcast_in_dim3A_2187 = arith.constant 37 : i32
      %broadcast_in_dim3A_2188 = vector.broadcast %broadcast_in_dim3A_2187 : i32 to vector<16xi32>
      %gather3A_2189 = tpu.vector_load_idx %arg18[%broadcast_in_dim3A_2188] : memref<48xf32, #tpu.memory_space<vmem>>[vector<16xi32>], vector<16xf32>,
      %mul3A_2190 = arith.mulf %gather3A_2189, %bitcast3A_320 : vector<16xf32>
      %add3A_2191 = arith.addf %add3A_2184, %mul3A_2190 : vector<16xf32>
      %mul3A_2192 = arith.mulf %gather3A_2189, %bitcast3A_335 : vector<16xf32>
      %add3A_2193 = arith.addf %add3A_2186, %mul3A_2192 : vector<16xf32>
      %broadcast_in_dim3A_2194 = arith.constant 38 : i32
      %broadcast_in_dim3A_2195 = vector.broadcast %broadcast_in_dim3A_2194 : i32 to vector<16xi32>
      %gather3A_2196 = tpu.vector_load_idx %arg18[%broadcast_in_dim3A_2195] : memref<48xf32, #tpu.memory_space<vmem>>[vector<16xi32>], vector<16xf32>,
      %mul3A_2197 = arith.mulf %gather3A_2196, %bitcast3A_354 : vector<16xf32>
      %add3A_2198 = arith.addf %add3A_2191, %mul3A_2197 : vector<16xf32>
      %mul3A_2199 = arith.mulf %gather3A_2196, %bitcast3A_369 : vector<16xf32>
      %add3A_2200 = arith.addf %add3A_2193, %mul3A_2199 : vector<16xf32>
      %broadcast_in_dim3A_2201 = arith.constant 39 : i32
      %broadcast_in_dim3A_2202 = vector.broadcast %broadcast_in_dim3A_2201 : i32 to vector<16xi32>
      %gather3A_2203 = tpu.vector_load_idx %arg18[%broadcast_in_dim3A_2202] : memref<48xf32, #tpu.memory_space<vmem>>[vector<16xi32>], vector<16xf32>,
      %mul3A_2204 = arith.mulf %gather3A_2203, %bitcast3A_388 : vector<16xf32>
      %add3A_2205 = arith.addf %add3A_2198, %mul3A_2204 : vector<16xf32>
      %mul3A_2206 = arith.mulf %gather3A_2203, %bitcast3A_403 : vector<16xf32>
      %add3A_2207 = arith.addf %add3A_2200, %mul3A_2206 : vector<16xf32>
      %broadcast_in_dim3A_2208 = arith.constant 40 : i32
      %broadcast_in_dim3A_2209 = vector.broadcast %broadcast_in_dim3A_2208 : i32 to vector<16xi32>
      %gather3A_2210 = tpu.vector_load_idx %arg18[%broadcast_in_dim3A_2209] : memref<48xf32, #tpu.memory_space<vmem>>[vector<16xi32>], vector<16xf32>,
      %mul3A_2211 = arith.mulf %gather3A_2210, %bitcast3A_422 : vector<16xf32>
      %add3A_2212 = arith.addf %add3A_2205, %mul3A_2211 : vector<16xf32>
      %mul3A_2213 = arith.mulf %gather3A_2210, %bitcast3A_437 : vector<16xf32>
      %add3A_2214 = arith.addf %add3A_2207, %mul3A_2213 : vector<16xf32>
      %broadcast_in_dim3A_2215 = arith.constant 41 : i32
      %broadcast_in_dim3A_2216 = vector.broadcast %broadcast_in_dim3A_2215 : i32 to vector<16xi32>
      %gather3A_2217 = tpu.vector_load_idx %arg18[%broadcast_in_dim3A_2216] : memref<48xf32, #tpu.memory_space<vmem>>[vector<16xi32>], vector<16xf32>,
      %mul3A_2218 = arith.mulf %gather3A_2217, %bitcast3A_456 : vector<16xf32>
      %add3A_2219 = arith.addf %add3A_2212, %mul3A_2218 : vector<16xf32>
      %mul3A_2220 = arith.mulf %gather3A_2217, %bitcast3A_471 : vector<16xf32>
      %add3A_2221 = arith.addf %add3A_2214, %mul3A_2220 : vector<16xf32>
      %broadcast_in_dim3A_2222 = arith.constant 42 : i32
      %broadcast_in_dim3A_2223 = vector.broadcast %broadcast_in_dim3A_2222 : i32 to vector<16xi32>
      %gather3A_2224 = tpu.vector_load_idx %arg18[%broadcast_in_dim3A_2223] : memref<48xf32, #tpu.memory_space<vmem>>[vector<16xi32>], vector<16xf32>,
      %mul3A_2225 = arith.mulf %gather3A_2224, %bitcast3A_490 : vector<16xf32>
      %add3A_2226 = arith.addf %add3A_2219, %mul3A_2225 : vector<16xf32>
      %mul3A_2227 = arith.mulf %gather3A_2224, %bitcast3A_505 : vector<16xf32>
      %add3A_2228 = arith.addf %add3A_2221, %mul3A_2227 : vector<16xf32>
      %broadcast_in_dim3A_2229 = arith.constant 43 : i32
      %broadcast_in_dim3A_2230 = vector.broadcast %broadcast_in_dim3A_2229 : i32 to vector<16xi32>
      %gather3A_2231 = tpu.vector_load_idx %arg18[%broadcast_in_dim3A_2230] : memref<48xf32, #tpu.memory_space<vmem>>[vector<16xi32>], vector<16xf32>,
      %mul3A_2232 = arith.mulf %gather3A_2231, %bitcast3A_524 : vector<16xf32>
      %add3A_2233 = arith.addf %add3A_2226, %mul3A_2232 : vector<16xf32>
      %mul3A_2234 = arith.mulf %gather3A_2231, %bitcast3A_539 : vector<16xf32>
      %add3A_2235 = arith.addf %add3A_2228, %mul3A_2234 : vector<16xf32>
      %broadcast_in_dim3A_2236 = arith.constant 44 : i32
      %broadcast_in_dim3A_2237 = vector.broadcast %broadcast_in_dim3A_2236 : i32 to vector<16xi32>
      %gather3A_2238 = tpu.vector_load_idx %arg18[%broadcast_in_dim3A_2237] : memref<48xf32, #tpu.memory_space<vmem>>[vector<16xi32>], vector<16xf32>,
      %mul3A_2239 = arith.mulf %gather3A_2238, %bitcast3A_558 : vector<16xf32>
      %add3A_2240 = arith.addf %add3A_2233, %mul3A_2239 : vector<16xf32>
      %mul3A_2241 = arith.mulf %gather3A_2238, %bitcast3A_573 : vector<16xf32>
      %add3A_2242 = arith.addf %add3A_2235, %mul3A_2241 : vector<16xf32>
      %broadcast_in_dim3A_2243 = arith.constant 45 : i32
      %broadcast_in_dim3A_2244 = vector.broadcast %broadcast_in_dim3A_2243 : i32 to vector<16xi32>
      %gather3A_2245 = tpu.vector_load_idx %arg18[%broadcast_in_dim3A_2244] : memref<48xf32, #tpu.memory_space<vmem>>[vector<16xi32>], vector<16xf32>,
      %mul3A_2246 = arith.mulf %gather3A_2245, %bitcast3A_592 : vector<16xf32>
      %add3A_2247 = arith.addf %add3A_2240, %mul3A_2246 : vector<16xf32>
      %mul3A_2248 = arith.mulf %gather3A_2245, %bitcast3A_607 : vector<16xf32>
      %add3A_2249 = arith.addf %add3A_2242, %mul3A_2248 : vector<16xf32>
      %bitcast3A_2250 = vector.bitcast %add3A_2247 : vector<16xf32> to vector<16xi32>
      %add3A_2251 = arith.constant 32767 : i32
      %add3A_2252 = vector.broadcast %add3A_2251 : i32 to vector<16xi32>
      %add3A_2253 = arith.addi %bitcast3A_2250, %add3A_2252 : vector<16xi32>
      %shift_right_logical3A_2254 = arith.constant 16 : i32
      %shift_right_logical3A_2255 = vector.broadcast %shift_right_logical3A_2254 : i32 to vector<16xi32>
      %shift_right_logical3A_2256 = arith.shrui %bitcast3A_2250, %shift_right_logical3A_2255 : vector<16xi32>
      %and3A_2257 = arith.constant 1 : i32
      %and3A_2258 = vector.broadcast %and3A_2257 : i32 to vector<16xi32>
      %and3A_2259 = arith.andi %shift_right_logical3A_2256, %and3A_2258 : vector<16xi32>
      %add3A_2260 = arith.addi %add3A_2253, %and3A_2259 : vector<16xi32>
      %and3A_2261 = arith.constant -65536 : i32
      %and3A_2262 = vector.broadcast %and3A_2261 : i32 to vector<16xi32>
      %and3A_2263 = arith.andi %add3A_2260, %and3A_2262 : vector<16xi32>
      %bitcast3A_2264 = vector.bitcast %and3A_2263 : vector<16xi32> to vector<16xf32>
      %bitcast3A_2265 = vector.bitcast %add3A_2249 : vector<16xf32> to vector<16xi32>
      %add3A_2266 = arith.constant 32767 : i32
      %add3A_2267 = vector.broadcast %add3A_2266 : i32 to vector<16xi32>
      %add3A_2268 = arith.addi %bitcast3A_2265, %add3A_2267 : vector<16xi32>
      %shift_right_logical3A_2269 = arith.constant 16 : i32
      %shift_right_logical3A_2270 = vector.broadcast %shift_right_logical3A_2269 : i32 to vector<16xi32>
      %shift_right_logical3A_2271 = arith.shrui %bitcast3A_2265, %shift_right_logical3A_2270 : vector<16xi32>
      %and3A_2272 = arith.constant 1 : i32
      %and3A_2273 = vector.broadcast %and3A_2272 : i32 to vector<16xi32>
      %and3A_2274 = arith.andi %shift_right_logical3A_2271, %and3A_2273 : vector<16xi32>
      %add3A_2275 = arith.addi %add3A_2268, %and3A_2274 : vector<16xi32>
      %and3A_2276 = arith.constant -65536 : i32
      %and3A_2277 = vector.broadcast %and3A_2276 : i32 to vector<16xi32>
      %and3A_2278 = arith.andi %add3A_2275, %and3A_2277 : vector<16xi32>
      %bitcast3A_2279 = vector.bitcast %and3A_2278 : vector<16xi32> to vector<16xf32>
      %mul3A_2280 = arith.mulf %bitcast3A_2264, %bitcast3A_628 : vector<16xf32>
      %mul3A_2281 = arith.mulf %bitcast3A_2279, %bitcast3A_643 : vector<16xf32>
      %add3A_2282 = arith.addf %mul3A_2280, %mul3A_2281 : vector<16xf32>
      %swap3A_2283 = arith.constant 32 : index
      %swap3A_2284 = tpu.vector_load %arg19[%swap3A_2283] {strides = array<i32>} : memref<256xf32, #tpu.memory_space<vmem>>, vector<16xf32>,
      tpu.vector_store %arg19[%swap3A_2283], %add3A_2282 {strides = array<i32>} : memref<256xf32, #tpu.memory_space<vmem>>, vector<16xf32>,
      %mul3A_2285 = arith.constant 16 : i32
      %mul3A_2286 = arith.muli %scan3A_656, %mul3A_2285 : i32
      %add3A_2287 = arith.constant 3 : i32
      %add3A_2288 = arith.addi %mul3A_2286, %add3A_2287 : i32
      %broadcast_in_dim3A_2289 = arith.constant 19 : i32
      %broadcast_in_dim3A_2290 = vector.broadcast %broadcast_in_dim3A_2289 : i32 to vector<16xi32>
      %gather3A_2291 = tpu.vector_load_idx %arg18[%broadcast_in_dim3A_2290] : memref<48xf32, #tpu.memory_space<vmem>>[vector<16xi32>], vector<16xf32>,
      %lt3A_2292 = arith.constant 14 : i32
      %lt3A_2293 = vector.broadcast %lt3A_2292 : i32 to vector<16xi32>
      %lt3A_2294 = arith.cmpi slt, %iota3A, %lt3A_2293 : vector<16xi32>
      %get3A_2295 = arith.index_cast %add3A_2288 : i32 to index
      %get3A_2296 = arith.constant 0 : index
      %get3A_2297 = tpu.vector_load %arg12[%get3A_2295, %get3A_2296] {strides = array<i32>} : memref<512x16xf32, #tpu.memory_space<vmem>>, vector<16xf32>,
      %jit3A_2298 = arith.constant 0.000000e+00 : f32
      %broadcast_in_dim3A_2299 = vector.broadcast %jit3A_2298 : f32 to vector<16xf32>
      %select_n3A_2300 = arith.select %lt3A_2294, %get3A_2297, %broadcast_in_dim3A_2299 : vector<16xi1>, vector<16xf32>
      %bitcast3A_2301 = vector.bitcast %select_n3A_2300 : vector<16xf32> to vector<16xi32>
      %add3A_2302 = arith.constant 32767 : i32
      %add3A_2303 = vector.broadcast %add3A_2302 : i32 to vector<16xi32>
      %add3A_2304 = arith.addi %bitcast3A_2301, %add3A_2303 : vector<16xi32>
      %shift_right_logical3A_2305 = arith.constant 16 : i32
      %shift_right_logical3A_2306 = vector.broadcast %shift_right_logical3A_2305 : i32 to vector<16xi32>
      %shift_right_logical3A_2307 = arith.shrui %bitcast3A_2301, %shift_right_logical3A_2306 : vector<16xi32>
      %and3A_2308 = arith.constant 1 : i32
      %and3A_2309 = vector.broadcast %and3A_2308 : i32 to vector<16xi32>
      %and3A_2310 = arith.andi %shift_right_logical3A_2307, %and3A_2309 : vector<16xi32>
      %add3A_2311 = arith.addi %add3A_2304, %and3A_2310 : vector<16xi32>
      %and3A_2312 = arith.constant -65536 : i32
      %and3A_2313 = vector.broadcast %and3A_2312 : i32 to vector<16xi32>
      %and3A_2314 = arith.andi %add3A_2311, %and3A_2313 : vector<16xi32>
      %bitcast3A_2315 = vector.bitcast %and3A_2314 : vector<16xi32> to vector<16xf32>
      %swap3A_2316 = arith.constant 32 : index
      %swap3A_2317 = tpu.vector_load %arg18[%swap3A_2316] {strides = array<i32>} : memref<48xf32, #tpu.memory_space<vmem>>, vector<16xf32>,
      tpu.vector_store %arg18[%swap3A_2316], %bitcast3A_2315 {strides = array<i32>} : memref<48xf32, #tpu.memory_space<vmem>>, vector<16xf32>,
      %mul3A_2318 = arith.mulf %gather3A_2291, %add3A_608 : vector<16xf32>
      %add3A_2319 = arith.addf %mul3A_2318, %get3A_645 : vector<16xf32>
      %mul3A_2320 = arith.mulf %gather3A_2291, %add3A_609 : vector<16xf32>
      %add3A_2321 = arith.addf %mul3A_2320, %get3A_647 : vector<16xf32>
      %broadcast_in_dim3A_2322 = arith.constant 32 : i32
      %broadcast_in_dim3A_2323 = vector.broadcast %broadcast_in_dim3A_2322 : i32 to vector<16xi32>
      %gather3A_2324 = tpu.vector_load_idx %arg18[%broadcast_in_dim3A_2323] : memref<48xf32, #tpu.memory_space<vmem>>[vector<16xi32>], vector<16xf32>,
      %mul3A_2325 = arith.mulf %gather3A_2324, %bitcast3A_150 : vector<16xf32>
      %add3A_2326 = arith.addf %add3A_2319, %mul3A_2325 : vector<16xf32>
      %mul3A_2327 = arith.mulf %gather3A_2324, %bitcast3A_165 : vector<16xf32>
      %add3A_2328 = arith.addf %add3A_2321, %mul3A_2327 : vector<16xf32>
      %broadcast_in_dim3A_2329 = arith.constant 33 : i32
      %broadcast_in_dim3A_2330 = vector.broadcast %broadcast_in_dim3A_2329 : i32 to vector<16xi32>
      %gather3A_2331 = tpu.vector_load_idx %arg18[%broadcast_in_dim3A_2330] : memref<48xf32, #tpu.memory_space<vmem>>[vector<16xi32>], vector<16xf32>,
      %mul3A_2332 = arith.mulf %gather3A_2331, %bitcast3A_184 : vector<16xf32>
      %add3A_2333 = arith.addf %add3A_2326, %mul3A_2332 : vector<16xf32>
      %mul3A_2334 = arith.mulf %gather3A_2331, %bitcast3A_199 : vector<16xf32>
      %add3A_2335 = arith.addf %add3A_2328, %mul3A_2334 : vector<16xf32>
      %broadcast_in_dim3A_2336 = arith.constant 34 : i32
      %broadcast_in_dim3A_2337 = vector.broadcast %broadcast_in_dim3A_2336 : i32 to vector<16xi32>
      %gather3A_2338 = tpu.vector_load_idx %arg18[%broadcast_in_dim3A_2337] : memref<48xf32, #tpu.memory_space<vmem>>[vector<16xi32>], vector<16xf32>,
      %mul3A_2339 = arith.mulf %gather3A_2338, %bitcast3A_218 : vector<16xf32>
      %add3A_2340 = arith.addf %add3A_2333, %mul3A_2339 : vector<16xf32>
      %mul3A_2341 = arith.mulf %gather3A_2338, %bitcast3A_233 : vector<16xf32>
      %add3A_2342 = arith.addf %add3A_2335, %mul3A_2341 : vector<16xf32>
      %broadcast_in_dim3A_2343 = arith.constant 35 : i32
      %broadcast_in_dim3A_2344 = vector.broadcast %broadcast_in_dim3A_2343 : i32 to vector<16xi32>
      %gather3A_2345 = tpu.vector_load_idx %arg18[%broadcast_in_dim3A_2344] : memref<48xf32, #tpu.memory_space<vmem>>[vector<16xi32>], vector<16xf32>,
      %mul3A_2346 = arith.mulf %gather3A_2345, %bitcast3A_252 : vector<16xf32>
      %add3A_2347 = arith.addf %add3A_2340, %mul3A_2346 : vector<16xf32>
      %mul3A_2348 = arith.mulf %gather3A_2345, %bitcast3A_267 : vector<16xf32>
      %add3A_2349 = arith.addf %add3A_2342, %mul3A_2348 : vector<16xf32>
      %broadcast_in_dim3A_2350 = arith.constant 36 : i32
      %broadcast_in_dim3A_2351 = vector.broadcast %broadcast_in_dim3A_2350 : i32 to vector<16xi32>
      %gather3A_2352 = tpu.vector_load_idx %arg18[%broadcast_in_dim3A_2351] : memref<48xf32, #tpu.memory_space<vmem>>[vector<16xi32>], vector<16xf32>,
      %mul3A_2353 = arith.mulf %gather3A_2352, %bitcast3A_286 : vector<16xf32>
      %add3A_2354 = arith.addf %add3A_2347, %mul3A_2353 : vector<16xf32>
      %mul3A_2355 = arith.mulf %gather3A_2352, %bitcast3A_301 : vector<16xf32>
      %add3A_2356 = arith.addf %add3A_2349, %mul3A_2355 : vector<16xf32>
      %broadcast_in_dim3A_2357 = arith.constant 37 : i32
      %broadcast_in_dim3A_2358 = vector.broadcast %broadcast_in_dim3A_2357 : i32 to vector<16xi32>
      %gather3A_2359 = tpu.vector_load_idx %arg18[%broadcast_in_dim3A_2358] : memref<48xf32, #tpu.memory_space<vmem>>[vector<16xi32>], vector<16xf32>,
      %mul3A_2360 = arith.mulf %gather3A_2359, %bitcast3A_320 : vector<16xf32>
      %add3A_2361 = arith.addf %add3A_2354, %mul3A_2360 : vector<16xf32>
      %mul3A_2362 = arith.mulf %gather3A_2359, %bitcast3A_335 : vector<16xf32>
      %add3A_2363 = arith.addf %add3A_2356, %mul3A_2362 : vector<16xf32>
      %broadcast_in_dim3A_2364 = arith.constant 38 : i32
      %broadcast_in_dim3A_2365 = vector.broadcast %broadcast_in_dim3A_2364 : i32 to vector<16xi32>
      %gather3A_2366 = tpu.vector_load_idx %arg18[%broadcast_in_dim3A_2365] : memref<48xf32, #tpu.memory_space<vmem>>[vector<16xi32>], vector<16xf32>,
      %mul3A_2367 = arith.mulf %gather3A_2366, %bitcast3A_354 : vector<16xf32>
      %add3A_2368 = arith.addf %add3A_2361, %mul3A_2367 : vector<16xf32>
      %mul3A_2369 = arith.mulf %gather3A_2366, %bitcast3A_369 : vector<16xf32>
      %add3A_2370 = arith.addf %add3A_2363, %mul3A_2369 : vector<16xf32>
      %broadcast_in_dim3A_2371 = arith.constant 39 : i32
      %broadcast_in_dim3A_2372 = vector.broadcast %broadcast_in_dim3A_2371 : i32 to vector<16xi32>
      %gather3A_2373 = tpu.vector_load_idx %arg18[%broadcast_in_dim3A_2372] : memref<48xf32, #tpu.memory_space<vmem>>[vector<16xi32>], vector<16xf32>,
      %mul3A_2374 = arith.mulf %gather3A_2373, %bitcast3A_388 : vector<16xf32>
      %add3A_2375 = arith.addf %add3A_2368, %mul3A_2374 : vector<16xf32>
      %mul3A_2376 = arith.mulf %gather3A_2373, %bitcast3A_403 : vector<16xf32>
      %add3A_2377 = arith.addf %add3A_2370, %mul3A_2376 : vector<16xf32>
      %broadcast_in_dim3A_2378 = arith.constant 40 : i32
      %broadcast_in_dim3A_2379 = vector.broadcast %broadcast_in_dim3A_2378 : i32 to vector<16xi32>
      %gather3A_2380 = tpu.vector_load_idx %arg18[%broadcast_in_dim3A_2379] : memref<48xf32, #tpu.memory_space<vmem>>[vector<16xi32>], vector<16xf32>,
      %mul3A_2381 = arith.mulf %gather3A_2380, %bitcast3A_422 : vector<16xf32>
      %add3A_2382 = arith.addf %add3A_2375, %mul3A_2381 : vector<16xf32>
      %mul3A_2383 = arith.mulf %gather3A_2380, %bitcast3A_437 : vector<16xf32>
      %add3A_2384 = arith.addf %add3A_2377, %mul3A_2383 : vector<16xf32>
      %broadcast_in_dim3A_2385 = arith.constant 41 : i32
      %broadcast_in_dim3A_2386 = vector.broadcast %broadcast_in_dim3A_2385 : i32 to vector<16xi32>
      %gather3A_2387 = tpu.vector_load_idx %arg18[%broadcast_in_dim3A_2386] : memref<48xf32, #tpu.memory_space<vmem>>[vector<16xi32>], vector<16xf32>,
      %mul3A_2388 = arith.mulf %gather3A_2387, %bitcast3A_456 : vector<16xf32>
      %add3A_2389 = arith.addf %add3A_2382, %mul3A_2388 : vector<16xf32>
      %mul3A_2390 = arith.mulf %gather3A_2387, %bitcast3A_471 : vector<16xf32>
      %add3A_2391 = arith.addf %add3A_2384, %mul3A_2390 : vector<16xf32>
      %broadcast_in_dim3A_2392 = arith.constant 42 : i32
      %broadcast_in_dim3A_2393 = vector.broadcast %broadcast_in_dim3A_2392 : i32 to vector<16xi32>
      %gather3A_2394 = tpu.vector_load_idx %arg18[%broadcast_in_dim3A_2393] : memref<48xf32, #tpu.memory_space<vmem>>[vector<16xi32>], vector<16xf32>,
      %mul3A_2395 = arith.mulf %gather3A_2394, %bitcast3A_490 : vector<16xf32>
      %add3A_2396 = arith.addf %add3A_2389, %mul3A_2395 : vector<16xf32>
      %mul3A_2397 = arith.mulf %gather3A_2394, %bitcast3A_505 : vector<16xf32>
      %add3A_2398 = arith.addf %add3A_2391, %mul3A_2397 : vector<16xf32>
      %broadcast_in_dim3A_2399 = arith.constant 43 : i32
      %broadcast_in_dim3A_2400 = vector.broadcast %broadcast_in_dim3A_2399 : i32 to vector<16xi32>
      %gather3A_2401 = tpu.vector_load_idx %arg18[%broadcast_in_dim3A_2400] : memref<48xf32, #tpu.memory_space<vmem>>[vector<16xi32>], vector<16xf32>,
      %mul3A_2402 = arith.mulf %gather3A_2401, %bitcast3A_524 : vector<16xf32>
      %add3A_2403 = arith.addf %add3A_2396, %mul3A_2402 : vector<16xf32>
      %mul3A_2404 = arith.mulf %gather3A_2401, %bitcast3A_539 : vector<16xf32>
      %add3A_2405 = arith.addf %add3A_2398, %mul3A_2404 : vector<16xf32>
      %broadcast_in_dim3A_2406 = arith.constant 44 : i32
      %broadcast_in_dim3A_2407 = vector.broadcast %broadcast_in_dim3A_2406 : i32 to vector<16xi32>
      %gather3A_2408 = tpu.vector_load_idx %arg18[%broadcast_in_dim3A_2407] : memref<48xf32, #tpu.memory_space<vmem>>[vector<16xi32>], vector<16xf32>,
      %mul3A_2409 = arith.mulf %gather3A_2408, %bitcast3A_558 : vector<16xf32>
      %add3A_2410 = arith.addf %add3A_2403, %mul3A_2409 : vector<16xf32>
      %mul3A_2411 = arith.mulf %gather3A_2408, %bitcast3A_573 : vector<16xf32>
      %add3A_2412 = arith.addf %add3A_2405, %mul3A_2411 : vector<16xf32>
      %broadcast_in_dim3A_2413 = arith.constant 45 : i32
      %broadcast_in_dim3A_2414 = vector.broadcast %broadcast_in_dim3A_2413 : i32 to vector<16xi32>
      %gather3A_2415 = tpu.vector_load_idx %arg18[%broadcast_in_dim3A_2414] : memref<48xf32, #tpu.memory_space<vmem>>[vector<16xi32>], vector<16xf32>,
      %mul3A_2416 = arith.mulf %gather3A_2415, %bitcast3A_592 : vector<16xf32>
      %add3A_2417 = arith.addf %add3A_2410, %mul3A_2416 : vector<16xf32>
      %mul3A_2418 = arith.mulf %gather3A_2415, %bitcast3A_607 : vector<16xf32>
      %add3A_2419 = arith.addf %add3A_2412, %mul3A_2418 : vector<16xf32>
      %bitcast3A_2420 = vector.bitcast %add3A_2417 : vector<16xf32> to vector<16xi32>
      %add3A_2421 = arith.constant 32767 : i32
      %add3A_2422 = vector.broadcast %add3A_2421 : i32 to vector<16xi32>
      %add3A_2423 = arith.addi %bitcast3A_2420, %add3A_2422 : vector<16xi32>
      %shift_right_logical3A_2424 = arith.constant 16 : i32
      %shift_right_logical3A_2425 = vector.broadcast %shift_right_logical3A_2424 : i32 to vector<16xi32>
      %shift_right_logical3A_2426 = arith.shrui %bitcast3A_2420, %shift_right_logical3A_2425 : vector<16xi32>
      %and3A_2427 = arith.constant 1 : i32
      %and3A_2428 = vector.broadcast %and3A_2427 : i32 to vector<16xi32>
      %and3A_2429 = arith.andi %shift_right_logical3A_2426, %and3A_2428 : vector<16xi32>
      %add3A_2430 = arith.addi %add3A_2423, %and3A_2429 : vector<16xi32>
      %and3A_2431 = arith.constant -65536 : i32
      %and3A_2432 = vector.broadcast %and3A_2431 : i32 to vector<16xi32>
      %and3A_2433 = arith.andi %add3A_2430, %and3A_2432 : vector<16xi32>
      %bitcast3A_2434 = vector.bitcast %and3A_2433 : vector<16xi32> to vector<16xf32>
      %bitcast3A_2435 = vector.bitcast %add3A_2419 : vector<16xf32> to vector<16xi32>
      %add3A_2436 = arith.constant 32767 : i32
      %add3A_2437 = vector.broadcast %add3A_2436 : i32 to vector<16xi32>
      %add3A_2438 = arith.addi %bitcast3A_2435, %add3A_2437 : vector<16xi32>
      %shift_right_logical3A_2439 = arith.constant 16 : i32
      %shift_right_logical3A_2440 = vector.broadcast %shift_right_logical3A_2439 : i32 to vector<16xi32>
      %shift_right_logical3A_2441 = arith.shrui %bitcast3A_2435, %shift_right_logical3A_2440 : vector<16xi32>
      %and3A_2442 = arith.constant 1 : i32
      %and3A_2443 = vector.broadcast %and3A_2442 : i32 to vector<16xi32>
      %and3A_2444 = arith.andi %shift_right_logical3A_2441, %and3A_2443 : vector<16xi32>
      %add3A_2445 = arith.addi %add3A_2438, %and3A_2444 : vector<16xi32>
      %and3A_2446 = arith.constant -65536 : i32
      %and3A_2447 = vector.broadcast %and3A_2446 : i32 to vector<16xi32>
      %and3A_2448 = arith.andi %add3A_2445, %and3A_2447 : vector<16xi32>
      %bitcast3A_2449 = vector.bitcast %and3A_2448 : vector<16xi32> to vector<16xf32>
      %mul3A_2450 = arith.mulf %bitcast3A_2434, %bitcast3A_628 : vector<16xf32>
      %mul3A_2451 = arith.mulf %bitcast3A_2449, %bitcast3A_643 : vector<16xf32>
      %add3A_2452 = arith.addf %mul3A_2450, %mul3A_2451 : vector<16xf32>
      %swap3A_2453 = arith.constant 48 : index
      %swap3A_2454 = tpu.vector_load %arg19[%swap3A_2453] {strides = array<i32>} : memref<256xf32, #tpu.memory_space<vmem>>, vector<16xf32>,
      tpu.vector_store %arg19[%swap3A_2453], %add3A_2452 {strides = array<i32>} : memref<256xf32, #tpu.memory_space<vmem>>, vector<16xf32>,
      %mul3A_2455 = arith.constant 16 : i32
      %mul3A_2456 = arith.muli %scan3A_656, %mul3A_2455 : i32
      %add3A_2457 = arith.constant 4 : i32
      %add3A_2458 = arith.addi %mul3A_2456, %add3A_2457 : i32
      %broadcast_in_dim3A_2459 = arith.constant 20 : i32
      %broadcast_in_dim3A_2460 = vector.broadcast %broadcast_in_dim3A_2459 : i32 to vector<16xi32>
      %gather3A_2461 = tpu.vector_load_idx %arg18[%broadcast_in_dim3A_2460] : memref<48xf32, #tpu.memory_space<vmem>>[vector<16xi32>], vector<16xf32>,
      %lt3A_2462 = arith.constant 14 : i32
      %lt3A_2463 = vector.broadcast %lt3A_2462 : i32 to vector<16xi32>
      %lt3A_2464 = arith.cmpi slt, %iota3A, %lt3A_2463 : vector<16xi32>
      %get3A_2465 = arith.index_cast %add3A_2458 : i32 to index
      %get3A_2466 = arith.constant 0 : index
      %get3A_2467 = tpu.vector_load %arg12[%get3A_2465, %get3A_2466] {strides = array<i32>} : memref<512x16xf32, #tpu.memory_space<vmem>>, vector<16xf32>,
      %jit3A_2468 = arith.constant 0.000000e+00 : f32
      %broadcast_in_dim3A_2469 = vector.broadcast %jit3A_2468 : f32 to vector<16xf32>
      %select_n3A_2470 = arith.select %lt3A_2464, %get3A_2467, %broadcast_in_dim3A_2469 : vector<16xi1>, vector<16xf32>
      %bitcast3A_2471 = vector.bitcast %select_n3A_2470 : vector<16xf32> to vector<16xi32>
      %add3A_2472 = arith.constant 32767 : i32
      %add3A_2473 = vector.broadcast %add3A_2472 : i32 to vector<16xi32>
      %add3A_2474 = arith.addi %bitcast3A_2471, %add3A_2473 : vector<16xi32>
      %shift_right_logical3A_2475 = arith.constant 16 : i32
      %shift_right_logical3A_2476 = vector.broadcast %shift_right_logical3A_2475 : i32 to vector<16xi32>
      %shift_right_logical3A_2477 = arith.shrui %bitcast3A_2471, %shift_right_logical3A_2476 : vector<16xi32>
      %and3A_2478 = arith.constant 1 : i32
      %and3A_2479 = vector.broadcast %and3A_2478 : i32 to vector<16xi32>
      %and3A_2480 = arith.andi %shift_right_logical3A_2477, %and3A_2479 : vector<16xi32>
      %add3A_2481 = arith.addi %add3A_2474, %and3A_2480 : vector<16xi32>
      %and3A_2482 = arith.constant -65536 : i32
      %and3A_2483 = vector.broadcast %and3A_2482 : i32 to vector<16xi32>
      %and3A_2484 = arith.andi %add3A_2481, %and3A_2483 : vector<16xi32>
      %bitcast3A_2485 = vector.bitcast %and3A_2484 : vector<16xi32> to vector<16xf32>
      %swap3A_2486 = arith.constant 32 : index
      %swap3A_2487 = tpu.vector_load %arg18[%swap3A_2486] {strides = array<i32>} : memref<48xf32, #tpu.memory_space<vmem>>, vector<16xf32>,
      tpu.vector_store %arg18[%swap3A_2486], %bitcast3A_2485 {strides = array<i32>} : memref<48xf32, #tpu.memory_space<vmem>>, vector<16xf32>,
      %mul3A_2488 = arith.mulf %gather3A_2461, %add3A_608 : vector<16xf32>
      %add3A_2489 = arith.addf %mul3A_2488, %get3A_645 : vector<16xf32>
      %mul3A_2490 = arith.mulf %gather3A_2461, %add3A_609 : vector<16xf32>
      %add3A_2491 = arith.addf %mul3A_2490, %get3A_647 : vector<16xf32>
      %broadcast_in_dim3A_2492 = arith.constant 32 : i32
      %broadcast_in_dim3A_2493 = vector.broadcast %broadcast_in_dim3A_2492 : i32 to vector<16xi32>
      %gather3A_2494 = tpu.vector_load_idx %arg18[%broadcast_in_dim3A_2493] : memref<48xf32, #tpu.memory_space<vmem>>[vector<16xi32>], vector<16xf32>,
      %mul3A_2495 = arith.mulf %gather3A_2494, %bitcast3A_150 : vector<16xf32>
      %add3A_2496 = arith.addf %add3A_2489, %mul3A_2495 : vector<16xf32>
      %mul3A_2497 = arith.mulf %gather3A_2494, %bitcast3A_165 : vector<16xf32>
      %add3A_2498 = arith.addf %add3A_2491, %mul3A_2497 : vector<16xf32>
      %broadcast_in_dim3A_2499 = arith.constant 33 : i32
      %broadcast_in_dim3A_2500 = vector.broadcast %broadcast_in_dim3A_2499 : i32 to vector<16xi32>
      %gather3A_2501 = tpu.vector_load_idx %arg18[%broadcast_in_dim3A_2500] : memref<48xf32, #tpu.memory_space<vmem>>[vector<16xi32>], vector<16xf32>,
      %mul3A_2502 = arith.mulf %gather3A_2501, %bitcast3A_184 : vector<16xf32>
      %add3A_2503 = arith.addf %add3A_2496, %mul3A_2502 : vector<16xf32>
      %mul3A_2504 = arith.mulf %gather3A_2501, %bitcast3A_199 : vector<16xf32>
      %add3A_2505 = arith.addf %add3A_2498, %mul3A_2504 : vector<16xf32>
      %broadcast_in_dim3A_2506 = arith.constant 34 : i32
      %broadcast_in_dim3A_2507 = vector.broadcast %broadcast_in_dim3A_2506 : i32 to vector<16xi32>
      %gather3A_2508 = tpu.vector_load_idx %arg18[%broadcast_in_dim3A_2507] : memref<48xf32, #tpu.memory_space<vmem>>[vector<16xi32>], vector<16xf32>,
      %mul3A_2509 = arith.mulf %gather3A_2508, %bitcast3A_218 : vector<16xf32>
      %add3A_2510 = arith.addf %add3A_2503, %mul3A_2509 : vector<16xf32>
      %mul3A_2511 = arith.mulf %gather3A_2508, %bitcast3A_233 : vector<16xf32>
      %add3A_2512 = arith.addf %add3A_2505, %mul3A_2511 : vector<16xf32>
      %broadcast_in_dim3A_2513 = arith.constant 35 : i32
      %broadcast_in_dim3A_2514 = vector.broadcast %broadcast_in_dim3A_2513 : i32 to vector<16xi32>
      %gather3A_2515 = tpu.vector_load_idx %arg18[%broadcast_in_dim3A_2514] : memref<48xf32, #tpu.memory_space<vmem>>[vector<16xi32>], vector<16xf32>,
      %mul3A_2516 = arith.mulf %gather3A_2515, %bitcast3A_252 : vector<16xf32>
      %add3A_2517 = arith.addf %add3A_2510, %mul3A_2516 : vector<16xf32>
      %mul3A_2518 = arith.mulf %gather3A_2515, %bitcast3A_267 : vector<16xf32>
      %add3A_2519 = arith.addf %add3A_2512, %mul3A_2518 : vector<16xf32>
      %broadcast_in_dim3A_2520 = arith.constant 36 : i32
      %broadcast_in_dim3A_2521 = vector.broadcast %broadcast_in_dim3A_2520 : i32 to vector<16xi32>
      %gather3A_2522 = tpu.vector_load_idx %arg18[%broadcast_in_dim3A_2521] : memref<48xf32, #tpu.memory_space<vmem>>[vector<16xi32>], vector<16xf32>,
      %mul3A_2523 = arith.mulf %gather3A_2522, %bitcast3A_286 : vector<16xf32>
      %add3A_2524 = arith.addf %add3A_2517, %mul3A_2523 : vector<16xf32>
      %mul3A_2525 = arith.mulf %gather3A_2522, %bitcast3A_301 : vector<16xf32>
      %add3A_2526 = arith.addf %add3A_2519, %mul3A_2525 : vector<16xf32>
      %broadcast_in_dim3A_2527 = arith.constant 37 : i32
      %broadcast_in_dim3A_2528 = vector.broadcast %broadcast_in_dim3A_2527 : i32 to vector<16xi32>
      %gather3A_2529 = tpu.vector_load_idx %arg18[%broadcast_in_dim3A_2528] : memref<48xf32, #tpu.memory_space<vmem>>[vector<16xi32>], vector<16xf32>,
      %mul3A_2530 = arith.mulf %gather3A_2529, %bitcast3A_320 : vector<16xf32>
      %add3A_2531 = arith.addf %add3A_2524, %mul3A_2530 : vector<16xf32>
      %mul3A_2532 = arith.mulf %gather3A_2529, %bitcast3A_335 : vector<16xf32>
      %add3A_2533 = arith.addf %add3A_2526, %mul3A_2532 : vector<16xf32>
      %broadcast_in_dim3A_2534 = arith.constant 38 : i32
      %broadcast_in_dim3A_2535 = vector.broadcast %broadcast_in_dim3A_2534 : i32 to vector<16xi32>
      %gather3A_2536 = tpu.vector_load_idx %arg18[%broadcast_in_dim3A_2535] : memref<48xf32, #tpu.memory_space<vmem>>[vector<16xi32>], vector<16xf32>,
      %mul3A_2537 = arith.mulf %gather3A_2536, %bitcast3A_354 : vector<16xf32>
      %add3A_2538 = arith.addf %add3A_2531, %mul3A_2537 : vector<16xf32>
      %mul3A_2539 = arith.mulf %gather3A_2536, %bitcast3A_369 : vector<16xf32>
      %add3A_2540 = arith.addf %add3A_2533, %mul3A_2539 : vector<16xf32>
      %broadcast_in_dim3A_2541 = arith.constant 39 : i32
      %broadcast_in_dim3A_2542 = vector.broadcast %broadcast_in_dim3A_2541 : i32 to vector<16xi32>
      %gather3A_2543 = tpu.vector_load_idx %arg18[%broadcast_in_dim3A_2542] : memref<48xf32, #tpu.memory_space<vmem>>[vector<16xi32>], vector<16xf32>,
      %mul3A_2544 = arith.mulf %gather3A_2543, %bitcast3A_388 : vector<16xf32>
      %add3A_2545 = arith.addf %add3A_2538, %mul3A_2544 : vector<16xf32>
      %mul3A_2546 = arith.mulf %gather3A_2543, %bitcast3A_403 : vector<16xf32>
      %add3A_2547 = arith.addf %add3A_2540, %mul3A_2546 : vector<16xf32>
      %broadcast_in_dim3A_2548 = arith.constant 40 : i32
      %broadcast_in_dim3A_2549 = vector.broadcast %broadcast_in_dim3A_2548 : i32 to vector<16xi32>
      %gather3A_2550 = tpu.vector_load_idx %arg18[%broadcast_in_dim3A_2549] : memref<48xf32, #tpu.memory_space<vmem>>[vector<16xi32>], vector<16xf32>,
      %mul3A_2551 = arith.mulf %gather3A_2550, %bitcast3A_422 : vector<16xf32>
      %add3A_2552 = arith.addf %add3A_2545, %mul3A_2551 : vector<16xf32>
      %mul3A_2553 = arith.mulf %gather3A_2550, %bitcast3A_437 : vector<16xf32>
      %add3A_2554 = arith.addf %add3A_2547, %mul3A_2553 : vector<16xf32>
      %broadcast_in_dim3A_2555 = arith.constant 41 : i32
      %broadcast_in_dim3A_2556 = vector.broadcast %broadcast_in_dim3A_2555 : i32 to vector<16xi32>
      %gather3A_2557 = tpu.vector_load_idx %arg18[%broadcast_in_dim3A_2556] : memref<48xf32, #tpu.memory_space<vmem>>[vector<16xi32>], vector<16xf32>,
      %mul3A_2558 = arith.mulf %gather3A_2557, %bitcast3A_456 : vector<16xf32>
      %add3A_2559 = arith.addf %add3A_2552, %mul3A_2558 : vector<16xf32>
      %mul3A_2560 = arith.mulf %gather3A_2557, %bitcast3A_471 : vector<16xf32>
      %add3A_2561 = arith.addf %add3A_2554, %mul3A_2560 : vector<16xf32>
      %broadcast_in_dim3A_2562 = arith.constant 42 : i32
      %broadcast_in_dim3A_2563 = vector.broadcast %broadcast_in_dim3A_2562 : i32 to vector<16xi32>
      %gather3A_2564 = tpu.vector_load_idx %arg18[%broadcast_in_dim3A_2563] : memref<48xf32, #tpu.memory_space<vmem>>[vector<16xi32>], vector<16xf32>,
      %mul3A_2565 = arith.mulf %gather3A_2564, %bitcast3A_490 : vector<16xf32>
      %add3A_2566 = arith.addf %add3A_2559, %mul3A_2565 : vector<16xf32>
      %mul3A_2567 = arith.mulf %gather3A_2564, %bitcast3A_505 : vector<16xf32>
      %add3A_2568 = arith.addf %add3A_2561, %mul3A_2567 : vector<16xf32>
      %broadcast_in_dim3A_2569 = arith.constant 43 : i32
      %broadcast_in_dim3A_2570 = vector.broadcast %broadcast_in_dim3A_2569 : i32 to vector<16xi32>
      %gather3A_2571 = tpu.vector_load_idx %arg18[%broadcast_in_dim3A_2570] : memref<48xf32, #tpu.memory_space<vmem>>[vector<16xi32>], vector<16xf32>,
      %mul3A_2572 = arith.mulf %gather3A_2571, %bitcast3A_524 : vector<16xf32>
      %add3A_2573 = arith.addf %add3A_2566, %mul3A_2572 : vector<16xf32>
      %mul3A_2574 = arith.mulf %gather3A_2571, %bitcast3A_539 : vector<16xf32>
      %add3A_2575 = arith.addf %add3A_2568, %mul3A_2574 : vector<16xf32>
      %broadcast_in_dim3A_2576 = arith.constant 44 : i32
      %broadcast_in_dim3A_2577 = vector.broadcast %broadcast_in_dim3A_2576 : i32 to vector<16xi32>
      %gather3A_2578 = tpu.vector_load_idx %arg18[%broadcast_in_dim3A_2577] : memref<48xf32, #tpu.memory_space<vmem>>[vector<16xi32>], vector<16xf32>,
      %mul3A_2579 = arith.mulf %gather3A_2578, %bitcast3A_558 : vector<16xf32>
      %add3A_2580 = arith.addf %add3A_2573, %mul3A_2579 : vector<16xf32>
      %mul3A_2581 = arith.mulf %gather3A_2578, %bitcast3A_573 : vector<16xf32>
      %add3A_2582 = arith.addf %add3A_2575, %mul3A_2581 : vector<16xf32>
      %broadcast_in_dim3A_2583 = arith.constant 45 : i32
      %broadcast_in_dim3A_2584 = vector.broadcast %broadcast_in_dim3A_2583 : i32 to vector<16xi32>
      %gather3A_2585 = tpu.vector_load_idx %arg18[%broadcast_in_dim3A_2584] : memref<48xf32, #tpu.memory_space<vmem>>[vector<16xi32>], vector<16xf32>,
      %mul3A_2586 = arith.mulf %gather3A_2585, %bitcast3A_592 : vector<16xf32>
      %add3A_2587 = arith.addf %add3A_2580, %mul3A_2586 : vector<16xf32>
      %mul3A_2588 = arith.mulf %gather3A_2585, %bitcast3A_607 : vector<16xf32>
      %add3A_2589 = arith.addf %add3A_2582, %mul3A_2588 : vector<16xf32>
      %bitcast3A_2590 = vector.bitcast %add3A_2587 : vector<16xf32> to vector<16xi32>
      %add3A_2591 = arith.constant 32767 : i32
      %add3A_2592 = vector.broadcast %add3A_2591 : i32 to vector<16xi32>
      %add3A_2593 = arith.addi %bitcast3A_2590, %add3A_2592 : vector<16xi32>
      %shift_right_logical3A_2594 = arith.constant 16 : i32
      %shift_right_logical3A_2595 = vector.broadcast %shift_right_logical3A_2594 : i32 to vector<16xi32>
      %shift_right_logical3A_2596 = arith.shrui %bitcast3A_2590, %shift_right_logical3A_2595 : vector<16xi32>
      %and3A_2597 = arith.constant 1 : i32
      %and3A_2598 = vector.broadcast %and3A_2597 : i32 to vector<16xi32>
      %and3A_2599 = arith.andi %shift_right_logical3A_2596, %and3A_2598 : vector<16xi32>
      %add3A_2600 = arith.addi %add3A_2593, %and3A_2599 : vector<16xi32>
      %and3A_2601 = arith.constant -65536 : i32
      %and3A_2602 = vector.broadcast %and3A_2601 : i32 to vector<16xi32>
      %and3A_2603 = arith.andi %add3A_2600, %and3A_2602 : vector<16xi32>
      %bitcast3A_2604 = vector.bitcast %and3A_2603 : vector<16xi32> to vector<16xf32>
      %bitcast3A_2605 = vector.bitcast %add3A_2589 : vector<16xf32> to vector<16xi32>
      %add3A_2606 = arith.constant 32767 : i32
      %add3A_2607 = vector.broadcast %add3A_2606 : i32 to vector<16xi32>
      %add3A_2608 = arith.addi %bitcast3A_2605, %add3A_2607 : vector<16xi32>
      %shift_right_logical3A_2609 = arith.constant 16 : i32
      %shift_right_logical3A_2610 = vector.broadcast %shift_right_logical3A_2609 : i32 to vector<16xi32>
      %shift_right_logical3A_2611 = arith.shrui %bitcast3A_2605, %shift_right_logical3A_2610 : vector<16xi32>
      %and3A_2612 = arith.constant 1 : i32
      %and3A_2613 = vector.broadcast %and3A_2612 : i32 to vector<16xi32>
      %and3A_2614 = arith.andi %shift_right_logical3A_2611, %and3A_2613 : vector<16xi32>
      %add3A_2615 = arith.addi %add3A_2608, %and3A_2614 : vector<16xi32>
      %and3A_2616 = arith.constant -65536 : i32
      %and3A_2617 = vector.broadcast %and3A_2616 : i32 to vector<16xi32>
      %and3A_2618 = arith.andi %add3A_2615, %and3A_2617 : vector<16xi32>
      %bitcast3A_2619 = vector.bitcast %and3A_2618 : vector<16xi32> to vector<16xf32>
      %mul3A_2620 = arith.mulf %bitcast3A_2604, %bitcast3A_628 : vector<16xf32>
      %mul3A_2621 = arith.mulf %bitcast3A_2619, %bitcast3A_643 : vector<16xf32>
      %add3A_2622 = arith.addf %mul3A_2620, %mul3A_2621 : vector<16xf32>
      %swap3A_2623 = arith.constant 64 : index
      %swap3A_2624 = tpu.vector_load %arg19[%swap3A_2623] {strides = array<i32>} : memref<256xf32, #tpu.memory_space<vmem>>, vector<16xf32>,
      tpu.vector_store %arg19[%swap3A_2623], %add3A_2622 {strides = array<i32>} : memref<256xf32, #tpu.memory_space<vmem>>, vector<16xf32>,
      %mul3A_2625 = arith.constant 16 : i32
      %mul3A_2626 = arith.muli %scan3A_656, %mul3A_2625 : i32
      %add3A_2627 = arith.constant 5 : i32
      %add3A_2628 = arith.addi %mul3A_2626, %add3A_2627 : i32
      %broadcast_in_dim3A_2629 = arith.constant 21 : i32
      %broadcast_in_dim3A_2630 = vector.broadcast %broadcast_in_dim3A_2629 : i32 to vector<16xi32>
      %gather3A_2631 = tpu.vector_load_idx %arg18[%broadcast_in_dim3A_2630] : memref<48xf32, #tpu.memory_space<vmem>>[vector<16xi32>], vector<16xf32>,
      %lt3A_2632 = arith.constant 14 : i32
      %lt3A_2633 = vector.broadcast %lt3A_2632 : i32 to vector<16xi32>
      %lt3A_2634 = arith.cmpi slt, %iota3A, %lt3A_2633 : vector<16xi32>
      %get3A_2635 = arith.index_cast %add3A_2628 : i32 to index
      %get3A_2636 = arith.constant 0 : index
      %get3A_2637 = tpu.vector_load %arg12[%get3A_2635, %get3A_2636] {strides = array<i32>} : memref<512x16xf32, #tpu.memory_space<vmem>>, vector<16xf32>,
      %jit3A_2638 = arith.constant 0.000000e+00 : f32
      %broadcast_in_dim3A_2639 = vector.broadcast %jit3A_2638 : f32 to vector<16xf32>
      %select_n3A_2640 = arith.select %lt3A_2634, %get3A_2637, %broadcast_in_dim3A_2639 : vector<16xi1>, vector<16xf32>
      %bitcast3A_2641 = vector.bitcast %select_n3A_2640 : vector<16xf32> to vector<16xi32>
      %add3A_2642 = arith.constant 32767 : i32
      %add3A_2643 = vector.broadcast %add3A_2642 : i32 to vector<16xi32>
      %add3A_2644 = arith.addi %bitcast3A_2641, %add3A_2643 : vector<16xi32>
      %shift_right_logical3A_2645 = arith.constant 16 : i32
      %shift_right_logical3A_2646 = vector.broadcast %shift_right_logical3A_2645 : i32 to vector<16xi32>
      %shift_right_logical3A_2647 = arith.shrui %bitcast3A_2641, %shift_right_logical3A_2646 : vector<16xi32>
      %and3A_2648 = arith.constant 1 : i32
      %and3A_2649 = vector.broadcast %and3A_2648 : i32 to vector<16xi32>
      %and3A_2650 = arith.andi %shift_right_logical3A_2647, %and3A_2649 : vector<16xi32>
      %add3A_2651 = arith.addi %add3A_2644, %and3A_2650 : vector<16xi32>
      %and3A_2652 = arith.constant -65536 : i32
      %and3A_2653 = vector.broadcast %and3A_2652 : i32 to vector<16xi32>
      %and3A_2654 = arith.andi %add3A_2651, %and3A_2653 : vector<16xi32>
      %bitcast3A_2655 = vector.bitcast %and3A_2654 : vector<16xi32> to vector<16xf32>
      %swap3A_2656 = arith.constant 32 : index
      %swap3A_2657 = tpu.vector_load %arg18[%swap3A_2656] {strides = array<i32>} : memref<48xf32, #tpu.memory_space<vmem>>, vector<16xf32>,
      tpu.vector_store %arg18[%swap3A_2656], %bitcast3A_2655 {strides = array<i32>} : memref<48xf32, #tpu.memory_space<vmem>>, vector<16xf32>,
      %mul3A_2658 = arith.mulf %gather3A_2631, %add3A_608 : vector<16xf32>
      %add3A_2659 = arith.addf %mul3A_2658, %get3A_645 : vector<16xf32>
      %mul3A_2660 = arith.mulf %gather3A_2631, %add3A_609 : vector<16xf32>
      %add3A_2661 = arith.addf %mul3A_2660, %get3A_647 : vector<16xf32>
      %broadcast_in_dim3A_2662 = arith.constant 32 : i32
      %broadcast_in_dim3A_2663 = vector.broadcast %broadcast_in_dim3A_2662 : i32 to vector<16xi32>
      %gather3A_2664 = tpu.vector_load_idx %arg18[%broadcast_in_dim3A_2663] : memref<48xf32, #tpu.memory_space<vmem>>[vector<16xi32>], vector<16xf32>,
      %mul3A_2665 = arith.mulf %gather3A_2664, %bitcast3A_150 : vector<16xf32>
      %add3A_2666 = arith.addf %add3A_2659, %mul3A_2665 : vector<16xf32>
      %mul3A_2667 = arith.mulf %gather3A_2664, %bitcast3A_165 : vector<16xf32>
      %add3A_2668 = arith.addf %add3A_2661, %mul3A_2667 : vector<16xf32>
      %broadcast_in_dim3A_2669 = arith.constant 33 : i32
      %broadcast_in_dim3A_2670 = vector.broadcast %broadcast_in_dim3A_2669 : i32 to vector<16xi32>
      %gather3A_2671 = tpu.vector_load_idx %arg18[%broadcast_in_dim3A_2670] : memref<48xf32, #tpu.memory_space<vmem>>[vector<16xi32>], vector<16xf32>,
      %mul3A_2672 = arith.mulf %gather3A_2671, %bitcast3A_184 : vector<16xf32>
      %add3A_2673 = arith.addf %add3A_2666, %mul3A_2672 : vector<16xf32>
      %mul3A_2674 = arith.mulf %gather3A_2671, %bitcast3A_199 : vector<16xf32>
      %add3A_2675 = arith.addf %add3A_2668, %mul3A_2674 : vector<16xf32>
      %broadcast_in_dim3A_2676 = arith.constant 34 : i32
      %broadcast_in_dim3A_2677 = vector.broadcast %broadcast_in_dim3A_2676 : i32 to vector<16xi32>
      %gather3A_2678 = tpu.vector_load_idx %arg18[%broadcast_in_dim3A_2677] : memref<48xf32, #tpu.memory_space<vmem>>[vector<16xi32>], vector<16xf32>,
      %mul3A_2679 = arith.mulf %gather3A_2678, %bitcast3A_218 : vector<16xf32>
      %add3A_2680 = arith.addf %add3A_2673, %mul3A_2679 : vector<16xf32>
      %mul3A_2681 = arith.mulf %gather3A_2678, %bitcast3A_233 : vector<16xf32>
      %add3A_2682 = arith.addf %add3A_2675, %mul3A_2681 : vector<16xf32>
      %broadcast_in_dim3A_2683 = arith.constant 35 : i32
      %broadcast_in_dim3A_2684 = vector.broadcast %broadcast_in_dim3A_2683 : i32 to vector<16xi32>
      %gather3A_2685 = tpu.vector_load_idx %arg18[%broadcast_in_dim3A_2684] : memref<48xf32, #tpu.memory_space<vmem>>[vector<16xi32>], vector<16xf32>,
      %mul3A_2686 = arith.mulf %gather3A_2685, %bitcast3A_252 : vector<16xf32>
      %add3A_2687 = arith.addf %add3A_2680, %mul3A_2686 : vector<16xf32>
      %mul3A_2688 = arith.mulf %gather3A_2685, %bitcast3A_267 : vector<16xf32>
      %add3A_2689 = arith.addf %add3A_2682, %mul3A_2688 : vector<16xf32>
      %broadcast_in_dim3A_2690 = arith.constant 36 : i32
      %broadcast_in_dim3A_2691 = vector.broadcast %broadcast_in_dim3A_2690 : i32 to vector<16xi32>
      %gather3A_2692 = tpu.vector_load_idx %arg18[%broadcast_in_dim3A_2691] : memref<48xf32, #tpu.memory_space<vmem>>[vector<16xi32>], vector<16xf32>,
      %mul3A_2693 = arith.mulf %gather3A_2692, %bitcast3A_286 : vector<16xf32>
      %add3A_2694 = arith.addf %add3A_2687, %mul3A_2693 : vector<16xf32>
      %mul3A_2695 = arith.mulf %gather3A_2692, %bitcast3A_301 : vector<16xf32>
      %add3A_2696 = arith.addf %add3A_2689, %mul3A_2695 : vector<16xf32>
      %broadcast_in_dim3A_2697 = arith.constant 37 : i32
      %broadcast_in_dim3A_2698 = vector.broadcast %broadcast_in_dim3A_2697 : i32 to vector<16xi32>
      %gather3A_2699 = tpu.vector_load_idx %arg18[%broadcast_in_dim3A_2698] : memref<48xf32, #tpu.memory_space<vmem>>[vector<16xi32>], vector<16xf32>,
      %mul3A_2700 = arith.mulf %gather3A_2699, %bitcast3A_320 : vector<16xf32>
      %add3A_2701 = arith.addf %add3A_2694, %mul3A_2700 : vector<16xf32>
      %mul3A_2702 = arith.mulf %gather3A_2699, %bitcast3A_335 : vector<16xf32>
      %add3A_2703 = arith.addf %add3A_2696, %mul3A_2702 : vector<16xf32>
      %broadcast_in_dim3A_2704 = arith.constant 38 : i32
      %broadcast_in_dim3A_2705 = vector.broadcast %broadcast_in_dim3A_2704 : i32 to vector<16xi32>
      %gather3A_2706 = tpu.vector_load_idx %arg18[%broadcast_in_dim3A_2705] : memref<48xf32, #tpu.memory_space<vmem>>[vector<16xi32>], vector<16xf32>,
      %mul3A_2707 = arith.mulf %gather3A_2706, %bitcast3A_354 : vector<16xf32>
      %add3A_2708 = arith.addf %add3A_2701, %mul3A_2707 : vector<16xf32>
      %mul3A_2709 = arith.mulf %gather3A_2706, %bitcast3A_369 : vector<16xf32>
      %add3A_2710 = arith.addf %add3A_2703, %mul3A_2709 : vector<16xf32>
      %broadcast_in_dim3A_2711 = arith.constant 39 : i32
      %broadcast_in_dim3A_2712 = vector.broadcast %broadcast_in_dim3A_2711 : i32 to vector<16xi32>
      %gather3A_2713 = tpu.vector_load_idx %arg18[%broadcast_in_dim3A_2712] : memref<48xf32, #tpu.memory_space<vmem>>[vector<16xi32>], vector<16xf32>,
      %mul3A_2714 = arith.mulf %gather3A_2713, %bitcast3A_388 : vector<16xf32>
      %add3A_2715 = arith.addf %add3A_2708, %mul3A_2714 : vector<16xf32>
      %mul3A_2716 = arith.mulf %gather3A_2713, %bitcast3A_403 : vector<16xf32>
      %add3A_2717 = arith.addf %add3A_2710, %mul3A_2716 : vector<16xf32>
      %broadcast_in_dim3A_2718 = arith.constant 40 : i32
      %broadcast_in_dim3A_2719 = vector.broadcast %broadcast_in_dim3A_2718 : i32 to vector<16xi32>
      %gather3A_2720 = tpu.vector_load_idx %arg18[%broadcast_in_dim3A_2719] : memref<48xf32, #tpu.memory_space<vmem>>[vector<16xi32>], vector<16xf32>,
      %mul3A_2721 = arith.mulf %gather3A_2720, %bitcast3A_422 : vector<16xf32>
      %add3A_2722 = arith.addf %add3A_2715, %mul3A_2721 : vector<16xf32>
      %mul3A_2723 = arith.mulf %gather3A_2720, %bitcast3A_437 : vector<16xf32>
      %add3A_2724 = arith.addf %add3A_2717, %mul3A_2723 : vector<16xf32>
      %broadcast_in_dim3A_2725 = arith.constant 41 : i32
      %broadcast_in_dim3A_2726 = vector.broadcast %broadcast_in_dim3A_2725 : i32 to vector<16xi32>
      %gather3A_2727 = tpu.vector_load_idx %arg18[%broadcast_in_dim3A_2726] : memref<48xf32, #tpu.memory_space<vmem>>[vector<16xi32>], vector<16xf32>,
      %mul3A_2728 = arith.mulf %gather3A_2727, %bitcast3A_456 : vector<16xf32>
      %add3A_2729 = arith.addf %add3A_2722, %mul3A_2728 : vector<16xf32>
      %mul3A_2730 = arith.mulf %gather3A_2727, %bitcast3A_471 : vector<16xf32>
      %add3A_2731 = arith.addf %add3A_2724, %mul3A_2730 : vector<16xf32>
      %broadcast_in_dim3A_2732 = arith.constant 42 : i32
      %broadcast_in_dim3A_2733 = vector.broadcast %broadcast_in_dim3A_2732 : i32 to vector<16xi32>
      %gather3A_2734 = tpu.vector_load_idx %arg18[%broadcast_in_dim3A_2733] : memref<48xf32, #tpu.memory_space<vmem>>[vector<16xi32>], vector<16xf32>,
      %mul3A_2735 = arith.mulf %gather3A_2734, %bitcast3A_490 : vector<16xf32>
      %add3A_2736 = arith.addf %add3A_2729, %mul3A_2735 : vector<16xf32>
      %mul3A_2737 = arith.mulf %gather3A_2734, %bitcast3A_505 : vector<16xf32>
      %add3A_2738 = arith.addf %add3A_2731, %mul3A_2737 : vector<16xf32>
      %broadcast_in_dim3A_2739 = arith.constant 43 : i32
      %broadcast_in_dim3A_2740 = vector.broadcast %broadcast_in_dim3A_2739 : i32 to vector<16xi32>
      %gather3A_2741 = tpu.vector_load_idx %arg18[%broadcast_in_dim3A_2740] : memref<48xf32, #tpu.memory_space<vmem>>[vector<16xi32>], vector<16xf32>,
      %mul3A_2742 = arith.mulf %gather3A_2741, %bitcast3A_524 : vector<16xf32>
      %add3A_2743 = arith.addf %add3A_2736, %mul3A_2742 : vector<16xf32>
      %mul3A_2744 = arith.mulf %gather3A_2741, %bitcast3A_539 : vector<16xf32>
      %add3A_2745 = arith.addf %add3A_2738, %mul3A_2744 : vector<16xf32>
      %broadcast_in_dim3A_2746 = arith.constant 44 : i32
      %broadcast_in_dim3A_2747 = vector.broadcast %broadcast_in_dim3A_2746 : i32 to vector<16xi32>
      %gather3A_2748 = tpu.vector_load_idx %arg18[%broadcast_in_dim3A_2747] : memref<48xf32, #tpu.memory_space<vmem>>[vector<16xi32>], vector<16xf32>,
      %mul3A_2749 = arith.mulf %gather3A_2748, %bitcast3A_558 : vector<16xf32>
      %add3A_2750 = arith.addf %add3A_2743, %mul3A_2749 : vector<16xf32>
      %mul3A_2751 = arith.mulf %gather3A_2748, %bitcast3A_573 : vector<16xf32>
      %add3A_2752 = arith.addf %add3A_2745, %mul3A_2751 : vector<16xf32>
      %broadcast_in_dim3A_2753 = arith.constant 45 : i32
      %broadcast_in_dim3A_2754 = vector.broadcast %broadcast_in_dim3A_2753 : i32 to vector<16xi32>
      %gather3A_2755 = tpu.vector_load_idx %arg18[%broadcast_in_dim3A_2754] : memref<48xf32, #tpu.memory_space<vmem>>[vector<16xi32>], vector<16xf32>,
      %mul3A_2756 = arith.mulf %gather3A_2755, %bitcast3A_592 : vector<16xf32>
      %add3A_2757 = arith.addf %add3A_2750, %mul3A_2756 : vector<16xf32>
      %mul3A_2758 = arith.mulf %gather3A_2755, %bitcast3A_607 : vector<16xf32>
      %add3A_2759 = arith.addf %add3A_2752, %mul3A_2758 : vector<16xf32>
      %bitcast3A_2760 = vector.bitcast %add3A_2757 : vector<16xf32> to vector<16xi32>
      %add3A_2761 = arith.constant 32767 : i32
      %add3A_2762 = vector.broadcast %add3A_2761 : i32 to vector<16xi32>
      %add3A_2763 = arith.addi %bitcast3A_2760, %add3A_2762 : vector<16xi32>
      %shift_right_logical3A_2764 = arith.constant 16 : i32
      %shift_right_logical3A_2765 = vector.broadcast %shift_right_logical3A_2764 : i32 to vector<16xi32>
      %shift_right_logical3A_2766 = arith.shrui %bitcast3A_2760, %shift_right_logical3A_2765 : vector<16xi32>
      %and3A_2767 = arith.constant 1 : i32
      %and3A_2768 = vector.broadcast %and3A_2767 : i32 to vector<16xi32>
      %and3A_2769 = arith.andi %shift_right_logical3A_2766, %and3A_2768 : vector<16xi32>
      %add3A_2770 = arith.addi %add3A_2763, %and3A_2769 : vector<16xi32>
      %and3A_2771 = arith.constant -65536 : i32
      %and3A_2772 = vector.broadcast %and3A_2771 : i32 to vector<16xi32>
      %and3A_2773 = arith.andi %add3A_2770, %and3A_2772 : vector<16xi32>
      %bitcast3A_2774 = vector.bitcast %and3A_2773 : vector<16xi32> to vector<16xf32>
      %bitcast3A_2775 = vector.bitcast %add3A_2759 : vector<16xf32> to vector<16xi32>
      %add3A_2776 = arith.constant 32767 : i32
      %add3A_2777 = vector.broadcast %add3A_2776 : i32 to vector<16xi32>
      %add3A_2778 = arith.addi %bitcast3A_2775, %add3A_2777 : vector<16xi32>
      %shift_right_logical3A_2779 = arith.constant 16 : i32
      %shift_right_logical3A_2780 = vector.broadcast %shift_right_logical3A_2779 : i32 to vector<16xi32>
      %shift_right_logical3A_2781 = arith.shrui %bitcast3A_2775, %shift_right_logical3A_2780 : vector<16xi32>
      %and3A_2782 = arith.constant 1 : i32
      %and3A_2783 = vector.broadcast %and3A_2782 : i32 to vector<16xi32>
      %and3A_2784 = arith.andi %shift_right_logical3A_2781, %and3A_2783 : vector<16xi32>
      %add3A_2785 = arith.addi %add3A_2778, %and3A_2784 : vector<16xi32>
      %and3A_2786 = arith.constant -65536 : i32
      %and3A_2787 = vector.broadcast %and3A_2786 : i32 to vector<16xi32>
      %and3A_2788 = arith.andi %add3A_2785, %and3A_2787 : vector<16xi32>
      %bitcast3A_2789 = vector.bitcast %and3A_2788 : vector<16xi32> to vector<16xf32>
      %mul3A_2790 = arith.mulf %bitcast3A_2774, %bitcast3A_628 : vector<16xf32>
      %mul3A_2791 = arith.mulf %bitcast3A_2789, %bitcast3A_643 : vector<16xf32>
      %add3A_2792 = arith.addf %mul3A_2790, %mul3A_2791 : vector<16xf32>
      %swap3A_2793 = arith.constant 80 : index
      %swap3A_2794 = tpu.vector_load %arg19[%swap3A_2793] {strides = array<i32>} : memref<256xf32, #tpu.memory_space<vmem>>, vector<16xf32>,
      tpu.vector_store %arg19[%swap3A_2793], %add3A_2792 {strides = array<i32>} : memref<256xf32, #tpu.memory_space<vmem>>, vector<16xf32>,
      %mul3A_2795 = arith.constant 16 : i32
      %mul3A_2796 = arith.muli %scan3A_656, %mul3A_2795 : i32
      %add3A_2797 = arith.constant 6 : i32
      %add3A_2798 = arith.addi %mul3A_2796, %add3A_2797 : i32
      %broadcast_in_dim3A_2799 = arith.constant 22 : i32
      %broadcast_in_dim3A_2800 = vector.broadcast %broadcast_in_dim3A_2799 : i32 to vector<16xi32>
      %gather3A_2801 = tpu.vector_load_idx %arg18[%broadcast_in_dim3A_2800] : memref<48xf32, #tpu.memory_space<vmem>>[vector<16xi32>], vector<16xf32>,
      %lt3A_2802 = arith.constant 14 : i32
      %lt3A_2803 = vector.broadcast %lt3A_2802 : i32 to vector<16xi32>
      %lt3A_2804 = arith.cmpi slt, %iota3A, %lt3A_2803 : vector<16xi32>
      %get3A_2805 = arith.index_cast %add3A_2798 : i32 to index
      %get3A_2806 = arith.constant 0 : index
      %get3A_2807 = tpu.vector_load %arg12[%get3A_2805, %get3A_2806] {strides = array<i32>} : memref<512x16xf32, #tpu.memory_space<vmem>>, vector<16xf32>,
      %jit3A_2808 = arith.constant 0.000000e+00 : f32
      %broadcast_in_dim3A_2809 = vector.broadcast %jit3A_2808 : f32 to vector<16xf32>
      %select_n3A_2810 = arith.select %lt3A_2804, %get3A_2807, %broadcast_in_dim3A_2809 : vector<16xi1>, vector<16xf32>
      %bitcast3A_2811 = vector.bitcast %select_n3A_2810 : vector<16xf32> to vector<16xi32>
      %add3A_2812 = arith.constant 32767 : i32
      %add3A_2813 = vector.broadcast %add3A_2812 : i32 to vector<16xi32>
      %add3A_2814 = arith.addi %bitcast3A_2811, %add3A_2813 : vector<16xi32>
      %shift_right_logical3A_2815 = arith.constant 16 : i32
      %shift_right_logical3A_2816 = vector.broadcast %shift_right_logical3A_2815 : i32 to vector<16xi32>
      %shift_right_logical3A_2817 = arith.shrui %bitcast3A_2811, %shift_right_logical3A_2816 : vector<16xi32>
      %and3A_2818 = arith.constant 1 : i32
      %and3A_2819 = vector.broadcast %and3A_2818 : i32 to vector<16xi32>
      %and3A_2820 = arith.andi %shift_right_logical3A_2817, %and3A_2819 : vector<16xi32>
      %add3A_2821 = arith.addi %add3A_2814, %and3A_2820 : vector<16xi32>
      %and3A_2822 = arith.constant -65536 : i32
      %and3A_2823 = vector.broadcast %and3A_2822 : i32 to vector<16xi32>
      %and3A_2824 = arith.andi %add3A_2821, %and3A_2823 : vector<16xi32>
      %bitcast3A_2825 = vector.bitcast %and3A_2824 : vector<16xi32> to vector<16xf32>
      %swap3A_2826 = arith.constant 32 : index
      %swap3A_2827 = tpu.vector_load %arg18[%swap3A_2826] {strides = array<i32>} : memref<48xf32, #tpu.memory_space<vmem>>, vector<16xf32>,
      tpu.vector_store %arg18[%swap3A_2826], %bitcast3A_2825 {strides = array<i32>} : memref<48xf32, #tpu.memory_space<vmem>>, vector<16xf32>,
      %mul3A_2828 = arith.mulf %gather3A_2801, %add3A_608 : vector<16xf32>
      %add3A_2829 = arith.addf %mul3A_2828, %get3A_645 : vector<16xf32>
      %mul3A_2830 = arith.mulf %gather3A_2801, %add3A_609 : vector<16xf32>
      %add3A_2831 = arith.addf %mul3A_2830, %get3A_647 : vector<16xf32>
      %broadcast_in_dim3A_2832 = arith.constant 32 : i32
      %broadcast_in_dim3A_2833 = vector.broadcast %broadcast_in_dim3A_2832 : i32 to vector<16xi32>
      %gather3A_2834 = tpu.vector_load_idx %arg18[%broadcast_in_dim3A_2833] : memref<48xf32, #tpu.memory_space<vmem>>[vector<16xi32>], vector<16xf32>,
      %mul3A_2835 = arith.mulf %gather3A_2834, %bitcast3A_150 : vector<16xf32>
      %add3A_2836 = arith.addf %add3A_2829, %mul3A_2835 : vector<16xf32>
      %mul3A_2837 = arith.mulf %gather3A_2834, %bitcast3A_165 : vector<16xf32>
      %add3A_2838 = arith.addf %add3A_2831, %mul3A_2837 : vector<16xf32>
      %broadcast_in_dim3A_2839 = arith.constant 33 : i32
      %broadcast_in_dim3A_2840 = vector.broadcast %broadcast_in_dim3A_2839 : i32 to vector<16xi32>
      %gather3A_2841 = tpu.vector_load_idx %arg18[%broadcast_in_dim3A_2840] : memref<48xf32, #tpu.memory_space<vmem>>[vector<16xi32>], vector<16xf32>,
      %mul3A_2842 = arith.mulf %gather3A_2841, %bitcast3A_184 : vector<16xf32>
      %add3A_2843 = arith.addf %add3A_2836, %mul3A_2842 : vector<16xf32>
      %mul3A_2844 = arith.mulf %gather3A_2841, %bitcast3A_199 : vector<16xf32>
      %add3A_2845 = arith.addf %add3A_2838, %mul3A_2844 : vector<16xf32>
      %broadcast_in_dim3A_2846 = arith.constant 34 : i32
      %broadcast_in_dim3A_2847 = vector.broadcast %broadcast_in_dim3A_2846 : i32 to vector<16xi32>
      %gather3A_2848 = tpu.vector_load_idx %arg18[%broadcast_in_dim3A_2847] : memref<48xf32, #tpu.memory_space<vmem>>[vector<16xi32>], vector<16xf32>,
      %mul3A_2849 = arith.mulf %gather3A_2848, %bitcast3A_218 : vector<16xf32>
      %add3A_2850 = arith.addf %add3A_2843, %mul3A_2849 : vector<16xf32>
      %mul3A_2851 = arith.mulf %gather3A_2848, %bitcast3A_233 : vector<16xf32>
      %add3A_2852 = arith.addf %add3A_2845, %mul3A_2851 : vector<16xf32>
      %broadcast_in_dim3A_2853 = arith.constant 35 : i32
      %broadcast_in_dim3A_2854 = vector.broadcast %broadcast_in_dim3A_2853 : i32 to vector<16xi32>
      %gather3A_2855 = tpu.vector_load_idx %arg18[%broadcast_in_dim3A_2854] : memref<48xf32, #tpu.memory_space<vmem>>[vector<16xi32>], vector<16xf32>,
      %mul3A_2856 = arith.mulf %gather3A_2855, %bitcast3A_252 : vector<16xf32>
      %add3A_2857 = arith.addf %add3A_2850, %mul3A_2856 : vector<16xf32>
      %mul3A_2858 = arith.mulf %gather3A_2855, %bitcast3A_267 : vector<16xf32>
      %add3A_2859 = arith.addf %add3A_2852, %mul3A_2858 : vector<16xf32>
      %broadcast_in_dim3A_2860 = arith.constant 36 : i32
      %broadcast_in_dim3A_2861 = vector.broadcast %broadcast_in_dim3A_2860 : i32 to vector<16xi32>
      %gather3A_2862 = tpu.vector_load_idx %arg18[%broadcast_in_dim3A_2861] : memref<48xf32, #tpu.memory_space<vmem>>[vector<16xi32>], vector<16xf32>,
      %mul3A_2863 = arith.mulf %gather3A_2862, %bitcast3A_286 : vector<16xf32>
      %add3A_2864 = arith.addf %add3A_2857, %mul3A_2863 : vector<16xf32>
      %mul3A_2865 = arith.mulf %gather3A_2862, %bitcast3A_301 : vector<16xf32>
      %add3A_2866 = arith.addf %add3A_2859, %mul3A_2865 : vector<16xf32>
      %broadcast_in_dim3A_2867 = arith.constant 37 : i32
      %broadcast_in_dim3A_2868 = vector.broadcast %broadcast_in_dim3A_2867 : i32 to vector<16xi32>
      %gather3A_2869 = tpu.vector_load_idx %arg18[%broadcast_in_dim3A_2868] : memref<48xf32, #tpu.memory_space<vmem>>[vector<16xi32>], vector<16xf32>,
      %mul3A_2870 = arith.mulf %gather3A_2869, %bitcast3A_320 : vector<16xf32>
      %add3A_2871 = arith.addf %add3A_2864, %mul3A_2870 : vector<16xf32>
      %mul3A_2872 = arith.mulf %gather3A_2869, %bitcast3A_335 : vector<16xf32>
      %add3A_2873 = arith.addf %add3A_2866, %mul3A_2872 : vector<16xf32>
      %broadcast_in_dim3A_2874 = arith.constant 38 : i32
      %broadcast_in_dim3A_2875 = vector.broadcast %broadcast_in_dim3A_2874 : i32 to vector<16xi32>
      %gather3A_2876 = tpu.vector_load_idx %arg18[%broadcast_in_dim3A_2875] : memref<48xf32, #tpu.memory_space<vmem>>[vector<16xi32>], vector<16xf32>,
      %mul3A_2877 = arith.mulf %gather3A_2876, %bitcast3A_354 : vector<16xf32>
      %add3A_2878 = arith.addf %add3A_2871, %mul3A_2877 : vector<16xf32>
      %mul3A_2879 = arith.mulf %gather3A_2876, %bitcast3A_369 : vector<16xf32>
      %add3A_2880 = arith.addf %add3A_2873, %mul3A_2879 : vector<16xf32>
      %broadcast_in_dim3A_2881 = arith.constant 39 : i32
      %broadcast_in_dim3A_2882 = vector.broadcast %broadcast_in_dim3A_2881 : i32 to vector<16xi32>
      %gather3A_2883 = tpu.vector_load_idx %arg18[%broadcast_in_dim3A_2882] : memref<48xf32, #tpu.memory_space<vmem>>[vector<16xi32>], vector<16xf32>,
      %mul3A_2884 = arith.mulf %gather3A_2883, %bitcast3A_388 : vector<16xf32>
      %add3A_2885 = arith.addf %add3A_2878, %mul3A_2884 : vector<16xf32>
      %mul3A_2886 = arith.mulf %gather3A_2883, %bitcast3A_403 : vector<16xf32>
      %add3A_2887 = arith.addf %add3A_2880, %mul3A_2886 : vector<16xf32>
      %broadcast_in_dim3A_2888 = arith.constant 40 : i32
      %broadcast_in_dim3A_2889 = vector.broadcast %broadcast_in_dim3A_2888 : i32 to vector<16xi32>
      %gather3A_2890 = tpu.vector_load_idx %arg18[%broadcast_in_dim3A_2889] : memref<48xf32, #tpu.memory_space<vmem>>[vector<16xi32>], vector<16xf32>,
      %mul3A_2891 = arith.mulf %gather3A_2890, %bitcast3A_422 : vector<16xf32>
      %add3A_2892 = arith.addf %add3A_2885, %mul3A_2891 : vector<16xf32>
      %mul3A_2893 = arith.mulf %gather3A_2890, %bitcast3A_437 : vector<16xf32>
      %add3A_2894 = arith.addf %add3A_2887, %mul3A_2893 : vector<16xf32>
      %broadcast_in_dim3A_2895 = arith.constant 41 : i32
      %broadcast_in_dim3A_2896 = vector.broadcast %broadcast_in_dim3A_2895 : i32 to vector<16xi32>
      %gather3A_2897 = tpu.vector_load_idx %arg18[%broadcast_in_dim3A_2896] : memref<48xf32, #tpu.memory_space<vmem>>[vector<16xi32>], vector<16xf32>,
      %mul3A_2898 = arith.mulf %gather3A_2897, %bitcast3A_456 : vector<16xf32>
      %add3A_2899 = arith.addf %add3A_2892, %mul3A_2898 : vector<16xf32>
      %mul3A_2900 = arith.mulf %gather3A_2897, %bitcast3A_471 : vector<16xf32>
      %add3A_2901 = arith.addf %add3A_2894, %mul3A_2900 : vector<16xf32>
      %broadcast_in_dim3A_2902 = arith.constant 42 : i32
      %broadcast_in_dim3A_2903 = vector.broadcast %broadcast_in_dim3A_2902 : i32 to vector<16xi32>
      %gather3A_2904 = tpu.vector_load_idx %arg18[%broadcast_in_dim3A_2903] : memref<48xf32, #tpu.memory_space<vmem>>[vector<16xi32>], vector<16xf32>,
      %mul3A_2905 = arith.mulf %gather3A_2904, %bitcast3A_490 : vector<16xf32>
      %add3A_2906 = arith.addf %add3A_2899, %mul3A_2905 : vector<16xf32>
      %mul3A_2907 = arith.mulf %gather3A_2904, %bitcast3A_505 : vector<16xf32>
      %add3A_2908 = arith.addf %add3A_2901, %mul3A_2907 : vector<16xf32>
      %broadcast_in_dim3A_2909 = arith.constant 43 : i32
      %broadcast_in_dim3A_2910 = vector.broadcast %broadcast_in_dim3A_2909 : i32 to vector<16xi32>
      %gather3A_2911 = tpu.vector_load_idx %arg18[%broadcast_in_dim3A_2910] : memref<48xf32, #tpu.memory_space<vmem>>[vector<16xi32>], vector<16xf32>,
      %mul3A_2912 = arith.mulf %gather3A_2911, %bitcast3A_524 : vector<16xf32>
      %add3A_2913 = arith.addf %add3A_2906, %mul3A_2912 : vector<16xf32>
      %mul3A_2914 = arith.mulf %gather3A_2911, %bitcast3A_539 : vector<16xf32>
      %add3A_2915 = arith.addf %add3A_2908, %mul3A_2914 : vector<16xf32>
      %broadcast_in_dim3A_2916 = arith.constant 44 : i32
      %broadcast_in_dim3A_2917 = vector.broadcast %broadcast_in_dim3A_2916 : i32 to vector<16xi32>
      %gather3A_2918 = tpu.vector_load_idx %arg18[%broadcast_in_dim3A_2917] : memref<48xf32, #tpu.memory_space<vmem>>[vector<16xi32>], vector<16xf32>,
      %mul3A_2919 = arith.mulf %gather3A_2918, %bitcast3A_558 : vector<16xf32>
      %add3A_2920 = arith.addf %add3A_2913, %mul3A_2919 : vector<16xf32>
      %mul3A_2921 = arith.mulf %gather3A_2918, %bitcast3A_573 : vector<16xf32>
      %add3A_2922 = arith.addf %add3A_2915, %mul3A_2921 : vector<16xf32>
      %broadcast_in_dim3A_2923 = arith.constant 45 : i32
      %broadcast_in_dim3A_2924 = vector.broadcast %broadcast_in_dim3A_2923 : i32 to vector<16xi32>
      %gather3A_2925 = tpu.vector_load_idx %arg18[%broadcast_in_dim3A_2924] : memref<48xf32, #tpu.memory_space<vmem>>[vector<16xi32>], vector<16xf32>,
      %mul3A_2926 = arith.mulf %gather3A_2925, %bitcast3A_592 : vector<16xf32>
      %add3A_2927 = arith.addf %add3A_2920, %mul3A_2926 : vector<16xf32>
      %mul3A_2928 = arith.mulf %gather3A_2925, %bitcast3A_607 : vector<16xf32>
      %add3A_2929 = arith.addf %add3A_2922, %mul3A_2928 : vector<16xf32>
      %bitcast3A_2930 = vector.bitcast %add3A_2927 : vector<16xf32> to vector<16xi32>
      %add3A_2931 = arith.constant 32767 : i32
      %add3A_2932 = vector.broadcast %add3A_2931 : i32 to vector<16xi32>
      %add3A_2933 = arith.addi %bitcast3A_2930, %add3A_2932 : vector<16xi32>
      %shift_right_logical3A_2934 = arith.constant 16 : i32
      %shift_right_logical3A_2935 = vector.broadcast %shift_right_logical3A_2934 : i32 to vector<16xi32>
      %shift_right_logical3A_2936 = arith.shrui %bitcast3A_2930, %shift_right_logical3A_2935 : vector<16xi32>
      %and3A_2937 = arith.constant 1 : i32
      %and3A_2938 = vector.broadcast %and3A_2937 : i32 to vector<16xi32>
      %and3A_2939 = arith.andi %shift_right_logical3A_2936, %and3A_2938 : vector<16xi32>
      %add3A_2940 = arith.addi %add3A_2933, %and3A_2939 : vector<16xi32>
      %and3A_2941 = arith.constant -65536 : i32
      %and3A_2942 = vector.broadcast %and3A_2941 : i32 to vector<16xi32>
      %and3A_2943 = arith.andi %add3A_2940, %and3A_2942 : vector<16xi32>
      %bitcast3A_2944 = vector.bitcast %and3A_2943 : vector<16xi32> to vector<16xf32>
      %bitcast3A_2945 = vector.bitcast %add3A_2929 : vector<16xf32> to vector<16xi32>
      %add3A_2946 = arith.constant 32767 : i32
      %add3A_2947 = vector.broadcast %add3A_2946 : i32 to vector<16xi32>
      %add3A_2948 = arith.addi %bitcast3A_2945, %add3A_2947 : vector<16xi32>
      %shift_right_logical3A_2949 = arith.constant 16 : i32
      %shift_right_logical3A_2950 = vector.broadcast %shift_right_logical3A_2949 : i32 to vector<16xi32>
      %shift_right_logical3A_2951 = arith.shrui %bitcast3A_2945, %shift_right_logical3A_2950 : vector<16xi32>
      %and3A_2952 = arith.constant 1 : i32
      %and3A_2953 = vector.broadcast %and3A_2952 : i32 to vector<16xi32>
      %and3A_2954 = arith.andi %shift_right_logical3A_2951, %and3A_2953 : vector<16xi32>
      %add3A_2955 = arith.addi %add3A_2948, %and3A_2954 : vector<16xi32>
      %and3A_2956 = arith.constant -65536 : i32
      %and3A_2957 = vector.broadcast %and3A_2956 : i32 to vector<16xi32>
      %and3A_2958 = arith.andi %add3A_2955, %and3A_2957 : vector<16xi32>
      %bitcast3A_2959 = vector.bitcast %and3A_2958 : vector<16xi32> to vector<16xf32>
      %mul3A_2960 = arith.mulf %bitcast3A_2944, %bitcast3A_628 : vector<16xf32>
      %mul3A_2961 = arith.mulf %bitcast3A_2959, %bitcast3A_643 : vector<16xf32>
      %add3A_2962 = arith.addf %mul3A_2960, %mul3A_2961 : vector<16xf32>
      %swap3A_2963 = arith.constant 96 : index
      %swap3A_2964 = tpu.vector_load %arg19[%swap3A_2963] {strides = array<i32>} : memref<256xf32, #tpu.memory_space<vmem>>, vector<16xf32>,
      tpu.vector_store %arg19[%swap3A_2963], %add3A_2962 {strides = array<i32>} : memref<256xf32, #tpu.memory_space<vmem>>, vector<16xf32>,
      %mul3A_2965 = arith.constant 16 : i32
      %mul3A_2966 = arith.muli %scan3A_656, %mul3A_2965 : i32
      %add3A_2967 = arith.constant 7 : i32
      %add3A_2968 = arith.addi %mul3A_2966, %add3A_2967 : i32
      %broadcast_in_dim3A_2969 = arith.constant 23 : i32
      %broadcast_in_dim3A_2970 = vector.broadcast %broadcast_in_dim3A_2969 : i32 to vector<16xi32>
      %gather3A_2971 = tpu.vector_load_idx %arg18[%broadcast_in_dim3A_2970] : memref<48xf32, #tpu.memory_space<vmem>>[vector<16xi32>], vector<16xf32>,
      %lt3A_2972 = arith.constant 14 : i32
      %lt3A_2973 = vector.broadcast %lt3A_2972 : i32 to vector<16xi32>
      %lt3A_2974 = arith.cmpi slt, %iota3A, %lt3A_2973 : vector<16xi32>
      %get3A_2975 = arith.index_cast %add3A_2968 : i32 to index
      %get3A_2976 = arith.constant 0 : index
      %get3A_2977 = tpu.vector_load %arg12[%get3A_2975, %get3A_2976] {strides = array<i32>} : memref<512x16xf32, #tpu.memory_space<vmem>>, vector<16xf32>,
      %jit3A_2978 = arith.constant 0.000000e+00 : f32
      %broadcast_in_dim3A_2979 = vector.broadcast %jit3A_2978 : f32 to vector<16xf32>
      %select_n3A_2980 = arith.select %lt3A_2974, %get3A_2977, %broadcast_in_dim3A_2979 : vector<16xi1>, vector<16xf32>
      %bitcast3A_2981 = vector.bitcast %select_n3A_2980 : vector<16xf32> to vector<16xi32>
      %add3A_2982 = arith.constant 32767 : i32
      %add3A_2983 = vector.broadcast %add3A_2982 : i32 to vector<16xi32>
      %add3A_2984 = arith.addi %bitcast3A_2981, %add3A_2983 : vector<16xi32>
      %shift_right_logical3A_2985 = arith.constant 16 : i32
      %shift_right_logical3A_2986 = vector.broadcast %shift_right_logical3A_2985 : i32 to vector<16xi32>
      %shift_right_logical3A_2987 = arith.shrui %bitcast3A_2981, %shift_right_logical3A_2986 : vector<16xi32>
      %and3A_2988 = arith.constant 1 : i32
      %and3A_2989 = vector.broadcast %and3A_2988 : i32 to vector<16xi32>
      %and3A_2990 = arith.andi %shift_right_logical3A_2987, %and3A_2989 : vector<16xi32>
      %add3A_2991 = arith.addi %add3A_2984, %and3A_2990 : vector<16xi32>
      %and3A_2992 = arith.constant -65536 : i32
      %and3A_2993 = vector.broadcast %and3A_2992 : i32 to vector<16xi32>
      %and3A_2994 = arith.andi %add3A_2991, %and3A_2993 : vector<16xi32>
      %bitcast3A_2995 = vector.bitcast %and3A_2994 : vector<16xi32> to vector<16xf32>
      %swap3A_2996 = arith.constant 32 : index
      %swap3A_2997 = tpu.vector_load %arg18[%swap3A_2996] {strides = array<i32>} : memref<48xf32, #tpu.memory_space<vmem>>, vector<16xf32>,
      tpu.vector_store %arg18[%swap3A_2996], %bitcast3A_2995 {strides = array<i32>} : memref<48xf32, #tpu.memory_space<vmem>>, vector<16xf32>,
      %mul3A_2998 = arith.mulf %gather3A_2971, %add3A_608 : vector<16xf32>
      %add3A_2999 = arith.addf %mul3A_2998, %get3A_645 : vector<16xf32>
      %mul3A_3000 = arith.mulf %gather3A_2971, %add3A_609 : vector<16xf32>
      %add3A_3001 = arith.addf %mul3A_3000, %get3A_647 : vector<16xf32>
      %broadcast_in_dim3A_3002 = arith.constant 32 : i32
      %broadcast_in_dim3A_3003 = vector.broadcast %broadcast_in_dim3A_3002 : i32 to vector<16xi32>
      %gather3A_3004 = tpu.vector_load_idx %arg18[%broadcast_in_dim3A_3003] : memref<48xf32, #tpu.memory_space<vmem>>[vector<16xi32>], vector<16xf32>,
      %mul3A_3005 = arith.mulf %gather3A_3004, %bitcast3A_150 : vector<16xf32>
      %add3A_3006 = arith.addf %add3A_2999, %mul3A_3005 : vector<16xf32>
      %mul3A_3007 = arith.mulf %gather3A_3004, %bitcast3A_165 : vector<16xf32>
      %add3A_3008 = arith.addf %add3A_3001, %mul3A_3007 : vector<16xf32>
      %broadcast_in_dim3A_3009 = arith.constant 33 : i32
      %broadcast_in_dim3A_3010 = vector.broadcast %broadcast_in_dim3A_3009 : i32 to vector<16xi32>
      %gather3A_3011 = tpu.vector_load_idx %arg18[%broadcast_in_dim3A_3010] : memref<48xf32, #tpu.memory_space<vmem>>[vector<16xi32>], vector<16xf32>,
      %mul3A_3012 = arith.mulf %gather3A_3011, %bitcast3A_184 : vector<16xf32>
      %add3A_3013 = arith.addf %add3A_3006, %mul3A_3012 : vector<16xf32>
      %mul3A_3014 = arith.mulf %gather3A_3011, %bitcast3A_199 : vector<16xf32>
      %add3A_3015 = arith.addf %add3A_3008, %mul3A_3014 : vector<16xf32>
      %broadcast_in_dim3A_3016 = arith.constant 34 : i32
      %broadcast_in_dim3A_3017 = vector.broadcast %broadcast_in_dim3A_3016 : i32 to vector<16xi32>
      %gather3A_3018 = tpu.vector_load_idx %arg18[%broadcast_in_dim3A_3017] : memref<48xf32, #tpu.memory_space<vmem>>[vector<16xi32>], vector<16xf32>,
      %mul3A_3019 = arith.mulf %gather3A_3018, %bitcast3A_218 : vector<16xf32>
      %add3A_3020 = arith.addf %add3A_3013, %mul3A_3019 : vector<16xf32>
      %mul3A_3021 = arith.mulf %gather3A_3018, %bitcast3A_233 : vector<16xf32>
      %add3A_3022 = arith.addf %add3A_3015, %mul3A_3021 : vector<16xf32>
      %broadcast_in_dim3A_3023 = arith.constant 35 : i32
      %broadcast_in_dim3A_3024 = vector.broadcast %broadcast_in_dim3A_3023 : i32 to vector<16xi32>
      %gather3A_3025 = tpu.vector_load_idx %arg18[%broadcast_in_dim3A_3024] : memref<48xf32, #tpu.memory_space<vmem>>[vector<16xi32>], vector<16xf32>,
      %mul3A_3026 = arith.mulf %gather3A_3025, %bitcast3A_252 : vector<16xf32>
      %add3A_3027 = arith.addf %add3A_3020, %mul3A_3026 : vector<16xf32>
      %mul3A_3028 = arith.mulf %gather3A_3025, %bitcast3A_267 : vector<16xf32>
      %add3A_3029 = arith.addf %add3A_3022, %mul3A_3028 : vector<16xf32>
      %broadcast_in_dim3A_3030 = arith.constant 36 : i32
      %broadcast_in_dim3A_3031 = vector.broadcast %broadcast_in_dim3A_3030 : i32 to vector<16xi32>
      %gather3A_3032 = tpu.vector_load_idx %arg18[%broadcast_in_dim3A_3031] : memref<48xf32, #tpu.memory_space<vmem>>[vector<16xi32>], vector<16xf32>,
      %mul3A_3033 = arith.mulf %gather3A_3032, %bitcast3A_286 : vector<16xf32>
      %add3A_3034 = arith.addf %add3A_3027, %mul3A_3033 : vector<16xf32>
      %mul3A_3035 = arith.mulf %gather3A_3032, %bitcast3A_301 : vector<16xf32>
      %add3A_3036 = arith.addf %add3A_3029, %mul3A_3035 : vector<16xf32>
      %broadcast_in_dim3A_3037 = arith.constant 37 : i32
      %broadcast_in_dim3A_3038 = vector.broadcast %broadcast_in_dim3A_3037 : i32 to vector<16xi32>
      %gather3A_3039 = tpu.vector_load_idx %arg18[%broadcast_in_dim3A_3038] : memref<48xf32, #tpu.memory_space<vmem>>[vector<16xi32>], vector<16xf32>,
      %mul3A_3040 = arith.mulf %gather3A_3039, %bitcast3A_320 : vector<16xf32>
      %add3A_3041 = arith.addf %add3A_3034, %mul3A_3040 : vector<16xf32>
      %mul3A_3042 = arith.mulf %gather3A_3039, %bitcast3A_335 : vector<16xf32>
      %add3A_3043 = arith.addf %add3A_3036, %mul3A_3042 : vector<16xf32>
      %broadcast_in_dim3A_3044 = arith.constant 38 : i32
      %broadcast_in_dim3A_3045 = vector.broadcast %broadcast_in_dim3A_3044 : i32 to vector<16xi32>
      %gather3A_3046 = tpu.vector_load_idx %arg18[%broadcast_in_dim3A_3045] : memref<48xf32, #tpu.memory_space<vmem>>[vector<16xi32>], vector<16xf32>,
      %mul3A_3047 = arith.mulf %gather3A_3046, %bitcast3A_354 : vector<16xf32>
      %add3A_3048 = arith.addf %add3A_3041, %mul3A_3047 : vector<16xf32>
      %mul3A_3049 = arith.mulf %gather3A_3046, %bitcast3A_369 : vector<16xf32>
      %add3A_3050 = arith.addf %add3A_3043, %mul3A_3049 : vector<16xf32>
      %broadcast_in_dim3A_3051 = arith.constant 39 : i32
      %broadcast_in_dim3A_3052 = vector.broadcast %broadcast_in_dim3A_3051 : i32 to vector<16xi32>
      %gather3A_3053 = tpu.vector_load_idx %arg18[%broadcast_in_dim3A_3052] : memref<48xf32, #tpu.memory_space<vmem>>[vector<16xi32>], vector<16xf32>,
      %mul3A_3054 = arith.mulf %gather3A_3053, %bitcast3A_388 : vector<16xf32>
      %add3A_3055 = arith.addf %add3A_3048, %mul3A_3054 : vector<16xf32>
      %mul3A_3056 = arith.mulf %gather3A_3053, %bitcast3A_403 : vector<16xf32>
      %add3A_3057 = arith.addf %add3A_3050, %mul3A_3056 : vector<16xf32>
      %broadcast_in_dim3A_3058 = arith.constant 40 : i32
      %broadcast_in_dim3A_3059 = vector.broadcast %broadcast_in_dim3A_3058 : i32 to vector<16xi32>
      %gather3A_3060 = tpu.vector_load_idx %arg18[%broadcast_in_dim3A_3059] : memref<48xf32, #tpu.memory_space<vmem>>[vector<16xi32>], vector<16xf32>,
      %mul3A_3061 = arith.mulf %gather3A_3060, %bitcast3A_422 : vector<16xf32>
      %add3A_3062 = arith.addf %add3A_3055, %mul3A_3061 : vector<16xf32>
      %mul3A_3063 = arith.mulf %gather3A_3060, %bitcast3A_437 : vector<16xf32>
      %add3A_3064 = arith.addf %add3A_3057, %mul3A_3063 : vector<16xf32>
      %broadcast_in_dim3A_3065 = arith.constant 41 : i32
      %broadcast_in_dim3A_3066 = vector.broadcast %broadcast_in_dim3A_3065 : i32 to vector<16xi32>
      %gather3A_3067 = tpu.vector_load_idx %arg18[%broadcast_in_dim3A_3066] : memref<48xf32, #tpu.memory_space<vmem>>[vector<16xi32>], vector<16xf32>,
      %mul3A_3068 = arith.mulf %gather3A_3067, %bitcast3A_456 : vector<16xf32>
      %add3A_3069 = arith.addf %add3A_3062, %mul3A_3068 : vector<16xf32>
      %mul3A_3070 = arith.mulf %gather3A_3067, %bitcast3A_471 : vector<16xf32>
      %add3A_3071 = arith.addf %add3A_3064, %mul3A_3070 : vector<16xf32>
      %broadcast_in_dim3A_3072 = arith.constant 42 : i32
      %broadcast_in_dim3A_3073 = vector.broadcast %broadcast_in_dim3A_3072 : i32 to vector<16xi32>
      %gather3A_3074 = tpu.vector_load_idx %arg18[%broadcast_in_dim3A_3073] : memref<48xf32, #tpu.memory_space<vmem>>[vector<16xi32>], vector<16xf32>,
      %mul3A_3075 = arith.mulf %gather3A_3074, %bitcast3A_490 : vector<16xf32>
      %add3A_3076 = arith.addf %add3A_3069, %mul3A_3075 : vector<16xf32>
      %mul3A_3077 = arith.mulf %gather3A_3074, %bitcast3A_505 : vector<16xf32>
      %add3A_3078 = arith.addf %add3A_3071, %mul3A_3077 : vector<16xf32>
      %broadcast_in_dim3A_3079 = arith.constant 43 : i32
      %broadcast_in_dim3A_3080 = vector.broadcast %broadcast_in_dim3A_3079 : i32 to vector<16xi32>
      %gather3A_3081 = tpu.vector_load_idx %arg18[%broadcast_in_dim3A_3080] : memref<48xf32, #tpu.memory_space<vmem>>[vector<16xi32>], vector<16xf32>,
      %mul3A_3082 = arith.mulf %gather3A_3081, %bitcast3A_524 : vector<16xf32>
      %add3A_3083 = arith.addf %add3A_3076, %mul3A_3082 : vector<16xf32>
      %mul3A_3084 = arith.mulf %gather3A_3081, %bitcast3A_539 : vector<16xf32>
      %add3A_3085 = arith.addf %add3A_3078, %mul3A_3084 : vector<16xf32>
      %broadcast_in_dim3A_3086 = arith.constant 44 : i32
      %broadcast_in_dim3A_3087 = vector.broadcast %broadcast_in_dim3A_3086 : i32 to vector<16xi32>
      %gather3A_3088 = tpu.vector_load_idx %arg18[%broadcast_in_dim3A_3087] : memref<48xf32, #tpu.memory_space<vmem>>[vector<16xi32>], vector<16xf32>,
      %mul3A_3089 = arith.mulf %gather3A_3088, %bitcast3A_558 : vector<16xf32>
      %add3A_3090 = arith.addf %add3A_3083, %mul3A_3089 : vector<16xf32>
      %mul3A_3091 = arith.mulf %gather3A_3088, %bitcast3A_573 : vector<16xf32>
      %add3A_3092 = arith.addf %add3A_3085, %mul3A_3091 : vector<16xf32>
      %broadcast_in_dim3A_3093 = arith.constant 45 : i32
      %broadcast_in_dim3A_3094 = vector.broadcast %broadcast_in_dim3A_3093 : i32 to vector<16xi32>
      %gather3A_3095 = tpu.vector_load_idx %arg18[%broadcast_in_dim3A_3094] : memref<48xf32, #tpu.memory_space<vmem>>[vector<16xi32>], vector<16xf32>,
      %mul3A_3096 = arith.mulf %gather3A_3095, %bitcast3A_592 : vector<16xf32>
      %add3A_3097 = arith.addf %add3A_3090, %mul3A_3096 : vector<16xf32>
      %mul3A_3098 = arith.mulf %gather3A_3095, %bitcast3A_607 : vector<16xf32>
      %add3A_3099 = arith.addf %add3A_3092, %mul3A_3098 : vector<16xf32>
      %bitcast3A_3100 = vector.bitcast %add3A_3097 : vector<16xf32> to vector<16xi32>
      %add3A_3101 = arith.constant 32767 : i32
      %add3A_3102 = vector.broadcast %add3A_3101 : i32 to vector<16xi32>
      %add3A_3103 = arith.addi %bitcast3A_3100, %add3A_3102 : vector<16xi32>
      %shift_right_logical3A_3104 = arith.constant 16 : i32
      %shift_right_logical3A_3105 = vector.broadcast %shift_right_logical3A_3104 : i32 to vector<16xi32>
      %shift_right_logical3A_3106 = arith.shrui %bitcast3A_3100, %shift_right_logical3A_3105 : vector<16xi32>
      %and3A_3107 = arith.constant 1 : i32
      %and3A_3108 = vector.broadcast %and3A_3107 : i32 to vector<16xi32>
      %and3A_3109 = arith.andi %shift_right_logical3A_3106, %and3A_3108 : vector<16xi32>
      %add3A_3110 = arith.addi %add3A_3103, %and3A_3109 : vector<16xi32>
      %and3A_3111 = arith.constant -65536 : i32
      %and3A_3112 = vector.broadcast %and3A_3111 : i32 to vector<16xi32>
      %and3A_3113 = arith.andi %add3A_3110, %and3A_3112 : vector<16xi32>
      %bitcast3A_3114 = vector.bitcast %and3A_3113 : vector<16xi32> to vector<16xf32>
      %bitcast3A_3115 = vector.bitcast %add3A_3099 : vector<16xf32> to vector<16xi32>
      %add3A_3116 = arith.constant 32767 : i32
      %add3A_3117 = vector.broadcast %add3A_3116 : i32 to vector<16xi32>
      %add3A_3118 = arith.addi %bitcast3A_3115, %add3A_3117 : vector<16xi32>
      %shift_right_logical3A_3119 = arith.constant 16 : i32
      %shift_right_logical3A_3120 = vector.broadcast %shift_right_logical3A_3119 : i32 to vector<16xi32>
      %shift_right_logical3A_3121 = arith.shrui %bitcast3A_3115, %shift_right_logical3A_3120 : vector<16xi32>
      %and3A_3122 = arith.constant 1 : i32
      %and3A_3123 = vector.broadcast %and3A_3122 : i32 to vector<16xi32>
      %and3A_3124 = arith.andi %shift_right_logical3A_3121, %and3A_3123 : vector<16xi32>
      %add3A_3125 = arith.addi %add3A_3118, %and3A_3124 : vector<16xi32>
      %and3A_3126 = arith.constant -65536 : i32
      %and3A_3127 = vector.broadcast %and3A_3126 : i32 to vector<16xi32>
      %and3A_3128 = arith.andi %add3A_3125, %and3A_3127 : vector<16xi32>
      %bitcast3A_3129 = vector.bitcast %and3A_3128 : vector<16xi32> to vector<16xf32>
      %mul3A_3130 = arith.mulf %bitcast3A_3114, %bitcast3A_628 : vector<16xf32>
      %mul3A_3131 = arith.mulf %bitcast3A_3129, %bitcast3A_643 : vector<16xf32>
      %add3A_3132 = arith.addf %mul3A_3130, %mul3A_3131 : vector<16xf32>
      %swap3A_3133 = arith.constant 112 : index
      %swap3A_3134 = tpu.vector_load %arg19[%swap3A_3133] {strides = array<i32>} : memref<256xf32, #tpu.memory_space<vmem>>, vector<16xf32>,
      tpu.vector_store %arg19[%swap3A_3133], %add3A_3132 {strides = array<i32>} : memref<256xf32, #tpu.memory_space<vmem>>, vector<16xf32>,
      %mul3A_3135 = arith.constant 16 : i32
      %mul3A_3136 = arith.muli %scan3A_656, %mul3A_3135 : i32
      %add3A_3137 = arith.constant 8 : i32
      %add3A_3138 = arith.addi %mul3A_3136, %add3A_3137 : i32
      %broadcast_in_dim3A_3139 = arith.constant 24 : i32
      %broadcast_in_dim3A_3140 = vector.broadcast %broadcast_in_dim3A_3139 : i32 to vector<16xi32>
      %gather3A_3141 = tpu.vector_load_idx %arg18[%broadcast_in_dim3A_3140] : memref<48xf32, #tpu.memory_space<vmem>>[vector<16xi32>], vector<16xf32>,
      %lt3A_3142 = arith.constant 14 : i32
      %lt3A_3143 = vector.broadcast %lt3A_3142 : i32 to vector<16xi32>
      %lt3A_3144 = arith.cmpi slt, %iota3A, %lt3A_3143 : vector<16xi32>
      %get3A_3145 = arith.index_cast %add3A_3138 : i32 to index
      %get3A_3146 = arith.constant 0 : index
      %get3A_3147 = tpu.vector_load %arg12[%get3A_3145, %get3A_3146] {strides = array<i32>} : memref<512x16xf32, #tpu.memory_space<vmem>>, vector<16xf32>,
      %jit3A_3148 = arith.constant 0.000000e+00 : f32
      %broadcast_in_dim3A_3149 = vector.broadcast %jit3A_3148 : f32 to vector<16xf32>
      %select_n3A_3150 = arith.select %lt3A_3144, %get3A_3147, %broadcast_in_dim3A_3149 : vector<16xi1>, vector<16xf32>
      %bitcast3A_3151 = vector.bitcast %select_n3A_3150 : vector<16xf32> to vector<16xi32>
      %add3A_3152 = arith.constant 32767 : i32
      %add3A_3153 = vector.broadcast %add3A_3152 : i32 to vector<16xi32>
      %add3A_3154 = arith.addi %bitcast3A_3151, %add3A_3153 : vector<16xi32>
      %shift_right_logical3A_3155 = arith.constant 16 : i32
      %shift_right_logical3A_3156 = vector.broadcast %shift_right_logical3A_3155 : i32 to vector<16xi32>
      %shift_right_logical3A_3157 = arith.shrui %bitcast3A_3151, %shift_right_logical3A_3156 : vector<16xi32>
      %and3A_3158 = arith.constant 1 : i32
      %and3A_3159 = vector.broadcast %and3A_3158 : i32 to vector<16xi32>
      %and3A_3160 = arith.andi %shift_right_logical3A_3157, %and3A_3159 : vector<16xi32>
      %add3A_3161 = arith.addi %add3A_3154, %and3A_3160 : vector<16xi32>
      %and3A_3162 = arith.constant -65536 : i32
      %and3A_3163 = vector.broadcast %and3A_3162 : i32 to vector<16xi32>
      %and3A_3164 = arith.andi %add3A_3161, %and3A_3163 : vector<16xi32>
      %bitcast3A_3165 = vector.bitcast %and3A_3164 : vector<16xi32> to vector<16xf32>
      %swap3A_3166 = arith.constant 32 : index
      %swap3A_3167 = tpu.vector_load %arg18[%swap3A_3166] {strides = array<i32>} : memref<48xf32, #tpu.memory_space<vmem>>, vector<16xf32>,
      tpu.vector_store %arg18[%swap3A_3166], %bitcast3A_3165 {strides = array<i32>} : memref<48xf32, #tpu.memory_space<vmem>>, vector<16xf32>,
      %mul3A_3168 = arith.mulf %gather3A_3141, %add3A_608 : vector<16xf32>
      %add3A_3169 = arith.addf %mul3A_3168, %get3A_645 : vector<16xf32>
      %mul3A_3170 = arith.mulf %gather3A_3141, %add3A_609 : vector<16xf32>
      %add3A_3171 = arith.addf %mul3A_3170, %get3A_647 : vector<16xf32>
      %broadcast_in_dim3A_3172 = arith.constant 32 : i32
      %broadcast_in_dim3A_3173 = vector.broadcast %broadcast_in_dim3A_3172 : i32 to vector<16xi32>
      %gather3A_3174 = tpu.vector_load_idx %arg18[%broadcast_in_dim3A_3173] : memref<48xf32, #tpu.memory_space<vmem>>[vector<16xi32>], vector<16xf32>,
      %mul3A_3175 = arith.mulf %gather3A_3174, %bitcast3A_150 : vector<16xf32>
      %add3A_3176 = arith.addf %add3A_3169, %mul3A_3175 : vector<16xf32>
      %mul3A_3177 = arith.mulf %gather3A_3174, %bitcast3A_165 : vector<16xf32>
      %add3A_3178 = arith.addf %add3A_3171, %mul3A_3177 : vector<16xf32>
      %broadcast_in_dim3A_3179 = arith.constant 33 : i32
      %broadcast_in_dim3A_3180 = vector.broadcast %broadcast_in_dim3A_3179 : i32 to vector<16xi32>
      %gather3A_3181 = tpu.vector_load_idx %arg18[%broadcast_in_dim3A_3180] : memref<48xf32, #tpu.memory_space<vmem>>[vector<16xi32>], vector<16xf32>,
      %mul3A_3182 = arith.mulf %gather3A_3181, %bitcast3A_184 : vector<16xf32>
      %add3A_3183 = arith.addf %add3A_3176, %mul3A_3182 : vector<16xf32>
      %mul3A_3184 = arith.mulf %gather3A_3181, %bitcast3A_199 : vector<16xf32>
      %add3A_3185 = arith.addf %add3A_3178, %mul3A_3184 : vector<16xf32>
      %broadcast_in_dim3A_3186 = arith.constant 34 : i32
      %broadcast_in_dim3A_3187 = vector.broadcast %broadcast_in_dim3A_3186 : i32 to vector<16xi32>
      %gather3A_3188 = tpu.vector_load_idx %arg18[%broadcast_in_dim3A_3187] : memref<48xf32, #tpu.memory_space<vmem>>[vector<16xi32>], vector<16xf32>,
      %mul3A_3189 = arith.mulf %gather3A_3188, %bitcast3A_218 : vector<16xf32>
      %add3A_3190 = arith.addf %add3A_3183, %mul3A_3189 : vector<16xf32>
      %mul3A_3191 = arith.mulf %gather3A_3188, %bitcast3A_233 : vector<16xf32>
      %add3A_3192 = arith.addf %add3A_3185, %mul3A_3191 : vector<16xf32>
      %broadcast_in_dim3A_3193 = arith.constant 35 : i32
      %broadcast_in_dim3A_3194 = vector.broadcast %broadcast_in_dim3A_3193 : i32 to vector<16xi32>
      %gather3A_3195 = tpu.vector_load_idx %arg18[%broadcast_in_dim3A_3194] : memref<48xf32, #tpu.memory_space<vmem>>[vector<16xi32>], vector<16xf32>,
      %mul3A_3196 = arith.mulf %gather3A_3195, %bitcast3A_252 : vector<16xf32>
      %add3A_3197 = arith.addf %add3A_3190, %mul3A_3196 : vector<16xf32>
      %mul3A_3198 = arith.mulf %gather3A_3195, %bitcast3A_267 : vector<16xf32>
      %add3A_3199 = arith.addf %add3A_3192, %mul3A_3198 : vector<16xf32>
      %broadcast_in_dim3A_3200 = arith.constant 36 : i32
      %broadcast_in_dim3A_3201 = vector.broadcast %broadcast_in_dim3A_3200 : i32 to vector<16xi32>
      %gather3A_3202 = tpu.vector_load_idx %arg18[%broadcast_in_dim3A_3201] : memref<48xf32, #tpu.memory_space<vmem>>[vector<16xi32>], vector<16xf32>,
      %mul3A_3203 = arith.mulf %gather3A_3202, %bitcast3A_286 : vector<16xf32>
      %add3A_3204 = arith.addf %add3A_3197, %mul3A_3203 : vector<16xf32>
      %mul3A_3205 = arith.mulf %gather3A_3202, %bitcast3A_301 : vector<16xf32>
      %add3A_3206 = arith.addf %add3A_3199, %mul3A_3205 : vector<16xf32>
      %broadcast_in_dim3A_3207 = arith.constant 37 : i32
      %broadcast_in_dim3A_3208 = vector.broadcast %broadcast_in_dim3A_3207 : i32 to vector<16xi32>
      %gather3A_3209 = tpu.vector_load_idx %arg18[%broadcast_in_dim3A_3208] : memref<48xf32, #tpu.memory_space<vmem>>[vector<16xi32>], vector<16xf32>,
      %mul3A_3210 = arith.mulf %gather3A_3209, %bitcast3A_320 : vector<16xf32>
      %add3A_3211 = arith.addf %add3A_3204, %mul3A_3210 : vector<16xf32>
      %mul3A_3212 = arith.mulf %gather3A_3209, %bitcast3A_335 : vector<16xf32>
      %add3A_3213 = arith.addf %add3A_3206, %mul3A_3212 : vector<16xf32>
      %broadcast_in_dim3A_3214 = arith.constant 38 : i32
      %broadcast_in_dim3A_3215 = vector.broadcast %broadcast_in_dim3A_3214 : i32 to vector<16xi32>
      %gather3A_3216 = tpu.vector_load_idx %arg18[%broadcast_in_dim3A_3215] : memref<48xf32, #tpu.memory_space<vmem>>[vector<16xi32>], vector<16xf32>,
      %mul3A_3217 = arith.mulf %gather3A_3216, %bitcast3A_354 : vector<16xf32>
      %add3A_3218 = arith.addf %add3A_3211, %mul3A_3217 : vector<16xf32>
      %mul3A_3219 = arith.mulf %gather3A_3216, %bitcast3A_369 : vector<16xf32>
      %add3A_3220 = arith.addf %add3A_3213, %mul3A_3219 : vector<16xf32>
      %broadcast_in_dim3A_3221 = arith.constant 39 : i32
      %broadcast_in_dim3A_3222 = vector.broadcast %broadcast_in_dim3A_3221 : i32 to vector<16xi32>
      %gather3A_3223 = tpu.vector_load_idx %arg18[%broadcast_in_dim3A_3222] : memref<48xf32, #tpu.memory_space<vmem>>[vector<16xi32>], vector<16xf32>,
      %mul3A_3224 = arith.mulf %gather3A_3223, %bitcast3A_388 : vector<16xf32>
      %add3A_3225 = arith.addf %add3A_3218, %mul3A_3224 : vector<16xf32>
      %mul3A_3226 = arith.mulf %gather3A_3223, %bitcast3A_403 : vector<16xf32>
      %add3A_3227 = arith.addf %add3A_3220, %mul3A_3226 : vector<16xf32>
      %broadcast_in_dim3A_3228 = arith.constant 40 : i32
      %broadcast_in_dim3A_3229 = vector.broadcast %broadcast_in_dim3A_3228 : i32 to vector<16xi32>
      %gather3A_3230 = tpu.vector_load_idx %arg18[%broadcast_in_dim3A_3229] : memref<48xf32, #tpu.memory_space<vmem>>[vector<16xi32>], vector<16xf32>,
      %mul3A_3231 = arith.mulf %gather3A_3230, %bitcast3A_422 : vector<16xf32>
      %add3A_3232 = arith.addf %add3A_3225, %mul3A_3231 : vector<16xf32>
      %mul3A_3233 = arith.mulf %gather3A_3230, %bitcast3A_437 : vector<16xf32>
      %add3A_3234 = arith.addf %add3A_3227, %mul3A_3233 : vector<16xf32>
      %broadcast_in_dim3A_3235 = arith.constant 41 : i32
      %broadcast_in_dim3A_3236 = vector.broadcast %broadcast_in_dim3A_3235 : i32 to vector<16xi32>
      %gather3A_3237 = tpu.vector_load_idx %arg18[%broadcast_in_dim3A_3236] : memref<48xf32, #tpu.memory_space<vmem>>[vector<16xi32>], vector<16xf32>,
      %mul3A_3238 = arith.mulf %gather3A_3237, %bitcast3A_456 : vector<16xf32>
      %add3A_3239 = arith.addf %add3A_3232, %mul3A_3238 : vector<16xf32>
      %mul3A_3240 = arith.mulf %gather3A_3237, %bitcast3A_471 : vector<16xf32>
      %add3A_3241 = arith.addf %add3A_3234, %mul3A_3240 : vector<16xf32>
      %broadcast_in_dim3A_3242 = arith.constant 42 : i32
      %broadcast_in_dim3A_3243 = vector.broadcast %broadcast_in_dim3A_3242 : i32 to vector<16xi32>
      %gather3A_3244 = tpu.vector_load_idx %arg18[%broadcast_in_dim3A_3243] : memref<48xf32, #tpu.memory_space<vmem>>[vector<16xi32>], vector<16xf32>,
      %mul3A_3245 = arith.mulf %gather3A_3244, %bitcast3A_490 : vector<16xf32>
      %add3A_3246 = arith.addf %add3A_3239, %mul3A_3245 : vector<16xf32>
      %mul3A_3247 = arith.mulf %gather3A_3244, %bitcast3A_505 : vector<16xf32>
      %add3A_3248 = arith.addf %add3A_3241, %mul3A_3247 : vector<16xf32>
      %broadcast_in_dim3A_3249 = arith.constant 43 : i32
      %broadcast_in_dim3A_3250 = vector.broadcast %broadcast_in_dim3A_3249 : i32 to vector<16xi32>
      %gather3A_3251 = tpu.vector_load_idx %arg18[%broadcast_in_dim3A_3250] : memref<48xf32, #tpu.memory_space<vmem>>[vector<16xi32>], vector<16xf32>,
      %mul3A_3252 = arith.mulf %gather3A_3251, %bitcast3A_524 : vector<16xf32>
      %add3A_3253 = arith.addf %add3A_3246, %mul3A_3252 : vector<16xf32>
      %mul3A_3254 = arith.mulf %gather3A_3251, %bitcast3A_539 : vector<16xf32>
      %add3A_3255 = arith.addf %add3A_3248, %mul3A_3254 : vector<16xf32>
      %broadcast_in_dim3A_3256 = arith.constant 44 : i32
      %broadcast_in_dim3A_3257 = vector.broadcast %broadcast_in_dim3A_3256 : i32 to vector<16xi32>
      %gather3A_3258 = tpu.vector_load_idx %arg18[%broadcast_in_dim3A_3257] : memref<48xf32, #tpu.memory_space<vmem>>[vector<16xi32>], vector<16xf32>,
      %mul3A_3259 = arith.mulf %gather3A_3258, %bitcast3A_558 : vector<16xf32>
      %add3A_3260 = arith.addf %add3A_3253, %mul3A_3259 : vector<16xf32>
      %mul3A_3261 = arith.mulf %gather3A_3258, %bitcast3A_573 : vector<16xf32>
      %add3A_3262 = arith.addf %add3A_3255, %mul3A_3261 : vector<16xf32>
      %broadcast_in_dim3A_3263 = arith.constant 45 : i32
      %broadcast_in_dim3A_3264 = vector.broadcast %broadcast_in_dim3A_3263 : i32 to vector<16xi32>
      %gather3A_3265 = tpu.vector_load_idx %arg18[%broadcast_in_dim3A_3264] : memref<48xf32, #tpu.memory_space<vmem>>[vector<16xi32>], vector<16xf32>,
      %mul3A_3266 = arith.mulf %gather3A_3265, %bitcast3A_592 : vector<16xf32>
      %add3A_3267 = arith.addf %add3A_3260, %mul3A_3266 : vector<16xf32>
      %mul3A_3268 = arith.mulf %gather3A_3265, %bitcast3A_607 : vector<16xf32>
      %add3A_3269 = arith.addf %add3A_3262, %mul3A_3268 : vector<16xf32>
      %bitcast3A_3270 = vector.bitcast %add3A_3267 : vector<16xf32> to vector<16xi32>
      %add3A_3271 = arith.constant 32767 : i32
      %add3A_3272 = vector.broadcast %add3A_3271 : i32 to vector<16xi32>
      %add3A_3273 = arith.addi %bitcast3A_3270, %add3A_3272 : vector<16xi32>
      %shift_right_logical3A_3274 = arith.constant 16 : i32
      %shift_right_logical3A_3275 = vector.broadcast %shift_right_logical3A_3274 : i32 to vector<16xi32>
      %shift_right_logical3A_3276 = arith.shrui %bitcast3A_3270, %shift_right_logical3A_3275 : vector<16xi32>
      %and3A_3277 = arith.constant 1 : i32
      %and3A_3278 = vector.broadcast %and3A_3277 : i32 to vector<16xi32>
      %and3A_3279 = arith.andi %shift_right_logical3A_3276, %and3A_3278 : vector<16xi32>
      %add3A_3280 = arith.addi %add3A_3273, %and3A_3279 : vector<16xi32>
      %and3A_3281 = arith.constant -65536 : i32
      %and3A_3282 = vector.broadcast %and3A_3281 : i32 to vector<16xi32>
      %and3A_3283 = arith.andi %add3A_3280, %and3A_3282 : vector<16xi32>
      %bitcast3A_3284 = vector.bitcast %and3A_3283 : vector<16xi32> to vector<16xf32>
      %bitcast3A_3285 = vector.bitcast %add3A_3269 : vector<16xf32> to vector<16xi32>
      %add3A_3286 = arith.constant 32767 : i32
      %add3A_3287 = vector.broadcast %add3A_3286 : i32 to vector<16xi32>
      %add3A_3288 = arith.addi %bitcast3A_3285, %add3A_3287 : vector<16xi32>
      %shift_right_logical3A_3289 = arith.constant 16 : i32
      %shift_right_logical3A_3290 = vector.broadcast %shift_right_logical3A_3289 : i32 to vector<16xi32>
      %shift_right_logical3A_3291 = arith.shrui %bitcast3A_3285, %shift_right_logical3A_3290 : vector<16xi32>
      %and3A_3292 = arith.constant 1 : i32
      %and3A_3293 = vector.broadcast %and3A_3292 : i32 to vector<16xi32>
      %and3A_3294 = arith.andi %shift_right_logical3A_3291, %and3A_3293 : vector<16xi32>
      %add3A_3295 = arith.addi %add3A_3288, %and3A_3294 : vector<16xi32>
      %and3A_3296 = arith.constant -65536 : i32
      %and3A_3297 = vector.broadcast %and3A_3296 : i32 to vector<16xi32>
      %and3A_3298 = arith.andi %add3A_3295, %and3A_3297 : vector<16xi32>
      %bitcast3A_3299 = vector.bitcast %and3A_3298 : vector<16xi32> to vector<16xf32>
      %mul3A_3300 = arith.mulf %bitcast3A_3284, %bitcast3A_628 : vector<16xf32>
      %mul3A_3301 = arith.mulf %bitcast3A_3299, %bitcast3A_643 : vector<16xf32>
      %add3A_3302 = arith.addf %mul3A_3300, %mul3A_3301 : vector<16xf32>
      %swap3A_3303 = arith.constant 128 : index
      %swap3A_3304 = tpu.vector_load %arg19[%swap3A_3303] {strides = array<i32>} : memref<256xf32, #tpu.memory_space<vmem>>, vector<16xf32>,
      tpu.vector_store %arg19[%swap3A_3303], %add3A_3302 {strides = array<i32>} : memref<256xf32, #tpu.memory_space<vmem>>, vector<16xf32>,
      %mul3A_3305 = arith.constant 16 : i32
      %mul3A_3306 = arith.muli %scan3A_656, %mul3A_3305 : i32
      %add3A_3307 = arith.constant 9 : i32
      %add3A_3308 = arith.addi %mul3A_3306, %add3A_3307 : i32
      %broadcast_in_dim3A_3309 = arith.constant 25 : i32
      %broadcast_in_dim3A_3310 = vector.broadcast %broadcast_in_dim3A_3309 : i32 to vector<16xi32>
      %gather3A_3311 = tpu.vector_load_idx %arg18[%broadcast_in_dim3A_3310] : memref<48xf32, #tpu.memory_space<vmem>>[vector<16xi32>], vector<16xf32>,
      %lt3A_3312 = arith.constant 14 : i32
      %lt3A_3313 = vector.broadcast %lt3A_3312 : i32 to vector<16xi32>
      %lt3A_3314 = arith.cmpi slt, %iota3A, %lt3A_3313 : vector<16xi32>
      %get3A_3315 = arith.index_cast %add3A_3308 : i32 to index
      %get3A_3316 = arith.constant 0 : index
      %get3A_3317 = tpu.vector_load %arg12[%get3A_3315, %get3A_3316] {strides = array<i32>} : memref<512x16xf32, #tpu.memory_space<vmem>>, vector<16xf32>,
      %jit3A_3318 = arith.constant 0.000000e+00 : f32
      %broadcast_in_dim3A_3319 = vector.broadcast %jit3A_3318 : f32 to vector<16xf32>
      %select_n3A_3320 = arith.select %lt3A_3314, %get3A_3317, %broadcast_in_dim3A_3319 : vector<16xi1>, vector<16xf32>
      %bitcast3A_3321 = vector.bitcast %select_n3A_3320 : vector<16xf32> to vector<16xi32>
      %add3A_3322 = arith.constant 32767 : i32
      %add3A_3323 = vector.broadcast %add3A_3322 : i32 to vector<16xi32>
      %add3A_3324 = arith.addi %bitcast3A_3321, %add3A_3323 : vector<16xi32>
      %shift_right_logical3A_3325 = arith.constant 16 : i32
      %shift_right_logical3A_3326 = vector.broadcast %shift_right_logical3A_3325 : i32 to vector<16xi32>
      %shift_right_logical3A_3327 = arith.shrui %bitcast3A_3321, %shift_right_logical3A_3326 : vector<16xi32>
      %and3A_3328 = arith.constant 1 : i32
      %and3A_3329 = vector.broadcast %and3A_3328 : i32 to vector<16xi32>
      %and3A_3330 = arith.andi %shift_right_logical3A_3327, %and3A_3329 : vector<16xi32>
      %add3A_3331 = arith.addi %add3A_3324, %and3A_3330 : vector<16xi32>
      %and3A_3332 = arith.constant -65536 : i32
      %and3A_3333 = vector.broadcast %and3A_3332 : i32 to vector<16xi32>
      %and3A_3334 = arith.andi %add3A_3331, %and3A_3333 : vector<16xi32>
      %bitcast3A_3335 = vector.bitcast %and3A_3334 : vector<16xi32> to vector<16xf32>
      %swap3A_3336 = arith.constant 32 : index
      %swap3A_3337 = tpu.vector_load %arg18[%swap3A_3336] {strides = array<i32>} : memref<48xf32, #tpu.memory_space<vmem>>, vector<16xf32>,
      tpu.vector_store %arg18[%swap3A_3336], %bitcast3A_3335 {strides = array<i32>} : memref<48xf32, #tpu.memory_space<vmem>>, vector<16xf32>,
      %mul3A_3338 = arith.mulf %gather3A_3311, %add3A_608 : vector<16xf32>
      %add3A_3339 = arith.addf %mul3A_3338, %get3A_645 : vector<16xf32>
      %mul3A_3340 = arith.mulf %gather3A_3311, %add3A_609 : vector<16xf32>
      %add3A_3341 = arith.addf %mul3A_3340, %get3A_647 : vector<16xf32>
      %broadcast_in_dim3A_3342 = arith.constant 32 : i32
      %broadcast_in_dim3A_3343 = vector.broadcast %broadcast_in_dim3A_3342 : i32 to vector<16xi32>
      %gather3A_3344 = tpu.vector_load_idx %arg18[%broadcast_in_dim3A_3343] : memref<48xf32, #tpu.memory_space<vmem>>[vector<16xi32>], vector<16xf32>,
      %mul3A_3345 = arith.mulf %gather3A_3344, %bitcast3A_150 : vector<16xf32>
      %add3A_3346 = arith.addf %add3A_3339, %mul3A_3345 : vector<16xf32>
      %mul3A_3347 = arith.mulf %gather3A_3344, %bitcast3A_165 : vector<16xf32>
      %add3A_3348 = arith.addf %add3A_3341, %mul3A_3347 : vector<16xf32>
      %broadcast_in_dim3A_3349 = arith.constant 33 : i32
      %broadcast_in_dim3A_3350 = vector.broadcast %broadcast_in_dim3A_3349 : i32 to vector<16xi32>
      %gather3A_3351 = tpu.vector_load_idx %arg18[%broadcast_in_dim3A_3350] : memref<48xf32, #tpu.memory_space<vmem>>[vector<16xi32>], vector<16xf32>,
      %mul3A_3352 = arith.mulf %gather3A_3351, %bitcast3A_184 : vector<16xf32>
      %add3A_3353 = arith.addf %add3A_3346, %mul3A_3352 : vector<16xf32>
      %mul3A_3354 = arith.mulf %gather3A_3351, %bitcast3A_199 : vector<16xf32>
      %add3A_3355 = arith.addf %add3A_3348, %mul3A_3354 : vector<16xf32>
      %broadcast_in_dim3A_3356 = arith.constant 34 : i32
      %broadcast_in_dim3A_3357 = vector.broadcast %broadcast_in_dim3A_3356 : i32 to vector<16xi32>
      %gather3A_3358 = tpu.vector_load_idx %arg18[%broadcast_in_dim3A_3357] : memref<48xf32, #tpu.memory_space<vmem>>[vector<16xi32>], vector<16xf32>,
      %mul3A_3359 = arith.mulf %gather3A_3358, %bitcast3A_218 : vector<16xf32>
      %add3A_3360 = arith.addf %add3A_3353, %mul3A_3359 : vector<16xf32>
      %mul3A_3361 = arith.mulf %gather3A_3358, %bitcast3A_233 : vector<16xf32>
      %add3A_3362 = arith.addf %add3A_3355, %mul3A_3361 : vector<16xf32>
      %broadcast_in_dim3A_3363 = arith.constant 35 : i32
      %broadcast_in_dim3A_3364 = vector.broadcast %broadcast_in_dim3A_3363 : i32 to vector<16xi32>
      %gather3A_3365 = tpu.vector_load_idx %arg18[%broadcast_in_dim3A_3364] : memref<48xf32, #tpu.memory_space<vmem>>[vector<16xi32>], vector<16xf32>,
      %mul3A_3366 = arith.mulf %gather3A_3365, %bitcast3A_252 : vector<16xf32>
      %add3A_3367 = arith.addf %add3A_3360, %mul3A_3366 : vector<16xf32>
      %mul3A_3368 = arith.mulf %gather3A_3365, %bitcast3A_267 : vector<16xf32>
      %add3A_3369 = arith.addf %add3A_3362, %mul3A_3368 : vector<16xf32>
      %broadcast_in_dim3A_3370 = arith.constant 36 : i32
      %broadcast_in_dim3A_3371 = vector.broadcast %broadcast_in_dim3A_3370 : i32 to vector<16xi32>
      %gather3A_3372 = tpu.vector_load_idx %arg18[%broadcast_in_dim3A_3371] : memref<48xf32, #tpu.memory_space<vmem>>[vector<16xi32>], vector<16xf32>,
      %mul3A_3373 = arith.mulf %gather3A_3372, %bitcast3A_286 : vector<16xf32>
      %add3A_3374 = arith.addf %add3A_3367, %mul3A_3373 : vector<16xf32>
      %mul3A_3375 = arith.mulf %gather3A_3372, %bitcast3A_301 : vector<16xf32>
      %add3A_3376 = arith.addf %add3A_3369, %mul3A_3375 : vector<16xf32>
      %broadcast_in_dim3A_3377 = arith.constant 37 : i32
      %broadcast_in_dim3A_3378 = vector.broadcast %broadcast_in_dim3A_3377 : i32 to vector<16xi32>
      %gather3A_3379 = tpu.vector_load_idx %arg18[%broadcast_in_dim3A_3378] : memref<48xf32, #tpu.memory_space<vmem>>[vector<16xi32>], vector<16xf32>,
      %mul3A_3380 = arith.mulf %gather3A_3379, %bitcast3A_320 : vector<16xf32>
      %add3A_3381 = arith.addf %add3A_3374, %mul3A_3380 : vector<16xf32>
      %mul3A_3382 = arith.mulf %gather3A_3379, %bitcast3A_335 : vector<16xf32>
      %add3A_3383 = arith.addf %add3A_3376, %mul3A_3382 : vector<16xf32>
      %broadcast_in_dim3A_3384 = arith.constant 38 : i32
      %broadcast_in_dim3A_3385 = vector.broadcast %broadcast_in_dim3A_3384 : i32 to vector<16xi32>
      %gather3A_3386 = tpu.vector_load_idx %arg18[%broadcast_in_dim3A_3385] : memref<48xf32, #tpu.memory_space<vmem>>[vector<16xi32>], vector<16xf32>,
      %mul3A_3387 = arith.mulf %gather3A_3386, %bitcast3A_354 : vector<16xf32>
      %add3A_3388 = arith.addf %add3A_3381, %mul3A_3387 : vector<16xf32>
      %mul3A_3389 = arith.mulf %gather3A_3386, %bitcast3A_369 : vector<16xf32>
      %add3A_3390 = arith.addf %add3A_3383, %mul3A_3389 : vector<16xf32>
      %broadcast_in_dim3A_3391 = arith.constant 39 : i32
      %broadcast_in_dim3A_3392 = vector.broadcast %broadcast_in_dim3A_3391 : i32 to vector<16xi32>
      %gather3A_3393 = tpu.vector_load_idx %arg18[%broadcast_in_dim3A_3392] : memref<48xf32, #tpu.memory_space<vmem>>[vector<16xi32>], vector<16xf32>,
      %mul3A_3394 = arith.mulf %gather3A_3393, %bitcast3A_388 : vector<16xf32>
      %add3A_3395 = arith.addf %add3A_3388, %mul3A_3394 : vector<16xf32>
      %mul3A_3396 = arith.mulf %gather3A_3393, %bitcast3A_403 : vector<16xf32>
      %add3A_3397 = arith.addf %add3A_3390, %mul3A_3396 : vector<16xf32>
      %broadcast_in_dim3A_3398 = arith.constant 40 : i32
      %broadcast_in_dim3A_3399 = vector.broadcast %broadcast_in_dim3A_3398 : i32 to vector<16xi32>
      %gather3A_3400 = tpu.vector_load_idx %arg18[%broadcast_in_dim3A_3399] : memref<48xf32, #tpu.memory_space<vmem>>[vector<16xi32>], vector<16xf32>,
      %mul3A_3401 = arith.mulf %gather3A_3400, %bitcast3A_422 : vector<16xf32>
      %add3A_3402 = arith.addf %add3A_3395, %mul3A_3401 : vector<16xf32>
      %mul3A_3403 = arith.mulf %gather3A_3400, %bitcast3A_437 : vector<16xf32>
      %add3A_3404 = arith.addf %add3A_3397, %mul3A_3403 : vector<16xf32>
      %broadcast_in_dim3A_3405 = arith.constant 41 : i32
      %broadcast_in_dim3A_3406 = vector.broadcast %broadcast_in_dim3A_3405 : i32 to vector<16xi32>
      %gather3A_3407 = tpu.vector_load_idx %arg18[%broadcast_in_dim3A_3406] : memref<48xf32, #tpu.memory_space<vmem>>[vector<16xi32>], vector<16xf32>,
      %mul3A_3408 = arith.mulf %gather3A_3407, %bitcast3A_456 : vector<16xf32>
      %add3A_3409 = arith.addf %add3A_3402, %mul3A_3408 : vector<16xf32>
      %mul3A_3410 = arith.mulf %gather3A_3407, %bitcast3A_471 : vector<16xf32>
      %add3A_3411 = arith.addf %add3A_3404, %mul3A_3410 : vector<16xf32>
      %broadcast_in_dim3A_3412 = arith.constant 42 : i32
      %broadcast_in_dim3A_3413 = vector.broadcast %broadcast_in_dim3A_3412 : i32 to vector<16xi32>
      %gather3A_3414 = tpu.vector_load_idx %arg18[%broadcast_in_dim3A_3413] : memref<48xf32, #tpu.memory_space<vmem>>[vector<16xi32>], vector<16xf32>,
      %mul3A_3415 = arith.mulf %gather3A_3414, %bitcast3A_490 : vector<16xf32>
      %add3A_3416 = arith.addf %add3A_3409, %mul3A_3415 : vector<16xf32>
      %mul3A_3417 = arith.mulf %gather3A_3414, %bitcast3A_505 : vector<16xf32>
      %add3A_3418 = arith.addf %add3A_3411, %mul3A_3417 : vector<16xf32>
      %broadcast_in_dim3A_3419 = arith.constant 43 : i32
      %broadcast_in_dim3A_3420 = vector.broadcast %broadcast_in_dim3A_3419 : i32 to vector<16xi32>
      %gather3A_3421 = tpu.vector_load_idx %arg18[%broadcast_in_dim3A_3420] : memref<48xf32, #tpu.memory_space<vmem>>[vector<16xi32>], vector<16xf32>,
      %mul3A_3422 = arith.mulf %gather3A_3421, %bitcast3A_524 : vector<16xf32>
      %add3A_3423 = arith.addf %add3A_3416, %mul3A_3422 : vector<16xf32>
      %mul3A_3424 = arith.mulf %gather3A_3421, %bitcast3A_539 : vector<16xf32>
      %add3A_3425 = arith.addf %add3A_3418, %mul3A_3424 : vector<16xf32>
      %broadcast_in_dim3A_3426 = arith.constant 44 : i32
      %broadcast_in_dim3A_3427 = vector.broadcast %broadcast_in_dim3A_3426 : i32 to vector<16xi32>
      %gather3A_3428 = tpu.vector_load_idx %arg18[%broadcast_in_dim3A_3427] : memref<48xf32, #tpu.memory_space<vmem>>[vector<16xi32>], vector<16xf32>,
      %mul3A_3429 = arith.mulf %gather3A_3428, %bitcast3A_558 : vector<16xf32>
      %add3A_3430 = arith.addf %add3A_3423, %mul3A_3429 : vector<16xf32>
      %mul3A_3431 = arith.mulf %gather3A_3428, %bitcast3A_573 : vector<16xf32>
      %add3A_3432 = arith.addf %add3A_3425, %mul3A_3431 : vector<16xf32>
      %broadcast_in_dim3A_3433 = arith.constant 45 : i32
      %broadcast_in_dim3A_3434 = vector.broadcast %broadcast_in_dim3A_3433 : i32 to vector<16xi32>
      %gather3A_3435 = tpu.vector_load_idx %arg18[%broadcast_in_dim3A_3434] : memref<48xf32, #tpu.memory_space<vmem>>[vector<16xi32>], vector<16xf32>,
      %mul3A_3436 = arith.mulf %gather3A_3435, %bitcast3A_592 : vector<16xf32>
      %add3A_3437 = arith.addf %add3A_3430, %mul3A_3436 : vector<16xf32>
      %mul3A_3438 = arith.mulf %gather3A_3435, %bitcast3A_607 : vector<16xf32>
      %add3A_3439 = arith.addf %add3A_3432, %mul3A_3438 : vector<16xf32>
      %bitcast3A_3440 = vector.bitcast %add3A_3437 : vector<16xf32> to vector<16xi32>
      %add3A_3441 = arith.constant 32767 : i32
      %add3A_3442 = vector.broadcast %add3A_3441 : i32 to vector<16xi32>
      %add3A_3443 = arith.addi %bitcast3A_3440, %add3A_3442 : vector<16xi32>
      %shift_right_logical3A_3444 = arith.constant 16 : i32
      %shift_right_logical3A_3445 = vector.broadcast %shift_right_logical3A_3444 : i32 to vector<16xi32>
      %shift_right_logical3A_3446 = arith.shrui %bitcast3A_3440, %shift_right_logical3A_3445 : vector<16xi32>
      %and3A_3447 = arith.constant 1 : i32
      %and3A_3448 = vector.broadcast %and3A_3447 : i32 to vector<16xi32>
      %and3A_3449 = arith.andi %shift_right_logical3A_3446, %and3A_3448 : vector<16xi32>
      %add3A_3450 = arith.addi %add3A_3443, %and3A_3449 : vector<16xi32>
      %and3A_3451 = arith.constant -65536 : i32
      %and3A_3452 = vector.broadcast %and3A_3451 : i32 to vector<16xi32>
      %and3A_3453 = arith.andi %add3A_3450, %and3A_3452 : vector<16xi32>
      %bitcast3A_3454 = vector.bitcast %and3A_3453 : vector<16xi32> to vector<16xf32>
      %bitcast3A_3455 = vector.bitcast %add3A_3439 : vector<16xf32> to vector<16xi32>
      %add3A_3456 = arith.constant 32767 : i32
      %add3A_3457 = vector.broadcast %add3A_3456 : i32 to vector<16xi32>
      %add3A_3458 = arith.addi %bitcast3A_3455, %add3A_3457 : vector<16xi32>
      %shift_right_logical3A_3459 = arith.constant 16 : i32
      %shift_right_logical3A_3460 = vector.broadcast %shift_right_logical3A_3459 : i32 to vector<16xi32>
      %shift_right_logical3A_3461 = arith.shrui %bitcast3A_3455, %shift_right_logical3A_3460 : vector<16xi32>
      %and3A_3462 = arith.constant 1 : i32
      %and3A_3463 = vector.broadcast %and3A_3462 : i32 to vector<16xi32>
      %and3A_3464 = arith.andi %shift_right_logical3A_3461, %and3A_3463 : vector<16xi32>
      %add3A_3465 = arith.addi %add3A_3458, %and3A_3464 : vector<16xi32>
      %and3A_3466 = arith.constant -65536 : i32
      %and3A_3467 = vector.broadcast %and3A_3466 : i32 to vector<16xi32>
      %and3A_3468 = arith.andi %add3A_3465, %and3A_3467 : vector<16xi32>
      %bitcast3A_3469 = vector.bitcast %and3A_3468 : vector<16xi32> to vector<16xf32>
      %mul3A_3470 = arith.mulf %bitcast3A_3454, %bitcast3A_628 : vector<16xf32>
      %mul3A_3471 = arith.mulf %bitcast3A_3469, %bitcast3A_643 : vector<16xf32>
      %add3A_3472 = arith.addf %mul3A_3470, %mul3A_3471 : vector<16xf32>
      %swap3A_3473 = arith.constant 144 : index
      %swap3A_3474 = tpu.vector_load %arg19[%swap3A_3473] {strides = array<i32>} : memref<256xf32, #tpu.memory_space<vmem>>, vector<16xf32>,
      tpu.vector_store %arg19[%swap3A_3473], %add3A_3472 {strides = array<i32>} : memref<256xf32, #tpu.memory_space<vmem>>, vector<16xf32>,
      %mul3A_3475 = arith.constant 16 : i32
      %mul3A_3476 = arith.muli %scan3A_656, %mul3A_3475 : i32
      %add3A_3477 = arith.constant 10 : i32
      %add3A_3478 = arith.addi %mul3A_3476, %add3A_3477 : i32
      %broadcast_in_dim3A_3479 = arith.constant 26 : i32
      %broadcast_in_dim3A_3480 = vector.broadcast %broadcast_in_dim3A_3479 : i32 to vector<16xi32>
      %gather3A_3481 = tpu.vector_load_idx %arg18[%broadcast_in_dim3A_3480] : memref<48xf32, #tpu.memory_space<vmem>>[vector<16xi32>], vector<16xf32>,
      %lt3A_3482 = arith.constant 14 : i32
      %lt3A_3483 = vector.broadcast %lt3A_3482 : i32 to vector<16xi32>
      %lt3A_3484 = arith.cmpi slt, %iota3A, %lt3A_3483 : vector<16xi32>
      %get3A_3485 = arith.index_cast %add3A_3478 : i32 to index
      %get3A_3486 = arith.constant 0 : index
      %get3A_3487 = tpu.vector_load %arg12[%get3A_3485, %get3A_3486] {strides = array<i32>} : memref<512x16xf32, #tpu.memory_space<vmem>>, vector<16xf32>,
      %jit3A_3488 = arith.constant 0.000000e+00 : f32
      %broadcast_in_dim3A_3489 = vector.broadcast %jit3A_3488 : f32 to vector<16xf32>
      %select_n3A_3490 = arith.select %lt3A_3484, %get3A_3487, %broadcast_in_dim3A_3489 : vector<16xi1>, vector<16xf32>
      %bitcast3A_3491 = vector.bitcast %select_n3A_3490 : vector<16xf32> to vector<16xi32>
      %add3A_3492 = arith.constant 32767 : i32
      %add3A_3493 = vector.broadcast %add3A_3492 : i32 to vector<16xi32>
      %add3A_3494 = arith.addi %bitcast3A_3491, %add3A_3493 : vector<16xi32>
      %shift_right_logical3A_3495 = arith.constant 16 : i32
      %shift_right_logical3A_3496 = vector.broadcast %shift_right_logical3A_3495 : i32 to vector<16xi32>
      %shift_right_logical3A_3497 = arith.shrui %bitcast3A_3491, %shift_right_logical3A_3496 : vector<16xi32>
      %and3A_3498 = arith.constant 1 : i32
      %and3A_3499 = vector.broadcast %and3A_3498 : i32 to vector<16xi32>
      %and3A_3500 = arith.andi %shift_right_logical3A_3497, %and3A_3499 : vector<16xi32>
      %add3A_3501 = arith.addi %add3A_3494, %and3A_3500 : vector<16xi32>
      %and3A_3502 = arith.constant -65536 : i32
      %and3A_3503 = vector.broadcast %and3A_3502 : i32 to vector<16xi32>
      %and3A_3504 = arith.andi %add3A_3501, %and3A_3503 : vector<16xi32>
      %bitcast3A_3505 = vector.bitcast %and3A_3504 : vector<16xi32> to vector<16xf32>
      %swap3A_3506 = arith.constant 32 : index
      %swap3A_3507 = tpu.vector_load %arg18[%swap3A_3506] {strides = array<i32>} : memref<48xf32, #tpu.memory_space<vmem>>, vector<16xf32>,
      tpu.vector_store %arg18[%swap3A_3506], %bitcast3A_3505 {strides = array<i32>} : memref<48xf32, #tpu.memory_space<vmem>>, vector<16xf32>,
      %mul3A_3508 = arith.mulf %gather3A_3481, %add3A_608 : vector<16xf32>
      %add3A_3509 = arith.addf %mul3A_3508, %get3A_645 : vector<16xf32>
      %mul3A_3510 = arith.mulf %gather3A_3481, %add3A_609 : vector<16xf32>
      %add3A_3511 = arith.addf %mul3A_3510, %get3A_647 : vector<16xf32>
      %broadcast_in_dim3A_3512 = arith.constant 32 : i32
      %broadcast_in_dim3A_3513 = vector.broadcast %broadcast_in_dim3A_3512 : i32 to vector<16xi32>
      %gather3A_3514 = tpu.vector_load_idx %arg18[%broadcast_in_dim3A_3513] : memref<48xf32, #tpu.memory_space<vmem>>[vector<16xi32>], vector<16xf32>,
      %mul3A_3515 = arith.mulf %gather3A_3514, %bitcast3A_150 : vector<16xf32>
      %add3A_3516 = arith.addf %add3A_3509, %mul3A_3515 : vector<16xf32>
      %mul3A_3517 = arith.mulf %gather3A_3514, %bitcast3A_165 : vector<16xf32>
      %add3A_3518 = arith.addf %add3A_3511, %mul3A_3517 : vector<16xf32>
      %broadcast_in_dim3A_3519 = arith.constant 33 : i32
      %broadcast_in_dim3A_3520 = vector.broadcast %broadcast_in_dim3A_3519 : i32 to vector<16xi32>
      %gather3A_3521 = tpu.vector_load_idx %arg18[%broadcast_in_dim3A_3520] : memref<48xf32, #tpu.memory_space<vmem>>[vector<16xi32>], vector<16xf32>,
      %mul3A_3522 = arith.mulf %gather3A_3521, %bitcast3A_184 : vector<16xf32>
      %add3A_3523 = arith.addf %add3A_3516, %mul3A_3522 : vector<16xf32>
      %mul3A_3524 = arith.mulf %gather3A_3521, %bitcast3A_199 : vector<16xf32>
      %add3A_3525 = arith.addf %add3A_3518, %mul3A_3524 : vector<16xf32>
      %broadcast_in_dim3A_3526 = arith.constant 34 : i32
      %broadcast_in_dim3A_3527 = vector.broadcast %broadcast_in_dim3A_3526 : i32 to vector<16xi32>
      %gather3A_3528 = tpu.vector_load_idx %arg18[%broadcast_in_dim3A_3527] : memref<48xf32, #tpu.memory_space<vmem>>[vector<16xi32>], vector<16xf32>,
      %mul3A_3529 = arith.mulf %gather3A_3528, %bitcast3A_218 : vector<16xf32>
      %add3A_3530 = arith.addf %add3A_3523, %mul3A_3529 : vector<16xf32>
      %mul3A_3531 = arith.mulf %gather3A_3528, %bitcast3A_233 : vector<16xf32>
      %add3A_3532 = arith.addf %add3A_3525, %mul3A_3531 : vector<16xf32>
      %broadcast_in_dim3A_3533 = arith.constant 35 : i32
      %broadcast_in_dim3A_3534 = vector.broadcast %broadcast_in_dim3A_3533 : i32 to vector<16xi32>
      %gather3A_3535 = tpu.vector_load_idx %arg18[%broadcast_in_dim3A_3534] : memref<48xf32, #tpu.memory_space<vmem>>[vector<16xi32>], vector<16xf32>,
      %mul3A_3536 = arith.mulf %gather3A_3535, %bitcast3A_252 : vector<16xf32>
      %add3A_3537 = arith.addf %add3A_3530, %mul3A_3536 : vector<16xf32>
      %mul3A_3538 = arith.mulf %gather3A_3535, %bitcast3A_267 : vector<16xf32>
      %add3A_3539 = arith.addf %add3A_3532, %mul3A_3538 : vector<16xf32>
      %broadcast_in_dim3A_3540 = arith.constant 36 : i32
      %broadcast_in_dim3A_3541 = vector.broadcast %broadcast_in_dim3A_3540 : i32 to vector<16xi32>
      %gather3A_3542 = tpu.vector_load_idx %arg18[%broadcast_in_dim3A_3541] : memref<48xf32, #tpu.memory_space<vmem>>[vector<16xi32>], vector<16xf32>,
      %mul3A_3543 = arith.mulf %gather3A_3542, %bitcast3A_286 : vector<16xf32>
      %add3A_3544 = arith.addf %add3A_3537, %mul3A_3543 : vector<16xf32>
      %mul3A_3545 = arith.mulf %gather3A_3542, %bitcast3A_301 : vector<16xf32>
      %add3A_3546 = arith.addf %add3A_3539, %mul3A_3545 : vector<16xf32>
      %broadcast_in_dim3A_3547 = arith.constant 37 : i32
      %broadcast_in_dim3A_3548 = vector.broadcast %broadcast_in_dim3A_3547 : i32 to vector<16xi32>
      %gather3A_3549 = tpu.vector_load_idx %arg18[%broadcast_in_dim3A_3548] : memref<48xf32, #tpu.memory_space<vmem>>[vector<16xi32>], vector<16xf32>,
      %mul3A_3550 = arith.mulf %gather3A_3549, %bitcast3A_320 : vector<16xf32>
      %add3A_3551 = arith.addf %add3A_3544, %mul3A_3550 : vector<16xf32>
      %mul3A_3552 = arith.mulf %gather3A_3549, %bitcast3A_335 : vector<16xf32>
      %add3A_3553 = arith.addf %add3A_3546, %mul3A_3552 : vector<16xf32>
      %broadcast_in_dim3A_3554 = arith.constant 38 : i32
      %broadcast_in_dim3A_3555 = vector.broadcast %broadcast_in_dim3A_3554 : i32 to vector<16xi32>
      %gather3A_3556 = tpu.vector_load_idx %arg18[%broadcast_in_dim3A_3555] : memref<48xf32, #tpu.memory_space<vmem>>[vector<16xi32>], vector<16xf32>,
      %mul3A_3557 = arith.mulf %gather3A_3556, %bitcast3A_354 : vector<16xf32>
      %add3A_3558 = arith.addf %add3A_3551, %mul3A_3557 : vector<16xf32>
      %mul3A_3559 = arith.mulf %gather3A_3556, %bitcast3A_369 : vector<16xf32>
      %add3A_3560 = arith.addf %add3A_3553, %mul3A_3559 : vector<16xf32>
      %broadcast_in_dim3A_3561 = arith.constant 39 : i32
      %broadcast_in_dim3A_3562 = vector.broadcast %broadcast_in_dim3A_3561 : i32 to vector<16xi32>
      %gather3A_3563 = tpu.vector_load_idx %arg18[%broadcast_in_dim3A_3562] : memref<48xf32, #tpu.memory_space<vmem>>[vector<16xi32>], vector<16xf32>,
      %mul3A_3564 = arith.mulf %gather3A_3563, %bitcast3A_388 : vector<16xf32>
      %add3A_3565 = arith.addf %add3A_3558, %mul3A_3564 : vector<16xf32>
      %mul3A_3566 = arith.mulf %gather3A_3563, %bitcast3A_403 : vector<16xf32>
      %add3A_3567 = arith.addf %add3A_3560, %mul3A_3566 : vector<16xf32>
      %broadcast_in_dim3A_3568 = arith.constant 40 : i32
      %broadcast_in_dim3A_3569 = vector.broadcast %broadcast_in_dim3A_3568 : i32 to vector<16xi32>
      %gather3A_3570 = tpu.vector_load_idx %arg18[%broadcast_in_dim3A_3569] : memref<48xf32, #tpu.memory_space<vmem>>[vector<16xi32>], vector<16xf32>,
      %mul3A_3571 = arith.mulf %gather3A_3570, %bitcast3A_422 : vector<16xf32>
      %add3A_3572 = arith.addf %add3A_3565, %mul3A_3571 : vector<16xf32>
      %mul3A_3573 = arith.mulf %gather3A_3570, %bitcast3A_437 : vector<16xf32>
      %add3A_3574 = arith.addf %add3A_3567, %mul3A_3573 : vector<16xf32>
      %broadcast_in_dim3A_3575 = arith.constant 41 : i32
      %broadcast_in_dim3A_3576 = vector.broadcast %broadcast_in_dim3A_3575 : i32 to vector<16xi32>
      %gather3A_3577 = tpu.vector_load_idx %arg18[%broadcast_in_dim3A_3576] : memref<48xf32, #tpu.memory_space<vmem>>[vector<16xi32>], vector<16xf32>,
      %mul3A_3578 = arith.mulf %gather3A_3577, %bitcast3A_456 : vector<16xf32>
      %add3A_3579 = arith.addf %add3A_3572, %mul3A_3578 : vector<16xf32>
      %mul3A_3580 = arith.mulf %gather3A_3577, %bitcast3A_471 : vector<16xf32>
      %add3A_3581 = arith.addf %add3A_3574, %mul3A_3580 : vector<16xf32>
      %broadcast_in_dim3A_3582 = arith.constant 42 : i32
      %broadcast_in_dim3A_3583 = vector.broadcast %broadcast_in_dim3A_3582 : i32 to vector<16xi32>
      %gather3A_3584 = tpu.vector_load_idx %arg18[%broadcast_in_dim3A_3583] : memref<48xf32, #tpu.memory_space<vmem>>[vector<16xi32>], vector<16xf32>,
      %mul3A_3585 = arith.mulf %gather3A_3584, %bitcast3A_490 : vector<16xf32>
      %add3A_3586 = arith.addf %add3A_3579, %mul3A_3585 : vector<16xf32>
      %mul3A_3587 = arith.mulf %gather3A_3584, %bitcast3A_505 : vector<16xf32>
      %add3A_3588 = arith.addf %add3A_3581, %mul3A_3587 : vector<16xf32>
      %broadcast_in_dim3A_3589 = arith.constant 43 : i32
      %broadcast_in_dim3A_3590 = vector.broadcast %broadcast_in_dim3A_3589 : i32 to vector<16xi32>
      %gather3A_3591 = tpu.vector_load_idx %arg18[%broadcast_in_dim3A_3590] : memref<48xf32, #tpu.memory_space<vmem>>[vector<16xi32>], vector<16xf32>,
      %mul3A_3592 = arith.mulf %gather3A_3591, %bitcast3A_524 : vector<16xf32>
      %add3A_3593 = arith.addf %add3A_3586, %mul3A_3592 : vector<16xf32>
      %mul3A_3594 = arith.mulf %gather3A_3591, %bitcast3A_539 : vector<16xf32>
      %add3A_3595 = arith.addf %add3A_3588, %mul3A_3594 : vector<16xf32>
      %broadcast_in_dim3A_3596 = arith.constant 44 : i32
      %broadcast_in_dim3A_3597 = vector.broadcast %broadcast_in_dim3A_3596 : i32 to vector<16xi32>
      %gather3A_3598 = tpu.vector_load_idx %arg18[%broadcast_in_dim3A_3597] : memref<48xf32, #tpu.memory_space<vmem>>[vector<16xi32>], vector<16xf32>,
      %mul3A_3599 = arith.mulf %gather3A_3598, %bitcast3A_558 : vector<16xf32>
      %add3A_3600 = arith.addf %add3A_3593, %mul3A_3599 : vector<16xf32>
      %mul3A_3601 = arith.mulf %gather3A_3598, %bitcast3A_573 : vector<16xf32>
      %add3A_3602 = arith.addf %add3A_3595, %mul3A_3601 : vector<16xf32>
      %broadcast_in_dim3A_3603 = arith.constant 45 : i32
      %broadcast_in_dim3A_3604 = vector.broadcast %broadcast_in_dim3A_3603 : i32 to vector<16xi32>
      %gather3A_3605 = tpu.vector_load_idx %arg18[%broadcast_in_dim3A_3604] : memref<48xf32, #tpu.memory_space<vmem>>[vector<16xi32>], vector<16xf32>,
      %mul3A_3606 = arith.mulf %gather3A_3605, %bitcast3A_592 : vector<16xf32>
      %add3A_3607 = arith.addf %add3A_3600, %mul3A_3606 : vector<16xf32>
      %mul3A_3608 = arith.mulf %gather3A_3605, %bitcast3A_607 : vector<16xf32>
      %add3A_3609 = arith.addf %add3A_3602, %mul3A_3608 : vector<16xf32>
      %bitcast3A_3610 = vector.bitcast %add3A_3607 : vector<16xf32> to vector<16xi32>
      %add3A_3611 = arith.constant 32767 : i32
      %add3A_3612 = vector.broadcast %add3A_3611 : i32 to vector<16xi32>
      %add3A_3613 = arith.addi %bitcast3A_3610, %add3A_3612 : vector<16xi32>
      %shift_right_logical3A_3614 = arith.constant 16 : i32
      %shift_right_logical3A_3615 = vector.broadcast %shift_right_logical3A_3614 : i32 to vector<16xi32>
      %shift_right_logical3A_3616 = arith.shrui %bitcast3A_3610, %shift_right_logical3A_3615 : vector<16xi32>
      %and3A_3617 = arith.constant 1 : i32
      %and3A_3618 = vector.broadcast %and3A_3617 : i32 to vector<16xi32>
      %and3A_3619 = arith.andi %shift_right_logical3A_3616, %and3A_3618 : vector<16xi32>
      %add3A_3620 = arith.addi %add3A_3613, %and3A_3619 : vector<16xi32>
      %and3A_3621 = arith.constant -65536 : i32
      %and3A_3622 = vector.broadcast %and3A_3621 : i32 to vector<16xi32>
      %and3A_3623 = arith.andi %add3A_3620, %and3A_3622 : vector<16xi32>
      %bitcast3A_3624 = vector.bitcast %and3A_3623 : vector<16xi32> to vector<16xf32>
      %bitcast3A_3625 = vector.bitcast %add3A_3609 : vector<16xf32> to vector<16xi32>
      %add3A_3626 = arith.constant 32767 : i32
      %add3A_3627 = vector.broadcast %add3A_3626 : i32 to vector<16xi32>
      %add3A_3628 = arith.addi %bitcast3A_3625, %add3A_3627 : vector<16xi32>
      %shift_right_logical3A_3629 = arith.constant 16 : i32
      %shift_right_logical3A_3630 = vector.broadcast %shift_right_logical3A_3629 : i32 to vector<16xi32>
      %shift_right_logical3A_3631 = arith.shrui %bitcast3A_3625, %shift_right_logical3A_3630 : vector<16xi32>
      %and3A_3632 = arith.constant 1 : i32
      %and3A_3633 = vector.broadcast %and3A_3632 : i32 to vector<16xi32>
      %and3A_3634 = arith.andi %shift_right_logical3A_3631, %and3A_3633 : vector<16xi32>
      %add3A_3635 = arith.addi %add3A_3628, %and3A_3634 : vector<16xi32>
      %and3A_3636 = arith.constant -65536 : i32
      %and3A_3637 = vector.broadcast %and3A_3636 : i32 to vector<16xi32>
      %and3A_3638 = arith.andi %add3A_3635, %and3A_3637 : vector<16xi32>
      %bitcast3A_3639 = vector.bitcast %and3A_3638 : vector<16xi32> to vector<16xf32>
      %mul3A_3640 = arith.mulf %bitcast3A_3624, %bitcast3A_628 : vector<16xf32>
      %mul3A_3641 = arith.mulf %bitcast3A_3639, %bitcast3A_643 : vector<16xf32>
      %add3A_3642 = arith.addf %mul3A_3640, %mul3A_3641 : vector<16xf32>
      %swap3A_3643 = arith.constant 160 : index
      %swap3A_3644 = tpu.vector_load %arg19[%swap3A_3643] {strides = array<i32>} : memref<256xf32, #tpu.memory_space<vmem>>, vector<16xf32>,
      tpu.vector_store %arg19[%swap3A_3643], %add3A_3642 {strides = array<i32>} : memref<256xf32, #tpu.memory_space<vmem>>, vector<16xf32>,
      %mul3A_3645 = arith.constant 16 : i32
      %mul3A_3646 = arith.muli %scan3A_656, %mul3A_3645 : i32
      %add3A_3647 = arith.constant 11 : i32
      %add3A_3648 = arith.addi %mul3A_3646, %add3A_3647 : i32
      %broadcast_in_dim3A_3649 = arith.constant 27 : i32
      %broadcast_in_dim3A_3650 = vector.broadcast %broadcast_in_dim3A_3649 : i32 to vector<16xi32>
      %gather3A_3651 = tpu.vector_load_idx %arg18[%broadcast_in_dim3A_3650] : memref<48xf32, #tpu.memory_space<vmem>>[vector<16xi32>], vector<16xf32>,
      %lt3A_3652 = arith.constant 14 : i32
      %lt3A_3653 = vector.broadcast %lt3A_3652 : i32 to vector<16xi32>
      %lt3A_3654 = arith.cmpi slt, %iota3A, %lt3A_3653 : vector<16xi32>
      %get3A_3655 = arith.index_cast %add3A_3648 : i32 to index
      %get3A_3656 = arith.constant 0 : index
      %get3A_3657 = tpu.vector_load %arg12[%get3A_3655, %get3A_3656] {strides = array<i32>} : memref<512x16xf32, #tpu.memory_space<vmem>>, vector<16xf32>,
      %jit3A_3658 = arith.constant 0.000000e+00 : f32
      %broadcast_in_dim3A_3659 = vector.broadcast %jit3A_3658 : f32 to vector<16xf32>
      %select_n3A_3660 = arith.select %lt3A_3654, %get3A_3657, %broadcast_in_dim3A_3659 : vector<16xi1>, vector<16xf32>
      %bitcast3A_3661 = vector.bitcast %select_n3A_3660 : vector<16xf32> to vector<16xi32>
      %add3A_3662 = arith.constant 32767 : i32
      %add3A_3663 = vector.broadcast %add3A_3662 : i32 to vector<16xi32>
      %add3A_3664 = arith.addi %bitcast3A_3661, %add3A_3663 : vector<16xi32>
      %shift_right_logical3A_3665 = arith.constant 16 : i32
      %shift_right_logical3A_3666 = vector.broadcast %shift_right_logical3A_3665 : i32 to vector<16xi32>
      %shift_right_logical3A_3667 = arith.shrui %bitcast3A_3661, %shift_right_logical3A_3666 : vector<16xi32>
      %and3A_3668 = arith.constant 1 : i32
      %and3A_3669 = vector.broadcast %and3A_3668 : i32 to vector<16xi32>
      %and3A_3670 = arith.andi %shift_right_logical3A_3667, %and3A_3669 : vector<16xi32>
      %add3A_3671 = arith.addi %add3A_3664, %and3A_3670 : vector<16xi32>
      %and3A_3672 = arith.constant -65536 : i32
      %and3A_3673 = vector.broadcast %and3A_3672 : i32 to vector<16xi32>
      %and3A_3674 = arith.andi %add3A_3671, %and3A_3673 : vector<16xi32>
      %bitcast3A_3675 = vector.bitcast %and3A_3674 : vector<16xi32> to vector<16xf32>
      %swap3A_3676 = arith.constant 32 : index
      %swap3A_3677 = tpu.vector_load %arg18[%swap3A_3676] {strides = array<i32>} : memref<48xf32, #tpu.memory_space<vmem>>, vector<16xf32>,
      tpu.vector_store %arg18[%swap3A_3676], %bitcast3A_3675 {strides = array<i32>} : memref<48xf32, #tpu.memory_space<vmem>>, vector<16xf32>,
      %mul3A_3678 = arith.mulf %gather3A_3651, %add3A_608 : vector<16xf32>
      %add3A_3679 = arith.addf %mul3A_3678, %get3A_645 : vector<16xf32>
      %mul3A_3680 = arith.mulf %gather3A_3651, %add3A_609 : vector<16xf32>
      %add3A_3681 = arith.addf %mul3A_3680, %get3A_647 : vector<16xf32>
      %broadcast_in_dim3A_3682 = arith.constant 32 : i32
      %broadcast_in_dim3A_3683 = vector.broadcast %broadcast_in_dim3A_3682 : i32 to vector<16xi32>
      %gather3A_3684 = tpu.vector_load_idx %arg18[%broadcast_in_dim3A_3683] : memref<48xf32, #tpu.memory_space<vmem>>[vector<16xi32>], vector<16xf32>,
      %mul3A_3685 = arith.mulf %gather3A_3684, %bitcast3A_150 : vector<16xf32>
      %add3A_3686 = arith.addf %add3A_3679, %mul3A_3685 : vector<16xf32>
      %mul3A_3687 = arith.mulf %gather3A_3684, %bitcast3A_165 : vector<16xf32>
      %add3A_3688 = arith.addf %add3A_3681, %mul3A_3687 : vector<16xf32>
      %broadcast_in_dim3A_3689 = arith.constant 33 : i32
      %broadcast_in_dim3A_3690 = vector.broadcast %broadcast_in_dim3A_3689 : i32 to vector<16xi32>
      %gather3A_3691 = tpu.vector_load_idx %arg18[%broadcast_in_dim3A_3690] : memref<48xf32, #tpu.memory_space<vmem>>[vector<16xi32>], vector<16xf32>,
      %mul3A_3692 = arith.mulf %gather3A_3691, %bitcast3A_184 : vector<16xf32>
      %add3A_3693 = arith.addf %add3A_3686, %mul3A_3692 : vector<16xf32>
      %mul3A_3694 = arith.mulf %gather3A_3691, %bitcast3A_199 : vector<16xf32>
      %add3A_3695 = arith.addf %add3A_3688, %mul3A_3694 : vector<16xf32>
      %broadcast_in_dim3A_3696 = arith.constant 34 : i32
      %broadcast_in_dim3A_3697 = vector.broadcast %broadcast_in_dim3A_3696 : i32 to vector<16xi32>
      %gather3A_3698 = tpu.vector_load_idx %arg18[%broadcast_in_dim3A_3697] : memref<48xf32, #tpu.memory_space<vmem>>[vector<16xi32>], vector<16xf32>,
      %mul3A_3699 = arith.mulf %gather3A_3698, %bitcast3A_218 : vector<16xf32>
      %add3A_3700 = arith.addf %add3A_3693, %mul3A_3699 : vector<16xf32>
      %mul3A_3701 = arith.mulf %gather3A_3698, %bitcast3A_233 : vector<16xf32>
      %add3A_3702 = arith.addf %add3A_3695, %mul3A_3701 : vector<16xf32>
      %broadcast_in_dim3A_3703 = arith.constant 35 : i32
      %broadcast_in_dim3A_3704 = vector.broadcast %broadcast_in_dim3A_3703 : i32 to vector<16xi32>
      %gather3A_3705 = tpu.vector_load_idx %arg18[%broadcast_in_dim3A_3704] : memref<48xf32, #tpu.memory_space<vmem>>[vector<16xi32>], vector<16xf32>,
      %mul3A_3706 = arith.mulf %gather3A_3705, %bitcast3A_252 : vector<16xf32>
      %add3A_3707 = arith.addf %add3A_3700, %mul3A_3706 : vector<16xf32>
      %mul3A_3708 = arith.mulf %gather3A_3705, %bitcast3A_267 : vector<16xf32>
      %add3A_3709 = arith.addf %add3A_3702, %mul3A_3708 : vector<16xf32>
      %broadcast_in_dim3A_3710 = arith.constant 36 : i32
      %broadcast_in_dim3A_3711 = vector.broadcast %broadcast_in_dim3A_3710 : i32 to vector<16xi32>
      %gather3A_3712 = tpu.vector_load_idx %arg18[%broadcast_in_dim3A_3711] : memref<48xf32, #tpu.memory_space<vmem>>[vector<16xi32>], vector<16xf32>,
      %mul3A_3713 = arith.mulf %gather3A_3712, %bitcast3A_286 : vector<16xf32>
      %add3A_3714 = arith.addf %add3A_3707, %mul3A_3713 : vector<16xf32>
      %mul3A_3715 = arith.mulf %gather3A_3712, %bitcast3A_301 : vector<16xf32>
      %add3A_3716 = arith.addf %add3A_3709, %mul3A_3715 : vector<16xf32>
      %broadcast_in_dim3A_3717 = arith.constant 37 : i32
      %broadcast_in_dim3A_3718 = vector.broadcast %broadcast_in_dim3A_3717 : i32 to vector<16xi32>
      %gather3A_3719 = tpu.vector_load_idx %arg18[%broadcast_in_dim3A_3718] : memref<48xf32, #tpu.memory_space<vmem>>[vector<16xi32>], vector<16xf32>,
      %mul3A_3720 = arith.mulf %gather3A_3719, %bitcast3A_320 : vector<16xf32>
      %add3A_3721 = arith.addf %add3A_3714, %mul3A_3720 : vector<16xf32>
      %mul3A_3722 = arith.mulf %gather3A_3719, %bitcast3A_335 : vector<16xf32>
      %add3A_3723 = arith.addf %add3A_3716, %mul3A_3722 : vector<16xf32>
      %broadcast_in_dim3A_3724 = arith.constant 38 : i32
      %broadcast_in_dim3A_3725 = vector.broadcast %broadcast_in_dim3A_3724 : i32 to vector<16xi32>
      %gather3A_3726 = tpu.vector_load_idx %arg18[%broadcast_in_dim3A_3725] : memref<48xf32, #tpu.memory_space<vmem>>[vector<16xi32>], vector<16xf32>,
      %mul3A_3727 = arith.mulf %gather3A_3726, %bitcast3A_354 : vector<16xf32>
      %add3A_3728 = arith.addf %add3A_3721, %mul3A_3727 : vector<16xf32>
      %mul3A_3729 = arith.mulf %gather3A_3726, %bitcast3A_369 : vector<16xf32>
      %add3A_3730 = arith.addf %add3A_3723, %mul3A_3729 : vector<16xf32>
      %broadcast_in_dim3A_3731 = arith.constant 39 : i32
      %broadcast_in_dim3A_3732 = vector.broadcast %broadcast_in_dim3A_3731 : i32 to vector<16xi32>
      %gather3A_3733 = tpu.vector_load_idx %arg18[%broadcast_in_dim3A_3732] : memref<48xf32, #tpu.memory_space<vmem>>[vector<16xi32>], vector<16xf32>,
      %mul3A_3734 = arith.mulf %gather3A_3733, %bitcast3A_388 : vector<16xf32>
      %add3A_3735 = arith.addf %add3A_3728, %mul3A_3734 : vector<16xf32>
      %mul3A_3736 = arith.mulf %gather3A_3733, %bitcast3A_403 : vector<16xf32>
      %add3A_3737 = arith.addf %add3A_3730, %mul3A_3736 : vector<16xf32>
      %broadcast_in_dim3A_3738 = arith.constant 40 : i32
      %broadcast_in_dim3A_3739 = vector.broadcast %broadcast_in_dim3A_3738 : i32 to vector<16xi32>
      %gather3A_3740 = tpu.vector_load_idx %arg18[%broadcast_in_dim3A_3739] : memref<48xf32, #tpu.memory_space<vmem>>[vector<16xi32>], vector<16xf32>,
      %mul3A_3741 = arith.mulf %gather3A_3740, %bitcast3A_422 : vector<16xf32>
      %add3A_3742 = arith.addf %add3A_3735, %mul3A_3741 : vector<16xf32>
      %mul3A_3743 = arith.mulf %gather3A_3740, %bitcast3A_437 : vector<16xf32>
      %add3A_3744 = arith.addf %add3A_3737, %mul3A_3743 : vector<16xf32>
      %broadcast_in_dim3A_3745 = arith.constant 41 : i32
      %broadcast_in_dim3A_3746 = vector.broadcast %broadcast_in_dim3A_3745 : i32 to vector<16xi32>
      %gather3A_3747 = tpu.vector_load_idx %arg18[%broadcast_in_dim3A_3746] : memref<48xf32, #tpu.memory_space<vmem>>[vector<16xi32>], vector<16xf32>,
      %mul3A_3748 = arith.mulf %gather3A_3747, %bitcast3A_456 : vector<16xf32>
      %add3A_3749 = arith.addf %add3A_3742, %mul3A_3748 : vector<16xf32>
      %mul3A_3750 = arith.mulf %gather3A_3747, %bitcast3A_471 : vector<16xf32>
      %add3A_3751 = arith.addf %add3A_3744, %mul3A_3750 : vector<16xf32>
      %broadcast_in_dim3A_3752 = arith.constant 42 : i32
      %broadcast_in_dim3A_3753 = vector.broadcast %broadcast_in_dim3A_3752 : i32 to vector<16xi32>
      %gather3A_3754 = tpu.vector_load_idx %arg18[%broadcast_in_dim3A_3753] : memref<48xf32, #tpu.memory_space<vmem>>[vector<16xi32>], vector<16xf32>,
      %mul3A_3755 = arith.mulf %gather3A_3754, %bitcast3A_490 : vector<16xf32>
      %add3A_3756 = arith.addf %add3A_3749, %mul3A_3755 : vector<16xf32>
      %mul3A_3757 = arith.mulf %gather3A_3754, %bitcast3A_505 : vector<16xf32>
      %add3A_3758 = arith.addf %add3A_3751, %mul3A_3757 : vector<16xf32>
      %broadcast_in_dim3A_3759 = arith.constant 43 : i32
      %broadcast_in_dim3A_3760 = vector.broadcast %broadcast_in_dim3A_3759 : i32 to vector<16xi32>
      %gather3A_3761 = tpu.vector_load_idx %arg18[%broadcast_in_dim3A_3760] : memref<48xf32, #tpu.memory_space<vmem>>[vector<16xi32>], vector<16xf32>,
      %mul3A_3762 = arith.mulf %gather3A_3761, %bitcast3A_524 : vector<16xf32>
      %add3A_3763 = arith.addf %add3A_3756, %mul3A_3762 : vector<16xf32>
      %mul3A_3764 = arith.mulf %gather3A_3761, %bitcast3A_539 : vector<16xf32>
      %add3A_3765 = arith.addf %add3A_3758, %mul3A_3764 : vector<16xf32>
      %broadcast_in_dim3A_3766 = arith.constant 44 : i32
      %broadcast_in_dim3A_3767 = vector.broadcast %broadcast_in_dim3A_3766 : i32 to vector<16xi32>
      %gather3A_3768 = tpu.vector_load_idx %arg18[%broadcast_in_dim3A_3767] : memref<48xf32, #tpu.memory_space<vmem>>[vector<16xi32>], vector<16xf32>,
      %mul3A_3769 = arith.mulf %gather3A_3768, %bitcast3A_558 : vector<16xf32>
      %add3A_3770 = arith.addf %add3A_3763, %mul3A_3769 : vector<16xf32>
      %mul3A_3771 = arith.mulf %gather3A_3768, %bitcast3A_573 : vector<16xf32>
      %add3A_3772 = arith.addf %add3A_3765, %mul3A_3771 : vector<16xf32>
      %broadcast_in_dim3A_3773 = arith.constant 45 : i32
      %broadcast_in_dim3A_3774 = vector.broadcast %broadcast_in_dim3A_3773 : i32 to vector<16xi32>
      %gather3A_3775 = tpu.vector_load_idx %arg18[%broadcast_in_dim3A_3774] : memref<48xf32, #tpu.memory_space<vmem>>[vector<16xi32>], vector<16xf32>,
      %mul3A_3776 = arith.mulf %gather3A_3775, %bitcast3A_592 : vector<16xf32>
      %add3A_3777 = arith.addf %add3A_3770, %mul3A_3776 : vector<16xf32>
      %mul3A_3778 = arith.mulf %gather3A_3775, %bitcast3A_607 : vector<16xf32>
      %add3A_3779 = arith.addf %add3A_3772, %mul3A_3778 : vector<16xf32>
      %bitcast3A_3780 = vector.bitcast %add3A_3777 : vector<16xf32> to vector<16xi32>
      %add3A_3781 = arith.constant 32767 : i32
      %add3A_3782 = vector.broadcast %add3A_3781 : i32 to vector<16xi32>
      %add3A_3783 = arith.addi %bitcast3A_3780, %add3A_3782 : vector<16xi32>
      %shift_right_logical3A_3784 = arith.constant 16 : i32
      %shift_right_logical3A_3785 = vector.broadcast %shift_right_logical3A_3784 : i32 to vector<16xi32>
      %shift_right_logical3A_3786 = arith.shrui %bitcast3A_3780, %shift_right_logical3A_3785 : vector<16xi32>
      %and3A_3787 = arith.constant 1 : i32
      %and3A_3788 = vector.broadcast %and3A_3787 : i32 to vector<16xi32>
      %and3A_3789 = arith.andi %shift_right_logical3A_3786, %and3A_3788 : vector<16xi32>
      %add3A_3790 = arith.addi %add3A_3783, %and3A_3789 : vector<16xi32>
      %and3A_3791 = arith.constant -65536 : i32
      %and3A_3792 = vector.broadcast %and3A_3791 : i32 to vector<16xi32>
      %and3A_3793 = arith.andi %add3A_3790, %and3A_3792 : vector<16xi32>
      %bitcast3A_3794 = vector.bitcast %and3A_3793 : vector<16xi32> to vector<16xf32>
      %bitcast3A_3795 = vector.bitcast %add3A_3779 : vector<16xf32> to vector<16xi32>
      %add3A_3796 = arith.constant 32767 : i32
      %add3A_3797 = vector.broadcast %add3A_3796 : i32 to vector<16xi32>
      %add3A_3798 = arith.addi %bitcast3A_3795, %add3A_3797 : vector<16xi32>
      %shift_right_logical3A_3799 = arith.constant 16 : i32
      %shift_right_logical3A_3800 = vector.broadcast %shift_right_logical3A_3799 : i32 to vector<16xi32>
      %shift_right_logical3A_3801 = arith.shrui %bitcast3A_3795, %shift_right_logical3A_3800 : vector<16xi32>
      %and3A_3802 = arith.constant 1 : i32
      %and3A_3803 = vector.broadcast %and3A_3802 : i32 to vector<16xi32>
      %and3A_3804 = arith.andi %shift_right_logical3A_3801, %and3A_3803 : vector<16xi32>
      %add3A_3805 = arith.addi %add3A_3798, %and3A_3804 : vector<16xi32>
      %and3A_3806 = arith.constant -65536 : i32
      %and3A_3807 = vector.broadcast %and3A_3806 : i32 to vector<16xi32>
      %and3A_3808 = arith.andi %add3A_3805, %and3A_3807 : vector<16xi32>
      %bitcast3A_3809 = vector.bitcast %and3A_3808 : vector<16xi32> to vector<16xf32>
      %mul3A_3810 = arith.mulf %bitcast3A_3794, %bitcast3A_628 : vector<16xf32>
      %mul3A_3811 = arith.mulf %bitcast3A_3809, %bitcast3A_643 : vector<16xf32>
      %add3A_3812 = arith.addf %mul3A_3810, %mul3A_3811 : vector<16xf32>
      %swap3A_3813 = arith.constant 176 : index
      %swap3A_3814 = tpu.vector_load %arg19[%swap3A_3813] {strides = array<i32>} : memref<256xf32, #tpu.memory_space<vmem>>, vector<16xf32>,
      tpu.vector_store %arg19[%swap3A_3813], %add3A_3812 {strides = array<i32>} : memref<256xf32, #tpu.memory_space<vmem>>, vector<16xf32>,
      %mul3A_3815 = arith.constant 16 : i32
      %mul3A_3816 = arith.muli %scan3A_656, %mul3A_3815 : i32
      %add3A_3817 = arith.constant 12 : i32
      %add3A_3818 = arith.addi %mul3A_3816, %add3A_3817 : i32
      %broadcast_in_dim3A_3819 = arith.constant 28 : i32
      %broadcast_in_dim3A_3820 = vector.broadcast %broadcast_in_dim3A_3819 : i32 to vector<16xi32>
      %gather3A_3821 = tpu.vector_load_idx %arg18[%broadcast_in_dim3A_3820] : memref<48xf32, #tpu.memory_space<vmem>>[vector<16xi32>], vector<16xf32>,
      %lt3A_3822 = arith.constant 14 : i32
      %lt3A_3823 = vector.broadcast %lt3A_3822 : i32 to vector<16xi32>
      %lt3A_3824 = arith.cmpi slt, %iota3A, %lt3A_3823 : vector<16xi32>
      %get3A_3825 = arith.index_cast %add3A_3818 : i32 to index
      %get3A_3826 = arith.constant 0 : index
      %get3A_3827 = tpu.vector_load %arg12[%get3A_3825, %get3A_3826] {strides = array<i32>} : memref<512x16xf32, #tpu.memory_space<vmem>>, vector<16xf32>,
      %jit3A_3828 = arith.constant 0.000000e+00 : f32
      %broadcast_in_dim3A_3829 = vector.broadcast %jit3A_3828 : f32 to vector<16xf32>
      %select_n3A_3830 = arith.select %lt3A_3824, %get3A_3827, %broadcast_in_dim3A_3829 : vector<16xi1>, vector<16xf32>
      %bitcast3A_3831 = vector.bitcast %select_n3A_3830 : vector<16xf32> to vector<16xi32>
      %add3A_3832 = arith.constant 32767 : i32
      %add3A_3833 = vector.broadcast %add3A_3832 : i32 to vector<16xi32>
      %add3A_3834 = arith.addi %bitcast3A_3831, %add3A_3833 : vector<16xi32>
      %shift_right_logical3A_3835 = arith.constant 16 : i32
      %shift_right_logical3A_3836 = vector.broadcast %shift_right_logical3A_3835 : i32 to vector<16xi32>
      %shift_right_logical3A_3837 = arith.shrui %bitcast3A_3831, %shift_right_logical3A_3836 : vector<16xi32>
      %and3A_3838 = arith.constant 1 : i32
      %and3A_3839 = vector.broadcast %and3A_3838 : i32 to vector<16xi32>
      %and3A_3840 = arith.andi %shift_right_logical3A_3837, %and3A_3839 : vector<16xi32>
      %add3A_3841 = arith.addi %add3A_3834, %and3A_3840 : vector<16xi32>
      %and3A_3842 = arith.constant -65536 : i32
      %and3A_3843 = vector.broadcast %and3A_3842 : i32 to vector<16xi32>
      %and3A_3844 = arith.andi %add3A_3841, %and3A_3843 : vector<16xi32>
      %bitcast3A_3845 = vector.bitcast %and3A_3844 : vector<16xi32> to vector<16xf32>
      %swap3A_3846 = arith.constant 32 : index
      %swap3A_3847 = tpu.vector_load %arg18[%swap3A_3846] {strides = array<i32>} : memref<48xf32, #tpu.memory_space<vmem>>, vector<16xf32>,
      tpu.vector_store %arg18[%swap3A_3846], %bitcast3A_3845 {strides = array<i32>} : memref<48xf32, #tpu.memory_space<vmem>>, vector<16xf32>,
      %mul3A_3848 = arith.mulf %gather3A_3821, %add3A_608 : vector<16xf32>
      %add3A_3849 = arith.addf %mul3A_3848, %get3A_645 : vector<16xf32>
      %mul3A_3850 = arith.mulf %gather3A_3821, %add3A_609 : vector<16xf32>
      %add3A_3851 = arith.addf %mul3A_3850, %get3A_647 : vector<16xf32>
      %broadcast_in_dim3A_3852 = arith.constant 32 : i32
      %broadcast_in_dim3A_3853 = vector.broadcast %broadcast_in_dim3A_3852 : i32 to vector<16xi32>
      %gather3A_3854 = tpu.vector_load_idx %arg18[%broadcast_in_dim3A_3853] : memref<48xf32, #tpu.memory_space<vmem>>[vector<16xi32>], vector<16xf32>,
      %mul3A_3855 = arith.mulf %gather3A_3854, %bitcast3A_150 : vector<16xf32>
      %add3A_3856 = arith.addf %add3A_3849, %mul3A_3855 : vector<16xf32>
      %mul3A_3857 = arith.mulf %gather3A_3854, %bitcast3A_165 : vector<16xf32>
      %add3A_3858 = arith.addf %add3A_3851, %mul3A_3857 : vector<16xf32>
      %broadcast_in_dim3A_3859 = arith.constant 33 : i32
      %broadcast_in_dim3A_3860 = vector.broadcast %broadcast_in_dim3A_3859 : i32 to vector<16xi32>
      %gather3A_3861 = tpu.vector_load_idx %arg18[%broadcast_in_dim3A_3860] : memref<48xf32, #tpu.memory_space<vmem>>[vector<16xi32>], vector<16xf32>,
      %mul3A_3862 = arith.mulf %gather3A_3861, %bitcast3A_184 : vector<16xf32>
      %add3A_3863 = arith.addf %add3A_3856, %mul3A_3862 : vector<16xf32>
      %mul3A_3864 = arith.mulf %gather3A_3861, %bitcast3A_199 : vector<16xf32>
      %add3A_3865 = arith.addf %add3A_3858, %mul3A_3864 : vector<16xf32>
      %broadcast_in_dim3A_3866 = arith.constant 34 : i32
      %broadcast_in_dim3A_3867 = vector.broadcast %broadcast_in_dim3A_3866 : i32 to vector<16xi32>
      %gather3A_3868 = tpu.vector_load_idx %arg18[%broadcast_in_dim3A_3867] : memref<48xf32, #tpu.memory_space<vmem>>[vector<16xi32>], vector<16xf32>,
      %mul3A_3869 = arith.mulf %gather3A_3868, %bitcast3A_218 : vector<16xf32>
      %add3A_3870 = arith.addf %add3A_3863, %mul3A_3869 : vector<16xf32>
      %mul3A_3871 = arith.mulf %gather3A_3868, %bitcast3A_233 : vector<16xf32>
      %add3A_3872 = arith.addf %add3A_3865, %mul3A_3871 : vector<16xf32>
      %broadcast_in_dim3A_3873 = arith.constant 35 : i32
      %broadcast_in_dim3A_3874 = vector.broadcast %broadcast_in_dim3A_3873 : i32 to vector<16xi32>
      %gather3A_3875 = tpu.vector_load_idx %arg18[%broadcast_in_dim3A_3874] : memref<48xf32, #tpu.memory_space<vmem>>[vector<16xi32>], vector<16xf32>,
      %mul3A_3876 = arith.mulf %gather3A_3875, %bitcast3A_252 : vector<16xf32>
      %add3A_3877 = arith.addf %add3A_3870, %mul3A_3876 : vector<16xf32>
      %mul3A_3878 = arith.mulf %gather3A_3875, %bitcast3A_267 : vector<16xf32>
      %add3A_3879 = arith.addf %add3A_3872, %mul3A_3878 : vector<16xf32>
      %broadcast_in_dim3A_3880 = arith.constant 36 : i32
      %broadcast_in_dim3A_3881 = vector.broadcast %broadcast_in_dim3A_3880 : i32 to vector<16xi32>
      %gather3A_3882 = tpu.vector_load_idx %arg18[%broadcast_in_dim3A_3881] : memref<48xf32, #tpu.memory_space<vmem>>[vector<16xi32>], vector<16xf32>,
      %mul3A_3883 = arith.mulf %gather3A_3882, %bitcast3A_286 : vector<16xf32>
      %add3A_3884 = arith.addf %add3A_3877, %mul3A_3883 : vector<16xf32>
      %mul3A_3885 = arith.mulf %gather3A_3882, %bitcast3A_301 : vector<16xf32>
      %add3A_3886 = arith.addf %add3A_3879, %mul3A_3885 : vector<16xf32>
      %broadcast_in_dim3A_3887 = arith.constant 37 : i32
      %broadcast_in_dim3A_3888 = vector.broadcast %broadcast_in_dim3A_3887 : i32 to vector<16xi32>
      %gather3A_3889 = tpu.vector_load_idx %arg18[%broadcast_in_dim3A_3888] : memref<48xf32, #tpu.memory_space<vmem>>[vector<16xi32>], vector<16xf32>,
      %mul3A_3890 = arith.mulf %gather3A_3889, %bitcast3A_320 : vector<16xf32>
      %add3A_3891 = arith.addf %add3A_3884, %mul3A_3890 : vector<16xf32>
      %mul3A_3892 = arith.mulf %gather3A_3889, %bitcast3A_335 : vector<16xf32>
      %add3A_3893 = arith.addf %add3A_3886, %mul3A_3892 : vector<16xf32>
      %broadcast_in_dim3A_3894 = arith.constant 38 : i32
      %broadcast_in_dim3A_3895 = vector.broadcast %broadcast_in_dim3A_3894 : i32 to vector<16xi32>
      %gather3A_3896 = tpu.vector_load_idx %arg18[%broadcast_in_dim3A_3895] : memref<48xf32, #tpu.memory_space<vmem>>[vector<16xi32>], vector<16xf32>,
      %mul3A_3897 = arith.mulf %gather3A_3896, %bitcast3A_354 : vector<16xf32>
      %add3A_3898 = arith.addf %add3A_3891, %mul3A_3897 : vector<16xf32>
      %mul3A_3899 = arith.mulf %gather3A_3896, %bitcast3A_369 : vector<16xf32>
      %add3A_3900 = arith.addf %add3A_3893, %mul3A_3899 : vector<16xf32>
      %broadcast_in_dim3A_3901 = arith.constant 39 : i32
      %broadcast_in_dim3A_3902 = vector.broadcast %broadcast_in_dim3A_3901 : i32 to vector<16xi32>
      %gather3A_3903 = tpu.vector_load_idx %arg18[%broadcast_in_dim3A_3902] : memref<48xf32, #tpu.memory_space<vmem>>[vector<16xi32>], vector<16xf32>,
      %mul3A_3904 = arith.mulf %gather3A_3903, %bitcast3A_388 : vector<16xf32>
      %add3A_3905 = arith.addf %add3A_3898, %mul3A_3904 : vector<16xf32>
      %mul3A_3906 = arith.mulf %gather3A_3903, %bitcast3A_403 : vector<16xf32>
      %add3A_3907 = arith.addf %add3A_3900, %mul3A_3906 : vector<16xf32>
      %broadcast_in_dim3A_3908 = arith.constant 40 : i32
      %broadcast_in_dim3A_3909 = vector.broadcast %broadcast_in_dim3A_3908 : i32 to vector<16xi32>
      %gather3A_3910 = tpu.vector_load_idx %arg18[%broadcast_in_dim3A_3909] : memref<48xf32, #tpu.memory_space<vmem>>[vector<16xi32>], vector<16xf32>,
      %mul3A_3911 = arith.mulf %gather3A_3910, %bitcast3A_422 : vector<16xf32>
      %add3A_3912 = arith.addf %add3A_3905, %mul3A_3911 : vector<16xf32>
      %mul3A_3913 = arith.mulf %gather3A_3910, %bitcast3A_437 : vector<16xf32>
      %add3A_3914 = arith.addf %add3A_3907, %mul3A_3913 : vector<16xf32>
      %broadcast_in_dim3A_3915 = arith.constant 41 : i32
      %broadcast_in_dim3A_3916 = vector.broadcast %broadcast_in_dim3A_3915 : i32 to vector<16xi32>
      %gather3A_3917 = tpu.vector_load_idx %arg18[%broadcast_in_dim3A_3916] : memref<48xf32, #tpu.memory_space<vmem>>[vector<16xi32>], vector<16xf32>,
      %mul3A_3918 = arith.mulf %gather3A_3917, %bitcast3A_456 : vector<16xf32>
      %add3A_3919 = arith.addf %add3A_3912, %mul3A_3918 : vector<16xf32>
      %mul3A_3920 = arith.mulf %gather3A_3917, %bitcast3A_471 : vector<16xf32>
      %add3A_3921 = arith.addf %add3A_3914, %mul3A_3920 : vector<16xf32>
      %broadcast_in_dim3A_3922 = arith.constant 42 : i32
      %broadcast_in_dim3A_3923 = vector.broadcast %broadcast_in_dim3A_3922 : i32 to vector<16xi32>
      %gather3A_3924 = tpu.vector_load_idx %arg18[%broadcast_in_dim3A_3923] : memref<48xf32, #tpu.memory_space<vmem>>[vector<16xi32>], vector<16xf32>,
      %mul3A_3925 = arith.mulf %gather3A_3924, %bitcast3A_490 : vector<16xf32>
      %add3A_3926 = arith.addf %add3A_3919, %mul3A_3925 : vector<16xf32>
      %mul3A_3927 = arith.mulf %gather3A_3924, %bitcast3A_505 : vector<16xf32>
      %add3A_3928 = arith.addf %add3A_3921, %mul3A_3927 : vector<16xf32>
      %broadcast_in_dim3A_3929 = arith.constant 43 : i32
      %broadcast_in_dim3A_3930 = vector.broadcast %broadcast_in_dim3A_3929 : i32 to vector<16xi32>
      %gather3A_3931 = tpu.vector_load_idx %arg18[%broadcast_in_dim3A_3930] : memref<48xf32, #tpu.memory_space<vmem>>[vector<16xi32>], vector<16xf32>,
      %mul3A_3932 = arith.mulf %gather3A_3931, %bitcast3A_524 : vector<16xf32>
      %add3A_3933 = arith.addf %add3A_3926, %mul3A_3932 : vector<16xf32>
      %mul3A_3934 = arith.mulf %gather3A_3931, %bitcast3A_539 : vector<16xf32>
      %add3A_3935 = arith.addf %add3A_3928, %mul3A_3934 : vector<16xf32>
      %broadcast_in_dim3A_3936 = arith.constant 44 : i32
      %broadcast_in_dim3A_3937 = vector.broadcast %broadcast_in_dim3A_3936 : i32 to vector<16xi32>
      %gather3A_3938 = tpu.vector_load_idx %arg18[%broadcast_in_dim3A_3937] : memref<48xf32, #tpu.memory_space<vmem>>[vector<16xi32>], vector<16xf32>,
      %mul3A_3939 = arith.mulf %gather3A_3938, %bitcast3A_558 : vector<16xf32>
      %add3A_3940 = arith.addf %add3A_3933, %mul3A_3939 : vector<16xf32>
      %mul3A_3941 = arith.mulf %gather3A_3938, %bitcast3A_573 : vector<16xf32>
      %add3A_3942 = arith.addf %add3A_3935, %mul3A_3941 : vector<16xf32>
      %broadcast_in_dim3A_3943 = arith.constant 45 : i32
      %broadcast_in_dim3A_3944 = vector.broadcast %broadcast_in_dim3A_3943 : i32 to vector<16xi32>
      %gather3A_3945 = tpu.vector_load_idx %arg18[%broadcast_in_dim3A_3944] : memref<48xf32, #tpu.memory_space<vmem>>[vector<16xi32>], vector<16xf32>,
      %mul3A_3946 = arith.mulf %gather3A_3945, %bitcast3A_592 : vector<16xf32>
      %add3A_3947 = arith.addf %add3A_3940, %mul3A_3946 : vector<16xf32>
      %mul3A_3948 = arith.mulf %gather3A_3945, %bitcast3A_607 : vector<16xf32>
      %add3A_3949 = arith.addf %add3A_3942, %mul3A_3948 : vector<16xf32>
      %bitcast3A_3950 = vector.bitcast %add3A_3947 : vector<16xf32> to vector<16xi32>
      %add3A_3951 = arith.constant 32767 : i32
      %add3A_3952 = vector.broadcast %add3A_3951 : i32 to vector<16xi32>
      %add3A_3953 = arith.addi %bitcast3A_3950, %add3A_3952 : vector<16xi32>
      %shift_right_logical3A_3954 = arith.constant 16 : i32
      %shift_right_logical3A_3955 = vector.broadcast %shift_right_logical3A_3954 : i32 to vector<16xi32>
      %shift_right_logical3A_3956 = arith.shrui %bitcast3A_3950, %shift_right_logical3A_3955 : vector<16xi32>
      %and3A_3957 = arith.constant 1 : i32
      %and3A_3958 = vector.broadcast %and3A_3957 : i32 to vector<16xi32>
      %and3A_3959 = arith.andi %shift_right_logical3A_3956, %and3A_3958 : vector<16xi32>
      %add3A_3960 = arith.addi %add3A_3953, %and3A_3959 : vector<16xi32>
      %and3A_3961 = arith.constant -65536 : i32
      %and3A_3962 = vector.broadcast %and3A_3961 : i32 to vector<16xi32>
      %and3A_3963 = arith.andi %add3A_3960, %and3A_3962 : vector<16xi32>
      %bitcast3A_3964 = vector.bitcast %and3A_3963 : vector<16xi32> to vector<16xf32>
      %bitcast3A_3965 = vector.bitcast %add3A_3949 : vector<16xf32> to vector<16xi32>
      %add3A_3966 = arith.constant 32767 : i32
      %add3A_3967 = vector.broadcast %add3A_3966 : i32 to vector<16xi32>
      %add3A_3968 = arith.addi %bitcast3A_3965, %add3A_3967 : vector<16xi32>
      %shift_right_logical3A_3969 = arith.constant 16 : i32
      %shift_right_logical3A_3970 = vector.broadcast %shift_right_logical3A_3969 : i32 to vector<16xi32>
      %shift_right_logical3A_3971 = arith.shrui %bitcast3A_3965, %shift_right_logical3A_3970 : vector<16xi32>
      %and3A_3972 = arith.constant 1 : i32
      %and3A_3973 = vector.broadcast %and3A_3972 : i32 to vector<16xi32>
      %and3A_3974 = arith.andi %shift_right_logical3A_3971, %and3A_3973 : vector<16xi32>
      %add3A_3975 = arith.addi %add3A_3968, %and3A_3974 : vector<16xi32>
      %and3A_3976 = arith.constant -65536 : i32
      %and3A_3977 = vector.broadcast %and3A_3976 : i32 to vector<16xi32>
      %and3A_3978 = arith.andi %add3A_3975, %and3A_3977 : vector<16xi32>
      %bitcast3A_3979 = vector.bitcast %and3A_3978 : vector<16xi32> to vector<16xf32>
      %mul3A_3980 = arith.mulf %bitcast3A_3964, %bitcast3A_628 : vector<16xf32>
      %mul3A_3981 = arith.mulf %bitcast3A_3979, %bitcast3A_643 : vector<16xf32>
      %add3A_3982 = arith.addf %mul3A_3980, %mul3A_3981 : vector<16xf32>
      %swap3A_3983 = arith.constant 192 : index
      %swap3A_3984 = tpu.vector_load %arg19[%swap3A_3983] {strides = array<i32>} : memref<256xf32, #tpu.memory_space<vmem>>, vector<16xf32>,
      tpu.vector_store %arg19[%swap3A_3983], %add3A_3982 {strides = array<i32>} : memref<256xf32, #tpu.memory_space<vmem>>, vector<16xf32>,
      %mul3A_3985 = arith.constant 16 : i32
      %mul3A_3986 = arith.muli %scan3A_656, %mul3A_3985 : i32
      %add3A_3987 = arith.constant 13 : i32
      %add3A_3988 = arith.addi %mul3A_3986, %add3A_3987 : i32
      %broadcast_in_dim3A_3989 = arith.constant 29 : i32
      %broadcast_in_dim3A_3990 = vector.broadcast %broadcast_in_dim3A_3989 : i32 to vector<16xi32>
      %gather3A_3991 = tpu.vector_load_idx %arg18[%broadcast_in_dim3A_3990] : memref<48xf32, #tpu.memory_space<vmem>>[vector<16xi32>], vector<16xf32>,
      %lt3A_3992 = arith.constant 14 : i32
      %lt3A_3993 = vector.broadcast %lt3A_3992 : i32 to vector<16xi32>
      %lt3A_3994 = arith.cmpi slt, %iota3A, %lt3A_3993 : vector<16xi32>
      %get3A_3995 = arith.index_cast %add3A_3988 : i32 to index
      %get3A_3996 = arith.constant 0 : index
      %get3A_3997 = tpu.vector_load %arg12[%get3A_3995, %get3A_3996] {strides = array<i32>} : memref<512x16xf32, #tpu.memory_space<vmem>>, vector<16xf32>,
      %jit3A_3998 = arith.constant 0.000000e+00 : f32
      %broadcast_in_dim3A_3999 = vector.broadcast %jit3A_3998 : f32 to vector<16xf32>
      %select_n3A_4000 = arith.select %lt3A_3994, %get3A_3997, %broadcast_in_dim3A_3999 : vector<16xi1>, vector<16xf32>
      %bitcast3A_4001 = vector.bitcast %select_n3A_4000 : vector<16xf32> to vector<16xi32>
      %add3A_4002 = arith.constant 32767 : i32
      %add3A_4003 = vector.broadcast %add3A_4002 : i32 to vector<16xi32>
      %add3A_4004 = arith.addi %bitcast3A_4001, %add3A_4003 : vector<16xi32>
      %shift_right_logical3A_4005 = arith.constant 16 : i32
      %shift_right_logical3A_4006 = vector.broadcast %shift_right_logical3A_4005 : i32 to vector<16xi32>
      %shift_right_logical3A_4007 = arith.shrui %bitcast3A_4001, %shift_right_logical3A_4006 : vector<16xi32>
      %and3A_4008 = arith.constant 1 : i32
      %and3A_4009 = vector.broadcast %and3A_4008 : i32 to vector<16xi32>
      %and3A_4010 = arith.andi %shift_right_logical3A_4007, %and3A_4009 : vector<16xi32>
      %add3A_4011 = arith.addi %add3A_4004, %and3A_4010 : vector<16xi32>
      %and3A_4012 = arith.constant -65536 : i32
      %and3A_4013 = vector.broadcast %and3A_4012 : i32 to vector<16xi32>
      %and3A_4014 = arith.andi %add3A_4011, %and3A_4013 : vector<16xi32>
      %bitcast3A_4015 = vector.bitcast %and3A_4014 : vector<16xi32> to vector<16xf32>
      %swap3A_4016 = arith.constant 32 : index
      %swap3A_4017 = tpu.vector_load %arg18[%swap3A_4016] {strides = array<i32>} : memref<48xf32, #tpu.memory_space<vmem>>, vector<16xf32>,
      tpu.vector_store %arg18[%swap3A_4016], %bitcast3A_4015 {strides = array<i32>} : memref<48xf32, #tpu.memory_space<vmem>>, vector<16xf32>,
      %mul3A_4018 = arith.mulf %gather3A_3991, %add3A_608 : vector<16xf32>
      %add3A_4019 = arith.addf %mul3A_4018, %get3A_645 : vector<16xf32>
      %mul3A_4020 = arith.mulf %gather3A_3991, %add3A_609 : vector<16xf32>
      %add3A_4021 = arith.addf %mul3A_4020, %get3A_647 : vector<16xf32>
      %broadcast_in_dim3A_4022 = arith.constant 32 : i32
      %broadcast_in_dim3A_4023 = vector.broadcast %broadcast_in_dim3A_4022 : i32 to vector<16xi32>
      %gather3A_4024 = tpu.vector_load_idx %arg18[%broadcast_in_dim3A_4023] : memref<48xf32, #tpu.memory_space<vmem>>[vector<16xi32>], vector<16xf32>,
      %mul3A_4025 = arith.mulf %gather3A_4024, %bitcast3A_150 : vector<16xf32>
      %add3A_4026 = arith.addf %add3A_4019, %mul3A_4025 : vector<16xf32>
      %mul3A_4027 = arith.mulf %gather3A_4024, %bitcast3A_165 : vector<16xf32>
      %add3A_4028 = arith.addf %add3A_4021, %mul3A_4027 : vector<16xf32>
      %broadcast_in_dim3A_4029 = arith.constant 33 : i32
      %broadcast_in_dim3A_4030 = vector.broadcast %broadcast_in_dim3A_4029 : i32 to vector<16xi32>
      %gather3A_4031 = tpu.vector_load_idx %arg18[%broadcast_in_dim3A_4030] : memref<48xf32, #tpu.memory_space<vmem>>[vector<16xi32>], vector<16xf32>,
      %mul3A_4032 = arith.mulf %gather3A_4031, %bitcast3A_184 : vector<16xf32>
      %add3A_4033 = arith.addf %add3A_4026, %mul3A_4032 : vector<16xf32>
      %mul3A_4034 = arith.mulf %gather3A_4031, %bitcast3A_199 : vector<16xf32>
      %add3A_4035 = arith.addf %add3A_4028, %mul3A_4034 : vector<16xf32>
      %broadcast_in_dim3A_4036 = arith.constant 34 : i32
      %broadcast_in_dim3A_4037 = vector.broadcast %broadcast_in_dim3A_4036 : i32 to vector<16xi32>
      %gather3A_4038 = tpu.vector_load_idx %arg18[%broadcast_in_dim3A_4037] : memref<48xf32, #tpu.memory_space<vmem>>[vector<16xi32>], vector<16xf32>,
      %mul3A_4039 = arith.mulf %gather3A_4038, %bitcast3A_218 : vector<16xf32>
      %add3A_4040 = arith.addf %add3A_4033, %mul3A_4039 : vector<16xf32>
      %mul3A_4041 = arith.mulf %gather3A_4038, %bitcast3A_233 : vector<16xf32>
      %add3A_4042 = arith.addf %add3A_4035, %mul3A_4041 : vector<16xf32>
      %broadcast_in_dim3A_4043 = arith.constant 35 : i32
      %broadcast_in_dim3A_4044 = vector.broadcast %broadcast_in_dim3A_4043 : i32 to vector<16xi32>
      %gather3A_4045 = tpu.vector_load_idx %arg18[%broadcast_in_dim3A_4044] : memref<48xf32, #tpu.memory_space<vmem>>[vector<16xi32>], vector<16xf32>,
      %mul3A_4046 = arith.mulf %gather3A_4045, %bitcast3A_252 : vector<16xf32>
      %add3A_4047 = arith.addf %add3A_4040, %mul3A_4046 : vector<16xf32>
      %mul3A_4048 = arith.mulf %gather3A_4045, %bitcast3A_267 : vector<16xf32>
      %add3A_4049 = arith.addf %add3A_4042, %mul3A_4048 : vector<16xf32>
      %broadcast_in_dim3A_4050 = arith.constant 36 : i32
      %broadcast_in_dim3A_4051 = vector.broadcast %broadcast_in_dim3A_4050 : i32 to vector<16xi32>
      %gather3A_4052 = tpu.vector_load_idx %arg18[%broadcast_in_dim3A_4051] : memref<48xf32, #tpu.memory_space<vmem>>[vector<16xi32>], vector<16xf32>,
      %mul3A_4053 = arith.mulf %gather3A_4052, %bitcast3A_286 : vector<16xf32>
      %add3A_4054 = arith.addf %add3A_4047, %mul3A_4053 : vector<16xf32>
      %mul3A_4055 = arith.mulf %gather3A_4052, %bitcast3A_301 : vector<16xf32>
      %add3A_4056 = arith.addf %add3A_4049, %mul3A_4055 : vector<16xf32>
      %broadcast_in_dim3A_4057 = arith.constant 37 : i32
      %broadcast_in_dim3A_4058 = vector.broadcast %broadcast_in_dim3A_4057 : i32 to vector<16xi32>
      %gather3A_4059 = tpu.vector_load_idx %arg18[%broadcast_in_dim3A_4058] : memref<48xf32, #tpu.memory_space<vmem>>[vector<16xi32>], vector<16xf32>,
      %mul3A_4060 = arith.mulf %gather3A_4059, %bitcast3A_320 : vector<16xf32>
      %add3A_4061 = arith.addf %add3A_4054, %mul3A_4060 : vector<16xf32>
      %mul3A_4062 = arith.mulf %gather3A_4059, %bitcast3A_335 : vector<16xf32>
      %add3A_4063 = arith.addf %add3A_4056, %mul3A_4062 : vector<16xf32>
      %broadcast_in_dim3A_4064 = arith.constant 38 : i32
      %broadcast_in_dim3A_4065 = vector.broadcast %broadcast_in_dim3A_4064 : i32 to vector<16xi32>
      %gather3A_4066 = tpu.vector_load_idx %arg18[%broadcast_in_dim3A_4065] : memref<48xf32, #tpu.memory_space<vmem>>[vector<16xi32>], vector<16xf32>,
      %mul3A_4067 = arith.mulf %gather3A_4066, %bitcast3A_354 : vector<16xf32>
      %add3A_4068 = arith.addf %add3A_4061, %mul3A_4067 : vector<16xf32>
      %mul3A_4069 = arith.mulf %gather3A_4066, %bitcast3A_369 : vector<16xf32>
      %add3A_4070 = arith.addf %add3A_4063, %mul3A_4069 : vector<16xf32>
      %broadcast_in_dim3A_4071 = arith.constant 39 : i32
      %broadcast_in_dim3A_4072 = vector.broadcast %broadcast_in_dim3A_4071 : i32 to vector<16xi32>
      %gather3A_4073 = tpu.vector_load_idx %arg18[%broadcast_in_dim3A_4072] : memref<48xf32, #tpu.memory_space<vmem>>[vector<16xi32>], vector<16xf32>,
      %mul3A_4074 = arith.mulf %gather3A_4073, %bitcast3A_388 : vector<16xf32>
      %add3A_4075 = arith.addf %add3A_4068, %mul3A_4074 : vector<16xf32>
      %mul3A_4076 = arith.mulf %gather3A_4073, %bitcast3A_403 : vector<16xf32>
      %add3A_4077 = arith.addf %add3A_4070, %mul3A_4076 : vector<16xf32>
      %broadcast_in_dim3A_4078 = arith.constant 40 : i32
      %broadcast_in_dim3A_4079 = vector.broadcast %broadcast_in_dim3A_4078 : i32 to vector<16xi32>
      %gather3A_4080 = tpu.vector_load_idx %arg18[%broadcast_in_dim3A_4079] : memref<48xf32, #tpu.memory_space<vmem>>[vector<16xi32>], vector<16xf32>,
      %mul3A_4081 = arith.mulf %gather3A_4080, %bitcast3A_422 : vector<16xf32>
      %add3A_4082 = arith.addf %add3A_4075, %mul3A_4081 : vector<16xf32>
      %mul3A_4083 = arith.mulf %gather3A_4080, %bitcast3A_437 : vector<16xf32>
      %add3A_4084 = arith.addf %add3A_4077, %mul3A_4083 : vector<16xf32>
      %broadcast_in_dim3A_4085 = arith.constant 41 : i32
      %broadcast_in_dim3A_4086 = vector.broadcast %broadcast_in_dim3A_4085 : i32 to vector<16xi32>
      %gather3A_4087 = tpu.vector_load_idx %arg18[%broadcast_in_dim3A_4086] : memref<48xf32, #tpu.memory_space<vmem>>[vector<16xi32>], vector<16xf32>,
      %mul3A_4088 = arith.mulf %gather3A_4087, %bitcast3A_456 : vector<16xf32>
      %add3A_4089 = arith.addf %add3A_4082, %mul3A_4088 : vector<16xf32>
      %mul3A_4090 = arith.mulf %gather3A_4087, %bitcast3A_471 : vector<16xf32>
      %add3A_4091 = arith.addf %add3A_4084, %mul3A_4090 : vector<16xf32>
      %broadcast_in_dim3A_4092 = arith.constant 42 : i32
      %broadcast_in_dim3A_4093 = vector.broadcast %broadcast_in_dim3A_4092 : i32 to vector<16xi32>
      %gather3A_4094 = tpu.vector_load_idx %arg18[%broadcast_in_dim3A_4093] : memref<48xf32, #tpu.memory_space<vmem>>[vector<16xi32>], vector<16xf32>,
      %mul3A_4095 = arith.mulf %gather3A_4094, %bitcast3A_490 : vector<16xf32>
      %add3A_4096 = arith.addf %add3A_4089, %mul3A_4095 : vector<16xf32>
      %mul3A_4097 = arith.mulf %gather3A_4094, %bitcast3A_505 : vector<16xf32>
      %add3A_4098 = arith.addf %add3A_4091, %mul3A_4097 : vector<16xf32>
      %broadcast_in_dim3A_4099 = arith.constant 43 : i32
      %broadcast_in_dim3A_4100 = vector.broadcast %broadcast_in_dim3A_4099 : i32 to vector<16xi32>
      %gather3A_4101 = tpu.vector_load_idx %arg18[%broadcast_in_dim3A_4100] : memref<48xf32, #tpu.memory_space<vmem>>[vector<16xi32>], vector<16xf32>,
      %mul3A_4102 = arith.mulf %gather3A_4101, %bitcast3A_524 : vector<16xf32>
      %add3A_4103 = arith.addf %add3A_4096, %mul3A_4102 : vector<16xf32>
      %mul3A_4104 = arith.mulf %gather3A_4101, %bitcast3A_539 : vector<16xf32>
      %add3A_4105 = arith.addf %add3A_4098, %mul3A_4104 : vector<16xf32>
      %broadcast_in_dim3A_4106 = arith.constant 44 : i32
      %broadcast_in_dim3A_4107 = vector.broadcast %broadcast_in_dim3A_4106 : i32 to vector<16xi32>
      %gather3A_4108 = tpu.vector_load_idx %arg18[%broadcast_in_dim3A_4107] : memref<48xf32, #tpu.memory_space<vmem>>[vector<16xi32>], vector<16xf32>,
      %mul3A_4109 = arith.mulf %gather3A_4108, %bitcast3A_558 : vector<16xf32>
      %add3A_4110 = arith.addf %add3A_4103, %mul3A_4109 : vector<16xf32>
      %mul3A_4111 = arith.mulf %gather3A_4108, %bitcast3A_573 : vector<16xf32>
      %add3A_4112 = arith.addf %add3A_4105, %mul3A_4111 : vector<16xf32>
      %broadcast_in_dim3A_4113 = arith.constant 45 : i32
      %broadcast_in_dim3A_4114 = vector.broadcast %broadcast_in_dim3A_4113 : i32 to vector<16xi32>
      %gather3A_4115 = tpu.vector_load_idx %arg18[%broadcast_in_dim3A_4114] : memref<48xf32, #tpu.memory_space<vmem>>[vector<16xi32>], vector<16xf32>,
      %mul3A_4116 = arith.mulf %gather3A_4115, %bitcast3A_592 : vector<16xf32>
      %add3A_4117 = arith.addf %add3A_4110, %mul3A_4116 : vector<16xf32>
      %mul3A_4118 = arith.mulf %gather3A_4115, %bitcast3A_607 : vector<16xf32>
      %add3A_4119 = arith.addf %add3A_4112, %mul3A_4118 : vector<16xf32>
      %bitcast3A_4120 = vector.bitcast %add3A_4117 : vector<16xf32> to vector<16xi32>
      %add3A_4121 = arith.constant 32767 : i32
      %add3A_4122 = vector.broadcast %add3A_4121 : i32 to vector<16xi32>
      %add3A_4123 = arith.addi %bitcast3A_4120, %add3A_4122 : vector<16xi32>
      %shift_right_logical3A_4124 = arith.constant 16 : i32
      %shift_right_logical3A_4125 = vector.broadcast %shift_right_logical3A_4124 : i32 to vector<16xi32>
      %shift_right_logical3A_4126 = arith.shrui %bitcast3A_4120, %shift_right_logical3A_4125 : vector<16xi32>
      %and3A_4127 = arith.constant 1 : i32
      %and3A_4128 = vector.broadcast %and3A_4127 : i32 to vector<16xi32>
      %and3A_4129 = arith.andi %shift_right_logical3A_4126, %and3A_4128 : vector<16xi32>
      %add3A_4130 = arith.addi %add3A_4123, %and3A_4129 : vector<16xi32>
      %and3A_4131 = arith.constant -65536 : i32
      %and3A_4132 = vector.broadcast %and3A_4131 : i32 to vector<16xi32>
      %and3A_4133 = arith.andi %add3A_4130, %and3A_4132 : vector<16xi32>
      %bitcast3A_4134 = vector.bitcast %and3A_4133 : vector<16xi32> to vector<16xf32>
      %bitcast3A_4135 = vector.bitcast %add3A_4119 : vector<16xf32> to vector<16xi32>
      %add3A_4136 = arith.constant 32767 : i32
      %add3A_4137 = vector.broadcast %add3A_4136 : i32 to vector<16xi32>
      %add3A_4138 = arith.addi %bitcast3A_4135, %add3A_4137 : vector<16xi32>
      %shift_right_logical3A_4139 = arith.constant 16 : i32
      %shift_right_logical3A_4140 = vector.broadcast %shift_right_logical3A_4139 : i32 to vector<16xi32>
      %shift_right_logical3A_4141 = arith.shrui %bitcast3A_4135, %shift_right_logical3A_4140 : vector<16xi32>
      %and3A_4142 = arith.constant 1 : i32
      %and3A_4143 = vector.broadcast %and3A_4142 : i32 to vector<16xi32>
      %and3A_4144 = arith.andi %shift_right_logical3A_4141, %and3A_4143 : vector<16xi32>
      %add3A_4145 = arith.addi %add3A_4138, %and3A_4144 : vector<16xi32>
      %and3A_4146 = arith.constant -65536 : i32
      %and3A_4147 = vector.broadcast %and3A_4146 : i32 to vector<16xi32>
      %and3A_4148 = arith.andi %add3A_4145, %and3A_4147 : vector<16xi32>
      %bitcast3A_4149 = vector.bitcast %and3A_4148 : vector<16xi32> to vector<16xf32>
      %mul3A_4150 = arith.mulf %bitcast3A_4134, %bitcast3A_628 : vector<16xf32>
      %mul3A_4151 = arith.mulf %bitcast3A_4149, %bitcast3A_643 : vector<16xf32>
      %add3A_4152 = arith.addf %mul3A_4150, %mul3A_4151 : vector<16xf32>
      %swap3A_4153 = arith.constant 208 : index
      %swap3A_4154 = tpu.vector_load %arg19[%swap3A_4153] {strides = array<i32>} : memref<256xf32, #tpu.memory_space<vmem>>, vector<16xf32>,
      tpu.vector_store %arg19[%swap3A_4153], %add3A_4152 {strides = array<i32>} : memref<256xf32, #tpu.memory_space<vmem>>, vector<16xf32>,
      %mul3A_4155 = arith.constant 16 : i32
      %mul3A_4156 = arith.muli %scan3A_656, %mul3A_4155 : i32
      %add3A_4157 = arith.constant 14 : i32
      %add3A_4158 = arith.addi %mul3A_4156, %add3A_4157 : i32
      %broadcast_in_dim3A_4159 = arith.constant 30 : i32
      %broadcast_in_dim3A_4160 = vector.broadcast %broadcast_in_dim3A_4159 : i32 to vector<16xi32>
      %gather3A_4161 = tpu.vector_load_idx %arg18[%broadcast_in_dim3A_4160] : memref<48xf32, #tpu.memory_space<vmem>>[vector<16xi32>], vector<16xf32>,
      %lt3A_4162 = arith.constant 14 : i32
      %lt3A_4163 = vector.broadcast %lt3A_4162 : i32 to vector<16xi32>
      %lt3A_4164 = arith.cmpi slt, %iota3A, %lt3A_4163 : vector<16xi32>
      %get3A_4165 = arith.index_cast %add3A_4158 : i32 to index
      %get3A_4166 = arith.constant 0 : index
      %get3A_4167 = tpu.vector_load %arg12[%get3A_4165, %get3A_4166] {strides = array<i32>} : memref<512x16xf32, #tpu.memory_space<vmem>>, vector<16xf32>,
      %jit3A_4168 = arith.constant 0.000000e+00 : f32
      %broadcast_in_dim3A_4169 = vector.broadcast %jit3A_4168 : f32 to vector<16xf32>
      %select_n3A_4170 = arith.select %lt3A_4164, %get3A_4167, %broadcast_in_dim3A_4169 : vector<16xi1>, vector<16xf32>
      %bitcast3A_4171 = vector.bitcast %select_n3A_4170 : vector<16xf32> to vector<16xi32>
      %add3A_4172 = arith.constant 32767 : i32
      %add3A_4173 = vector.broadcast %add3A_4172 : i32 to vector<16xi32>
      %add3A_4174 = arith.addi %bitcast3A_4171, %add3A_4173 : vector<16xi32>
      %shift_right_logical3A_4175 = arith.constant 16 : i32
      %shift_right_logical3A_4176 = vector.broadcast %shift_right_logical3A_4175 : i32 to vector<16xi32>
      %shift_right_logical3A_4177 = arith.shrui %bitcast3A_4171, %shift_right_logical3A_4176 : vector<16xi32>
      %and3A_4178 = arith.constant 1 : i32
      %and3A_4179 = vector.broadcast %and3A_4178 : i32 to vector<16xi32>
      %and3A_4180 = arith.andi %shift_right_logical3A_4177, %and3A_4179 : vector<16xi32>
      %add3A_4181 = arith.addi %add3A_4174, %and3A_4180 : vector<16xi32>
      %and3A_4182 = arith.constant -65536 : i32
      %and3A_4183 = vector.broadcast %and3A_4182 : i32 to vector<16xi32>
      %and3A_4184 = arith.andi %add3A_4181, %and3A_4183 : vector<16xi32>
      %bitcast3A_4185 = vector.bitcast %and3A_4184 : vector<16xi32> to vector<16xf32>
      %swap3A_4186 = arith.constant 32 : index
      %swap3A_4187 = tpu.vector_load %arg18[%swap3A_4186] {strides = array<i32>} : memref<48xf32, #tpu.memory_space<vmem>>, vector<16xf32>,
      tpu.vector_store %arg18[%swap3A_4186], %bitcast3A_4185 {strides = array<i32>} : memref<48xf32, #tpu.memory_space<vmem>>, vector<16xf32>,
      %mul3A_4188 = arith.mulf %gather3A_4161, %add3A_608 : vector<16xf32>
      %add3A_4189 = arith.addf %mul3A_4188, %get3A_645 : vector<16xf32>
      %mul3A_4190 = arith.mulf %gather3A_4161, %add3A_609 : vector<16xf32>
      %add3A_4191 = arith.addf %mul3A_4190, %get3A_647 : vector<16xf32>
      %broadcast_in_dim3A_4192 = arith.constant 32 : i32
      %broadcast_in_dim3A_4193 = vector.broadcast %broadcast_in_dim3A_4192 : i32 to vector<16xi32>
      %gather3A_4194 = tpu.vector_load_idx %arg18[%broadcast_in_dim3A_4193] : memref<48xf32, #tpu.memory_space<vmem>>[vector<16xi32>], vector<16xf32>,
      %mul3A_4195 = arith.mulf %gather3A_4194, %bitcast3A_150 : vector<16xf32>
      %add3A_4196 = arith.addf %add3A_4189, %mul3A_4195 : vector<16xf32>
      %mul3A_4197 = arith.mulf %gather3A_4194, %bitcast3A_165 : vector<16xf32>
      %add3A_4198 = arith.addf %add3A_4191, %mul3A_4197 : vector<16xf32>
      %broadcast_in_dim3A_4199 = arith.constant 33 : i32
      %broadcast_in_dim3A_4200 = vector.broadcast %broadcast_in_dim3A_4199 : i32 to vector<16xi32>
      %gather3A_4201 = tpu.vector_load_idx %arg18[%broadcast_in_dim3A_4200] : memref<48xf32, #tpu.memory_space<vmem>>[vector<16xi32>], vector<16xf32>,
      %mul3A_4202 = arith.mulf %gather3A_4201, %bitcast3A_184 : vector<16xf32>
      %add3A_4203 = arith.addf %add3A_4196, %mul3A_4202 : vector<16xf32>
      %mul3A_4204 = arith.mulf %gather3A_4201, %bitcast3A_199 : vector<16xf32>
      %add3A_4205 = arith.addf %add3A_4198, %mul3A_4204 : vector<16xf32>
      %broadcast_in_dim3A_4206 = arith.constant 34 : i32
      %broadcast_in_dim3A_4207 = vector.broadcast %broadcast_in_dim3A_4206 : i32 to vector<16xi32>
      %gather3A_4208 = tpu.vector_load_idx %arg18[%broadcast_in_dim3A_4207] : memref<48xf32, #tpu.memory_space<vmem>>[vector<16xi32>], vector<16xf32>,
      %mul3A_4209 = arith.mulf %gather3A_4208, %bitcast3A_218 : vector<16xf32>
      %add3A_4210 = arith.addf %add3A_4203, %mul3A_4209 : vector<16xf32>
      %mul3A_4211 = arith.mulf %gather3A_4208, %bitcast3A_233 : vector<16xf32>
      %add3A_4212 = arith.addf %add3A_4205, %mul3A_4211 : vector<16xf32>
      %broadcast_in_dim3A_4213 = arith.constant 35 : i32
      %broadcast_in_dim3A_4214 = vector.broadcast %broadcast_in_dim3A_4213 : i32 to vector<16xi32>
      %gather3A_4215 = tpu.vector_load_idx %arg18[%broadcast_in_dim3A_4214] : memref<48xf32, #tpu.memory_space<vmem>>[vector<16xi32>], vector<16xf32>,
      %mul3A_4216 = arith.mulf %gather3A_4215, %bitcast3A_252 : vector<16xf32>
      %add3A_4217 = arith.addf %add3A_4210, %mul3A_4216 : vector<16xf32>
      %mul3A_4218 = arith.mulf %gather3A_4215, %bitcast3A_267 : vector<16xf32>
      %add3A_4219 = arith.addf %add3A_4212, %mul3A_4218 : vector<16xf32>
      %broadcast_in_dim3A_4220 = arith.constant 36 : i32
      %broadcast_in_dim3A_4221 = vector.broadcast %broadcast_in_dim3A_4220 : i32 to vector<16xi32>
      %gather3A_4222 = tpu.vector_load_idx %arg18[%broadcast_in_dim3A_4221] : memref<48xf32, #tpu.memory_space<vmem>>[vector<16xi32>], vector<16xf32>,
      %mul3A_4223 = arith.mulf %gather3A_4222, %bitcast3A_286 : vector<16xf32>
      %add3A_4224 = arith.addf %add3A_4217, %mul3A_4223 : vector<16xf32>
      %mul3A_4225 = arith.mulf %gather3A_4222, %bitcast3A_301 : vector<16xf32>
      %add3A_4226 = arith.addf %add3A_4219, %mul3A_4225 : vector<16xf32>
      %broadcast_in_dim3A_4227 = arith.constant 37 : i32
      %broadcast_in_dim3A_4228 = vector.broadcast %broadcast_in_dim3A_4227 : i32 to vector<16xi32>
      %gather3A_4229 = tpu.vector_load_idx %arg18[%broadcast_in_dim3A_4228] : memref<48xf32, #tpu.memory_space<vmem>>[vector<16xi32>], vector<16xf32>,
      %mul3A_4230 = arith.mulf %gather3A_4229, %bitcast3A_320 : vector<16xf32>
      %add3A_4231 = arith.addf %add3A_4224, %mul3A_4230 : vector<16xf32>
      %mul3A_4232 = arith.mulf %gather3A_4229, %bitcast3A_335 : vector<16xf32>
      %add3A_4233 = arith.addf %add3A_4226, %mul3A_4232 : vector<16xf32>
      %broadcast_in_dim3A_4234 = arith.constant 38 : i32
      %broadcast_in_dim3A_4235 = vector.broadcast %broadcast_in_dim3A_4234 : i32 to vector<16xi32>
      %gather3A_4236 = tpu.vector_load_idx %arg18[%broadcast_in_dim3A_4235] : memref<48xf32, #tpu.memory_space<vmem>>[vector<16xi32>], vector<16xf32>,
      %mul3A_4237 = arith.mulf %gather3A_4236, %bitcast3A_354 : vector<16xf32>
      %add3A_4238 = arith.addf %add3A_4231, %mul3A_4237 : vector<16xf32>
      %mul3A_4239 = arith.mulf %gather3A_4236, %bitcast3A_369 : vector<16xf32>
      %add3A_4240 = arith.addf %add3A_4233, %mul3A_4239 : vector<16xf32>
      %broadcast_in_dim3A_4241 = arith.constant 39 : i32
      %broadcast_in_dim3A_4242 = vector.broadcast %broadcast_in_dim3A_4241 : i32 to vector<16xi32>
      %gather3A_4243 = tpu.vector_load_idx %arg18[%broadcast_in_dim3A_4242] : memref<48xf32, #tpu.memory_space<vmem>>[vector<16xi32>], vector<16xf32>,
      %mul3A_4244 = arith.mulf %gather3A_4243, %bitcast3A_388 : vector<16xf32>
      %add3A_4245 = arith.addf %add3A_4238, %mul3A_4244 : vector<16xf32>
      %mul3A_4246 = arith.mulf %gather3A_4243, %bitcast3A_403 : vector<16xf32>
      %add3A_4247 = arith.addf %add3A_4240, %mul3A_4246 : vector<16xf32>
      %broadcast_in_dim3A_4248 = arith.constant 40 : i32
      %broadcast_in_dim3A_4249 = vector.broadcast %broadcast_in_dim3A_4248 : i32 to vector<16xi32>
      %gather3A_4250 = tpu.vector_load_idx %arg18[%broadcast_in_dim3A_4249] : memref<48xf32, #tpu.memory_space<vmem>>[vector<16xi32>], vector<16xf32>,
      %mul3A_4251 = arith.mulf %gather3A_4250, %bitcast3A_422 : vector<16xf32>
      %add3A_4252 = arith.addf %add3A_4245, %mul3A_4251 : vector<16xf32>
      %mul3A_4253 = arith.mulf %gather3A_4250, %bitcast3A_437 : vector<16xf32>
      %add3A_4254 = arith.addf %add3A_4247, %mul3A_4253 : vector<16xf32>
      %broadcast_in_dim3A_4255 = arith.constant 41 : i32
      %broadcast_in_dim3A_4256 = vector.broadcast %broadcast_in_dim3A_4255 : i32 to vector<16xi32>
      %gather3A_4257 = tpu.vector_load_idx %arg18[%broadcast_in_dim3A_4256] : memref<48xf32, #tpu.memory_space<vmem>>[vector<16xi32>], vector<16xf32>,
      %mul3A_4258 = arith.mulf %gather3A_4257, %bitcast3A_456 : vector<16xf32>
      %add3A_4259 = arith.addf %add3A_4252, %mul3A_4258 : vector<16xf32>
      %mul3A_4260 = arith.mulf %gather3A_4257, %bitcast3A_471 : vector<16xf32>
      %add3A_4261 = arith.addf %add3A_4254, %mul3A_4260 : vector<16xf32>
      %broadcast_in_dim3A_4262 = arith.constant 42 : i32
      %broadcast_in_dim3A_4263 = vector.broadcast %broadcast_in_dim3A_4262 : i32 to vector<16xi32>
      %gather3A_4264 = tpu.vector_load_idx %arg18[%broadcast_in_dim3A_4263] : memref<48xf32, #tpu.memory_space<vmem>>[vector<16xi32>], vector<16xf32>,
      %mul3A_4265 = arith.mulf %gather3A_4264, %bitcast3A_490 : vector<16xf32>
      %add3A_4266 = arith.addf %add3A_4259, %mul3A_4265 : vector<16xf32>
      %mul3A_4267 = arith.mulf %gather3A_4264, %bitcast3A_505 : vector<16xf32>
      %add3A_4268 = arith.addf %add3A_4261, %mul3A_4267 : vector<16xf32>
      %broadcast_in_dim3A_4269 = arith.constant 43 : i32
      %broadcast_in_dim3A_4270 = vector.broadcast %broadcast_in_dim3A_4269 : i32 to vector<16xi32>
      %gather3A_4271 = tpu.vector_load_idx %arg18[%broadcast_in_dim3A_4270] : memref<48xf32, #tpu.memory_space<vmem>>[vector<16xi32>], vector<16xf32>,
      %mul3A_4272 = arith.mulf %gather3A_4271, %bitcast3A_524 : vector<16xf32>
      %add3A_4273 = arith.addf %add3A_4266, %mul3A_4272 : vector<16xf32>
      %mul3A_4274 = arith.mulf %gather3A_4271, %bitcast3A_539 : vector<16xf32>
      %add3A_4275 = arith.addf %add3A_4268, %mul3A_4274 : vector<16xf32>
      %broadcast_in_dim3A_4276 = arith.constant 44 : i32
      %broadcast_in_dim3A_4277 = vector.broadcast %broadcast_in_dim3A_4276 : i32 to vector<16xi32>
      %gather3A_4278 = tpu.vector_load_idx %arg18[%broadcast_in_dim3A_4277] : memref<48xf32, #tpu.memory_space<vmem>>[vector<16xi32>], vector<16xf32>,
      %mul3A_4279 = arith.mulf %gather3A_4278, %bitcast3A_558 : vector<16xf32>
      %add3A_4280 = arith.addf %add3A_4273, %mul3A_4279 : vector<16xf32>
      %mul3A_4281 = arith.mulf %gather3A_4278, %bitcast3A_573 : vector<16xf32>
      %add3A_4282 = arith.addf %add3A_4275, %mul3A_4281 : vector<16xf32>
      %broadcast_in_dim3A_4283 = arith.constant 45 : i32
      %broadcast_in_dim3A_4284 = vector.broadcast %broadcast_in_dim3A_4283 : i32 to vector<16xi32>
      %gather3A_4285 = tpu.vector_load_idx %arg18[%broadcast_in_dim3A_4284] : memref<48xf32, #tpu.memory_space<vmem>>[vector<16xi32>], vector<16xf32>,
      %mul3A_4286 = arith.mulf %gather3A_4285, %bitcast3A_592 : vector<16xf32>
      %add3A_4287 = arith.addf %add3A_4280, %mul3A_4286 : vector<16xf32>
      %mul3A_4288 = arith.mulf %gather3A_4285, %bitcast3A_607 : vector<16xf32>
      %add3A_4289 = arith.addf %add3A_4282, %mul3A_4288 : vector<16xf32>
      %bitcast3A_4290 = vector.bitcast %add3A_4287 : vector<16xf32> to vector<16xi32>
      %add3A_4291 = arith.constant 32767 : i32
      %add3A_4292 = vector.broadcast %add3A_4291 : i32 to vector<16xi32>
      %add3A_4293 = arith.addi %bitcast3A_4290, %add3A_4292 : vector<16xi32>
      %shift_right_logical3A_4294 = arith.constant 16 : i32
      %shift_right_logical3A_4295 = vector.broadcast %shift_right_logical3A_4294 : i32 to vector<16xi32>
      %shift_right_logical3A_4296 = arith.shrui %bitcast3A_4290, %shift_right_logical3A_4295 : vector<16xi32>
      %and3A_4297 = arith.constant 1 : i32
      %and3A_4298 = vector.broadcast %and3A_4297 : i32 to vector<16xi32>
      %and3A_4299 = arith.andi %shift_right_logical3A_4296, %and3A_4298 : vector<16xi32>
      %add3A_4300 = arith.addi %add3A_4293, %and3A_4299 : vector<16xi32>
      %and3A_4301 = arith.constant -65536 : i32
      %and3A_4302 = vector.broadcast %and3A_4301 : i32 to vector<16xi32>
      %and3A_4303 = arith.andi %add3A_4300, %and3A_4302 : vector<16xi32>
      %bitcast3A_4304 = vector.bitcast %and3A_4303 : vector<16xi32> to vector<16xf32>
      %bitcast3A_4305 = vector.bitcast %add3A_4289 : vector<16xf32> to vector<16xi32>
      %add3A_4306 = arith.constant 32767 : i32
      %add3A_4307 = vector.broadcast %add3A_4306 : i32 to vector<16xi32>
      %add3A_4308 = arith.addi %bitcast3A_4305, %add3A_4307 : vector<16xi32>
      %shift_right_logical3A_4309 = arith.constant 16 : i32
      %shift_right_logical3A_4310 = vector.broadcast %shift_right_logical3A_4309 : i32 to vector<16xi32>
      %shift_right_logical3A_4311 = arith.shrui %bitcast3A_4305, %shift_right_logical3A_4310 : vector<16xi32>
      %and3A_4312 = arith.constant 1 : i32
      %and3A_4313 = vector.broadcast %and3A_4312 : i32 to vector<16xi32>
      %and3A_4314 = arith.andi %shift_right_logical3A_4311, %and3A_4313 : vector<16xi32>
      %add3A_4315 = arith.addi %add3A_4308, %and3A_4314 : vector<16xi32>
      %and3A_4316 = arith.constant -65536 : i32
      %and3A_4317 = vector.broadcast %and3A_4316 : i32 to vector<16xi32>
      %and3A_4318 = arith.andi %add3A_4315, %and3A_4317 : vector<16xi32>
      %bitcast3A_4319 = vector.bitcast %and3A_4318 : vector<16xi32> to vector<16xf32>
      %mul3A_4320 = arith.mulf %bitcast3A_4304, %bitcast3A_628 : vector<16xf32>
      %mul3A_4321 = arith.mulf %bitcast3A_4319, %bitcast3A_643 : vector<16xf32>
      %add3A_4322 = arith.addf %mul3A_4320, %mul3A_4321 : vector<16xf32>
      %swap3A_4323 = arith.constant 224 : index
      %swap3A_4324 = tpu.vector_load %arg19[%swap3A_4323] {strides = array<i32>} : memref<256xf32, #tpu.memory_space<vmem>>, vector<16xf32>,
      tpu.vector_store %arg19[%swap3A_4323], %add3A_4322 {strides = array<i32>} : memref<256xf32, #tpu.memory_space<vmem>>, vector<16xf32>,
      %mul3A_4325 = arith.constant 16 : i32
      %mul3A_4326 = arith.muli %scan3A_656, %mul3A_4325 : i32
      %add3A_4327 = arith.constant 15 : i32
      %add3A_4328 = arith.addi %mul3A_4326, %add3A_4327 : i32
      %broadcast_in_dim3A_4329 = arith.constant 31 : i32
      %broadcast_in_dim3A_4330 = vector.broadcast %broadcast_in_dim3A_4329 : i32 to vector<16xi32>
      %gather3A_4331 = tpu.vector_load_idx %arg18[%broadcast_in_dim3A_4330] : memref<48xf32, #tpu.memory_space<vmem>>[vector<16xi32>], vector<16xf32>,
      %lt3A_4332 = arith.constant 14 : i32
      %lt3A_4333 = vector.broadcast %lt3A_4332 : i32 to vector<16xi32>
      %lt3A_4334 = arith.cmpi slt, %iota3A, %lt3A_4333 : vector<16xi32>
      %get3A_4335 = arith.index_cast %add3A_4328 : i32 to index
      %get3A_4336 = arith.constant 0 : index
      %get3A_4337 = tpu.vector_load %arg12[%get3A_4335, %get3A_4336] {strides = array<i32>} : memref<512x16xf32, #tpu.memory_space<vmem>>, vector<16xf32>,
      %jit3A_4338 = arith.constant 0.000000e+00 : f32
      %broadcast_in_dim3A_4339 = vector.broadcast %jit3A_4338 : f32 to vector<16xf32>
      %select_n3A_4340 = arith.select %lt3A_4334, %get3A_4337, %broadcast_in_dim3A_4339 : vector<16xi1>, vector<16xf32>
      %bitcast3A_4341 = vector.bitcast %select_n3A_4340 : vector<16xf32> to vector<16xi32>
      %add3A_4342 = arith.constant 32767 : i32
      %add3A_4343 = vector.broadcast %add3A_4342 : i32 to vector<16xi32>
      %add3A_4344 = arith.addi %bitcast3A_4341, %add3A_4343 : vector<16xi32>
      %shift_right_logical3A_4345 = arith.constant 16 : i32
      %shift_right_logical3A_4346 = vector.broadcast %shift_right_logical3A_4345 : i32 to vector<16xi32>
      %shift_right_logical3A_4347 = arith.shrui %bitcast3A_4341, %shift_right_logical3A_4346 : vector<16xi32>
      %and3A_4348 = arith.constant 1 : i32
      %and3A_4349 = vector.broadcast %and3A_4348 : i32 to vector<16xi32>
      %and3A_4350 = arith.andi %shift_right_logical3A_4347, %and3A_4349 : vector<16xi32>
      %add3A_4351 = arith.addi %add3A_4344, %and3A_4350 : vector<16xi32>
      %and3A_4352 = arith.constant -65536 : i32
      %and3A_4353 = vector.broadcast %and3A_4352 : i32 to vector<16xi32>
      %and3A_4354 = arith.andi %add3A_4351, %and3A_4353 : vector<16xi32>
      %bitcast3A_4355 = vector.bitcast %and3A_4354 : vector<16xi32> to vector<16xf32>
      %swap3A_4356 = arith.constant 32 : index
      %swap3A_4357 = tpu.vector_load %arg18[%swap3A_4356] {strides = array<i32>} : memref<48xf32, #tpu.memory_space<vmem>>, vector<16xf32>,
      tpu.vector_store %arg18[%swap3A_4356], %bitcast3A_4355 {strides = array<i32>} : memref<48xf32, #tpu.memory_space<vmem>>, vector<16xf32>,
      %mul3A_4358 = arith.mulf %gather3A_4331, %add3A_608 : vector<16xf32>
      %add3A_4359 = arith.addf %mul3A_4358, %get3A_645 : vector<16xf32>
      %mul3A_4360 = arith.mulf %gather3A_4331, %add3A_609 : vector<16xf32>
      %add3A_4361 = arith.addf %mul3A_4360, %get3A_647 : vector<16xf32>
      %broadcast_in_dim3A_4362 = arith.constant 32 : i32
      %broadcast_in_dim3A_4363 = vector.broadcast %broadcast_in_dim3A_4362 : i32 to vector<16xi32>
      %gather3A_4364 = tpu.vector_load_idx %arg18[%broadcast_in_dim3A_4363] : memref<48xf32, #tpu.memory_space<vmem>>[vector<16xi32>], vector<16xf32>,
      %mul3A_4365 = arith.mulf %gather3A_4364, %bitcast3A_150 : vector<16xf32>
      %add3A_4366 = arith.addf %add3A_4359, %mul3A_4365 : vector<16xf32>
      %mul3A_4367 = arith.mulf %gather3A_4364, %bitcast3A_165 : vector<16xf32>
      %add3A_4368 = arith.addf %add3A_4361, %mul3A_4367 : vector<16xf32>
      %broadcast_in_dim3A_4369 = arith.constant 33 : i32
      %broadcast_in_dim3A_4370 = vector.broadcast %broadcast_in_dim3A_4369 : i32 to vector<16xi32>
      %gather3A_4371 = tpu.vector_load_idx %arg18[%broadcast_in_dim3A_4370] : memref<48xf32, #tpu.memory_space<vmem>>[vector<16xi32>], vector<16xf32>,
      %mul3A_4372 = arith.mulf %gather3A_4371, %bitcast3A_184 : vector<16xf32>
      %add3A_4373 = arith.addf %add3A_4366, %mul3A_4372 : vector<16xf32>
      %mul3A_4374 = arith.mulf %gather3A_4371, %bitcast3A_199 : vector<16xf32>
      %add3A_4375 = arith.addf %add3A_4368, %mul3A_4374 : vector<16xf32>
      %broadcast_in_dim3A_4376 = arith.constant 34 : i32
      %broadcast_in_dim3A_4377 = vector.broadcast %broadcast_in_dim3A_4376 : i32 to vector<16xi32>
      %gather3A_4378 = tpu.vector_load_idx %arg18[%broadcast_in_dim3A_4377] : memref<48xf32, #tpu.memory_space<vmem>>[vector<16xi32>], vector<16xf32>,
      %mul3A_4379 = arith.mulf %gather3A_4378, %bitcast3A_218 : vector<16xf32>
      %add3A_4380 = arith.addf %add3A_4373, %mul3A_4379 : vector<16xf32>
      %mul3A_4381 = arith.mulf %gather3A_4378, %bitcast3A_233 : vector<16xf32>
      %add3A_4382 = arith.addf %add3A_4375, %mul3A_4381 : vector<16xf32>
      %broadcast_in_dim3A_4383 = arith.constant 35 : i32
      %broadcast_in_dim3A_4384 = vector.broadcast %broadcast_in_dim3A_4383 : i32 to vector<16xi32>
      %gather3A_4385 = tpu.vector_load_idx %arg18[%broadcast_in_dim3A_4384] : memref<48xf32, #tpu.memory_space<vmem>>[vector<16xi32>], vector<16xf32>,
      %mul3A_4386 = arith.mulf %gather3A_4385, %bitcast3A_252 : vector<16xf32>
      %add3A_4387 = arith.addf %add3A_4380, %mul3A_4386 : vector<16xf32>
      %mul3A_4388 = arith.mulf %gather3A_4385, %bitcast3A_267 : vector<16xf32>
      %add3A_4389 = arith.addf %add3A_4382, %mul3A_4388 : vector<16xf32>
      %broadcast_in_dim3A_4390 = arith.constant 36 : i32
      %broadcast_in_dim3A_4391 = vector.broadcast %broadcast_in_dim3A_4390 : i32 to vector<16xi32>
      %gather3A_4392 = tpu.vector_load_idx %arg18[%broadcast_in_dim3A_4391] : memref<48xf32, #tpu.memory_space<vmem>>[vector<16xi32>], vector<16xf32>,
      %mul3A_4393 = arith.mulf %gather3A_4392, %bitcast3A_286 : vector<16xf32>
      %add3A_4394 = arith.addf %add3A_4387, %mul3A_4393 : vector<16xf32>
      %mul3A_4395 = arith.mulf %gather3A_4392, %bitcast3A_301 : vector<16xf32>
      %add3A_4396 = arith.addf %add3A_4389, %mul3A_4395 : vector<16xf32>
      %broadcast_in_dim3A_4397 = arith.constant 37 : i32
      %broadcast_in_dim3A_4398 = vector.broadcast %broadcast_in_dim3A_4397 : i32 to vector<16xi32>
      %gather3A_4399 = tpu.vector_load_idx %arg18[%broadcast_in_dim3A_4398] : memref<48xf32, #tpu.memory_space<vmem>>[vector<16xi32>], vector<16xf32>,
      %mul3A_4400 = arith.mulf %gather3A_4399, %bitcast3A_320 : vector<16xf32>
      %add3A_4401 = arith.addf %add3A_4394, %mul3A_4400 : vector<16xf32>
      %mul3A_4402 = arith.mulf %gather3A_4399, %bitcast3A_335 : vector<16xf32>
      %add3A_4403 = arith.addf %add3A_4396, %mul3A_4402 : vector<16xf32>
      %broadcast_in_dim3A_4404 = arith.constant 38 : i32
      %broadcast_in_dim3A_4405 = vector.broadcast %broadcast_in_dim3A_4404 : i32 to vector<16xi32>
      %gather3A_4406 = tpu.vector_load_idx %arg18[%broadcast_in_dim3A_4405] : memref<48xf32, #tpu.memory_space<vmem>>[vector<16xi32>], vector<16xf32>,
      %mul3A_4407 = arith.mulf %gather3A_4406, %bitcast3A_354 : vector<16xf32>
      %add3A_4408 = arith.addf %add3A_4401, %mul3A_4407 : vector<16xf32>
      %mul3A_4409 = arith.mulf %gather3A_4406, %bitcast3A_369 : vector<16xf32>
      %add3A_4410 = arith.addf %add3A_4403, %mul3A_4409 : vector<16xf32>
      %broadcast_in_dim3A_4411 = arith.constant 39 : i32
      %broadcast_in_dim3A_4412 = vector.broadcast %broadcast_in_dim3A_4411 : i32 to vector<16xi32>
      %gather3A_4413 = tpu.vector_load_idx %arg18[%broadcast_in_dim3A_4412] : memref<48xf32, #tpu.memory_space<vmem>>[vector<16xi32>], vector<16xf32>,
      %mul3A_4414 = arith.mulf %gather3A_4413, %bitcast3A_388 : vector<16xf32>
      %add3A_4415 = arith.addf %add3A_4408, %mul3A_4414 : vector<16xf32>
      %mul3A_4416 = arith.mulf %gather3A_4413, %bitcast3A_403 : vector<16xf32>
      %add3A_4417 = arith.addf %add3A_4410, %mul3A_4416 : vector<16xf32>
      %broadcast_in_dim3A_4418 = arith.constant 40 : i32
      %broadcast_in_dim3A_4419 = vector.broadcast %broadcast_in_dim3A_4418 : i32 to vector<16xi32>
      %gather3A_4420 = tpu.vector_load_idx %arg18[%broadcast_in_dim3A_4419] : memref<48xf32, #tpu.memory_space<vmem>>[vector<16xi32>], vector<16xf32>,
      %mul3A_4421 = arith.mulf %gather3A_4420, %bitcast3A_422 : vector<16xf32>
      %add3A_4422 = arith.addf %add3A_4415, %mul3A_4421 : vector<16xf32>
      %mul3A_4423 = arith.mulf %gather3A_4420, %bitcast3A_437 : vector<16xf32>
      %add3A_4424 = arith.addf %add3A_4417, %mul3A_4423 : vector<16xf32>
      %broadcast_in_dim3A_4425 = arith.constant 41 : i32
      %broadcast_in_dim3A_4426 = vector.broadcast %broadcast_in_dim3A_4425 : i32 to vector<16xi32>
      %gather3A_4427 = tpu.vector_load_idx %arg18[%broadcast_in_dim3A_4426] : memref<48xf32, #tpu.memory_space<vmem>>[vector<16xi32>], vector<16xf32>,
      %mul3A_4428 = arith.mulf %gather3A_4427, %bitcast3A_456 : vector<16xf32>
      %add3A_4429 = arith.addf %add3A_4422, %mul3A_4428 : vector<16xf32>
      %mul3A_4430 = arith.mulf %gather3A_4427, %bitcast3A_471 : vector<16xf32>
      %add3A_4431 = arith.addf %add3A_4424, %mul3A_4430 : vector<16xf32>
      %broadcast_in_dim3A_4432 = arith.constant 42 : i32
      %broadcast_in_dim3A_4433 = vector.broadcast %broadcast_in_dim3A_4432 : i32 to vector<16xi32>
      %gather3A_4434 = tpu.vector_load_idx %arg18[%broadcast_in_dim3A_4433] : memref<48xf32, #tpu.memory_space<vmem>>[vector<16xi32>], vector<16xf32>,
      %mul3A_4435 = arith.mulf %gather3A_4434, %bitcast3A_490 : vector<16xf32>
      %add3A_4436 = arith.addf %add3A_4429, %mul3A_4435 : vector<16xf32>
      %mul3A_4437 = arith.mulf %gather3A_4434, %bitcast3A_505 : vector<16xf32>
      %add3A_4438 = arith.addf %add3A_4431, %mul3A_4437 : vector<16xf32>
      %broadcast_in_dim3A_4439 = arith.constant 43 : i32
      %broadcast_in_dim3A_4440 = vector.broadcast %broadcast_in_dim3A_4439 : i32 to vector<16xi32>
      %gather3A_4441 = tpu.vector_load_idx %arg18[%broadcast_in_dim3A_4440] : memref<48xf32, #tpu.memory_space<vmem>>[vector<16xi32>], vector<16xf32>,
      %mul3A_4442 = arith.mulf %gather3A_4441, %bitcast3A_524 : vector<16xf32>
      %add3A_4443 = arith.addf %add3A_4436, %mul3A_4442 : vector<16xf32>
      %mul3A_4444 = arith.mulf %gather3A_4441, %bitcast3A_539 : vector<16xf32>
      %add3A_4445 = arith.addf %add3A_4438, %mul3A_4444 : vector<16xf32>
      %broadcast_in_dim3A_4446 = arith.constant 44 : i32
      %broadcast_in_dim3A_4447 = vector.broadcast %broadcast_in_dim3A_4446 : i32 to vector<16xi32>
      %gather3A_4448 = tpu.vector_load_idx %arg18[%broadcast_in_dim3A_4447] : memref<48xf32, #tpu.memory_space<vmem>>[vector<16xi32>], vector<16xf32>,
      %mul3A_4449 = arith.mulf %gather3A_4448, %bitcast3A_558 : vector<16xf32>
      %add3A_4450 = arith.addf %add3A_4443, %mul3A_4449 : vector<16xf32>
      %mul3A_4451 = arith.mulf %gather3A_4448, %bitcast3A_573 : vector<16xf32>
      %add3A_4452 = arith.addf %add3A_4445, %mul3A_4451 : vector<16xf32>
      %broadcast_in_dim3A_4453 = arith.constant 45 : i32
      %broadcast_in_dim3A_4454 = vector.broadcast %broadcast_in_dim3A_4453 : i32 to vector<16xi32>
      %gather3A_4455 = tpu.vector_load_idx %arg18[%broadcast_in_dim3A_4454] : memref<48xf32, #tpu.memory_space<vmem>>[vector<16xi32>], vector<16xf32>,
      %mul3A_4456 = arith.mulf %gather3A_4455, %bitcast3A_592 : vector<16xf32>
      %add3A_4457 = arith.addf %add3A_4450, %mul3A_4456 : vector<16xf32>
      %mul3A_4458 = arith.mulf %gather3A_4455, %bitcast3A_607 : vector<16xf32>
      %add3A_4459 = arith.addf %add3A_4452, %mul3A_4458 : vector<16xf32>
      %bitcast3A_4460 = vector.bitcast %add3A_4457 : vector<16xf32> to vector<16xi32>
      %add3A_4461 = arith.constant 32767 : i32
      %add3A_4462 = vector.broadcast %add3A_4461 : i32 to vector<16xi32>
      %add3A_4463 = arith.addi %bitcast3A_4460, %add3A_4462 : vector<16xi32>
      %shift_right_logical3A_4464 = arith.constant 16 : i32
      %shift_right_logical3A_4465 = vector.broadcast %shift_right_logical3A_4464 : i32 to vector<16xi32>
      %shift_right_logical3A_4466 = arith.shrui %bitcast3A_4460, %shift_right_logical3A_4465 : vector<16xi32>
      %and3A_4467 = arith.constant 1 : i32
      %and3A_4468 = vector.broadcast %and3A_4467 : i32 to vector<16xi32>
      %and3A_4469 = arith.andi %shift_right_logical3A_4466, %and3A_4468 : vector<16xi32>
      %add3A_4470 = arith.addi %add3A_4463, %and3A_4469 : vector<16xi32>
      %and3A_4471 = arith.constant -65536 : i32
      %and3A_4472 = vector.broadcast %and3A_4471 : i32 to vector<16xi32>
      %and3A_4473 = arith.andi %add3A_4470, %and3A_4472 : vector<16xi32>
      %bitcast3A_4474 = vector.bitcast %and3A_4473 : vector<16xi32> to vector<16xf32>
      %bitcast3A_4475 = vector.bitcast %add3A_4459 : vector<16xf32> to vector<16xi32>
      %add3A_4476 = arith.constant 32767 : i32
      %add3A_4477 = vector.broadcast %add3A_4476 : i32 to vector<16xi32>
      %add3A_4478 = arith.addi %bitcast3A_4475, %add3A_4477 : vector<16xi32>
      %shift_right_logical3A_4479 = arith.constant 16 : i32
      %shift_right_logical3A_4480 = vector.broadcast %shift_right_logical3A_4479 : i32 to vector<16xi32>
      %shift_right_logical3A_4481 = arith.shrui %bitcast3A_4475, %shift_right_logical3A_4480 : vector<16xi32>
      %and3A_4482 = arith.constant 1 : i32
      %and3A_4483 = vector.broadcast %and3A_4482 : i32 to vector<16xi32>
      %and3A_4484 = arith.andi %shift_right_logical3A_4481, %and3A_4483 : vector<16xi32>
      %add3A_4485 = arith.addi %add3A_4478, %and3A_4484 : vector<16xi32>
      %and3A_4486 = arith.constant -65536 : i32
      %and3A_4487 = vector.broadcast %and3A_4486 : i32 to vector<16xi32>
      %and3A_4488 = arith.andi %add3A_4485, %and3A_4487 : vector<16xi32>
      %bitcast3A_4489 = vector.bitcast %and3A_4488 : vector<16xi32> to vector<16xf32>
      %mul3A_4490 = arith.mulf %bitcast3A_4474, %bitcast3A_628 : vector<16xf32>
      %mul3A_4491 = arith.mulf %bitcast3A_4489, %bitcast3A_643 : vector<16xf32>
      %add3A_4492 = arith.addf %mul3A_4490, %mul3A_4491 : vector<16xf32>
      %swap3A_4493 = arith.constant 240 : index
      %swap3A_4494 = tpu.vector_load %arg19[%swap3A_4493] {strides = array<i32>} : memref<256xf32, #tpu.memory_space<vmem>>, vector<16xf32>,
      tpu.vector_store %arg19[%swap3A_4493], %add3A_4492 {strides = array<i32>} : memref<256xf32, #tpu.memory_space<vmem>>, vector<16xf32>,
      %mul3A_4495 = arith.constant 16 : i32
      %mul3A_4496 = vector.broadcast %mul3A_4495 : i32 to vector<16xi32>
      %mul3A_4497 = arith.muli %iota3A, %mul3A_4496 : vector<16xi32>
      %add3A_4498 = arith.constant 0 : i32
      %add3A_4499 = vector.broadcast %add3A_4498 : i32 to vector<16xi32>
      %add3A_4500 = arith.addi %mul3A_4497, %add3A_4499 : vector<16xi32>
      %gather3A_4501 = tpu.vector_load_idx %arg19[%add3A_4500] : memref<256xf32, #tpu.memory_space<vmem>>[vector<16xi32>], vector<16xf32>,
      %add3A_4502 = arith.addf %gather3A, %gather3A_4501 : vector<16xf32>
      %mul3A_4503 = arith.constant 16 : i32
      %mul3A_4504 = vector.broadcast %mul3A_4503 : i32 to vector<16xi32>
      %mul3A_4505 = arith.muli %iota3A, %mul3A_4504 : vector<16xi32>
      %add3A_4506 = arith.constant 1 : i32
      %add3A_4507 = vector.broadcast %add3A_4506 : i32 to vector<16xi32>
      %add3A_4508 = arith.addi %mul3A_4505, %add3A_4507 : vector<16xi32>
      %gather3A_4509 = tpu.vector_load_idx %arg19[%add3A_4508] : memref<256xf32, #tpu.memory_space<vmem>>[vector<16xi32>], vector<16xf32>,
      %add3A_4510 = arith.addf %add3A_4502, %gather3A_4509 : vector<16xf32>
      %mul3A_4511 = arith.constant 16 : i32
      %mul3A_4512 = vector.broadcast %mul3A_4511 : i32 to vector<16xi32>
      %mul3A_4513 = arith.muli %iota3A, %mul3A_4512 : vector<16xi32>
      %add3A_4514 = arith.constant 2 : i32
      %add3A_4515 = vector.broadcast %add3A_4514 : i32 to vector<16xi32>
      %add3A_4516 = arith.addi %mul3A_4513, %add3A_4515 : vector<16xi32>
      %gather3A_4517 = tpu.vector_load_idx %arg19[%add3A_4516] : memref<256xf32, #tpu.memory_space<vmem>>[vector<16xi32>], vector<16xf32>,
      %add3A_4518 = arith.addf %add3A_4510, %gather3A_4517 : vector<16xf32>
      %mul3A_4519 = arith.constant 16 : i32
      %mul3A_4520 = vector.broadcast %mul3A_4519 : i32 to vector<16xi32>
      %mul3A_4521 = arith.muli %iota3A, %mul3A_4520 : vector<16xi32>
      %add3A_4522 = arith.constant 3 : i32
      %add3A_4523 = vector.broadcast %add3A_4522 : i32 to vector<16xi32>
      %add3A_4524 = arith.addi %mul3A_4521, %add3A_4523 : vector<16xi32>
      %gather3A_4525 = tpu.vector_load_idx %arg19[%add3A_4524] : memref<256xf32, #tpu.memory_space<vmem>>[vector<16xi32>], vector<16xf32>,
      %add3A_4526 = arith.addf %add3A_4518, %gather3A_4525 : vector<16xf32>
      %mul3A_4527 = arith.constant 16 : i32
      %mul3A_4528 = vector.broadcast %mul3A_4527 : i32 to vector<16xi32>
      %mul3A_4529 = arith.muli %iota3A, %mul3A_4528 : vector<16xi32>
      %add3A_4530 = arith.constant 4 : i32
      %add3A_4531 = vector.broadcast %add3A_4530 : i32 to vector<16xi32>
      %add3A_4532 = arith.addi %mul3A_4529, %add3A_4531 : vector<16xi32>
      %gather3A_4533 = tpu.vector_load_idx %arg19[%add3A_4532] : memref<256xf32, #tpu.memory_space<vmem>>[vector<16xi32>], vector<16xf32>,
      %add3A_4534 = arith.addf %add3A_4526, %gather3A_4533 : vector<16xf32>
      %mul3A_4535 = arith.constant 16 : i32
      %mul3A_4536 = vector.broadcast %mul3A_4535 : i32 to vector<16xi32>
      %mul3A_4537 = arith.muli %iota3A, %mul3A_4536 : vector<16xi32>
      %add3A_4538 = arith.constant 5 : i32
      %add3A_4539 = vector.broadcast %add3A_4538 : i32 to vector<16xi32>
      %add3A_4540 = arith.addi %mul3A_4537, %add3A_4539 : vector<16xi32>
      %gather3A_4541 = tpu.vector_load_idx %arg19[%add3A_4540] : memref<256xf32, #tpu.memory_space<vmem>>[vector<16xi32>], vector<16xf32>,
      %add3A_4542 = arith.addf %add3A_4534, %gather3A_4541 : vector<16xf32>
      %mul3A_4543 = arith.constant 16 : i32
      %mul3A_4544 = vector.broadcast %mul3A_4543 : i32 to vector<16xi32>
      %mul3A_4545 = arith.muli %iota3A, %mul3A_4544 : vector<16xi32>
      %add3A_4546 = arith.constant 6 : i32
      %add3A_4547 = vector.broadcast %add3A_4546 : i32 to vector<16xi32>
      %add3A_4548 = arith.addi %mul3A_4545, %add3A_4547 : vector<16xi32>
      %gather3A_4549 = tpu.vector_load_idx %arg19[%add3A_4548] : memref<256xf32, #tpu.memory_space<vmem>>[vector<16xi32>], vector<16xf32>,
      %add3A_4550 = arith.addf %add3A_4542, %gather3A_4549 : vector<16xf32>
      %mul3A_4551 = arith.constant 16 : i32
      %mul3A_4552 = vector.broadcast %mul3A_4551 : i32 to vector<16xi32>
      %mul3A_4553 = arith.muli %iota3A, %mul3A_4552 : vector<16xi32>
      %add3A_4554 = arith.constant 7 : i32
      %add3A_4555 = vector.broadcast %add3A_4554 : i32 to vector<16xi32>
      %add3A_4556 = arith.addi %mul3A_4553, %add3A_4555 : vector<16xi32>
      %gather3A_4557 = tpu.vector_load_idx %arg19[%add3A_4556] : memref<256xf32, #tpu.memory_space<vmem>>[vector<16xi32>], vector<16xf32>,
      %add3A_4558 = arith.addf %add3A_4550, %gather3A_4557 : vector<16xf32>
      %mul3A_4559 = arith.constant 16 : i32
      %mul3A_4560 = vector.broadcast %mul3A_4559 : i32 to vector<16xi32>
      %mul3A_4561 = arith.muli %iota3A, %mul3A_4560 : vector<16xi32>
      %add3A_4562 = arith.constant 8 : i32
      %add3A_4563 = vector.broadcast %add3A_4562 : i32 to vector<16xi32>
      %add3A_4564 = arith.addi %mul3A_4561, %add3A_4563 : vector<16xi32>
      %gather3A_4565 = tpu.vector_load_idx %arg19[%add3A_4564] : memref<256xf32, #tpu.memory_space<vmem>>[vector<16xi32>], vector<16xf32>,
      %add3A_4566 = arith.addf %add3A_4558, %gather3A_4565 : vector<16xf32>
      %mul3A_4567 = arith.constant 16 : i32
      %mul3A_4568 = vector.broadcast %mul3A_4567 : i32 to vector<16xi32>
      %mul3A_4569 = arith.muli %iota3A, %mul3A_4568 : vector<16xi32>
      %add3A_4570 = arith.constant 9 : i32
      %add3A_4571 = vector.broadcast %add3A_4570 : i32 to vector<16xi32>
      %add3A_4572 = arith.addi %mul3A_4569, %add3A_4571 : vector<16xi32>
      %gather3A_4573 = tpu.vector_load_idx %arg19[%add3A_4572] : memref<256xf32, #tpu.memory_space<vmem>>[vector<16xi32>], vector<16xf32>,
      %add3A_4574 = arith.addf %add3A_4566, %gather3A_4573 : vector<16xf32>
      %mul3A_4575 = arith.constant 16 : i32
      %mul3A_4576 = vector.broadcast %mul3A_4575 : i32 to vector<16xi32>
      %mul3A_4577 = arith.muli %iota3A, %mul3A_4576 : vector<16xi32>
      %add3A_4578 = arith.constant 10 : i32
      %add3A_4579 = vector.broadcast %add3A_4578 : i32 to vector<16xi32>
      %add3A_4580 = arith.addi %mul3A_4577, %add3A_4579 : vector<16xi32>
      %gather3A_4581 = tpu.vector_load_idx %arg19[%add3A_4580] : memref<256xf32, #tpu.memory_space<vmem>>[vector<16xi32>], vector<16xf32>,
      %add3A_4582 = arith.addf %add3A_4574, %gather3A_4581 : vector<16xf32>
      %mul3A_4583 = arith.constant 16 : i32
      %mul3A_4584 = vector.broadcast %mul3A_4583 : i32 to vector<16xi32>
      %mul3A_4585 = arith.muli %iota3A, %mul3A_4584 : vector<16xi32>
      %add3A_4586 = arith.constant 11 : i32
      %add3A_4587 = vector.broadcast %add3A_4586 : i32 to vector<16xi32>
      %add3A_4588 = arith.addi %mul3A_4585, %add3A_4587 : vector<16xi32>
      %gather3A_4589 = tpu.vector_load_idx %arg19[%add3A_4588] : memref<256xf32, #tpu.memory_space<vmem>>[vector<16xi32>], vector<16xf32>,
      %add3A_4590 = arith.addf %add3A_4582, %gather3A_4589 : vector<16xf32>
      %mul3A_4591 = arith.constant 16 : i32
      %mul3A_4592 = vector.broadcast %mul3A_4591 : i32 to vector<16xi32>
      %mul3A_4593 = arith.muli %iota3A, %mul3A_4592 : vector<16xi32>
      %add3A_4594 = arith.constant 12 : i32
      %add3A_4595 = vector.broadcast %add3A_4594 : i32 to vector<16xi32>
      %add3A_4596 = arith.addi %mul3A_4593, %add3A_4595 : vector<16xi32>
      %gather3A_4597 = tpu.vector_load_idx %arg19[%add3A_4596] : memref<256xf32, #tpu.memory_space<vmem>>[vector<16xi32>], vector<16xf32>,
      %add3A_4598 = arith.addf %add3A_4590, %gather3A_4597 : vector<16xf32>
      %mul3A_4599 = arith.constant 16 : i32
      %mul3A_4600 = vector.broadcast %mul3A_4599 : i32 to vector<16xi32>
      %mul3A_4601 = arith.muli %iota3A, %mul3A_4600 : vector<16xi32>
      %add3A_4602 = arith.constant 13 : i32
      %add3A_4603 = vector.broadcast %add3A_4602 : i32 to vector<16xi32>
      %add3A_4604 = arith.addi %mul3A_4601, %add3A_4603 : vector<16xi32>
      %gather3A_4605 = tpu.vector_load_idx %arg19[%add3A_4604] : memref<256xf32, #tpu.memory_space<vmem>>[vector<16xi32>], vector<16xf32>,
      %add3A_4606 = arith.addf %add3A_4598, %gather3A_4605 : vector<16xf32>
      %mul3A_4607 = arith.constant 16 : i32
      %mul3A_4608 = vector.broadcast %mul3A_4607 : i32 to vector<16xi32>
      %mul3A_4609 = arith.muli %iota3A, %mul3A_4608 : vector<16xi32>
      %add3A_4610 = arith.constant 14 : i32
      %add3A_4611 = vector.broadcast %add3A_4610 : i32 to vector<16xi32>
      %add3A_4612 = arith.addi %mul3A_4609, %add3A_4611 : vector<16xi32>
      %gather3A_4613 = tpu.vector_load_idx %arg19[%add3A_4612] : memref<256xf32, #tpu.memory_space<vmem>>[vector<16xi32>], vector<16xf32>,
      %add3A_4614 = arith.addf %add3A_4606, %gather3A_4613 : vector<16xf32>
      %mul3A_4615 = arith.constant 16 : i32
      %mul3A_4616 = vector.broadcast %mul3A_4615 : i32 to vector<16xi32>
      %mul3A_4617 = arith.muli %iota3A, %mul3A_4616 : vector<16xi32>
      %add3A_4618 = arith.constant 15 : i32
      %add3A_4619 = vector.broadcast %add3A_4618 : i32 to vector<16xi32>
      %add3A_4620 = arith.addi %mul3A_4617, %add3A_4619 : vector<16xi32>
      %gather3A_4621 = tpu.vector_load_idx %arg19[%add3A_4620] : memref<256xf32, #tpu.memory_space<vmem>>[vector<16xi32>], vector<16xf32>,
      %add3A_4622 = arith.addf %add3A_4614, %gather3A_4621 : vector<16xf32>
      %mul3A_4623 = arith.constant 16 : i32
      %mul3A_4624 = arith.muli %scan3A_656, %mul3A_4623 : i32
      %swap3A_4625 = arith.index_cast %mul3A_4624 : i32 to index
      %swap3A_4626 = tpu.vector_load %arg20[%swap3A_4625] {strides = array<i32>} : memref<512xf32, #tpu.memory_space<vmem>>, vector<16xf32>,
      tpu.vector_store %arg20[%swap3A_4625], %add3A_4622 {strides = array<i32>} : memref<512xf32, #tpu.memory_space<vmem>>, vector<16xf32>,
      %scan3A_4627 = arith.constant 0 : i32
      scf.yield %scan3A_4627 : i32
    }
    %scan3A_655 = arith.constant 32 : i32
    "tpu.region"() ({
      %run_scoped3A = tpu.sem_alloc : memref<!tpu.dma_semaphore, #tpu.memory_space<semaphore_mem>>
      %dma_start3A_656 = tpu.memref_slice %arg9[%mul3A_2] : memref<16384xf32, #tpu.memory_space<hbm>> -> memref<512xf32, #tpu.memory_space<hbm>>
      %dma_start3A_657 = tpu.memref_slice %arg9[%mul3A_2] : memref<16384xf32, #tpu.memory_space<hbm>> -> memref<512xf32, #tpu.memory_space<hbm>>
      tpu.enqueue_dma source(%arg20 : memref<512xf32, #tpu.memory_space<vmem>>) target(%dma_start3A_657 : memref<512xf32, #tpu.memory_space<hbm>>) target_semaphore(%run_scoped3A : memref<!tpu.dma_semaphore, #tpu.memory_space<semaphore_mem>>)
      %dma_wait3A_658 = tpu.memref_slice %arg9[%mul3A_2] : memref<16384xf32, #tpu.memory_space<hbm>> -> memref<512xf32, #tpu.memory_space<hbm>>
      %dma_wait3A_659 = tpu.memref_slice %arg9[%mul3A_2] : memref<16384xf32, #tpu.memory_space<hbm>> -> memref<512xf32, #tpu.memory_space<hbm>>
      tpu.wait_dma2 semaphore(%run_scoped3A : memref<!tpu.dma_semaphore, #tpu.memory_space<semaphore_mem>>) src(%arg20 : memref<512xf32, #tpu.memory_space<vmem>>) dst(%dma_wait3A_659 : memref<512xf32, #tpu.memory_space<hbm>>)
      tpu.yield
    }) : () -> ()
    return
  }
}

</mosaic_0001>

<sc_bundles>
// kernel: _run.3.cloned.1.call-start
scs
__scs_entry_jumppad:
0x0: {  	(pc) =	sbr.rel $0x88, $3  }
0x1: {  	(tag) =	ssettag $0x0;
	lr =	simm.s32 $0x1  }
0x2: {  	[smem:$0x3F9A] =	sst lr;
	_ =	strace $0xD0000000  }
0x3: {  	_ = 	snop  }
0x4: {  	_ = 	snop  }
0x5: {  	_ = 	snop  }
0x6: {  	_ = 	snop  }
0x7: {  	_ = 	snop  }
__scs_overlays_trampoline_lowered:
0x8: {  	[smem:$0x3FA9] =	sst s0  }
0x9: {  	[smem:$0x3FAA] =	sst s1  }
0xa: {  	[smem:$0x3FAB] =	sst s2  }
0xb: {  	[smem:$0x3FAC] =	sst s3  }
0xc: {  	[smem:$0x3FAD] =	sst s4  }
0xd: {  	[smem:$0x3FAE] =	sst s5  }
0xe: {  	[smem:$0x3FAF] =	sst s6  }
0xf: {  	[smem:$0x3FB0] =	sst s7  }
0x10: {  	[smem:$0x3FB1] =	sst s8  }
0x11: {  	[smem:$0x3FB2] =	sst s9;
	s0 =	simm.s32 @!p0 $0x0  }
0x12: {  	s1 =	sld [smem:$0x3F98];
	s0 =	simm.s32 @p0 $0x1  }
0x13: {  	[smem:$0x3FB3] =	sst s0;
	s0 =	simm.s32 @!p1 $0x0  }
0x14: {  	s2 =	sld [smem:$0x3F97];
	s0 =	simm.s32 @p1 $0x1  }
0x15: {  	[smem:$0x3FB4] =	sst s0;
	s0 =	simm.s32 @!p2 $0x0  }
0x16: {  	s3 =	sld [smem:$0x3FDB];
	s0 =	simm.s32 @p2 $0x1  }
0x17: {  	s4 =	simm.s32 $0x1BF5;
	[smem:$0x3FB6] =	sst s0  }
0x18: {  	s0 =	sld [smem:$0x3F99];
	_ =	swait.ge [sflag:s4], $0x0  }
0x19: {  	s7 =	sld [smem:$0x3F9A]  }
0x1a: {  	s8 =	sadd.s32 $0xFFFFE003, lr  }
0x1b: {  	s9 =	sadd.s32 $0xFFFFFEF7, lr;
	s5 =	simm.s32 $0xFFFFFFFF;
	p2 =	slt.u32 s8, $0xFFFFF086  }
0x1c: {  	p1 =	slt.u32 s9, $0xF7A;
	s5 =	simm.s32 @!p2 $0x0  }
0x1d: {  	s5 =	simm.s32 @p1 $0x1;
	p0 =	seq.s32 s7, s2  }
0x1e: {  	s7 =	smul.u32 @!p0 $0xF7A, s2;
	p2 =	seq.s32 @!p0 s5, $0x0  }
0x1f: {  	s9 =	smul.u32 $0xF7A, s1;
	s8 =	simm.s32 @!p0 $0x1BF5;
	p2 =	por !p2, p0  }
0x20: {  	[sflag:s8] =	ssyncset.s32 @!p0 $0xFFFFF086;
	s6 =	sadd.s32 @!p0 s3, s7;
	s7 =	simm.s32 @!p0 $0x108  }
0x21: {  	s3 =	sadd.s32 s3, s9;
	s6 =	sadd.s32 @!p0 $0x88, s6;
	s7 =	simm.s32 @p2 $0x1082  }
0x22: {  	[simem:s7], [sflag:s8] =	dma.local @!p0 [hbm:s6], $0xF7A  }
0x23: {  	s9 =	sor.u32 $0xD0000000, s2;
	s6 =	simm.s32 $0x108;
	_ =	swait.ge @!p0 [sflag:s8], $0x0  }
0x24: {  	s3 =	sadd.s32 $0x88, s3;
	s6 =	simm.s32 @!p1 $0x1082;
	[sflag:s4] =	ssyncset.s32 $0xFFFFF086  }
0x25: {  	[simem:s6], [sflag:s4] =	dma.local [hbm:s3], $0xF7A  }
0x26: {  	[smem:$0x3F9A] =	sst s1;
	(tag) =	ssettag s2;
	_ =	strace s9  }
0x27: {  	s1 =	sld [smem:$0x3FAA]  }
0x28: {  	s2 =	sld [smem:$0x3FAB]  }
0x29: {  	s4 =	sld [smem:$0x3FAD]  }
0x2a: {  	p0 =	seq.s32 s5, $0x0;
	s5 =	sld [smem:$0x3FAE]  }
0x2b: {  	s6 =	sld [smem:$0x3FAF]  }
0x2c: {  	s7 =	sld [smem:$0x3FB0]  }
0x2d: {  	s3 =	simm.s32 $0x108;
	s8 =	sld [smem:$0x3FB1]  }
0x2e: {  	s3 =	simm.s32 @!p0 $0x1082;
	s9 =	sld [smem:$0x3FB2]  }
0x2f: {  	lr =	sadd.s32 s0, s3;
	s0 =	sld [smem:$0x3FA9]  }
0x30: {  	s3 =	sld [smem:$0x3FAC]  }
0x31: {  	[smem:$0x3FB5] =	sst s10  }
0x32: {  	s10 =	sld [smem:$0x3FB3];
	_ =	sdelay $0x3  }
0x33: {  	p0 =	seq.s32 s10, $0x1;
	s10 =	sld [smem:$0x3FB5];
	_ =	sdelay $0x3  }
0x34: {  	[smem:$0x3FB5] =	sst s10  }
0x35: {  	s10 =	sld [smem:$0x3FB4];
	_ =	sdelay $0x3  }
0x36: {  	p1 =	seq.s32 s10, $0x1;
	s10 =	sld [smem:$0x3FB5];
	_ =	sdelay $0x3  }
0x37: {  	[smem:$0x3FB5] =	sst s10  }
0x38: {  	s10 =	sld [smem:$0x3FB6]  }
0x39: {  	_ = 	snop;
	(pc) =	sbr.ind lr, $3  }
0x3a: {  	_ = 	snop  }
0x3b: {  	_ = 	snop  }
0x3c: {  	p2 =	seq.s32 s10, $0x1;
	s10 =	sld [smem:$0x3FB5]  }
0x3d: {  	_ =	shalt  }
0x3e: {  	_ =	shalt  }
0x3f: {  	_ =	shalt  }
0x40: {  	_ =	shalt  }
0x41: {  	_ =	shalt  }
0x42: {  	_ =	shalt  }
0x43: {  	_ =	shalt  }
0x44: {  	_ =	shalt  }
0x45: {  	_ =	shalt  }
0x46: {  	_ =	shalt  }
0x47: {  	_ =	shalt  }
0x48: {  	_ =	shalt  }
0x49: {  	_ =	shalt  }
0x4a: {  	_ =	shalt  }
0x4b: {  	_ =	shalt  }
0x4c: {  	_ =	shalt  }
0x4d: {  	_ =	shalt  }
0x4e: {  	_ =	shalt  }
0x4f: {  	_ =	shalt  }
0x50: {  	_ =	shalt  }
0x51: {  	_ =	shalt  }
0x52: {  	_ =	shalt  }
0x53: {  	_ =	shalt  }
0x54: {  	_ =	shalt  }
0x55: {  	_ =	shalt  }
0x56: {  	_ =	shalt  }
0x57: {  	_ =	shalt  }
0x58: {  	_ =	shalt  }
0x59: {  	_ =	shalt  }
0x5a: {  	_ =	shalt  }
0x5b: {  	_ =	shalt  }
0x5c: {  	_ =	shalt  }
0x5d: {  	_ =	shalt  }
0x5e: {  	_ =	shalt  }
0x5f: {  	_ =	shalt  }
0x60: {  	_ =	shalt  }
0x61: {  	_ =	shalt  }
0x62: {  	_ =	shalt  }
0x63: {  	_ =	shalt  }
0x64: {  	_ =	shalt  }
0x65: {  	_ =	shalt  }
0x66: {  	_ =	shalt  }
0x67: {  	_ =	shalt  }
0x68: {  	_ =	shalt  }
0x69: {  	_ =	shalt  }
0x6a: {  	_ =	shalt  }
0x6b: {  	_ =	shalt  }
0x6c: {  	_ =	shalt  }
0x6d: {  	_ =	shalt  }
0x6e: {  	_ =	shalt  }
0x6f: {  	_ =	shalt  }
0x70: {  	_ =	shalt  }
0x71: {  	_ =	shalt  }
0x72: {  	_ =	shalt  }
0x73: {  	_ =	shalt  }
0x74: {  	_ =	shalt  }
0x75: {  	_ =	shalt  }
0x76: {  	_ =	shalt  }
0x77: {  	_ =	shalt  }
0x78: {  	_ =	shalt  }
0x79: {  	_ =	shalt  }
0x7a: {  	_ =	shalt  }
0x7b: {  	_ =	shalt  }
0x7c: {  	_ =	shalt  }
0x7d: {  	_ =	shalt  }
0x7e: {  	_ =	shalt  }
0x7f: {  	_ =	shalt  }
0x80: {  	_ =	shalt  }
0x81: {  	_ =	shalt  }
0x82: {  	_ =	shalt  }
0x83: {  	_ =	shalt  }
0x84: {  	_ =	shalt  }
0x85: {  	_ =	shalt  }
0x86: {  	_ =	shalt  }
0x87: {  	_ =	shalt  }
.Lfunc_end0:
.L_simem_size_0:
called_computation_lowered:
.L_overlay_start_0:
0x88: {  	s2 =	sld [smem:$0x3FD9]  }
0x89: {  	s3 =	sld [smem:$0x3FFE];
	_ =	sdelay $0x1  }
0x8a: {  	s1 =	srdreg.scid  }
0x8b: {  	s0 =	sand.u32 $0x1, s1  }
0x8c: {  	s17 =	sshll.u32 s0, $0xA;
	s2 =	sadd.s32 s3, s2  }
0x8d: {  	s2 =	sadd.s32 s2, s17  }
0x8e: {  	[smem:$0x3FC1] =	sst s2  }
0x8f: {  	_ = 	snop  }
0x90: {  	s2 =	sld [smem:$0x3FC9]  }
0x91: {  	s18 =	sld [smem:$0x3FC6]  }
0x92: {  	s4 =	sld [smem:$0x3FC5]  }
0x93: {  	s5 =	sld [smem:$0x3FC4]  }
0x94: {  	s6 =	sld [smem:$0x3FC3]  }
0x95: {  	s7 =	sld [smem:$0x3FD0];
	(tm) =	ssettm $0x1  }
0x96: {  	s8 =	sld [smem:$0x3FFB];
	_ =	sdelay $0x3  }
0x97: {  	_ =	strace s8  }
0x98: {  	s8 =	sld [smem:$0x3FFC];
	_ =	sdelay $0x3  }
0x99: {  	_ =	strace s8  }
0x9a: {  	s8 =	sld [smem:$0x3FFD];
	_ =	sdelay $0x3  }
0x9b: {  	_ =	strace s8  }
0x9c: {  	_ =	strace $0x8FFFFFFF  }
0x9d: {  	s19 =	sld [smem:$0x3FDB];
	_ =	sdelay $0x1  }
0x9e: {  	s9 =	simm.s32 $_scs_section_size  }
0x9f: {  	s10 =	simm.s32 $_size__tile_overlayer_lowered;
	s11 =	simm.s32 $_tile_overlayer_lowered  }
0xa0: {  	s22 =	simm.s32 $0x1BFF;
	s21 =	sshll.u32 s11, $0x1;
	s8 =	sadd.s32 s9, s19  }
0xa1: {  	s12 =	simm.s32 $0x0;
	s20 =	sshll.u32 s10, $0x1;
	s10 =	sadd.s32 s21, s8  }
0xa2: {  	[timem:s12], [sflag:s22] =	dma.local [hbm:s10], s20  }
0xa3: {  	_ =	swait.ge [sflag:s22], s20  }
0xa4: {  	s9 =	ssub.s32 $0x0, s20;
	[sflag:s22] =	ssyncset.done $0x0  }
0xa5: {  	[sflag:s22] =	ssyncadd.s32 s9;
	_ =	sdelay $0x1  }
0xa6: {  	s23 =	simm.s32 $0x1B8B  }
0xa7: {  	_ =	swait.ge [sflag:s23], $0x1  }
0xa8: {  	[sflag:s23] =	ssyncset.done $0x0  }
0xa9: {  	s25 =	simm.s32 $0x1B8E;
	s24 =	sld [smem:$0x3FFE];
	[sflag:s23] =	ssyncadd.s32 $0xFFFFFFFF  }
0xaa: {  	s26 =	simm.s32 $execute0_lowered;
	[smem:$0x3FD2] =	sst s25  }
0xab: {  	s10 =	sshll.u32 s26, $0x1;
	_ =	strace $0x80000046;
	[dreg:$0x1] =	wrdreg $0xFFFFFFFF  }
0xac: {  	s28 =	simm.s32 $_size_execute0_lowered;
	s8 =	sadd.s32 s8, s10;
	[dreg:$0x0] =	wrdreg $0x0  }
0xad: {  	s10 =	sshll.u32 s28, $0x1;
	[dreg:$0x2] =	wrdreg s8  }
0xae: {  	[dreg:$0x3] =	wrdreg s10  }
0xaf: {  	[dreg:$0x4] =	wrdreg $0xC0  }
0xb0: {  	_ =	task [dreg:s12], $0x5FFFF  }
0xb1: {  	[dreg:$0x1] =	wrdreg $0xFFFFFFFF  }
0xb2: {  	[dreg:$0x0] =	wrdreg $0x60  }
0xb3: {  	[dreg:$0x2] =	wrdreg s2  }
0xb4: {  	[dreg:$0x3] =	wrdreg s24  }
0xb5: {  	[dreg:$0x4] =	wrdreg s18  }
0xb6: {  	[dreg:$0x5] =	wrdreg s4  }
0xb7: {  	[dreg:$0x6] =	wrdreg s5  }
0xb8: {  	[dreg:$0x7] =	wrdreg s6  }
0xb9: {  	[dreg:$0x8] =	wrdreg s7  }
0xba: {  	[dreg:$0x9] =	wrdreg $0x9  }
0xbb: {  	_ =	task.clear_ibuf [dreg:s12], $0xAFFFF;
	_ =	strace $0x90000046  }
0xbc: {  	s29 =	simm.s32 $0x9;
	_ =	strace $0x80000048  }
0xbd: {  	_ =	swait.ge [sflag:s29], $0x1  }
0xbe: {  	[sflag:s29] =	ssyncadd.s32 $0xFFFFFFFF  }
0xbf: {  	_ =	strace $0x90000048  }
0xc0: {  	_ =	sfence  }
0xc1: {  	s30 =	sld [smem:$0x0];
	_ =	sdelay $0x2  }
0xc2: {  	s31 =	sshll.u32 s1, $0xD;
	s1 =	sshrl.u32 s1, $0x2  }
0xc3: {  	s3 =	sand.u32 $0x4000, s31;
	s1 =	sadd.s32 s1, s30  }
0xc4: {  	s0 =	sor.u32 s3, s0;
	s1 =	sshll.u32 s1, $0x11  }
0xc5: {  	s0 =	sor.u32 s1, s0  }
0xc6: {  	s0 =	sadd.s32 $0x8F2B, s0  }
0xc7: {  	[sflag:s0] =	ssyncadd.remote.s32 $0x1  }
0xc8: {  	_ =	sfence.sel $0xFFFF  }
0xc9: {  	[dreg:$0x0] =	wrdreg $0xFFFFFFFF;
	(pc) =	sbr.abs _section_cstart, $3  }
0xca: {  	[dreg:$0x1] =	wrdreg $0xFFFFFFFF  }
0xcb: {  	_ =	task.clear_ibuf [dreg:s12], $0x2FFFF;
	_ =	strace $0x9FFFFFFF  }
0xcc: {  	(tm) =	ssettm $0x7FFFFFFF  }
0xcd: {  	_ =	shalt  }
tec
execute0_lowered:
.L_overlay_start_1:
0x0: {  	(tag) =	ssettag $0x1  }
0x1: {  	s0 =	rddreg [dreg:$0x0]  }
0x2: {  	s1 =	rddreg [dreg:$0x1];
	s2 =	srdreg.scid  }
0x3: {  	s3 =	stileid.u32;
	s5 =	rddreg [dreg:$0x6];
	s6 =	simm.s32 $0x0  }
0x4: {  	s12 =	simm.s32 $0x2;
	s13 =	simm.s32 $0x80;
	s25 =	simm.s32 $0x1  }
0x5: {  	s26 =	simm.s32 $0x1B450;
	s28 =	simm.s32 $0x1B550;
	s2 =	sand.u32 $0x1, s2  }
0x6: {  	s29 =	simm.s32 $0x1B580;
	s3 =	sshll.u32 s3, $0xA;
	s4 =	sshll.u32 s2, $0x9  }
0x7: {  	s31 =	simm.s32 $0x0;
	[smem:$0x7FF] =	sst s6;
	s3 =	sor.u32 s4, s3  }
0x8: {  	v0 =	vlaneseq.u32;
	s7 =	sadd.s32 $0x187E00, s1;
	s2 =	ssub.s32 $0x2, s2;
	s4 =	smul.u32 $0x19, s3  }
0x9: {  	vm0 =	vmmov $0xff;
	v7 =	vimm.s32 $0x10;
	vm1 =	vmmov $0x3fff;
	_ =	strace $0x80000047;
	s30 =	sshrl.u32 s2, $0x1;
	s3 =	sshrl.u32 s3, $0x3  }
0xa: {  	v8 =	vimm.s32 $0x20;
	v10 =	vimm.s32 $0x21;
	v14 =	vimm.s32 $0x22;
	s8 =	sadd.s32 s0, s3;
	s4 =	sadd.s32 s4, s1;
	s1 =	ssub.s32 s2, s30  }
0xb: {  	v16 =	vimm.s32 $0x26;
	v13 =	vimm.s32 $0x23;
	v1 =	vmul.u32 $0x10, v0;
	s10 =	sadd.s32 s5, s3;
	s9 =	sadd.s32 $0x1400, s4;
	s11 =	smax.u32 s1, $0x1  }
.LBB2_1:
0xc: {  	[tilespmem:s6], [sflag:$0x2] =	stream.linear.gather [hbm4b:s8+s6], $0x200, $0x38;
	[tilespmem:$0x1B880] =	vst v63  }
0xd: {  	_ =	swait.ge [sflag:s12], $0x200  }
0xe: {  	[sflag:s12] =	ssyncset.done $0x0  }
0xf: {  	s0 =	simm.s32 $0x19200;
	[sflag:s12] =	ssyncadd.s32 $0xFFFFFE00  }
0x10: {  	[tilespmem:s0], [sflag:$0x1] =	stream.indirect.gather [hbm4b:s7+s13], $0x10, s6, s13, $0xb8;
	[tilespmem:$0x1B880] =	vst v63  }
0x11: {  	s5 =	simm.s32 $0x19A00  }
0x12: {  	[tilespmem:s5], [sflag:$0x1] =	stream.indirect.gather [hbm4b:s7+s13], $0x10, s13, s13, $0xb8;
	[tilespmem:$0x1B880] =	vst v63  }
0x13: {  	s14 =	simm.s32 $0x100;
	s1 =	simm.s32 $0x1A200  }
0x14: {  	[tilespmem:s1], [sflag:$0x1] =	stream.indirect.gather [hbm4b:s7+s13], $0x10, s14, s13, $0xb8;
	[tilespmem:$0x1B880] =	vst v63  }
0x15: {  	s15 =	simm.s32 $0x180;
	s16 =	simm.s32 $0x1AA00  }
0x16: {  	[tilespmem:s16], [sflag:$0x1] =	stream.indirect.gather [hbm4b:s7+s13], $0x10, s15, s13, $0xb8;
	[tilespmem:$0x1B880] =	vst v63  }
0x17: {  	s17 =	simm.s32 $0x200  }
0x18: {  	[tilespmem:s17], [sflag:$0x2] =	stream.linear.gather [hbm4b:s9+s6], $0x19000, $0x38;
	[tilespmem:$0x1B880] =	vst v63  }
0x19: {  	_ =	swait.ge [sflag:s12], $0x19000  }
0x1a: {  	[sflag:s12] =	ssyncset.done $0x0  }
0x1b: {  	[sflag:s12] =	ssyncadd.s32 $0xFFFE7000  }
0x1c: {  	s19 =	simm.s32 $0x1B200;
	s18 =	rddreg [dreg:$0x2]  }
0x1d: {  	[tilespmem:s19], [sflag:$0x2] =	stream.linear.gather [hbm4b:s18+s6], $0x200, $0x38;
	[tilespmem:$0x1B880] =	vst v63  }
0x1e: {  	_ =	swait.ge [sflag:s12], $0x200  }
0x1f: {  	[sflag:s12] =	ssyncset.done $0x0  }
0x20: {  	[sflag:s12] =	ssyncadd.s32 $0xFFFFFE00  }
0x21: {  	s21 =	simm.s32 $0x1B400;
	s20 =	rddreg [dreg:$0x3]  }
0x22: {  	[tilespmem:s21], [sflag:$0x2] =	stream.linear.gather [hbm4b:s20+s6], $0x28, $0x38;
	[tilespmem:$0x1B880] =	vst v63  }
0x23: {  	_ =	swait.ge [sflag:s12], $0x28  }
0x24: {  	[sflag:s12] =	ssyncset.done $0x0  }
0x25: {  	[sflag:s12] =	ssyncadd.s32 $0xFFFFFFD8  }
0x26: {  	s23 =	simm.s32 $0x1B428;
	s22 =	rddreg [dreg:$0x4]  }
0x27: {  	[tilespmem:s23], [sflag:$0x2] =	stream.linear.gather [hbm4b:s22+s6], $0x20, $0x38;
	[tilespmem:$0x1B880] =	vst v63  }
0x28: {  	_ =	swait.ge [sflag:s12], $0x20  }
0x29: {  	[sflag:s12] =	ssyncset.done $0x0  }
0x2a: {  	[sflag:s12] =	ssyncadd.s32 $0xFFFFFFE0  }
0x2b: {  	s30 =	simm.s32 $0x1B448;
	s24 =	rddreg [dreg:$0x5]  }
0x2c: {  	[tilespmem:s30], [sflag:$0x2] =	stream.linear.gather [hbm4b:s24+s6], $0x8, $0x38;
	[tilespmem:$0x1B880] =	vst v63  }
0x2d: {  	_ =	swait.ge [sflag:s12], $0x8  }
0x2e: {  	[sflag:s12] =	ssyncset.done $0x0  }
0x2f: {  	[sflag:s12] =	ssyncadd.s32 $0xFFFFFFF8  }
0x30: {  	_ =	swait.ge [sflag:s25], $0x800  }
0x31: {  	[sflag:s25] =	ssyncset.done $0x0  }
0x32: {  	[sflag:s25] =	ssyncadd.s32 $0xFFFFF800  }
0x33: {  	_ =	swait.ge [sflag:s25], $0x800  }
0x34: {  	[sflag:s25] =	ssyncset.done $0x0  }
0x35: {  	[sflag:s25] =	ssyncadd.s32 $0xFFFFF800  }
0x36: {  	_ =	swait.ge [sflag:s25], $0x800  }
0x37: {  	[sflag:s25] =	ssyncset.done $0x0  }
0x38: {  	[sflag:s25] =	ssyncadd.s32 $0xFFFFF800  }
0x39: {  	_ =	swait.ge [sflag:s25], $0x800  }
0x3a: {  	[sflag:s25] =	ssyncset.done $0x0  }
0x3b: {  	[sflag:s25] =	ssyncadd.s32 $0xFFFFF800  }
0x3c: {  	v0 =	vld [tilespmem:$0x1B200]  }
0x3d: {  	v2 =	vld [tilespmem:$0x1B210]  }
0x3e: {  	v17 =	vld [tilespmem:$0x1B220]  }
0x3f: {  	v19 =	vld [tilespmem:$0x1B230]  }
0x40: {  	v21 =	vld [tilespmem:$0x1B240]  }
0x41: {  	v58 =	vld [tilespmem:$0x1B250]  }
0x42: {  	v23 =	vld [tilespmem:$0x1B260]  }
0x43: {  	v24 =	vld [tilespmem:$0x1B270]  }
0x44: {  	v61 =	vld [tilespmem:$0x1B280]  }
0x45: {  	v25 =	vld [tilespmem:$0x1B290]  }
0x46: {  	v3 =	vimm.s32 $0x1;
	v26 =	vld [tilespmem:$0x1B2A0];
	v18 =	vshrl.u32 v0, $0x10  }
0x47: {  	v31 =	vld [tilespmem:$0x1B2B0];
	v20 =	vshrl.u32 v2, $0x10;
	v22 =	vshrl.u32 v19, $0x10;
	v59 =	vshrl.u32 v21, $0x10  }
0x48: {  	v60 =	vshrl.u32 v58, $0x10;
	v62 =	vshrl.u32 v23, $0x10;
	v18 =	vand.u32 $0x1, v18  }
0x49: {  	v41 =	vld [tilespmem:$0x1B2C0];
	v28 =	vshrl.u32 v24, $0x10;
	v0 =	vadd.s32 v18, v0;
	v18 =	vand.u32 $0x1, v20  }
0x4a: {  	v43 =	vld [tilespmem:$0x1B2D0];
	v30 =	vshrl.u32 v61, $0x10;
	v2 =	vadd.s32 v18, v2;
	v18 =	vshrl.u32 v17, $0x10  }
0x4b: {  	v46 =	vld [tilespmem:$0x1B2E0];
	v40 =	vshrl.u32 v25, $0x10;
	v42 =	vshrl.u32 v26, $0x10;
	v18 =	vand.u32 $0x1, v18  }
0x4c: {  	v48 =	vld [tilespmem:$0x1B2F0];
	v45 =	vshrl.u32 v31, $0x10;
	v17 =	vadd.s32 v18, v17;
	v18 =	vand.u32 $0x1, v22  }
0x4d: {  	v22 =	vand.u32 $0x1, v59;
	v17 =	vadd.s32 $0x7FFF, v17;
	v19 =	vadd.s32 v18, v19  }
0x4e: {  	v18 =	vand.u32 $0xFFFF0000, v17;
	v17 =	vadd.s32 $0x7FFF, v19;
	v19 =	vadd.s32 v22, v21  }
0x4f: {  	v50 =	vld [tilespmem:$0x1B300];
	v47 =	vshrl.u32 v41, $0x10;
	v49 =	vshrl.u32 v43, $0x10;
	v19 =	vadd.s32 $0x7FFF, v19  }
0x50: {  	v57 =	vld [tilespmem:$0x1B330];
	v52 =	vshrl.u32 v46, $0x10;
	v32 =	vand.u32 $0xFFFF0000, v19;
	v19 =	vand.u32 $0x1, v60  }
0x51: {  	v54 =	vshrl.u32 v48, $0x10;
	v63 =	vand.u32 $0x1, v62;
	v19 =	vadd.s32 v19, v58  }
0x52: {  	v20 =	vadd.s32 v63, v23;
	v21 =	vand.u32 $0x1, v28;
	v19 =	vadd.s32 $0x7FFF, v19  }
0x53: {  	v29 =	vadd.s32 v21, v24;
	v33 =	vand.u32 $0xFFFF0000, v19;
	v19 =	vadd.s32 $0x7FFF, v20  }
0x54: {  	v56 =	vshrl.u32 v50, $0x10;
	v34 =	vand.u32 $0xFFFF0000, v19;
	v19 =	vadd.s32 $0x7FFF, v29  }
0x55: {  	v63 =	vshrl.u32 v57, $0x10;
	v35 =	vand.u32 $0xFFFF0000, v19;
	v19 =	vand.u32 $0x1, v30  }
0x56: {  	v0 =	vadd.s32 $0x7FFF, v0;
	v20 =	vand.u32 $0x1, v40;
	v19 =	vadd.s32 v19, v61  }
0x57: {  	v22 =	vand.u32 $0x1, v42;
	v20 =	vadd.s32 v20, v25;
	v19 =	vadd.s32 $0x7FFF, v19  }
0x58: {  	v44 =	vadd.s32 v22, v26;
	v36 =	vand.u32 $0xFFFF0000, v19;
	v19 =	vadd.s32 $0x7FFF, v20  }
0x59: {  	v53 =	vld [tilespmem:$0x1B310];
	v0 =	vand.u32 $0xFFFF0000, v0;
	v37 =	vand.u32 $0xFFFF0000, v19;
	v19 =	vadd.s32 $0x7FFF, v44  }
0x5a: {  	v2 =	vadd.s32 $0x7FFF, v2;
	v38 =	vand.u32 $0xFFFF0000, v19;
	v19 =	vand.u32 $0x1, v45  }
0x5b: {  	v2 =	vand.u32 $0xFFFF0000, v2;
	v20 =	vand.u32 $0x1, v47;
	v19 =	vadd.s32 v19, v31  }
0x5c: {  	v21 =	vand.u32 $0x1, v49;
	v20 =	vadd.s32 v20, v41;
	v19 =	vadd.s32 $0x7FFF, v19  }
0x5d: {  	v51 =	vadd.s32 v21, v43;
	v39 =	vand.u32 $0xFFFF0000, v19;
	v19 =	vadd.s32 $0x7FFF, v20  }
0x5e: {  	v59 =	vshrl.u32 v53, $0x10;
	v40 =	vand.u32 $0xFFFF0000, v19;
	v19 =	vadd.s32 $0x7FFF, v51  }
0x5f: {  	v55 =	vld [tilespmem:$0x1B320];
	v17 =	vand.u32 $0xFFFF0000, v17;
	v41 =	vand.u32 $0xFFFF0000, v19;
	v19 =	vand.u32 $0x1, v52  }
0x60: {  	v22 =	vand.u32 $0x1, v56;
	v60 =	vld [tilespmem:$0x1B340];
	v20 =	vand.u32 $0x1, v54;
	v19 =	vadd.s32 v19, v46  }
0x61: {  	v28 =	vld [tilespmem:$0x1B360];
	v21 =	vand.u32 $0x1, v63;
	v20 =	vadd.s32 v20, v48;
	v19 =	vadd.s32 $0x7FFF, v19  }
0x62: {  	v58 =	vadd.s32 v22, v50;
	v42 =	vand.u32 $0xFFFF0000, v19;
	v19 =	vadd.s32 $0x7FFF, v20  }
0x63: {  	v62 =	vld [tilespmem:$0x1B350];
	v29 =	vadd.s32 v21, v57;
	v43 =	vand.u32 $0xFFFF0000, v19;
	v19 =	vadd.s32 $0x7FFF, v58  }
0x64: {  	v61 =	vshrl.u32 v55, $0x10;
	v44 =	vand.u32 $0xFFFF0000, v19;
	v19 =	vand.u32 $0x1, v59  }
0x65: {  	v30 =	vshrl.u32 v60, $0x10;
	v31 =	vld [tilespmem:$0x1B370];
	v20 =	vand.u32 $0x1, v61;
	v19 =	vadd.s32 v19, v53  }
0x66: {  	v54 =	vshrl.u32 v28, $0x10;
	v20 =	vadd.s32 v20, v55;
	v55 =	vld [tilespmem:$0x1B390];
	v19 =	vadd.s32 $0x7FFF, v19  }
0x67: {  	v22 =	vand.u32 $0x1, v54;
	v45 =	vand.u32 $0xFFFF0000, v19;
	v19 =	vadd.s32 $0x7FFF, v20  }
0x68: {  	v52 =	vshrl.u32 v62, $0x10;
	v53 =	vld [tilespmem:$0x1B380];
	v46 =	vand.u32 $0xFFFF0000, v19;
	v19 =	vadd.s32 $0x7FFF, v29  }
0x69: {  	v56 =	vadd.s32 v22, v28;
	v47 =	vand.u32 $0xFFFF0000, v19;
	v19 =	vand.u32 $0x1, v30  }
0x6a: {  	v63 =	vld [tilespmem:$0x1B3D0];
	v57 =	vshrl.u32 v31, $0x10;
	v20 =	vand.u32 $0x1, v52;
	v19 =	vadd.s32 v19, v60  }
0x6b: {  	v20 =	vadd.s32 v20, v62;
	v61 =	vshrl.u32 v55, $0x10;
	v19 =	vadd.s32 $0x7FFF, v19  }
0x6c: {  	v21 =	vand.u32 $0x1, v61;
	v48 =	vand.u32 $0xFFFF0000, v19;
	v19 =	vadd.s32 $0x7FFF, v20  }
0x6d: {  	v58 =	vld [tilespmem:$0x1B3A0];
	v59 =	vshrl.u32 v53, $0x10;
	v49 =	vand.u32 $0xFFFF0000, v19;
	v19 =	vadd.s32 $0x7FFF, v56  }
0x6e: {  	v60 =	vld [tilespmem:$0x1B3B0];
	v29 =	vadd.s32 v21, v55;
	v50 =	vand.u32 $0xFFFF0000, v19;
	v19 =	vand.u32 $0x1, v57  }
0x6f: {  	v62 =	vld [tilespmem:$0x1B3C0];
	v20 =	vand.u32 $0x1, v59;
	v59 =	vshrl.u32 v63, $0x10;
	v19 =	vadd.s32 v19, v31  }
0x70: {  	v30 =	vld [tilespmem:$0x1B3E0];
	v20 =	vadd.s32 v20, v53;
	v25 =	vand.u32 $0x1, v59;
	v19 =	vadd.s32 $0x7FFF, v19  }
0x71: {  	v27 =	vld [tilespmem:$0x1B408];
	v23 =	vadd.s32 v25, v63;
	v51 =	vand.u32 $0xFFFF0000, v19;
	v19 =	vadd.s32 $0x7FFF, v20  }
0x72: {  	v57 =	vld [tilespmem:$0x1B3F0];
	v31 =	vshrl.u32 v58, $0x10;
	v52 =	vand.u32 $0xFFFF0000, v19;
	v19 =	vadd.s32 $0x7FFF, v29  }
0x73: {  	v56 =	vshrl.u32 v60, $0x10;
	v53 =	vand.u32 $0xFFFF0000, v19;
	v19 =	vand.u32 $0x1, v31  }
0x74: {  	v20 =	vand.u32 $0x1, v56;
	v19 =	vadd.s32 v19, v58;
	v58 =	vshrl.u32 v62, $0x10  }
0x75: {  	v20 =	vadd.s32 v20, v60;
	v60 =	vshrl.u32 v30, $0x10;
	v22 =	vand.u32 $0x1, v58  }
0x76: {  	v29 =	vshrl.u32 v27, $0x10;
	v61 =	vand.u32 $0x1, v60;
	v22 =	vadd.s32 v22, v62;
	v62 =	vld [tilespmem:$0x1B418]  }
0x77: {  	v20 =	vadd.s32 $0x7FFF, v20;
	v63 =	vshrl.u32 v57, $0x10;
	v21 =	vadd.s32 v61, v30  }
0x78: {  	v55 =	vand.u32 $0xFFFF0000, v20;
	v30 =	vadd.s32 $0x7FFF, v23;
	v19 =	vadd.s32 $0x7FFF, v19  }
0x79: {  	v61 =	vadd.f32 v18, v0;
	v21 =	vadd.s32 $0x7FFF, v21;
	v54 =	vand.u32 $0xFFFF0000, v19  }
0x7a: {  	v3 =	vld.idx.msk [tilespmem:v3+s30+$0x0], $0xffff;
	v19 =	vand.u32 $0x1, v63;
	v58 =	vand.u32 $0xFFFF0000, v21;
	v28 =	vadd.s32 $0x7FFF, v22  }
0x7b: {  	v19 =	vadd.s32 v19, v57;
	v22 =	vand.u32 $0x1, v29;
	v63 =	vshrl.u32 v62, $0x10  }
0x7c: {  	v31 =	vadd.s32 v22, v27;
	v19 =	vadd.s32 $0x7FFF, v19;
	v22 =	vand.u32 $0x1, v63  }
0x7d: {  	v57 =	vand.u32 $0xFFFF0000, v30;
	v59 =	vand.u32 $0xFFFF0000, v19;
	v19 =	vadd.s32 v22, v62  }
0x7e: {  	v60 =	vld [tilespmem:$0x1B428];
	v56 =	vand.u32 $0xFFFF0000, v28;
	v0 =	vadd.s32 $0x7FFF, v31;
	v18 =	vadd.s32 $0x7FFF, v19  }
0x7f: {  	s4 =	simm.s32 $0x0;
	[tilespmem:$0x1FFF0] =	vst v3;
	v0 =	vand.u32 $0xFFFF0000, v0;
	v63 =	vadd.f32 v17, v2;
	v62 =	vld [tilespmem:$0x1B438];
	v2 =	vand.u32 $0xFFFF0000, v18  }
.LBB2_2:
0x80: {  	s0 =	smul.u32 $0x3200, s4;
	_ =	sdelay $0x1  }
0x81: {  	s0 =	sshra.s32 s0, $0x2  }
0x82: {  	v17 =	vld [tilespmem:s0+$0x200];
	_ =	sdelay $0x1  }
0x83: {  	v18 =	vld [tilespmem:s0+$0x210];
	_ =	sdelay $0x1  }
0x84: {  	v19 =	vld [tilespmem:s0+$0x220]  }
0x85: {  	v17 =	vadd.f32 $0.0e+00, v17  }
0x86: {  	v20 =	vld [tilespmem:s0+$0x230]  }
0x87: {  	v17 =	vadd.f32 v18, v17  }
0x88: {  	v18 =	vld [tilespmem:s0+$0x240]  }
0x89: {  	v17 =	vadd.f32 v19, v17  }
0x8a: {  	v19 =	vld [tilespmem:s0+$0x250]  }
0x8b: {  	v17 =	vadd.f32 v20, v17  }
0x8c: {  	v25 =	vld [tilespmem:s0+$0x260]  }
0x8d: {  	v17 =	vadd.f32 v18, v17  }
0x8e: {  	v18 =	vld [tilespmem:s0+$0x270]  }
0x8f: {  	v17 =	vadd.f32 v19, v17  }
0x90: {  	v19 =	vld [tilespmem:s0+$0x280]  }
0x91: {  	v17 =	vadd.f32 v25, v17  }
0x92: {  	v26 =	vld [tilespmem:s0+$0x290]  }
0x93: {  	v17 =	vadd.f32 v18, v17  }
0x94: {  	v18 =	vld [tilespmem:s0+$0x2A0]  }
0x95: {  	v17 =	vadd.f32 v19, v17  }
0x96: {  	v19 =	vld [tilespmem:s0+$0x2B0]  }
0x97: {  	v27 =	vld [tilespmem:s0+$0x2B8];
	v17 =	vadd.f32 v26, v17;
	_ =	sdelay $0x1  }
0x98: {  	v17 =	vadd.f32 v18, v17;
	_ =	sdelay $0x1  }
0x99: {  	s0 =	sshll.u32 s4, $0x4;
	v17 =	vadd.f32 v19, v17  }
0x9a: {  	s30 =	sor.u32 $0x1, s0;
	v18 =	vsel vm0, $0x0, v27  }
0x9b: {  	s1 =	smul.u32 $0x320, s30;
	v17 =	vadd.f32 v18, v17;
	_ =	sdelay $0x1  }
0x9c: {  	s1 =	sshra.s32 s1, $0x2;
	[tilespmem:$0x1B450] =	vst v17  }
0x9d: {  	v17 =	vld [tilespmem:s1+$0x200];
	_ =	sdelay $0x1  }
0x9e: {  	v18 =	vld [tilespmem:s1+$0x210];
	_ =	sdelay $0x1  }
0x9f: {  	v19 =	vld [tilespmem:s1+$0x220]  }
0xa0: {  	v17 =	vadd.f32 $0.0e+00, v17  }
0xa1: {  	v28 =	vld [tilespmem:s1+$0x230]  }
0xa2: {  	v17 =	vadd.f32 v18, v17  }
0xa3: {  	v18 =	vld [tilespmem:s1+$0x240]  }
0xa4: {  	v17 =	vadd.f32 v19, v17  }
0xa5: {  	v19 =	vld [tilespmem:s1+$0x250]  }
0xa6: {  	v17 =	vadd.f32 v28, v17  }
0xa7: {  	v29 =	vld [tilespmem:s1+$0x260]  }
0xa8: {  	v17 =	vadd.f32 v18, v17  }
0xa9: {  	v18 =	vld [tilespmem:s1+$0x270]  }
0xaa: {  	v17 =	vadd.f32 v19, v17  }
0xab: {  	v19 =	vld [tilespmem:s1+$0x280]  }
0xac: {  	v17 =	vadd.f32 v29, v17  }
0xad: {  	v30 =	vld [tilespmem:s1+$0x290]  }
0xae: {  	v17 =	vadd.f32 v18, v17  }
0xaf: {  	v18 =	vld [tilespmem:s1+$0x2A0]  }
0xb0: {  	v17 =	vadd.f32 v19, v17  }
0xb1: {  	v19 =	vld [tilespmem:s1+$0x2B0]  }
0xb2: {  	v31 =	vld [tilespmem:s1+$0x2B8];
	v17 =	vadd.f32 v30, v17;
	_ =	sdelay $0x1  }
0xb3: {  	v17 =	vadd.f32 v18, v17;
	_ =	sdelay $0x1  }
0xb4: {  	v17 =	vadd.f32 v19, v17  }
0xb5: {  	s23 =	sor.u32 $0x2, s0;
	v18 =	vsel vm0, $0x0, v31  }
0xb6: {  	s3 =	smul.u32 $0x320, s23;
	v17 =	vadd.f32 v18, v17;
	_ =	sdelay $0x1  }
0xb7: {  	s1 =	sshra.s32 s3, $0x2;
	[tilespmem:$0x1B460] =	vst v17  }
0xb8: {  	v17 =	vld [tilespmem:s1+$0x200];
	_ =	sdelay $0x1  }
0xb9: {  	v18 =	vld [tilespmem:s1+$0x210];
	_ =	sdelay $0x1  }
0xba: {  	v19 =	vld [tilespmem:s1+$0x220]  }
0xbb: {  	v17 =	vadd.f32 $0.0e+00, v17  }
0xbc: {  	v24 =	vld [tilespmem:s1+$0x230]  }
0xbd: {  	v17 =	vadd.f32 v18, v17  }
0xbe: {  	v18 =	vld [tilespmem:s1+$0x240]  }
0xbf: {  	v17 =	vadd.f32 v19, v17  }
0xc0: {  	v19 =	vld [tilespmem:s1+$0x250]  }
0xc1: {  	v17 =	vadd.f32 v24, v17  }
0xc2: {  	v25 =	vld [tilespmem:s1+$0x260]  }
0xc3: {  	v17 =	vadd.f32 v18, v17  }
0xc4: {  	v18 =	vld [tilespmem:s1+$0x270]  }
0xc5: {  	v17 =	vadd.f32 v19, v17  }
0xc6: {  	v19 =	vld [tilespmem:s1+$0x280]  }
0xc7: {  	v17 =	vadd.f32 v25, v17  }
0xc8: {  	v26 =	vld [tilespmem:s1+$0x290]  }
0xc9: {  	v17 =	vadd.f32 v18, v17  }
0xca: {  	v18 =	vld [tilespmem:s1+$0x2A0]  }
0xcb: {  	v17 =	vadd.f32 v19, v17  }
0xcc: {  	v19 =	vld [tilespmem:s1+$0x2B0]  }
0xcd: {  	v27 =	vld [tilespmem:s1+$0x2B8];
	v17 =	vadd.f32 v26, v17;
	_ =	sdelay $0x1  }
0xce: {  	v17 =	vadd.f32 v18, v17;
	_ =	sdelay $0x1  }
0xcf: {  	v17 =	vadd.f32 v19, v17  }
0xd0: {  	s22 =	sor.u32 $0x3, s0;
	v18 =	vsel vm0, $0x0, v27  }
0xd1: {  	s5 =	smul.u32 $0x320, s22;
	v17 =	vadd.f32 v18, v17;
	_ =	sdelay $0x1  }
0xd2: {  	s1 =	sshra.s32 s5, $0x2;
	[tilespmem:$0x1B470] =	vst v17  }
0xd3: {  	v17 =	vld [tilespmem:s1+$0x200];
	_ =	sdelay $0x1  }
0xd4: {  	v18 =	vld [tilespmem:s1+$0x210];
	_ =	sdelay $0x1  }
0xd5: {  	v19 =	vld [tilespmem:s1+$0x220]  }
0xd6: {  	v17 =	vadd.f32 $0.0e+00, v17  }
0xd7: {  	v28 =	vld [tilespmem:s1+$0x230]  }
0xd8: {  	v17 =	vadd.f32 v18, v17  }
0xd9: {  	v18 =	vld [tilespmem:s1+$0x240]  }
0xda: {  	v17 =	vadd.f32 v19, v17  }
0xdb: {  	v19 =	vld [tilespmem:s1+$0x250]  }
0xdc: {  	v17 =	vadd.f32 v28, v17  }
0xdd: {  	v29 =	vld [tilespmem:s1+$0x260]  }
0xde: {  	v17 =	vadd.f32 v18, v17  }
0xdf: {  	v18 =	vld [tilespmem:s1+$0x270]  }
0xe0: {  	v17 =	vadd.f32 v19, v17  }
0xe1: {  	v19 =	vld [tilespmem:s1+$0x280]  }
0xe2: {  	v17 =	vadd.f32 v29, v17  }
0xe3: {  	v30 =	vld [tilespmem:s1+$0x290]  }
0xe4: {  	v17 =	vadd.f32 v18, v17  }
0xe5: {  	v18 =	vld [tilespmem:s1+$0x2A0]  }
0xe6: {  	v17 =	vadd.f32 v19, v17  }
0xe7: {  	v19 =	vld [tilespmem:s1+$0x2B0]  }
0xe8: {  	v31 =	vld [tilespmem:s1+$0x2B8];
	v17 =	vadd.f32 v30, v17;
	_ =	sdelay $0x1  }
0xe9: {  	v17 =	vadd.f32 v18, v17;
	_ =	sdelay $0x1  }
0xea: {  	v17 =	vadd.f32 v19, v17  }
0xeb: {  	s21 =	sor.u32 $0x4, s0;
	v18 =	vsel vm0, $0x0, v31  }
0xec: {  	s14 =	smul.u32 $0x320, s21;
	v17 =	vadd.f32 v18, v17;
	_ =	sdelay $0x1  }
0xed: {  	s1 =	sshra.s32 s14, $0x2;
	[tilespmem:$0x1B480] =	vst v17  }
0xee: {  	v17 =	vld [tilespmem:s1+$0x200];
	_ =	sdelay $0x1  }
0xef: {  	v18 =	vld [tilespmem:s1+$0x210];
	_ =	sdelay $0x1  }
0xf0: {  	v19 =	vld [tilespmem:s1+$0x220]  }
0xf1: {  	v17 =	vadd.f32 $0.0e+00, v17  }
0xf2: {  	v24 =	vld [tilespmem:s1+$0x230]  }
0xf3: {  	v17 =	vadd.f32 v18, v17  }
0xf4: {  	v18 =	vld [tilespmem:s1+$0x240]  }
0xf5: {  	v17 =	vadd.f32 v19, v17  }
0xf6: {  	v19 =	vld [tilespmem:s1+$0x250]  }
0xf7: {  	v17 =	vadd.f32 v24, v17  }
0xf8: {  	v25 =	vld [tilespmem:s1+$0x260]  }
0xf9: {  	v17 =	vadd.f32 v18, v17  }
0xfa: {  	v18 =	vld [tilespmem:s1+$0x270]  }
0xfb: {  	v17 =	vadd.f32 v19, v17  }
0xfc: {  	v19 =	vld [tilespmem:s1+$0x280]  }
0xfd: {  	v17 =	vadd.f32 v25, v17  }
0xfe: {  	v26 =	vld [tilespmem:s1+$0x290]  }
0xff: {  	v17 =	vadd.f32 v18, v17  }
0x100: {  	v18 =	vld [tilespmem:s1+$0x2A0]  }
0x101: {  	v17 =	vadd.f32 v19, v17  }
0x102: {  	v19 =	vld [tilespmem:s1+$0x2B0]  }
0x103: {  	v27 =	vld [tilespmem:s1+$0x2B8];
	v17 =	vadd.f32 v26, v17;
	_ =	sdelay $0x1  }
0x104: {  	v17 =	vadd.f32 v18, v17;
	_ =	sdelay $0x1  }
0x105: {  	v17 =	vadd.f32 v19, v17  }
0x106: {  	s20 =	sor.u32 $0x5, s0;
	v18 =	vsel vm0, $0x0, v27  }
0x107: {  	s15 =	smul.u32 $0x320, s20;
	v17 =	vadd.f32 v18, v17;
	_ =	sdelay $0x1  }
0x108: {  	s1 =	sshra.s32 s15, $0x2;
	[tilespmem:$0x1B490] =	vst v17  }
0x109: {  	v17 =	vld [tilespmem:s1+$0x200];
	_ =	sdelay $0x1  }
0x10a: {  	v18 =	vld [tilespmem:s1+$0x210];
	_ =	sdelay $0x1  }
0x10b: {  	v19 =	vld [tilespmem:s1+$0x220]  }
0x10c: {  	v17 =	vadd.f32 $0.0e+00, v17  }
0x10d: {  	v28 =	vld [tilespmem:s1+$0x230]  }
0x10e: {  	v17 =	vadd.f32 v18, v17  }
0x10f: {  	v18 =	vld [tilespmem:s1+$0x240]  }
0x110: {  	v17 =	vadd.f32 v19, v17  }
0x111: {  	v19 =	vld [tilespmem:s1+$0x250]  }
0x112: {  	v17 =	vadd.f32 v28, v17  }
0x113: {  	v29 =	vld [tilespmem:s1+$0x260]  }
0x114: {  	v17 =	vadd.f32 v18, v17  }
0x115: {  	v18 =	vld [tilespmem:s1+$0x270]  }
0x116: {  	v17 =	vadd.f32 v19, v17  }
0x117: {  	v19 =	vld [tilespmem:s1+$0x280]  }
0x118: {  	v17 =	vadd.f32 v29, v17  }
0x119: {  	v30 =	vld [tilespmem:s1+$0x290]  }
0x11a: {  	v17 =	vadd.f32 v18, v17  }
0x11b: {  	v18 =	vld [tilespmem:s1+$0x2A0]  }
0x11c: {  	v17 =	vadd.f32 v19, v17  }
0x11d: {  	v19 =	vld [tilespmem:s1+$0x2B0]  }
0x11e: {  	v31 =	vld [tilespmem:s1+$0x2B8];
	v17 =	vadd.f32 v30, v17;
	_ =	sdelay $0x1  }
0x11f: {  	v17 =	vadd.f32 v18, v17;
	_ =	sdelay $0x1  }
0x120: {  	v17 =	vadd.f32 v19, v17  }
0x121: {  	s19 =	sor.u32 $0x6, s0;
	v18 =	vsel vm0, $0x0, v31  }
0x122: {  	s16 =	smul.u32 $0x320, s19;
	v17 =	vadd.f32 v18, v17;
	_ =	sdelay $0x1  }
0x123: {  	s1 =	sshra.s32 s16, $0x2;
	[tilespmem:$0x1B4A0] =	vst v17  }
0x124: {  	v17 =	vld [tilespmem:s1+$0x200];
	_ =	sdelay $0x1  }
0x125: {  	v18 =	vld [tilespmem:s1+$0x210];
	_ =	sdelay $0x1  }
0x126: {  	v19 =	vld [tilespmem:s1+$0x220]  }
0x127: {  	v17 =	vadd.f32 $0.0e+00, v17  }
0x128: {  	v24 =	vld [tilespmem:s1+$0x230]  }
0x129: {  	v17 =	vadd.f32 v18, v17  }
0x12a: {  	v18 =	vld [tilespmem:s1+$0x240]  }
0x12b: {  	v17 =	vadd.f32 v19, v17  }
0x12c: {  	v19 =	vld [tilespmem:s1+$0x250]  }
0x12d: {  	v17 =	vadd.f32 v24, v17  }
0x12e: {  	v25 =	vld [tilespmem:s1+$0x260]  }
0x12f: {  	v17 =	vadd.f32 v18, v17  }
0x130: {  	v18 =	vld [tilespmem:s1+$0x270]  }
0x131: {  	v17 =	vadd.f32 v19, v17  }
0x132: {  	v19 =	vld [tilespmem:s1+$0x280]  }
0x133: {  	v17 =	vadd.f32 v25, v17  }
0x134: {  	v26 =	vld [tilespmem:s1+$0x290]  }
0x135: {  	v17 =	vadd.f32 v18, v17  }
0x136: {  	v18 =	vld [tilespmem:s1+$0x2A0]  }
0x137: {  	v17 =	vadd.f32 v19, v17  }
0x138: {  	v19 =	vld [tilespmem:s1+$0x2B0]  }
0x139: {  	v27 =	vld [tilespmem:s1+$0x2B8];
	v17 =	vadd.f32 v26, v17;
	_ =	sdelay $0x1  }
0x13a: {  	v17 =	vadd.f32 v18, v17;
	_ =	sdelay $0x1  }
0x13b: {  	v17 =	vadd.f32 v19, v17  }
0x13c: {  	s18 =	sor.u32 $0x7, s0;
	v18 =	vsel vm0, $0x0, v27  }
0x13d: {  	s17 =	smul.u32 $0x320, s18;
	v17 =	vadd.f32 v18, v17;
	_ =	sdelay $0x1  }
0x13e: {  	s1 =	sshra.s32 s17, $0x2;
	[tilespmem:$0x1B4B0] =	vst v17  }
0x13f: {  	v17 =	vld [tilespmem:s1+$0x200];
	_ =	sdelay $0x1  }
0x140: {  	v18 =	vld [tilespmem:s1+$0x210];
	_ =	sdelay $0x1  }
0x141: {  	v19 =	vld [tilespmem:s1+$0x220]  }
0x142: {  	v17 =	vadd.f32 $0.0e+00, v17  }
0x143: {  	v28 =	vld [tilespmem:s1+$0x230]  }
0x144: {  	v17 =	vadd.f32 v18, v17  }
0x145: {  	v18 =	vld [tilespmem:s1+$0x240]  }
0x146: {  	v17 =	vadd.f32 v19, v17  }
0x147: {  	v19 =	vld [tilespmem:s1+$0x250]  }
0x148: {  	v17 =	vadd.f32 v28, v17  }
0x149: {  	v29 =	vld [tilespmem:s1+$0x260]  }
0x14a: {  	v17 =	vadd.f32 v18, v17  }
0x14b: {  	v18 =	vld [tilespmem:s1+$0x270]  }
0x14c: {  	v17 =	vadd.f32 v19, v17  }
0x14d: {  	v19 =	vld [tilespmem:s1+$0x280]  }
0x14e: {  	v17 =	vadd.f32 v29, v17  }
0x14f: {  	v30 =	vld [tilespmem:s1+$0x290]  }
0x150: {  	v17 =	vadd.f32 v18, v17  }
0x151: {  	v18 =	vld [tilespmem:s1+$0x2A0]  }
0x152: {  	v17 =	vadd.f32 v19, v17  }
0x153: {  	v19 =	vld [tilespmem:s1+$0x2B0]  }
0x154: {  	v31 =	vld [tilespmem:s1+$0x2B8];
	v17 =	vadd.f32 v30, v17;
	_ =	sdelay $0x1  }
0x155: {  	v17 =	vadd.f32 v18, v17;
	_ =	sdelay $0x1  }
0x156: {  	v17 =	vadd.f32 v19, v17  }
0x157: {  	s17 =	sor.u32 $0x8, s0;
	v18 =	vsel vm0, $0x0, v31  }
0x158: {  	s24 =	smul.u32 $0x320, s17;
	v17 =	vadd.f32 v18, v17;
	_ =	sdelay $0x1  }
0x159: {  	s1 =	sshra.s32 s24, $0x2;
	[tilespmem:$0x1B4C0] =	vst v17  }
0x15a: {  	v17 =	vld [tilespmem:s1+$0x200];
	_ =	sdelay $0x1  }
0x15b: {  	v18 =	vld [tilespmem:s1+$0x210];
	_ =	sdelay $0x1  }
0x15c: {  	v19 =	vld [tilespmem:s1+$0x220]  }
0x15d: {  	v17 =	vadd.f32 $0.0e+00, v17  }
0x15e: {  	v24 =	vld [tilespmem:s1+$0x230]  }
0x15f: {  	v17 =	vadd.f32 v18, v17  }
0x160: {  	v18 =	vld [tilespmem:s1+$0x240]  }
0x161: {  	v17 =	vadd.f32 v19, v17  }
0x162: {  	v19 =	vld [tilespmem:s1+$0x250]  }
0x163: {  	v17 =	vadd.f32 v24, v17  }
0x164: {  	v25 =	vld [tilespmem:s1+$0x260]  }
0x165: {  	v17 =	vadd.f32 v18, v17  }
0x166: {  	v18 =	vld [tilespmem:s1+$0x270]  }
0x167: {  	v17 =	vadd.f32 v19, v17  }
0x168: {  	v19 =	vld [tilespmem:s1+$0x280]  }
0x169: {  	v17 =	vadd.f32 v25, v17  }
0x16a: {  	v26 =	vld [tilespmem:s1+$0x290]  }
0x16b: {  	v17 =	vadd.f32 v18, v17  }
0x16c: {  	v18 =	vld [tilespmem:s1+$0x2A0]  }
0x16d: {  	v17 =	vadd.f32 v19, v17  }
0x16e: {  	v19 =	vld [tilespmem:s1+$0x2B0]  }
0x16f: {  	v27 =	vld [tilespmem:s1+$0x2B8];
	v17 =	vadd.f32 v26, v17;
	_ =	sdelay $0x1  }
0x170: {  	v17 =	vadd.f32 v18, v17;
	_ =	sdelay $0x1  }
0x171: {  	v17 =	vadd.f32 v19, v17  }
0x172: {  	s16 =	sor.u32 $0x9, s0;
	v18 =	vsel vm0, $0x0, v27  }
0x173: {  	s2 =	smul.u32 $0x320, s16;
	v17 =	vadd.f32 v18, v17;
	_ =	sdelay $0x1  }
0x174: {  	s1 =	sshra.s32 s2, $0x2;
	[tilespmem:$0x1B4D0] =	vst v17  }
0x175: {  	v17 =	vld [tilespmem:s1+$0x200];
	_ =	sdelay $0x1  }
0x176: {  	v18 =	vld [tilespmem:s1+$0x210];
	_ =	sdelay $0x1  }
0x177: {  	v19 =	vld [tilespmem:s1+$0x220]  }
0x178: {  	v17 =	vadd.f32 $0.0e+00, v17  }
0x179: {  	v28 =	vld [tilespmem:s1+$0x230]  }
0x17a: {  	v17 =	vadd.f32 v18, v17  }
0x17b: {  	v18 =	vld [tilespmem:s1+$0x240]  }
0x17c: {  	v17 =	vadd.f32 v19, v17  }
0x17d: {  	v19 =	vld [tilespmem:s1+$0x250]  }
0x17e: {  	v17 =	vadd.f32 v28, v17  }
0x17f: {  	v29 =	vld [tilespmem:s1+$0x260]  }
0x180: {  	v17 =	vadd.f32 v18, v17  }
0x181: {  	v18 =	vld [tilespmem:s1+$0x270]  }
0x182: {  	v17 =	vadd.f32 v19, v17  }
0x183: {  	v19 =	vld [tilespmem:s1+$0x280]  }
0x184: {  	v17 =	vadd.f32 v29, v17  }
0x185: {  	v30 =	vld [tilespmem:s1+$0x290]  }
0x186: {  	v17 =	vadd.f32 v18, v17  }
0x187: {  	v18 =	vld [tilespmem:s1+$0x2A0]  }
0x188: {  	v17 =	vadd.f32 v19, v17  }
0x189: {  	v19 =	vld [tilespmem:s1+$0x2B0]  }
0x18a: {  	v31 =	vld [tilespmem:s1+$0x2B8];
	v17 =	vadd.f32 v30, v17;
	_ =	sdelay $0x1  }
0x18b: {  	v17 =	vadd.f32 v18, v17;
	_ =	sdelay $0x1  }
0x18c: {  	v17 =	vadd.f32 v19, v17  }
0x18d: {  	s15 =	sor.u32 $0xA, s0;
	v18 =	vsel vm0, $0x0, v31  }
0x18e: {  	s3 =	smul.u32 $0x320, s15;
	v17 =	vadd.f32 v18, v17;
	_ =	sdelay $0x1  }
0x18f: {  	s1 =	sshra.s32 s3, $0x2;
	[tilespmem:$0x1B4E0] =	vst v17  }
0x190: {  	v17 =	vld [tilespmem:s1+$0x200];
	_ =	sdelay $0x1  }
0x191: {  	v18 =	vld [tilespmem:s1+$0x210];
	_ =	sdelay $0x1  }
0x192: {  	v19 =	vld [tilespmem:s1+$0x220]  }
0x193: {  	v17 =	vadd.f32 $0.0e+00, v17  }
0x194: {  	v24 =	vld [tilespmem:s1+$0x230]  }
0x195: {  	v17 =	vadd.f32 v18, v17  }
0x196: {  	v18 =	vld [tilespmem:s1+$0x240]  }
0x197: {  	v17 =	vadd.f32 v19, v17  }
0x198: {  	v19 =	vld [tilespmem:s1+$0x250]  }
0x199: {  	v17 =	vadd.f32 v24, v17  }
0x19a: {  	v25 =	vld [tilespmem:s1+$0x260]  }
0x19b: {  	v17 =	vadd.f32 v18, v17  }
0x19c: {  	v18 =	vld [tilespmem:s1+$0x270]  }
0x19d: {  	v17 =	vadd.f32 v19, v17  }
0x19e: {  	v19 =	vld [tilespmem:s1+$0x280]  }
0x19f: {  	v17 =	vadd.f32 v25, v17  }
0x1a0: {  	v26 =	vld [tilespmem:s1+$0x290]  }
0x1a1: {  	v17 =	vadd.f32 v18, v17  }
0x1a2: {  	v18 =	vld [tilespmem:s1+$0x2A0]  }
0x1a3: {  	v17 =	vadd.f32 v19, v17  }
0x1a4: {  	v19 =	vld [tilespmem:s1+$0x2B0]  }
0x1a5: {  	v27 =	vld [tilespmem:s1+$0x2B8];
	v17 =	vadd.f32 v26, v17;
	_ =	sdelay $0x1  }
0x1a6: {  	v17 =	vadd.f32 v18, v17;
	_ =	sdelay $0x1  }
0x1a7: {  	v17 =	vadd.f32 v19, v17  }
0x1a8: {  	s14 =	sor.u32 $0xB, s0;
	v18 =	vsel vm0, $0x0, v27  }
0x1a9: {  	s5 =	smul.u32 $0x320, s14;
	v17 =	vadd.f32 v18, v17;
	_ =	sdelay $0x1  }
0x1aa: {  	s1 =	sshra.s32 s5, $0x2;
	[tilespmem:$0x1B4F0] =	vst v17  }
0x1ab: {  	v17 =	vld [tilespmem:s1+$0x200];
	_ =	sdelay $0x1  }
0x1ac: {  	v18 =	vld [tilespmem:s1+$0x210];
	_ =	sdelay $0x1  }
0x1ad: {  	v19 =	vld [tilespmem:s1+$0x220]  }
0x1ae: {  	v17 =	vadd.f32 $0.0e+00, v17  }
0x1af: {  	v28 =	vld [tilespmem:s1+$0x230]  }
0x1b0: {  	v17 =	vadd.f32 v18, v17  }
0x1b1: {  	v18 =	vld [tilespmem:s1+$0x240]  }
0x1b2: {  	v17 =	vadd.f32 v19, v17  }
0x1b3: {  	v19 =	vld [tilespmem:s1+$0x250]  }
0x1b4: {  	v17 =	vadd.f32 v28, v17  }
0x1b5: {  	v29 =	vld [tilespmem:s1+$0x260]  }
0x1b6: {  	v17 =	vadd.f32 v18, v17  }
0x1b7: {  	v18 =	vld [tilespmem:s1+$0x270]  }
0x1b8: {  	v17 =	vadd.f32 v19, v17  }
0x1b9: {  	v19 =	vld [tilespmem:s1+$0x280]  }
0x1ba: {  	v17 =	vadd.f32 v29, v17  }
0x1bb: {  	v30 =	vld [tilespmem:s1+$0x290]  }
0x1bc: {  	v17 =	vadd.f32 v18, v17  }
0x1bd: {  	v18 =	vld [tilespmem:s1+$0x2A0]  }
0x1be: {  	v17 =	vadd.f32 v19, v17  }
0x1bf: {  	v19 =	vld [tilespmem:s1+$0x2B0]  }
0x1c0: {  	v31 =	vld [tilespmem:s1+$0x2B8];
	v17 =	vadd.f32 v30, v17;
	_ =	sdelay $0x1  }
0x1c1: {  	v17 =	vadd.f32 v18, v17;
	_ =	sdelay $0x1  }
0x1c2: {  	v17 =	vadd.f32 v19, v17  }
0x1c3: {  	s5 =	sor.u32 $0xC, s0;
	v18 =	vsel vm0, $0x0, v31  }
0x1c4: {  	s24 =	smul.u32 $0x320, s5;
	v17 =	vadd.f32 v18, v17;
	_ =	sdelay $0x1  }
0x1c5: {  	s1 =	sshra.s32 s24, $0x2;
	[tilespmem:$0x1B500] =	vst v17  }
0x1c6: {  	v17 =	vld [tilespmem:s1+$0x200];
	_ =	sdelay $0x1  }
0x1c7: {  	v18 =	vld [tilespmem:s1+$0x210];
	_ =	sdelay $0x1  }
0x1c8: {  	v19 =	vld [tilespmem:s1+$0x220]  }
0x1c9: {  	v17 =	vadd.f32 $0.0e+00, v17  }
0x1ca: {  	v24 =	vld [tilespmem:s1+$0x230]  }
0x1cb: {  	v17 =	vadd.f32 v18, v17  }
0x1cc: {  	v18 =	vld [tilespmem:s1+$0x240]  }
0x1cd: {  	v17 =	vadd.f32 v19, v17  }
0x1ce: {  	v19 =	vld [tilespmem:s1+$0x250]  }
0x1cf: {  	v17 =	vadd.f32 v24, v17  }
0x1d0: {  	v25 =	vld [tilespmem:s1+$0x260]  }
0x1d1: {  	v17 =	vadd.f32 v18, v17  }
0x1d2: {  	v18 =	vld [tilespmem:s1+$0x270]  }
0x1d3: {  	v17 =	vadd.f32 v19, v17  }
0x1d4: {  	v19 =	vld [tilespmem:s1+$0x280]  }
0x1d5: {  	v17 =	vadd.f32 v25, v17  }
0x1d6: {  	v26 =	vld [tilespmem:s1+$0x290]  }
0x1d7: {  	v17 =	vadd.f32 v18, v17  }
0x1d8: {  	v18 =	vld [tilespmem:s1+$0x2A0]  }
0x1d9: {  	v17 =	vadd.f32 v19, v17  }
0x1da: {  	v19 =	vld [tilespmem:s1+$0x2B0]  }
0x1db: {  	v27 =	vld [tilespmem:s1+$0x2B8];
	v17 =	vadd.f32 v26, v17;
	_ =	sdelay $0x1  }
0x1dc: {  	v17 =	vadd.f32 v18, v17;
	_ =	sdelay $0x1  }
0x1dd: {  	v17 =	vadd.f32 v19, v17  }
0x1de: {  	s3 =	sor.u32 $0xD, s0;
	v18 =	vsel vm0, $0x0, v27  }
0x1df: {  	s2 =	smul.u32 $0x320, s3;
	v17 =	vadd.f32 v18, v17;
	_ =	sdelay $0x1  }
0x1e0: {  	s1 =	sshra.s32 s2, $0x2;
	[tilespmem:$0x1B510] =	vst v17  }
0x1e1: {  	v17 =	vld [tilespmem:s1+$0x200];
	_ =	sdelay $0x1  }
0x1e2: {  	v18 =	vld [tilespmem:s1+$0x210];
	_ =	sdelay $0x1  }
0x1e3: {  	v19 =	vld [tilespmem:s1+$0x220]  }
0x1e4: {  	v17 =	vadd.f32 $0.0e+00, v17  }
0x1e5: {  	v28 =	vld [tilespmem:s1+$0x230]  }
0x1e6: {  	v17 =	vadd.f32 v18, v17  }
0x1e7: {  	v18 =	vld [tilespmem:s1+$0x240]  }
0x1e8: {  	v17 =	vadd.f32 v19, v17  }
0x1e9: {  	v19 =	vld [tilespmem:s1+$0x250]  }
0x1ea: {  	v17 =	vadd.f32 v28, v17  }
0x1eb: {  	v29 =	vld [tilespmem:s1+$0x260]  }
0x1ec: {  	v17 =	vadd.f32 v18, v17  }
0x1ed: {  	v18 =	vld [tilespmem:s1+$0x270]  }
0x1ee: {  	v17 =	vadd.f32 v19, v17  }
0x1ef: {  	v19 =	vld [tilespmem:s1+$0x280]  }
0x1f0: {  	v17 =	vadd.f32 v29, v17  }
0x1f1: {  	v30 =	vld [tilespmem:s1+$0x290]  }
0x1f2: {  	v17 =	vadd.f32 v18, v17  }
0x1f3: {  	v18 =	vld [tilespmem:s1+$0x2A0]  }
0x1f4: {  	v17 =	vadd.f32 v19, v17  }
0x1f5: {  	v19 =	vld [tilespmem:s1+$0x2B0]  }
0x1f6: {  	v31 =	vld [tilespmem:s1+$0x2B8];
	v17 =	vadd.f32 v30, v17;
	_ =	sdelay $0x1  }
0x1f7: {  	v17 =	vadd.f32 v18, v17;
	_ =	sdelay $0x1  }
0x1f8: {  	v17 =	vadd.f32 v19, v17  }
0x1f9: {  	s2 =	sor.u32 $0xE, s0;
	v18 =	vsel vm0, $0x0, v31  }
0x1fa: {  	s24 =	smul.u32 $0x320, s2;
	v17 =	vadd.f32 v18, v17;
	_ =	sdelay $0x1  }
0x1fb: {  	s1 =	sshra.s32 s24, $0x2;
	[tilespmem:$0x1B520] =	vst v17  }
0x1fc: {  	v17 =	vld [tilespmem:s1+$0x200];
	_ =	sdelay $0x1  }
0x1fd: {  	v18 =	vld [tilespmem:s1+$0x210];
	_ =	sdelay $0x1  }
0x1fe: {  	v19 =	vld [tilespmem:s1+$0x220]  }
0x1ff: {  	v17 =	vadd.f32 $0.0e+00, v17  }
0x200: {  	v24 =	vld [tilespmem:s1+$0x230]  }
0x201: {  	v17 =	vadd.f32 v18, v17  }
0x202: {  	v18 =	vld [tilespmem:s1+$0x240]  }
0x203: {  	v17 =	vadd.f32 v19, v17  }
0x204: {  	v19 =	vld [tilespmem:s1+$0x250]  }
0x205: {  	v17 =	vadd.f32 v24, v17  }
0x206: {  	v25 =	vld [tilespmem:s1+$0x260]  }
0x207: {  	v17 =	vadd.f32 v18, v17  }
0x208: {  	v18 =	vld [tilespmem:s1+$0x270]  }
0x209: {  	v17 =	vadd.f32 v19, v17  }
0x20a: {  	v19 =	vld [tilespmem:s1+$0x280]  }
0x20b: {  	v17 =	vadd.f32 v25, v17  }
0x20c: {  	v26 =	vld [tilespmem:s1+$0x290]  }
0x20d: {  	v17 =	vadd.f32 v18, v17  }
0x20e: {  	v18 =	vld [tilespmem:s1+$0x2A0]  }
0x20f: {  	v17 =	vadd.f32 v19, v17  }
0x210: {  	v19 =	vld [tilespmem:s1+$0x2B0]  }
0x211: {  	v27 =	vld [tilespmem:s1+$0x2B8];
	v17 =	vadd.f32 v26, v17;
	_ =	sdelay $0x1  }
0x212: {  	v17 =	vadd.f32 v18, v17;
	_ =	sdelay $0x1  }
0x213: {  	v17 =	vadd.f32 v19, v17  }
0x214: {  	s1 =	sshllo.u32 s4, $0x4;
	v18 =	vsel vm0, $0x0, v27  }
0x215: {  	s24 =	smul.u32 $0x320, s1;
	v17 =	vadd.f32 v18, v17;
	_ =	sdelay $0x1  }
0x216: {  	s24 =	sshra.s32 s24, $0x2;
	[tilespmem:$0x1B530] =	vst v17  }
0x217: {  	v17 =	vld [tilespmem:s24+$0x200];
	_ =	sdelay $0x1  }
0x218: {  	v18 =	vld [tilespmem:s24+$0x210];
	_ =	sdelay $0x1  }
0x219: {  	v19 =	vld [tilespmem:s24+$0x220]  }
0x21a: {  	v17 =	vadd.f32 $0.0e+00, v17  }
0x21b: {  	v28 =	vld [tilespmem:s24+$0x230]  }
0x21c: {  	v17 =	vadd.f32 v18, v17  }
0x21d: {  	v18 =	vld [tilespmem:s24+$0x240]  }
0x21e: {  	v17 =	vadd.f32 v19, v17  }
0x21f: {  	v19 =	vld [tilespmem:s24+$0x250]  }
0x220: {  	v17 =	vadd.f32 v28, v17  }
0x221: {  	v29 =	vld [tilespmem:s24+$0x260]  }
0x222: {  	v17 =	vadd.f32 v18, v17  }
0x223: {  	v18 =	vld [tilespmem:s24+$0x270]  }
0x224: {  	v17 =	vadd.f32 v19, v17  }
0x225: {  	v19 =	vld [tilespmem:s24+$0x280]  }
0x226: {  	v17 =	vadd.f32 v29, v17  }
0x227: {  	v30 =	vld [tilespmem:s24+$0x290]  }
0x228: {  	v17 =	vadd.f32 v18, v17  }
0x229: {  	v18 =	vld [tilespmem:s24+$0x2A0]  }
0x22a: {  	v17 =	vadd.f32 v19, v17  }
0x22b: {  	v19 =	vld [tilespmem:s24+$0x2B0]  }
0x22c: {  	v31 =	vld [tilespmem:s24+$0x2B8];
	v17 =	vadd.f32 v30, v17;
	_ =	sdelay $0x1  }
0x22d: {  	v17 =	vadd.f32 v18, v17;
	_ =	sdelay $0x1  }
0x22e: {  	v17 =	vadd.f32 v19, v17  }
0x22f: {  	v18 =	vsel vm0, $0x0, v31  }
0x230: {  	v3 =	vor.u32 $0x1, v1;
	v17 =	vadd.f32 v18, v17;
	_ =	sdelay $0x1  }
0x231: {  	v4 =	vor.u32 $0x2, v1;
	[tilespmem:$0x1B540] =	vst v17  }
0x232: {  	v17 =	vld.idx.msk [tilespmem:v1+s26+$0x0], $0xffff  }
0x233: {  	v5 =	vor.u32 $0x3, v1  }
0x234: {  	v23 =	vld.idx.msk [tilespmem:v3+s26+$0x0], $0xffff  }
0x235: {  	[tilespmem:$0x1FF80] =	vst v3;
	v3 =	vor.u32 $0x4, v1  }
0x236: {  	v24 =	vld.idx.msk [tilespmem:v4+s26+$0x0], $0xffff  }
0x237: {  	[tilespmem:$0x1FF90] =	vst v4;
	v4 =	vor.u32 $0x5, v1;
	v17 =	vadd.f32 $0.0e+00, v17  }
0x238: {  	v25 =	vld.idx.msk [tilespmem:v5+s26+$0x0], $0xffff  }
0x239: {  	[tilespmem:$0x1FFA0] =	vst v5;
	v5 =	vor.u32 $0x6, v1;
	v17 =	vadd.f32 v23, v17  }
0x23a: {  	v26 =	vld.idx.msk [tilespmem:v3+s26+$0x0], $0xffff  }
0x23b: {  	[tilespmem:$0x1FFB0] =	vst v3;
	v3 =	vor.u32 $0x7, v1;
	v17 =	vadd.f32 v24, v17  }
0x23c: {  	v27 =	vld.idx.msk [tilespmem:v4+s26+$0x0], $0xffff  }
0x23d: {  	v17 =	vadd.f32 v25, v17;
	v25 =	vor.u32 $0x8, v1  }
0x23e: {  	v28 =	vld.idx.msk [tilespmem:v5+s26+$0x0], $0xffff  }
0x23f: {  	v17 =	vadd.f32 v26, v17;
	v26 =	vor.u32 $0x9, v1  }
0x240: {  	v29 =	vld.idx.msk [tilespmem:v3+s26+$0x0], $0xffff  }
0x241: {  	v17 =	vadd.f32 v27, v17;
	v27 =	vor.u32 $0xA, v1  }
0x242: {  	v30 =	vld.idx.msk [tilespmem:v25+s26+$0x0], $0xffff  }
0x243: {  	v17 =	vadd.f32 v28, v17;
	v28 =	vor.u32 $0xB, v1  }
0x244: {  	v31 =	vld.idx.msk [tilespmem:v26+s26+$0x0], $0xffff  }
0x245: {  	v17 =	vadd.f32 v29, v17;
	v29 =	vor.u32 $0xC, v1  }
0x246: {  	[tilespmem:$0x1FFE0] =	vst v3;
	v3 =	vld.idx.msk [tilespmem:v27+s26+$0x0], $0xffff  }
0x247: {  	v17 =	vadd.f32 v30, v17;
	v30 =	vor.u32 $0xD, v1  }
0x248: {  	[tilespmem:$0x1FFC0] =	vst v4;
	v4 =	vld.idx.msk [tilespmem:v28+s26+$0x0], $0xffff  }
0x249: {  	v17 =	vadd.f32 v31, v17;
	v31 =	vor.u32 $0xE, v1  }
0x24a: {  	[tilespmem:$0x1FFD0] =	vst v5;
	v5 =	vld.idx.msk [tilespmem:v29+s26+$0x0], $0xffff  }
0x24b: {  	v24 =	vor.u32 $0xF, v1;
	v3 =	vadd.f32 v3, v17  }
0x24c: {  	v6 =	vld.idx.msk [tilespmem:v30+s26+$0x0], $0xffff  }
0x24d: {  	v3 =	vadd.f32 v4, v3  }
0x24e: {  	v4 =	vld.idx.msk [tilespmem:v31+s26+$0x0], $0xffff  }
0x24f: {  	v3 =	vadd.f32 v5, v3  }
0x250: {  	v5 =	vld.idx.msk [tilespmem:v24+s26+$0x0], $0xffff  }
0x251: {  	v3 =	vadd.f32 v6, v3;
	_ =	sdelay $0x1  }
0x252: {  	v3 =	vadd.f32 v4, v3;
	_ =	sdelay $0x1  }
0x253: {  	v3 =	vadd.f32 v5, v3;
	_ =	sdelay $0x1  }
0x254: {  	v4 =	vshrl.u32 v3, $0x10  }
0x255: {  	v4 =	vand.u32 $0x1, v4  }
0x256: {  	v3 =	vadd.s32 v4, v3  }
0x257: {  	v3 =	vadd.s32 $0x7FFF, v3  }
0x258: {  	s24 =	sshll.u32 s4, $0x8;
	v3 =	vand.u32 $0xFFFF0000, v3  }
0x259: {  	s24 =	sand.u32 $0x3FFFFF00, s24;
	[tilespmem:$0x1B560] =	vst v3  }
0x25a: {  	v3 =	vld [tilespmem:s24+$0x19200];
	_ =	sdelay $0x4  }
0x25b: {  	v3 =	vnsel vm1, $0x0, v3  }
0x25c: {  	v4 =	vshrl.u32 v3, $0x10  }
0x25d: {  	v4 =	vand.u32 $0x1, v4  }
0x25e: {  	v3 =	vadd.s32 v4, v3  }
0x25f: {  	v3 =	vadd.s32 $0x7FFF, v3  }
0x260: {  	v4 =	vld.idx.msk [tilespmem:v7+s28+$0x0], $0xffff;
	v3 =	vand.u32 $0xFFFF0000, v3  }
0x261: {  	[tilespmem:$0x1B570] =	vst v3  }
0x262: {  	v3 =	vld.idx.msk [tilespmem:v8+s28+$0x0], $0xffff;
	_ =	sdelay $0x1  }
0x263: {  	v5 =	vld.idx.msk [tilespmem:v10+s28+$0x0], $0xffff  }
0x264: {  	v7 =	vld.idx.msk [tilespmem:v14+s28+$0x0], $0xffff;
	v14 =	vimm.s32 $0x24;
	v6 =	vmul.f32 v4, v61  }
0x265: {  	v4 =	vmul.f32 v4, v63  }
0x266: {  	v15 =	vimm.s32 $0x25;
	v6 =	vadd.f32 v6, v60;
	v8 =	vmul.f32 v32, v3  }
0x267: {  	v9 =	vld.idx.msk [tilespmem:v13+s28+$0x0], $0xffff;
	v4 =	vadd.f32 v4, v62;
	v3 =	vmul.f32 v33, v3  }
0x268: {  	v6 =	vadd.f32 v8, v6;
	v8 =	vmul.f32 v34, v5  }
0x269: {  	v3 =	vadd.f32 v3, v4;
	v4 =	vmul.f32 v35, v5;
	v5 =	vld.idx.msk [tilespmem:v14+s28+$0x0], $0xffff  }
0x26a: {  	v10 =	vimm.s32 $0x27;
	v6 =	vadd.f32 v8, v6;
	v8 =	vmul.f32 v36, v7  }
0x26b: {  	v3 =	vadd.f32 v4, v3;
	v4 =	vmul.f32 v37, v7;
	v7 =	vld.idx.msk [tilespmem:v15+s28+$0x0], $0xffff  }
0x26c: {  	v11 =	vimm.s32 $0x28;
	v6 =	vadd.f32 v8, v6;
	v8 =	vmul.f32 v38, v9  }
0x26d: {  	v3 =	vadd.f32 v4, v3;
	v4 =	vmul.f32 v39, v9;
	v9 =	vld.idx.msk [tilespmem:v16+s28+$0x0], $0xffff  }
0x26e: {  	v17 =	vimm.s32 $0x29;
	v6 =	vadd.f32 v8, v6;
	v8 =	vmul.f32 v40, v5  }
0x26f: {  	v3 =	vadd.f32 v4, v3;
	v4 =	vmul.f32 v41, v5;
	v5 =	vld.idx.msk [tilespmem:v10+s28+$0x0], $0xffff  }
0x270: {  	v18 =	vimm.s32 $0x2A;
	v6 =	vadd.f32 v8, v6;
	v8 =	vmul.f32 v42, v7  }
0x271: {  	v3 =	vadd.f32 v4, v3;
	v4 =	vmul.f32 v43, v7;
	v7 =	vld.idx.msk [tilespmem:v11+s28+$0x0], $0xffff  }
0x272: {  	v19 =	vimm.s32 $0x2B;
	v6 =	vadd.f32 v8, v6;
	v8 =	vmul.f32 v44, v9  }
0x273: {  	v3 =	vadd.f32 v4, v3;
	v4 =	vmul.f32 v45, v9;
	v9 =	vld.idx.msk [tilespmem:v17+s28+$0x0], $0xffff  }
0x274: {  	v20 =	vimm.s32 $0x2C;
	v6 =	vadd.f32 v8, v6;
	v8 =	vmul.f32 v46, v5  }
0x275: {  	v3 =	vadd.f32 v4, v3;
	v4 =	vmul.f32 v47, v5;
	v5 =	vld.idx.msk [tilespmem:v18+s28+$0x0], $0xffff  }
0x276: {  	v6 =	vadd.f32 v8, v6;
	v8 =	vmul.f32 v48, v7  }
0x277: {  	v21 =	vimm.s32 $0x2D;
	v3 =	vadd.f32 v4, v3;
	v4 =	vmul.f32 v49, v7;
	v7 =	vld.idx.msk [tilespmem:v19+s28+$0x0], $0xffff  }
0x278: {  	v6 =	vadd.f32 v8, v6;
	v8 =	vmul.f32 v50, v9  }
0x279: {  	v3 =	vadd.f32 v4, v3;
	v4 =	vmul.f32 v51, v9;
	v9 =	vld.idx.msk [tilespmem:v20+s28+$0x0], $0xffff  }
0x27a: {  	v6 =	vadd.f32 v8, v6;
	v8 =	vmul.f32 v52, v5  }
0x27b: {  	v3 =	vadd.f32 v4, v3;
	v4 =	vmul.f32 v53, v5  }
0x27c: {  	v5 =	vadd.f32 v8, v6;
	v6 =	vmul.f32 v54, v7;
	v8 =	vld.idx.msk [tilespmem:v21+s28+$0x0], $0xffff  }
0x27d: {  	v3 =	vadd.f32 v4, v3;
	v4 =	vmul.f32 v55, v7  }
0x27e: {  	v5 =	vadd.f32 v6, v5;
	v6 =	vmul.f32 v56, v9  }
0x27f: {  	v3 =	vadd.f32 v4, v3;
	v4 =	vmul.f32 v57, v9  }
0x280: {  	v5 =	vadd.f32 v6, v5  }
0x281: {  	v3 =	vadd.f32 v4, v3;
	v4 =	vmul.f32 v58, v8;
	v6 =	vmul.f32 v59, v8;
	_ =	sdelay $0x1  }
0x282: {  	v4 =	vadd.f32 v4, v5;
	v3 =	vadd.f32 v6, v3;
	_ =	sdelay $0x1  }
0x283: {  	v5 =	vshrl.u32 v4, $0x10;
	v6 =	vshrl.u32 v3, $0x10  }
0x284: {  	v5 =	vand.u32 $0x1, v5;
	v6 =	vand.u32 $0x1, v6  }
0x285: {  	v4 =	vadd.s32 v5, v4;
	v3 =	vadd.s32 v6, v3  }
0x286: {  	v4 =	vadd.s32 $0x7FFF, v4;
	v3 =	vadd.s32 $0x7FFF, v3  }
0x287: {  	v4 =	vand.u32 $0xFFFF0000, v4;
	v3 =	vand.u32 $0xFFFF0000, v3  }
0x288: {  	v4 =	vmul.f32 v4, v0;
	v3 =	vmul.f32 v3, v2;
	_ =	sdelay $0x1  }
0x289: {  	v3 =	vadd.f32 v3, v4  }
0x28a: {  	s30 =	sshll.u32 s30, $0x4  }
0x28b: {  	s24 =	sand.u32 $0x3FFFFF10, s30;
	[tilespmem:$0x1B580] =	vst v3  }
0x28c: {  	v3 =	vld [tilespmem:s24+$0x19200];
	_ =	sdelay $0x4  }
0x28d: {  	v3 =	vnsel vm1, $0x0, v3  }
0x28e: {  	v4 =	vshrl.u32 v3, $0x10  }
0x28f: {  	v4 =	vand.u32 $0x1, v4  }
0x290: {  	v3 =	vadd.s32 v4, v3;
	v4 =	vimm.s32 $0x11;
	_ =	sdelay $0x1  }
0x291: {  	v23 =	vimm.s32 $0x20;
	_ =	sdelay $0x1  }
0x292: {  	v22 =	vimm.s32 $0x21;
	v3 =	vadd.s32 $0x7FFF, v3  }
0x293: {  	v3 =	vand.u32 $0xFFFF0000, v3;
	v4 =	vld.idx.msk [tilespmem:v4+s28+$0x0], $0xffff  }
0x294: {  	v12 =	vimm.s32 $0x22;
	[tilespmem:$0x1B570] =	vst v3  }
0x295: {  	v3 =	vld.idx.msk [tilespmem:v23+s28+$0x0], $0xffff;
	_ =	sdelay $0x1  }
0x296: {  	v5 =	vld.idx.msk [tilespmem:v22+s28+$0x0], $0xffff  }
0x297: {  	v6 =	vmul.f32 v4, v61  }
0x298: {  	v7 =	vld.idx.msk [tilespmem:v12+s28+$0x0], $0xffff;
	v4 =	vmul.f32 v4, v63  }
0x299: {  	v8 =	vmul.f32 v32, v3;
	v6 =	vadd.f32 v6, v60  }
0x29a: {  	v9 =	vld.idx.msk [tilespmem:v13+s28+$0x0], $0xffff;
	v3 =	vmul.f32 v33, v3;
	v4 =	vadd.f32 v4, v62  }
0x29b: {  	v6 =	vadd.f32 v8, v6;
	v8 =	vmul.f32 v34, v5  }
0x29c: {  	v3 =	vadd.f32 v3, v4;
	v4 =	vmul.f32 v35, v5;
	v5 =	vld.idx.msk [tilespmem:v14+s28+$0x0], $0xffff  }
0x29d: {  	v6 =	vadd.f32 v8, v6;
	v8 =	vmul.f32 v36, v7  }
0x29e: {  	v3 =	vadd.f32 v4, v3;
	v4 =	vmul.f32 v37, v7;
	v7 =	vld.idx.msk [tilespmem:v15+s28+$0x0], $0xffff  }
0x29f: {  	v6 =	vadd.f32 v8, v6;
	v8 =	vmul.f32 v38, v9  }
0x2a0: {  	v3 =	vadd.f32 v4, v3;
	v4 =	vmul.f32 v39, v9;
	v9 =	vld.idx.msk [tilespmem:v16+s28+$0x0], $0xffff  }
0x2a1: {  	v6 =	vadd.f32 v8, v6;
	v8 =	vmul.f32 v40, v5  }
0x2a2: {  	v3 =	vadd.f32 v4, v3;
	v4 =	vmul.f32 v41, v5;
	v5 =	vld.idx.msk [tilespmem:v10+s28+$0x0], $0xffff  }
0x2a3: {  	v6 =	vadd.f32 v8, v6;
	v8 =	vmul.f32 v42, v7  }
0x2a4: {  	v3 =	vadd.f32 v4, v3;
	v4 =	vmul.f32 v43, v7;
	v7 =	vld.idx.msk [tilespmem:v11+s28+$0x0], $0xffff  }
0x2a5: {  	v6 =	vadd.f32 v8, v6;
	v8 =	vmul.f32 v44, v9  }
0x2a6: {  	v3 =	vadd.f32 v4, v3;
	v4 =	vmul.f32 v45, v9;
	v9 =	vld.idx.msk [tilespmem:v17+s28+$0x0], $0xffff  }
0x2a7: {  	v6 =	vadd.f32 v8, v6;
	v8 =	vmul.f32 v46, v5  }
0x2a8: {  	v3 =	vadd.f32 v4, v3;
	v4 =	vmul.f32 v47, v5;
	v5 =	vld.idx.msk [tilespmem:v18+s28+$0x0], $0xffff  }
0x2a9: {  	v6 =	vadd.f32 v8, v6;
	v8 =	vmul.f32 v48, v7  }
0x2aa: {  	v3 =	vadd.f32 v4, v3;
	v4 =	vmul.f32 v49, v7;
	v7 =	vld.idx.msk [tilespmem:v19+s28+$0x0], $0xffff  }
0x2ab: {  	v6 =	vadd.f32 v8, v6;
	v8 =	vmul.f32 v50, v9  }
0x2ac: {  	v3 =	vadd.f32 v4, v3;
	v4 =	vmul.f32 v51, v9;
	v9 =	vld.idx.msk [tilespmem:v20+s28+$0x0], $0xffff  }
0x2ad: {  	v6 =	vadd.f32 v8, v6;
	v8 =	vmul.f32 v52, v5  }
0x2ae: {  	v3 =	vadd.f32 v4, v3;
	v4 =	vmul.f32 v53, v5  }
0x2af: {  	v5 =	vadd.f32 v8, v6;
	v6 =	vmul.f32 v54, v7;
	v8 =	vld.idx.msk [tilespmem:v21+s28+$0x0], $0xffff  }
0x2b0: {  	v3 =	vadd.f32 v4, v3;
	v4 =	vmul.f32 v55, v7  }
0x2b1: {  	v5 =	vadd.f32 v6, v5;
	v6 =	vmul.f32 v56, v9  }
0x2b2: {  	v3 =	vadd.f32 v4, v3;
	v4 =	vmul.f32 v57, v9  }
0x2b3: {  	v5 =	vadd.f32 v6, v5  }
0x2b4: {  	v3 =	vadd.f32 v4, v3;
	v4 =	vmul.f32 v58, v8;
	v6 =	vmul.f32 v59, v8;
	_ =	sdelay $0x1  }
0x2b5: {  	v4 =	vadd.f32 v4, v5;
	v3 =	vadd.f32 v6, v3;
	_ =	sdelay $0x1  }
0x2b6: {  	v5 =	vshrl.u32 v4, $0x10;
	v6 =	vshrl.u32 v3, $0x10  }
0x2b7: {  	v5 =	vand.u32 $0x1, v5;
	v6 =	vand.u32 $0x1, v6  }
0x2b8: {  	v4 =	vadd.s32 v5, v4;
	v3 =	vadd.s32 v6, v3  }
0x2b9: {  	v4 =	vadd.s32 $0x7FFF, v4;
	v3 =	vadd.s32 $0x7FFF, v3  }
0x2ba: {  	v4 =	vand.u32 $0xFFFF0000, v4;
	v3 =	vand.u32 $0xFFFF0000, v3  }
0x2bb: {  	v4 =	vmul.f32 v4, v0;
	v3 =	vmul.f32 v3, v2;
	_ =	sdelay $0x1  }
0x2bc: {  	v3 =	vadd.f32 v3, v4  }
0x2bd: {  	s23 =	sshll.u32 s23, $0x4  }
0x2be: {  	s23 =	sand.u32 $0x3FFFFF20, s23;
	[tilespmem:$0x1B590] =	vst v3  }
0x2bf: {  	v3 =	vld [tilespmem:s23+$0x19200];
	_ =	sdelay $0x4  }
0x2c0: {  	v3 =	vnsel vm1, $0x0, v3  }
0x2c1: {  	v4 =	vshrl.u32 v3, $0x10  }
0x2c2: {  	v4 =	vand.u32 $0x1, v4  }
0x2c3: {  	v3 =	vadd.s32 v4, v3;
	v4 =	vimm.s32 $0x12;
	_ =	sdelay $0x3  }
0x2c4: {  	v3 =	vadd.s32 $0x7FFF, v3  }
0x2c5: {  	v3 =	vand.u32 $0xFFFF0000, v3;
	v4 =	vld.idx.msk [tilespmem:v4+s28+$0x0], $0xffff  }
0x2c6: {  	[tilespmem:$0x1B570] =	vst v3  }
0x2c7: {  	v3 =	vld.idx.msk [tilespmem:v23+s28+$0x0], $0xffff;
	_ =	sdelay $0x1  }
0x2c8: {  	v5 =	vld.idx.msk [tilespmem:v22+s28+$0x0], $0xffff  }
0x2c9: {  	v6 =	vmul.f32 v4, v61  }
0x2ca: {  	v7 =	vld.idx.msk [tilespmem:v12+s28+$0x0], $0xffff;
	v4 =	vmul.f32 v4, v63  }
0x2cb: {  	v8 =	vmul.f32 v32, v3;
	v6 =	vadd.f32 v6, v60  }
0x2cc: {  	v9 =	vld.idx.msk [tilespmem:v13+s28+$0x0], $0xffff;
	v3 =	vmul.f32 v33, v3;
	v4 =	vadd.f32 v4, v62  }
0x2cd: {  	v6 =	vadd.f32 v8, v6;
	v8 =	vmul.f32 v34, v5  }
0x2ce: {  	v3 =	vadd.f32 v3, v4;
	v4 =	vmul.f32 v35, v5;
	v5 =	vld.idx.msk [tilespmem:v14+s28+$0x0], $0xffff  }
0x2cf: {  	v6 =	vadd.f32 v8, v6;
	v8 =	vmul.f32 v36, v7  }
0x2d0: {  	v3 =	vadd.f32 v4, v3;
	v4 =	vmul.f32 v37, v7;
	v7 =	vld.idx.msk [tilespmem:v15+s28+$0x0], $0xffff  }
0x2d1: {  	v6 =	vadd.f32 v8, v6;
	v8 =	vmul.f32 v38, v9  }
0x2d2: {  	v3 =	vadd.f32 v4, v3;
	v4 =	vmul.f32 v39, v9;
	v9 =	vld.idx.msk [tilespmem:v16+s28+$0x0], $0xffff  }
0x2d3: {  	v6 =	vadd.f32 v8, v6;
	v8 =	vmul.f32 v40, v5  }
0x2d4: {  	v3 =	vadd.f32 v4, v3;
	v4 =	vmul.f32 v41, v5;
	v5 =	vld.idx.msk [tilespmem:v10+s28+$0x0], $0xffff  }
0x2d5: {  	v6 =	vadd.f32 v8, v6;
	v8 =	vmul.f32 v42, v7  }
0x2d6: {  	v3 =	vadd.f32 v4, v3;
	v4 =	vmul.f32 v43, v7;
	v7 =	vld.idx.msk [tilespmem:v11+s28+$0x0], $0xffff  }
0x2d7: {  	v6 =	vadd.f32 v8, v6;
	v8 =	vmul.f32 v44, v9  }
0x2d8: {  	v3 =	vadd.f32 v4, v3;
	v4 =	vmul.f32 v45, v9;
	v9 =	vld.idx.msk [tilespmem:v17+s28+$0x0], $0xffff  }
0x2d9: {  	v6 =	vadd.f32 v8, v6;
	v8 =	vmul.f32 v46, v5  }
0x2da: {  	v3 =	vadd.f32 v4, v3;
	v4 =	vmul.f32 v47, v5;
	v5 =	vld.idx.msk [tilespmem:v18+s28+$0x0], $0xffff  }
0x2db: {  	v6 =	vadd.f32 v8, v6;
	v8 =	vmul.f32 v48, v7  }
0x2dc: {  	v3 =	vadd.f32 v4, v3;
	v4 =	vmul.f32 v49, v7;
	v7 =	vld.idx.msk [tilespmem:v19+s28+$0x0], $0xffff  }
0x2dd: {  	v6 =	vadd.f32 v8, v6;
	v8 =	vmul.f32 v50, v9  }
0x2de: {  	v3 =	vadd.f32 v4, v3;
	v4 =	vmul.f32 v51, v9;
	v9 =	vld.idx.msk [tilespmem:v20+s28+$0x0], $0xffff  }
0x2df: {  	v6 =	vadd.f32 v8, v6;
	v8 =	vmul.f32 v52, v5  }
0x2e0: {  	v3 =	vadd.f32 v4, v3;
	v4 =	vmul.f32 v53, v5  }
0x2e1: {  	v5 =	vadd.f32 v8, v6;
	v6 =	vmul.f32 v54, v7;
	v8 =	vld.idx.msk [tilespmem:v21+s28+$0x0], $0xffff  }
0x2e2: {  	v3 =	vadd.f32 v4, v3;
	v4 =	vmul.f32 v55, v7  }
0x2e3: {  	v5 =	vadd.f32 v6, v5;
	v6 =	vmul.f32 v56, v9  }
0x2e4: {  	v3 =	vadd.f32 v4, v3;
	v4 =	vmul.f32 v57, v9  }
0x2e5: {  	v5 =	vadd.f32 v6, v5  }
0x2e6: {  	v3 =	vadd.f32 v4, v3;
	v4 =	vmul.f32 v58, v8;
	v6 =	vmul.f32 v59, v8;
	_ =	sdelay $0x1  }
0x2e7: {  	v4 =	vadd.f32 v4, v5;
	v3 =	vadd.f32 v6, v3;
	_ =	sdelay $0x1  }
0x2e8: {  	v5 =	vshrl.u32 v4, $0x10;
	v6 =	vshrl.u32 v3, $0x10  }
0x2e9: {  	v5 =	vand.u32 $0x1, v5;
	v6 =	vand.u32 $0x1, v6  }
0x2ea: {  	v4 =	vadd.s32 v5, v4;
	v3 =	vadd.s32 v6, v3  }
0x2eb: {  	v4 =	vadd.s32 $0x7FFF, v4;
	v3 =	vadd.s32 $0x7FFF, v3  }
0x2ec: {  	v4 =	vand.u32 $0xFFFF0000, v4;
	v3 =	vand.u32 $0xFFFF0000, v3  }
0x2ed: {  	v4 =	vmul.f32 v4, v0;
	v3 =	vmul.f32 v3, v2;
	_ =	sdelay $0x1  }
0x2ee: {  	v3 =	vadd.f32 v3, v4  }
0x2ef: {  	s22 =	sshll.u32 s22, $0x4  }
0x2f0: {  	s22 =	sand.u32 $0x3FFFFF30, s22;
	[tilespmem:$0x1B5A0] =	vst v3  }
0x2f1: {  	v3 =	vld [tilespmem:s22+$0x19200];
	_ =	sdelay $0x4  }
0x2f2: {  	v3 =	vnsel vm1, $0x0, v3  }
0x2f3: {  	v4 =	vshrl.u32 v3, $0x10  }
0x2f4: {  	v4 =	vand.u32 $0x1, v4  }
0x2f5: {  	v3 =	vadd.s32 v4, v3;
	v4 =	vimm.s32 $0x13;
	_ =	sdelay $0x3  }
0x2f6: {  	v3 =	vadd.s32 $0x7FFF, v3  }
0x2f7: {  	v3 =	vand.u32 $0xFFFF0000, v3;
	v4 =	vld.idx.msk [tilespmem:v4+s28+$0x0], $0xffff  }
0x2f8: {  	[tilespmem:$0x1B570] =	vst v3  }
0x2f9: {  	v3 =	vld.idx.msk [tilespmem:v23+s28+$0x0], $0xffff;
	_ =	sdelay $0x1  }
0x2fa: {  	v5 =	vld.idx.msk [tilespmem:v22+s28+$0x0], $0xffff  }
0x2fb: {  	v6 =	vmul.f32 v4, v61  }
0x2fc: {  	v7 =	vld.idx.msk [tilespmem:v12+s28+$0x0], $0xffff;
	v4 =	vmul.f32 v4, v63  }
0x2fd: {  	v8 =	vmul.f32 v32, v3;
	v6 =	vadd.f32 v6, v60  }
0x2fe: {  	v9 =	vld.idx.msk [tilespmem:v13+s28+$0x0], $0xffff;
	v3 =	vmul.f32 v33, v3;
	v4 =	vadd.f32 v4, v62  }
0x2ff: {  	v6 =	vadd.f32 v8, v6;
	v8 =	vmul.f32 v34, v5  }
0x300: {  	v3 =	vadd.f32 v3, v4;
	v4 =	vmul.f32 v35, v5;
	v5 =	vld.idx.msk [tilespmem:v14+s28+$0x0], $0xffff  }
0x301: {  	v6 =	vadd.f32 v8, v6;
	v8 =	vmul.f32 v36, v7  }
0x302: {  	v3 =	vadd.f32 v4, v3;
	v4 =	vmul.f32 v37, v7;
	v7 =	vld.idx.msk [tilespmem:v15+s28+$0x0], $0xffff  }
0x303: {  	v6 =	vadd.f32 v8, v6;
	v8 =	vmul.f32 v38, v9  }
0x304: {  	v3 =	vadd.f32 v4, v3;
	v4 =	vmul.f32 v39, v9;
	v9 =	vld.idx.msk [tilespmem:v16+s28+$0x0], $0xffff  }
0x305: {  	v6 =	vadd.f32 v8, v6;
	v8 =	vmul.f32 v40, v5  }
0x306: {  	v3 =	vadd.f32 v4, v3;
	v4 =	vmul.f32 v41, v5;
	v5 =	vld.idx.msk [tilespmem:v10+s28+$0x0], $0xffff  }
0x307: {  	v6 =	vadd.f32 v8, v6;
	v8 =	vmul.f32 v42, v7  }
0x308: {  	v3 =	vadd.f32 v4, v3;
	v4 =	vmul.f32 v43, v7;
	v7 =	vld.idx.msk [tilespmem:v11+s28+$0x0], $0xffff  }
0x309: {  	v6 =	vadd.f32 v8, v6;
	v8 =	vmul.f32 v44, v9  }
0x30a: {  	v3 =	vadd.f32 v4, v3;
	v4 =	vmul.f32 v45, v9;
	v9 =	vld.idx.msk [tilespmem:v17+s28+$0x0], $0xffff  }
0x30b: {  	v6 =	vadd.f32 v8, v6;
	v8 =	vmul.f32 v46, v5  }
0x30c: {  	v3 =	vadd.f32 v4, v3;
	v4 =	vmul.f32 v47, v5;
	v5 =	vld.idx.msk [tilespmem:v18+s28+$0x0], $0xffff  }
0x30d: {  	v6 =	vadd.f32 v8, v6;
	v8 =	vmul.f32 v48, v7  }
0x30e: {  	v3 =	vadd.f32 v4, v3;
	v4 =	vmul.f32 v49, v7;
	v7 =	vld.idx.msk [tilespmem:v19+s28+$0x0], $0xffff  }
0x30f: {  	v6 =	vadd.f32 v8, v6;
	v8 =	vmul.f32 v50, v9  }
0x310: {  	v3 =	vadd.f32 v4, v3;
	v4 =	vmul.f32 v51, v9;
	v9 =	vld.idx.msk [tilespmem:v20+s28+$0x0], $0xffff  }
0x311: {  	v6 =	vadd.f32 v8, v6;
	v8 =	vmul.f32 v52, v5  }
0x312: {  	v3 =	vadd.f32 v4, v3;
	v4 =	vmul.f32 v53, v5  }
0x313: {  	v5 =	vadd.f32 v8, v6;
	v6 =	vmul.f32 v54, v7;
	v8 =	vld.idx.msk [tilespmem:v21+s28+$0x0], $0xffff  }
0x314: {  	v3 =	vadd.f32 v4, v3;
	v4 =	vmul.f32 v55, v7  }
0x315: {  	v5 =	vadd.f32 v6, v5;
	v6 =	vmul.f32 v56, v9  }
0x316: {  	v3 =	vadd.f32 v4, v3;
	v4 =	vmul.f32 v57, v9  }
0x317: {  	v5 =	vadd.f32 v6, v5  }
0x318: {  	v3 =	vadd.f32 v4, v3;
	v4 =	vmul.f32 v58, v8;
	v6 =	vmul.f32 v59, v8;
	_ =	sdelay $0x1  }
0x319: {  	v4 =	vadd.f32 v4, v5;
	v3 =	vadd.f32 v6, v3;
	_ =	sdelay $0x1  }
0x31a: {  	v5 =	vshrl.u32 v4, $0x10;
	v6 =	vshrl.u32 v3, $0x10  }
0x31b: {  	v5 =	vand.u32 $0x1, v5;
	v6 =	vand.u32 $0x1, v6  }
0x31c: {  	v4 =	vadd.s32 v5, v4;
	v3 =	vadd.s32 v6, v3  }
0x31d: {  	v4 =	vadd.s32 $0x7FFF, v4;
	v3 =	vadd.s32 $0x7FFF, v3  }
0x31e: {  	v4 =	vand.u32 $0xFFFF0000, v4;
	v3 =	vand.u32 $0xFFFF0000, v3  }
0x31f: {  	v4 =	vmul.f32 v4, v0;
	v3 =	vmul.f32 v3, v2;
	_ =	sdelay $0x1  }
0x320: {  	v3 =	vadd.f32 v3, v4  }
0x321: {  	s21 =	sshll.u32 s21, $0x4  }
0x322: {  	s21 =	sand.u32 $0x3FFFFF40, s21;
	[tilespmem:$0x1B5B0] =	vst v3  }
0x323: {  	v3 =	vld [tilespmem:s21+$0x19200];
	_ =	sdelay $0x4  }
0x324: {  	v3 =	vnsel vm1, $0x0, v3  }
0x325: {  	v4 =	vshrl.u32 v3, $0x10  }
0x326: {  	v4 =	vand.u32 $0x1, v4  }
0x327: {  	v3 =	vadd.s32 v4, v3;
	v4 =	vimm.s32 $0x14;
	_ =	sdelay $0x3  }
0x328: {  	v3 =	vadd.s32 $0x7FFF, v3  }
0x329: {  	v3 =	vand.u32 $0xFFFF0000, v3;
	v4 =	vld.idx.msk [tilespmem:v4+s28+$0x0], $0xffff  }
0x32a: {  	[tilespmem:$0x1B570] =	vst v3  }
0x32b: {  	v3 =	vld.idx.msk [tilespmem:v23+s28+$0x0], $0xffff;
	_ =	sdelay $0x1  }
0x32c: {  	v5 =	vld.idx.msk [tilespmem:v22+s28+$0x0], $0xffff  }
0x32d: {  	v6 =	vmul.f32 v4, v61  }
0x32e: {  	v7 =	vld.idx.msk [tilespmem:v12+s28+$0x0], $0xffff;
	v4 =	vmul.f32 v4, v63  }
0x32f: {  	v8 =	vmul.f32 v32, v3;
	v6 =	vadd.f32 v6, v60  }
0x330: {  	v9 =	vld.idx.msk [tilespmem:v13+s28+$0x0], $0xffff;
	v3 =	vmul.f32 v33, v3;
	v4 =	vadd.f32 v4, v62  }
0x331: {  	v6 =	vadd.f32 v8, v6;
	v8 =	vmul.f32 v34, v5  }
0x332: {  	v3 =	vadd.f32 v3, v4;
	v4 =	vmul.f32 v35, v5;
	v5 =	vld.idx.msk [tilespmem:v14+s28+$0x0], $0xffff  }
0x333: {  	v6 =	vadd.f32 v8, v6;
	v8 =	vmul.f32 v36, v7  }
0x334: {  	v3 =	vadd.f32 v4, v3;
	v4 =	vmul.f32 v37, v7;
	v7 =	vld.idx.msk [tilespmem:v15+s28+$0x0], $0xffff  }
0x335: {  	v6 =	vadd.f32 v8, v6;
	v8 =	vmul.f32 v38, v9  }
0x336: {  	v3 =	vadd.f32 v4, v3;
	v4 =	vmul.f32 v39, v9;
	v9 =	vld.idx.msk [tilespmem:v16+s28+$0x0], $0xffff  }
0x337: {  	v6 =	vadd.f32 v8, v6;
	v8 =	vmul.f32 v40, v5  }
0x338: {  	v3 =	vadd.f32 v4, v3;
	v4 =	vmul.f32 v41, v5;
	v5 =	vld.idx.msk [tilespmem:v10+s28+$0x0], $0xffff  }
0x339: {  	v6 =	vadd.f32 v8, v6;
	v8 =	vmul.f32 v42, v7  }
0x33a: {  	v3 =	vadd.f32 v4, v3;
	v4 =	vmul.f32 v43, v7;
	v7 =	vld.idx.msk [tilespmem:v11+s28+$0x0], $0xffff  }
0x33b: {  	v6 =	vadd.f32 v8, v6;
	v8 =	vmul.f32 v44, v9  }
0x33c: {  	v3 =	vadd.f32 v4, v3;
	v4 =	vmul.f32 v45, v9;
	v9 =	vld.idx.msk [tilespmem:v17+s28+$0x0], $0xffff  }
0x33d: {  	v6 =	vadd.f32 v8, v6;
	v8 =	vmul.f32 v46, v5  }
0x33e: {  	v3 =	vadd.f32 v4, v3;
	v4 =	vmul.f32 v47, v5;
	v5 =	vld.idx.msk [tilespmem:v18+s28+$0x0], $0xffff  }
0x33f: {  	v6 =	vadd.f32 v8, v6;
	v8 =	vmul.f32 v48, v7  }
0x340: {  	v3 =	vadd.f32 v4, v3;
	v4 =	vmul.f32 v49, v7;
	v7 =	vld.idx.msk [tilespmem:v19+s28+$0x0], $0xffff  }
0x341: {  	v6 =	vadd.f32 v8, v6;
	v8 =	vmul.f32 v50, v9  }
0x342: {  	v3 =	vadd.f32 v4, v3;
	v4 =	vmul.f32 v51, v9;
	v9 =	vld.idx.msk [tilespmem:v20+s28+$0x0], $0xffff  }
0x343: {  	v6 =	vadd.f32 v8, v6;
	v8 =	vmul.f32 v52, v5  }
0x344: {  	v3 =	vadd.f32 v4, v3;
	v4 =	vmul.f32 v53, v5  }
0x345: {  	v5 =	vadd.f32 v8, v6;
	v6 =	vmul.f32 v54, v7;
	v8 =	vld.idx.msk [tilespmem:v21+s28+$0x0], $0xffff  }
0x346: {  	v3 =	vadd.f32 v4, v3;
	v4 =	vmul.f32 v55, v7  }
0x347: {  	v5 =	vadd.f32 v6, v5;
	v6 =	vmul.f32 v56, v9  }
0x348: {  	v3 =	vadd.f32 v4, v3;
	v4 =	vmul.f32 v57, v9  }
0x349: {  	v5 =	vadd.f32 v6, v5  }
0x34a: {  	v3 =	vadd.f32 v4, v3;
	v4 =	vmul.f32 v58, v8;
	v6 =	vmul.f32 v59, v8;
	_ =	sdelay $0x1  }
0x34b: {  	v4 =	vadd.f32 v4, v5;
	v3 =	vadd.f32 v6, v3;
	_ =	sdelay $0x1  }
0x34c: {  	v5 =	vshrl.u32 v4, $0x10;
	v6 =	vshrl.u32 v3, $0x10  }
0x34d: {  	v5 =	vand.u32 $0x1, v5;
	v6 =	vand.u32 $0x1, v6  }
0x34e: {  	v4 =	vadd.s32 v5, v4;
	v3 =	vadd.s32 v6, v3  }
0x34f: {  	v4 =	vadd.s32 $0x7FFF, v4;
	v3 =	vadd.s32 $0x7FFF, v3  }
0x350: {  	v4 =	vand.u32 $0xFFFF0000, v4;
	v3 =	vand.u32 $0xFFFF0000, v3  }
0x351: {  	v4 =	vmul.f32 v4, v0;
	v3 =	vmul.f32 v3, v2;
	_ =	sdelay $0x1  }
0x352: {  	v3 =	vadd.f32 v3, v4  }
0x353: {  	s20 =	sshll.u32 s20, $0x4  }
0x354: {  	s20 =	sand.u32 $0x3FFFFF50, s20;
	[tilespmem:$0x1B5C0] =	vst v3  }
0x355: {  	v3 =	vld [tilespmem:s20+$0x19200];
	_ =	sdelay $0x4  }
0x356: {  	v3 =	vnsel vm1, $0x0, v3  }
0x357: {  	v4 =	vshrl.u32 v3, $0x10  }
0x358: {  	v4 =	vand.u32 $0x1, v4  }
0x359: {  	v3 =	vadd.s32 v4, v3;
	v4 =	vimm.s32 $0x15;
	_ =	sdelay $0x3  }
0x35a: {  	v3 =	vadd.s32 $0x7FFF, v3  }
0x35b: {  	v3 =	vand.u32 $0xFFFF0000, v3;
	v4 =	vld.idx.msk [tilespmem:v4+s28+$0x0], $0xffff  }
0x35c: {  	[tilespmem:$0x1B570] =	vst v3  }
0x35d: {  	v3 =	vld.idx.msk [tilespmem:v23+s28+$0x0], $0xffff;
	_ =	sdelay $0x1  }
0x35e: {  	v5 =	vld.idx.msk [tilespmem:v22+s28+$0x0], $0xffff  }
0x35f: {  	v6 =	vmul.f32 v4, v61  }
0x360: {  	v7 =	vld.idx.msk [tilespmem:v12+s28+$0x0], $0xffff;
	v4 =	vmul.f32 v4, v63  }
0x361: {  	v8 =	vmul.f32 v32, v3;
	v6 =	vadd.f32 v6, v60  }
0x362: {  	v9 =	vld.idx.msk [tilespmem:v13+s28+$0x0], $0xffff;
	v3 =	vmul.f32 v33, v3;
	v4 =	vadd.f32 v4, v62  }
0x363: {  	v6 =	vadd.f32 v8, v6;
	v8 =	vmul.f32 v34, v5  }
0x364: {  	v3 =	vadd.f32 v3, v4;
	v4 =	vmul.f32 v35, v5;
	v5 =	vld.idx.msk [tilespmem:v14+s28+$0x0], $0xffff  }
0x365: {  	v6 =	vadd.f32 v8, v6;
	v8 =	vmul.f32 v36, v7  }
0x366: {  	v3 =	vadd.f32 v4, v3;
	v4 =	vmul.f32 v37, v7;
	v7 =	vld.idx.msk [tilespmem:v15+s28+$0x0], $0xffff  }
0x367: {  	v6 =	vadd.f32 v8, v6;
	v8 =	vmul.f32 v38, v9  }
0x368: {  	v3 =	vadd.f32 v4, v3;
	v4 =	vmul.f32 v39, v9;
	v9 =	vld.idx.msk [tilespmem:v16+s28+$0x0], $0xffff  }
0x369: {  	v6 =	vadd.f32 v8, v6;
	v8 =	vmul.f32 v40, v5  }
0x36a: {  	v3 =	vadd.f32 v4, v3;
	v4 =	vmul.f32 v41, v5;
	v5 =	vld.idx.msk [tilespmem:v10+s28+$0x0], $0xffff  }
0x36b: {  	v6 =	vadd.f32 v8, v6;
	v8 =	vmul.f32 v42, v7  }
0x36c: {  	v3 =	vadd.f32 v4, v3;
	v4 =	vmul.f32 v43, v7;
	v7 =	vld.idx.msk [tilespmem:v11+s28+$0x0], $0xffff  }
0x36d: {  	v6 =	vadd.f32 v8, v6;
	v8 =	vmul.f32 v44, v9  }
0x36e: {  	v3 =	vadd.f32 v4, v3;
	v4 =	vmul.f32 v45, v9;
	v9 =	vld.idx.msk [tilespmem:v17+s28+$0x0], $0xffff  }
0x36f: {  	v6 =	vadd.f32 v8, v6;
	v8 =	vmul.f32 v46, v5  }
0x370: {  	v3 =	vadd.f32 v4, v3;
	v4 =	vmul.f32 v47, v5;
	v5 =	vld.idx.msk [tilespmem:v18+s28+$0x0], $0xffff  }
0x371: {  	v6 =	vadd.f32 v8, v6;
	v8 =	vmul.f32 v48, v7  }
0x372: {  	v3 =	vadd.f32 v4, v3;
	v4 =	vmul.f32 v49, v7;
	v7 =	vld.idx.msk [tilespmem:v19+s28+$0x0], $0xffff  }
0x373: {  	v6 =	vadd.f32 v8, v6;
	v8 =	vmul.f32 v50, v9  }
0x374: {  	v3 =	vadd.f32 v4, v3;
	v4 =	vmul.f32 v51, v9;
	v9 =	vld.idx.msk [tilespmem:v20+s28+$0x0], $0xffff  }
0x375: {  	v6 =	vadd.f32 v8, v6;
	v8 =	vmul.f32 v52, v5  }
0x376: {  	v3 =	vadd.f32 v4, v3;
	v4 =	vmul.f32 v53, v5  }
0x377: {  	v5 =	vadd.f32 v8, v6;
	v6 =	vmul.f32 v54, v7;
	v8 =	vld.idx.msk [tilespmem:v21+s28+$0x0], $0xffff  }
0x378: {  	v3 =	vadd.f32 v4, v3;
	v4 =	vmul.f32 v55, v7  }
0x379: {  	v5 =	vadd.f32 v6, v5;
	v6 =	vmul.f32 v56, v9  }
0x37a: {  	v3 =	vadd.f32 v4, v3;
	v4 =	vmul.f32 v57, v9  }
0x37b: {  	v5 =	vadd.f32 v6, v5  }
0x37c: {  	v3 =	vadd.f32 v4, v3;
	v4 =	vmul.f32 v58, v8;
	v6 =	vmul.f32 v59, v8;
	_ =	sdelay $0x1  }
0x37d: {  	v4 =	vadd.f32 v4, v5;
	v3 =	vadd.f32 v6, v3;
	_ =	sdelay $0x1  }
0x37e: {  	v5 =	vshrl.u32 v4, $0x10;
	v6 =	vshrl.u32 v3, $0x10  }
0x37f: {  	v5 =	vand.u32 $0x1, v5;
	v6 =	vand.u32 $0x1, v6  }
0x380: {  	v4 =	vadd.s32 v5, v4;
	v3 =	vadd.s32 v6, v3  }
0x381: {  	v4 =	vadd.s32 $0x7FFF, v4;
	v3 =	vadd.s32 $0x7FFF, v3  }
0x382: {  	v4 =	vand.u32 $0xFFFF0000, v4;
	v3 =	vand.u32 $0xFFFF0000, v3  }
0x383: {  	v4 =	vmul.f32 v4, v0;
	v3 =	vmul.f32 v3, v2;
	_ =	sdelay $0x1  }
0x384: {  	v3 =	vadd.f32 v3, v4  }
0x385: {  	s19 =	sshll.u32 s19, $0x4  }
0x386: {  	s19 =	sand.u32 $0x3FFFFF60, s19;
	[tilespmem:$0x1B5D0] =	vst v3  }
0x387: {  	v3 =	vld [tilespmem:s19+$0x19200];
	_ =	sdelay $0x4  }
0x388: {  	v3 =	vnsel vm1, $0x0, v3  }
0x389: {  	v4 =	vshrl.u32 v3, $0x10  }
0x38a: {  	v4 =	vand.u32 $0x1, v4  }
0x38b: {  	v3 =	vadd.s32 v4, v3;
	v4 =	vimm.s32 $0x16;
	_ =	sdelay $0x3  }
0x38c: {  	v3 =	vadd.s32 $0x7FFF, v3  }
0x38d: {  	v3 =	vand.u32 $0xFFFF0000, v3;
	v4 =	vld.idx.msk [tilespmem:v4+s28+$0x0], $0xffff  }
0x38e: {  	[tilespmem:$0x1B570] =	vst v3  }
0x38f: {  	v3 =	vld.idx.msk [tilespmem:v23+s28+$0x0], $0xffff;
	_ =	sdelay $0x1  }
0x390: {  	v5 =	vld.idx.msk [tilespmem:v22+s28+$0x0], $0xffff  }
0x391: {  	v6 =	vmul.f32 v4, v61  }
0x392: {  	v7 =	vld.idx.msk [tilespmem:v12+s28+$0x0], $0xffff;
	v4 =	vmul.f32 v4, v63  }
0x393: {  	v8 =	vmul.f32 v32, v3;
	v6 =	vadd.f32 v6, v60  }
0x394: {  	v9 =	vld.idx.msk [tilespmem:v13+s28+$0x0], $0xffff;
	v3 =	vmul.f32 v33, v3;
	v4 =	vadd.f32 v4, v62  }
0x395: {  	v6 =	vadd.f32 v8, v6;
	v8 =	vmul.f32 v34, v5  }
0x396: {  	v3 =	vadd.f32 v3, v4;
	v4 =	vmul.f32 v35, v5;
	v5 =	vld.idx.msk [tilespmem:v14+s28+$0x0], $0xffff  }
0x397: {  	v6 =	vadd.f32 v8, v6;
	v8 =	vmul.f32 v36, v7  }
0x398: {  	v3 =	vadd.f32 v4, v3;
	v4 =	vmul.f32 v37, v7;
	v7 =	vld.idx.msk [tilespmem:v15+s28+$0x0], $0xffff  }
0x399: {  	v6 =	vadd.f32 v8, v6;
	v8 =	vmul.f32 v38, v9  }
0x39a: {  	v3 =	vadd.f32 v4, v3;
	v4 =	vmul.f32 v39, v9;
	v9 =	vld.idx.msk [tilespmem:v16+s28+$0x0], $0xffff  }
0x39b: {  	v6 =	vadd.f32 v8, v6;
	v8 =	vmul.f32 v40, v5  }
0x39c: {  	v3 =	vadd.f32 v4, v3;
	v4 =	vmul.f32 v41, v5;
	v5 =	vld.idx.msk [tilespmem:v10+s28+$0x0], $0xffff  }
0x39d: {  	v6 =	vadd.f32 v8, v6;
	v8 =	vmul.f32 v42, v7  }
0x39e: {  	v3 =	vadd.f32 v4, v3;
	v4 =	vmul.f32 v43, v7;
	v7 =	vld.idx.msk [tilespmem:v11+s28+$0x0], $0xffff  }
0x39f: {  	v6 =	vadd.f32 v8, v6;
	v8 =	vmul.f32 v44, v9  }
0x3a0: {  	v3 =	vadd.f32 v4, v3;
	v4 =	vmul.f32 v45, v9;
	v9 =	vld.idx.msk [tilespmem:v17+s28+$0x0], $0xffff  }
0x3a1: {  	v6 =	vadd.f32 v8, v6;
	v8 =	vmul.f32 v46, v5  }
0x3a2: {  	v3 =	vadd.f32 v4, v3;
	v4 =	vmul.f32 v47, v5;
	v5 =	vld.idx.msk [tilespmem:v18+s28+$0x0], $0xffff  }
0x3a3: {  	v6 =	vadd.f32 v8, v6;
	v8 =	vmul.f32 v48, v7  }
0x3a4: {  	v3 =	vadd.f32 v4, v3;
	v4 =	vmul.f32 v49, v7;
	v7 =	vld.idx.msk [tilespmem:v19+s28+$0x0], $0xffff  }
0x3a5: {  	v6 =	vadd.f32 v8, v6;
	v8 =	vmul.f32 v50, v9  }
0x3a6: {  	v3 =	vadd.f32 v4, v3;
	v4 =	vmul.f32 v51, v9;
	v9 =	vld.idx.msk [tilespmem:v20+s28+$0x0], $0xffff  }
0x3a7: {  	v6 =	vadd.f32 v8, v6;
	v8 =	vmul.f32 v52, v5  }
0x3a8: {  	v3 =	vadd.f32 v4, v3;
	v4 =	vmul.f32 v53, v5  }
0x3a9: {  	v5 =	vadd.f32 v8, v6;
	v6 =	vmul.f32 v54, v7;
	v8 =	vld.idx.msk [tilespmem:v21+s28+$0x0], $0xffff  }
0x3aa: {  	v3 =	vadd.f32 v4, v3;
	v4 =	vmul.f32 v55, v7  }
0x3ab: {  	v5 =	vadd.f32 v6, v5;
	v6 =	vmul.f32 v56, v9  }
0x3ac: {  	v3 =	vadd.f32 v4, v3;
	v4 =	vmul.f32 v57, v9  }
0x3ad: {  	v5 =	vadd.f32 v6, v5  }
0x3ae: {  	v3 =	vadd.f32 v4, v3;
	v4 =	vmul.f32 v58, v8;
	v6 =	vmul.f32 v59, v8;
	_ =	sdelay $0x1  }
0x3af: {  	v4 =	vadd.f32 v4, v5;
	v3 =	vadd.f32 v6, v3;
	_ =	sdelay $0x1  }
0x3b0: {  	v5 =	vshrl.u32 v4, $0x10;
	v6 =	vshrl.u32 v3, $0x10  }
0x3b1: {  	v5 =	vand.u32 $0x1, v5;
	v6 =	vand.u32 $0x1, v6  }
0x3b2: {  	v4 =	vadd.s32 v5, v4;
	v3 =	vadd.s32 v6, v3  }
0x3b3: {  	v4 =	vadd.s32 $0x7FFF, v4;
	v3 =	vadd.s32 $0x7FFF, v3  }
0x3b4: {  	v4 =	vand.u32 $0xFFFF0000, v4;
	v3 =	vand.u32 $0xFFFF0000, v3  }
0x3b5: {  	v4 =	vmul.f32 v4, v0;
	v3 =	vmul.f32 v3, v2;
	_ =	sdelay $0x1  }
0x3b6: {  	v3 =	vadd.f32 v3, v4  }
0x3b7: {  	s18 =	sshll.u32 s18, $0x4  }
0x3b8: {  	s18 =	sand.u32 $0x3FFFFF70, s18;
	[tilespmem:$0x1B5E0] =	vst v3  }
0x3b9: {  	v3 =	vld [tilespmem:s18+$0x19200];
	_ =	sdelay $0x4  }
0x3ba: {  	v3 =	vnsel vm1, $0x0, v3  }
0x3bb: {  	v4 =	vshrl.u32 v3, $0x10  }
0x3bc: {  	v4 =	vand.u32 $0x1, v4  }
0x3bd: {  	v3 =	vadd.s32 v4, v3;
	v4 =	vimm.s32 $0x17;
	_ =	sdelay $0x3  }
0x3be: {  	v3 =	vadd.s32 $0x7FFF, v3  }
0x3bf: {  	v3 =	vand.u32 $0xFFFF0000, v3;
	v4 =	vld.idx.msk [tilespmem:v4+s28+$0x0], $0xffff  }
0x3c0: {  	[tilespmem:$0x1B570] =	vst v3  }
0x3c1: {  	v3 =	vld.idx.msk [tilespmem:v23+s28+$0x0], $0xffff;
	_ =	sdelay $0x1  }
0x3c2: {  	v5 =	vld.idx.msk [tilespmem:v22+s28+$0x0], $0xffff  }
0x3c3: {  	v6 =	vmul.f32 v4, v61  }
0x3c4: {  	v7 =	vld.idx.msk [tilespmem:v12+s28+$0x0], $0xffff;
	v4 =	vmul.f32 v4, v63  }
0x3c5: {  	v8 =	vmul.f32 v32, v3;
	v6 =	vadd.f32 v6, v60  }
0x3c6: {  	v9 =	vld.idx.msk [tilespmem:v13+s28+$0x0], $0xffff;
	v3 =	vmul.f32 v33, v3;
	v4 =	vadd.f32 v4, v62  }
0x3c7: {  	v6 =	vadd.f32 v8, v6;
	v8 =	vmul.f32 v34, v5  }
0x3c8: {  	v3 =	vadd.f32 v3, v4;
	v4 =	vmul.f32 v35, v5;
	v5 =	vld.idx.msk [tilespmem:v14+s28+$0x0], $0xffff  }
0x3c9: {  	v6 =	vadd.f32 v8, v6;
	v8 =	vmul.f32 v36, v7  }
0x3ca: {  	v3 =	vadd.f32 v4, v3;
	v4 =	vmul.f32 v37, v7;
	v7 =	vld.idx.msk [tilespmem:v15+s28+$0x0], $0xffff  }
0x3cb: {  	v6 =	vadd.f32 v8, v6;
	v8 =	vmul.f32 v38, v9  }
0x3cc: {  	v3 =	vadd.f32 v4, v3;
	v4 =	vmul.f32 v39, v9;
	v9 =	vld.idx.msk [tilespmem:v16+s28+$0x0], $0xffff  }
0x3cd: {  	v6 =	vadd.f32 v8, v6;
	v8 =	vmul.f32 v40, v5  }
0x3ce: {  	v3 =	vadd.f32 v4, v3;
	v4 =	vmul.f32 v41, v5;
	v5 =	vld.idx.msk [tilespmem:v10+s28+$0x0], $0xffff  }
0x3cf: {  	v6 =	vadd.f32 v8, v6;
	v8 =	vmul.f32 v42, v7  }
0x3d0: {  	v3 =	vadd.f32 v4, v3;
	v4 =	vmul.f32 v43, v7;
	v7 =	vld.idx.msk [tilespmem:v11+s28+$0x0], $0xffff  }
0x3d1: {  	v6 =	vadd.f32 v8, v6;
	v8 =	vmul.f32 v44, v9  }
0x3d2: {  	v3 =	vadd.f32 v4, v3;
	v4 =	vmul.f32 v45, v9;
	v9 =	vld.idx.msk [tilespmem:v17+s28+$0x0], $0xffff  }
0x3d3: {  	v6 =	vadd.f32 v8, v6;
	v8 =	vmul.f32 v46, v5  }
0x3d4: {  	v3 =	vadd.f32 v4, v3;
	v4 =	vmul.f32 v47, v5;
	v5 =	vld.idx.msk [tilespmem:v18+s28+$0x0], $0xffff  }
0x3d5: {  	v6 =	vadd.f32 v8, v6;
	v8 =	vmul.f32 v48, v7  }
0x3d6: {  	v3 =	vadd.f32 v4, v3;
	v4 =	vmul.f32 v49, v7;
	v7 =	vld.idx.msk [tilespmem:v19+s28+$0x0], $0xffff  }
0x3d7: {  	v6 =	vadd.f32 v8, v6;
	v8 =	vmul.f32 v50, v9  }
0x3d8: {  	v3 =	vadd.f32 v4, v3;
	v4 =	vmul.f32 v51, v9;
	v9 =	vld.idx.msk [tilespmem:v20+s28+$0x0], $0xffff  }
0x3d9: {  	v6 =	vadd.f32 v8, v6;
	v8 =	vmul.f32 v52, v5  }
0x3da: {  	v3 =	vadd.f32 v4, v3;
	v4 =	vmul.f32 v53, v5  }
0x3db: {  	v5 =	vadd.f32 v8, v6;
	v6 =	vmul.f32 v54, v7;
	v8 =	vld.idx.msk [tilespmem:v21+s28+$0x0], $0xffff  }
0x3dc: {  	v3 =	vadd.f32 v4, v3;
	v4 =	vmul.f32 v55, v7  }
0x3dd: {  	v5 =	vadd.f32 v6, v5;
	v6 =	vmul.f32 v56, v9  }
0x3de: {  	v3 =	vadd.f32 v4, v3;
	v4 =	vmul.f32 v57, v9  }
0x3df: {  	v5 =	vadd.f32 v6, v5  }
0x3e0: {  	v3 =	vadd.f32 v4, v3;
	v4 =	vmul.f32 v58, v8;
	v6 =	vmul.f32 v59, v8;
	_ =	sdelay $0x1  }
0x3e1: {  	v4 =	vadd.f32 v4, v5;
	v3 =	vadd.f32 v6, v3;
	_ =	sdelay $0x1  }
0x3e2: {  	v5 =	vshrl.u32 v4, $0x10;
	v6 =	vshrl.u32 v3, $0x10  }
0x3e3: {  	v5 =	vand.u32 $0x1, v5;
	v6 =	vand.u32 $0x1, v6  }
0x3e4: {  	v4 =	vadd.s32 v5, v4;
	v3 =	vadd.s32 v6, v3  }
0x3e5: {  	v4 =	vadd.s32 $0x7FFF, v4;
	v3 =	vadd.s32 $0x7FFF, v3  }
0x3e6: {  	v4 =	vand.u32 $0xFFFF0000, v4;
	v3 =	vand.u32 $0xFFFF0000, v3  }
0x3e7: {  	v4 =	vmul.f32 v4, v0;
	v3 =	vmul.f32 v3, v2;
	_ =	sdelay $0x1  }
0x3e8: {  	v3 =	vadd.f32 v3, v4  }
0x3e9: {  	s17 =	sshll.u32 s17, $0x4  }
0x3ea: {  	s17 =	sand.u32 $0x3FFFFF80, s17;
	[tilespmem:$0x1B5F0] =	vst v3  }
0x3eb: {  	v3 =	vld [tilespmem:s17+$0x19200];
	_ =	sdelay $0x4  }
0x3ec: {  	v3 =	vnsel vm1, $0x0, v3  }
0x3ed: {  	v4 =	vshrl.u32 v3, $0x10  }
0x3ee: {  	v4 =	vand.u32 $0x1, v4  }
0x3ef: {  	v3 =	vadd.s32 v4, v3;
	v4 =	vimm.s32 $0x18;
	_ =	sdelay $0x3  }
0x3f0: {  	v3 =	vadd.s32 $0x7FFF, v3  }
0x3f1: {  	v3 =	vand.u32 $0xFFFF0000, v3;
	v4 =	vld.idx.msk [tilespmem:v4+s28+$0x0], $0xffff  }
0x3f2: {  	[tilespmem:$0x1B570] =	vst v3  }
0x3f3: {  	v3 =	vld.idx.msk [tilespmem:v23+s28+$0x0], $0xffff;
	_ =	sdelay $0x1  }
0x3f4: {  	v5 =	vld.idx.msk [tilespmem:v22+s28+$0x0], $0xffff  }
0x3f5: {  	v6 =	vmul.f32 v4, v61  }
0x3f6: {  	v7 =	vld.idx.msk [tilespmem:v12+s28+$0x0], $0xffff;
	v4 =	vmul.f32 v4, v63  }
0x3f7: {  	v8 =	vmul.f32 v32, v3;
	v6 =	vadd.f32 v6, v60  }
0x3f8: {  	v9 =	vld.idx.msk [tilespmem:v13+s28+$0x0], $0xffff;
	v3 =	vmul.f32 v33, v3;
	v4 =	vadd.f32 v4, v62  }
0x3f9: {  	v6 =	vadd.f32 v8, v6;
	v8 =	vmul.f32 v34, v5  }
0x3fa: {  	v3 =	vadd.f32 v3, v4;
	v4 =	vmul.f32 v35, v5;
	v5 =	vld.idx.msk [tilespmem:v14+s28+$0x0], $0xffff  }
0x3fb: {  	v6 =	vadd.f32 v8, v6;
	v8 =	vmul.f32 v36, v7  }
0x3fc: {  	v3 =	vadd.f32 v4, v3;
	v4 =	vmul.f32 v37, v7;
	v7 =	vld.idx.msk [tilespmem:v15+s28+$0x0], $0xffff  }
0x3fd: {  	v6 =	vadd.f32 v8, v6;
	v8 =	vmul.f32 v38, v9  }
0x3fe: {  	v3 =	vadd.f32 v4, v3;
	v4 =	vmul.f32 v39, v9;
	v9 =	vld.idx.msk [tilespmem:v16+s28+$0x0], $0xffff  }
0x3ff: {  	v6 =	vadd.f32 v8, v6;
	v8 =	vmul.f32 v40, v5  }
0x400: {  	v3 =	vadd.f32 v4, v3;
	v4 =	vmul.f32 v41, v5;
	v5 =	vld.idx.msk [tilespmem:v10+s28+$0x0], $0xffff  }
0x401: {  	v6 =	vadd.f32 v8, v6;
	v8 =	vmul.f32 v42, v7  }
0x402: {  	v3 =	vadd.f32 v4, v3;
	v4 =	vmul.f32 v43, v7;
	v7 =	vld.idx.msk [tilespmem:v11+s28+$0x0], $0xffff  }
0x403: {  	v6 =	vadd.f32 v8, v6;
	v8 =	vmul.f32 v44, v9  }
0x404: {  	v3 =	vadd.f32 v4, v3;
	v4 =	vmul.f32 v45, v9;
	v9 =	vld.idx.msk [tilespmem:v17+s28+$0x0], $0xffff  }
0x405: {  	v6 =	vadd.f32 v8, v6;
	v8 =	vmul.f32 v46, v5  }
0x406: {  	v3 =	vadd.f32 v4, v3;
	v4 =	vmul.f32 v47, v5;
	v5 =	vld.idx.msk [tilespmem:v18+s28+$0x0], $0xffff  }
0x407: {  	v6 =	vadd.f32 v8, v6;
	v8 =	vmul.f32 v48, v7  }
0x408: {  	v3 =	vadd.f32 v4, v3;
	v4 =	vmul.f32 v49, v7;
	v7 =	vld.idx.msk [tilespmem:v19+s28+$0x0], $0xffff  }
0x409: {  	v6 =	vadd.f32 v8, v6;
	v8 =	vmul.f32 v50, v9  }
0x40a: {  	v3 =	vadd.f32 v4, v3;
	v4 =	vmul.f32 v51, v9;
	v9 =	vld.idx.msk [tilespmem:v20+s28+$0x0], $0xffff  }
0x40b: {  	v6 =	vadd.f32 v8, v6;
	v8 =	vmul.f32 v52, v5  }
0x40c: {  	v3 =	vadd.f32 v4, v3;
	v4 =	vmul.f32 v53, v5  }
0x40d: {  	v5 =	vadd.f32 v8, v6;
	v6 =	vmul.f32 v54, v7;
	v8 =	vld.idx.msk [tilespmem:v21+s28+$0x0], $0xffff  }
0x40e: {  	v3 =	vadd.f32 v4, v3;
	v4 =	vmul.f32 v55, v7  }
0x40f: {  	v5 =	vadd.f32 v6, v5;
	v6 =	vmul.f32 v56, v9  }
0x410: {  	v3 =	vadd.f32 v4, v3;
	v4 =	vmul.f32 v57, v9  }
0x411: {  	v5 =	vadd.f32 v6, v5  }
0x412: {  	v3 =	vadd.f32 v4, v3;
	v4 =	vmul.f32 v58, v8;
	v6 =	vmul.f32 v59, v8;
	_ =	sdelay $0x1  }
0x413: {  	v4 =	vadd.f32 v4, v5;
	v3 =	vadd.f32 v6, v3;
	_ =	sdelay $0x1  }
0x414: {  	v5 =	vshrl.u32 v4, $0x10;
	v6 =	vshrl.u32 v3, $0x10  }
0x415: {  	v5 =	vand.u32 $0x1, v5;
	v6 =	vand.u32 $0x1, v6  }
0x416: {  	v4 =	vadd.s32 v5, v4;
	v3 =	vadd.s32 v6, v3  }
0x417: {  	v4 =	vadd.s32 $0x7FFF, v4;
	v3 =	vadd.s32 $0x7FFF, v3  }
0x418: {  	v4 =	vand.u32 $0xFFFF0000, v4;
	v3 =	vand.u32 $0xFFFF0000, v3  }
0x419: {  	v4 =	vmul.f32 v4, v0;
	v3 =	vmul.f32 v3, v2;
	_ =	sdelay $0x1  }
0x41a: {  	v3 =	vadd.f32 v3, v4  }
0x41b: {  	s16 =	sshll.u32 s16, $0x4  }
0x41c: {  	s16 =	sand.u32 $0x3FFFFF90, s16;
	[tilespmem:$0x1B600] =	vst v3  }
0x41d: {  	v3 =	vld [tilespmem:s16+$0x19200];
	_ =	sdelay $0x4  }
0x41e: {  	v3 =	vnsel vm1, $0x0, v3  }
0x41f: {  	v4 =	vshrl.u32 v3, $0x10  }
0x420: {  	v4 =	vand.u32 $0x1, v4  }
0x421: {  	v3 =	vadd.s32 v4, v3;
	v4 =	vimm.s32 $0x19;
	_ =	sdelay $0x3  }
0x422: {  	v3 =	vadd.s32 $0x7FFF, v3  }
0x423: {  	v3 =	vand.u32 $0xFFFF0000, v3;
	v4 =	vld.idx.msk [tilespmem:v4+s28+$0x0], $0xffff  }
0x424: {  	[tilespmem:$0x1B570] =	vst v3  }
0x425: {  	v3 =	vld.idx.msk [tilespmem:v23+s28+$0x0], $0xffff;
	_ =	sdelay $0x1  }
0x426: {  	v5 =	vld.idx.msk [tilespmem:v22+s28+$0x0], $0xffff  }
0x427: {  	v6 =	vmul.f32 v4, v61  }
0x428: {  	v7 =	vld.idx.msk [tilespmem:v12+s28+$0x0], $0xffff;
	v4 =	vmul.f32 v4, v63  }
0x429: {  	v8 =	vmul.f32 v32, v3;
	v6 =	vadd.f32 v6, v60  }
0x42a: {  	v9 =	vld.idx.msk [tilespmem:v13+s28+$0x0], $0xffff;
	v3 =	vmul.f32 v33, v3;
	v4 =	vadd.f32 v4, v62  }
0x42b: {  	v6 =	vadd.f32 v8, v6;
	v8 =	vmul.f32 v34, v5  }
0x42c: {  	v3 =	vadd.f32 v3, v4;
	v4 =	vmul.f32 v35, v5;
	v5 =	vld.idx.msk [tilespmem:v14+s28+$0x0], $0xffff  }
0x42d: {  	v6 =	vadd.f32 v8, v6;
	v8 =	vmul.f32 v36, v7  }
0x42e: {  	v3 =	vadd.f32 v4, v3;
	v4 =	vmul.f32 v37, v7;
	v7 =	vld.idx.msk [tilespmem:v15+s28+$0x0], $0xffff  }
0x42f: {  	v6 =	vadd.f32 v8, v6;
	v8 =	vmul.f32 v38, v9  }
0x430: {  	v3 =	vadd.f32 v4, v3;
	v4 =	vmul.f32 v39, v9;
	v9 =	vld.idx.msk [tilespmem:v16+s28+$0x0], $0xffff  }
0x431: {  	v6 =	vadd.f32 v8, v6;
	v8 =	vmul.f32 v40, v5  }
0x432: {  	v3 =	vadd.f32 v4, v3;
	v4 =	vmul.f32 v41, v5;
	v5 =	vld.idx.msk [tilespmem:v10+s28+$0x0], $0xffff  }
0x433: {  	v6 =	vadd.f32 v8, v6;
	v8 =	vmul.f32 v42, v7  }
0x434: {  	v3 =	vadd.f32 v4, v3;
	v4 =	vmul.f32 v43, v7;
	v7 =	vld.idx.msk [tilespmem:v11+s28+$0x0], $0xffff  }
0x435: {  	v6 =	vadd.f32 v8, v6;
	v8 =	vmul.f32 v44, v9  }
0x436: {  	v3 =	vadd.f32 v4, v3;
	v4 =	vmul.f32 v45, v9;
	v9 =	vld.idx.msk [tilespmem:v17+s28+$0x0], $0xffff  }
0x437: {  	v6 =	vadd.f32 v8, v6;
	v8 =	vmul.f32 v46, v5  }
0x438: {  	v3 =	vadd.f32 v4, v3;
	v4 =	vmul.f32 v47, v5;
	v5 =	vld.idx.msk [tilespmem:v18+s28+$0x0], $0xffff  }
0x439: {  	v6 =	vadd.f32 v8, v6;
	v8 =	vmul.f32 v48, v7  }
0x43a: {  	v3 =	vadd.f32 v4, v3;
	v4 =	vmul.f32 v49, v7;
	v7 =	vld.idx.msk [tilespmem:v19+s28+$0x0], $0xffff  }
0x43b: {  	v6 =	vadd.f32 v8, v6;
	v8 =	vmul.f32 v50, v9  }
0x43c: {  	v3 =	vadd.f32 v4, v3;
	v4 =	vmul.f32 v51, v9;
	v9 =	vld.idx.msk [tilespmem:v20+s28+$0x0], $0xffff  }
0x43d: {  	v6 =	vadd.f32 v8, v6;
	v8 =	vmul.f32 v52, v5  }
0x43e: {  	v3 =	vadd.f32 v4, v3;
	v4 =	vmul.f32 v53, v5  }
0x43f: {  	v5 =	vadd.f32 v8, v6;
	v6 =	vmul.f32 v54, v7;
	v8 =	vld.idx.msk [tilespmem:v21+s28+$0x0], $0xffff  }
0x440: {  	v3 =	vadd.f32 v4, v3;
	v4 =	vmul.f32 v55, v7  }
0x441: {  	v5 =	vadd.f32 v6, v5;
	v6 =	vmul.f32 v56, v9  }
0x442: {  	v3 =	vadd.f32 v4, v3;
	v4 =	vmul.f32 v57, v9  }
0x443: {  	v5 =	vadd.f32 v6, v5  }
0x444: {  	v3 =	vadd.f32 v4, v3;
	v4 =	vmul.f32 v58, v8;
	v6 =	vmul.f32 v59, v8;
	_ =	sdelay $0x1  }
0x445: {  	v4 =	vadd.f32 v4, v5;
	v3 =	vadd.f32 v6, v3;
	_ =	sdelay $0x1  }
0x446: {  	v5 =	vshrl.u32 v4, $0x10;
	v6 =	vshrl.u32 v3, $0x10  }
0x447: {  	v5 =	vand.u32 $0x1, v5;
	v6 =	vand.u32 $0x1, v6  }
0x448: {  	v4 =	vadd.s32 v5, v4;
	v3 =	vadd.s32 v6, v3  }
0x449: {  	v4 =	vadd.s32 $0x7FFF, v4;
	v3 =	vadd.s32 $0x7FFF, v3  }
0x44a: {  	v4 =	vand.u32 $0xFFFF0000, v4;
	v3 =	vand.u32 $0xFFFF0000, v3  }
0x44b: {  	v4 =	vmul.f32 v4, v0;
	v3 =	vmul.f32 v3, v2;
	_ =	sdelay $0x1  }
0x44c: {  	v3 =	vadd.f32 v3, v4  }
0x44d: {  	s15 =	sshll.u32 s15, $0x4  }
0x44e: {  	s15 =	sand.u32 $0x3FFFFFA0, s15;
	[tilespmem:$0x1B610] =	vst v3  }
0x44f: {  	v3 =	vld [tilespmem:s15+$0x19200];
	_ =	sdelay $0x4  }
0x450: {  	v3 =	vnsel vm1, $0x0, v3  }
0x451: {  	v4 =	vshrl.u32 v3, $0x10  }
0x452: {  	v4 =	vand.u32 $0x1, v4  }
0x453: {  	v3 =	vadd.s32 v4, v3;
	v4 =	vimm.s32 $0x1A;
	_ =	sdelay $0x3  }
0x454: {  	v3 =	vadd.s32 $0x7FFF, v3  }
0x455: {  	v3 =	vand.u32 $0xFFFF0000, v3;
	v4 =	vld.idx.msk [tilespmem:v4+s28+$0x0], $0xffff  }
0x456: {  	[tilespmem:$0x1B570] =	vst v3  }
0x457: {  	v3 =	vld.idx.msk [tilespmem:v23+s28+$0x0], $0xffff;
	_ =	sdelay $0x1  }
0x458: {  	v5 =	vld.idx.msk [tilespmem:v22+s28+$0x0], $0xffff  }
0x459: {  	v6 =	vmul.f32 v4, v61  }
0x45a: {  	v7 =	vld.idx.msk [tilespmem:v12+s28+$0x0], $0xffff;
	v4 =	vmul.f32 v4, v63  }
0x45b: {  	v8 =	vmul.f32 v32, v3;
	v6 =	vadd.f32 v6, v60  }
0x45c: {  	v9 =	vld.idx.msk [tilespmem:v13+s28+$0x0], $0xffff;
	v3 =	vmul.f32 v33, v3;
	v4 =	vadd.f32 v4, v62  }
0x45d: {  	v6 =	vadd.f32 v8, v6;
	v8 =	vmul.f32 v34, v5  }
0x45e: {  	v3 =	vadd.f32 v3, v4;
	v4 =	vmul.f32 v35, v5;
	v5 =	vld.idx.msk [tilespmem:v14+s28+$0x0], $0xffff  }
0x45f: {  	v6 =	vadd.f32 v8, v6;
	v8 =	vmul.f32 v36, v7  }
0x460: {  	v3 =	vadd.f32 v4, v3;
	v4 =	vmul.f32 v37, v7;
	v7 =	vld.idx.msk [tilespmem:v15+s28+$0x0], $0xffff  }
0x461: {  	v6 =	vadd.f32 v8, v6;
	v8 =	vmul.f32 v38, v9  }
0x462: {  	v3 =	vadd.f32 v4, v3;
	v4 =	vmul.f32 v39, v9;
	v9 =	vld.idx.msk [tilespmem:v16+s28+$0x0], $0xffff  }
0x463: {  	v6 =	vadd.f32 v8, v6;
	v8 =	vmul.f32 v40, v5  }
0x464: {  	v3 =	vadd.f32 v4, v3;
	v4 =	vmul.f32 v41, v5;
	v5 =	vld.idx.msk [tilespmem:v10+s28+$0x0], $0xffff  }
0x465: {  	v6 =	vadd.f32 v8, v6;
	v8 =	vmul.f32 v42, v7  }
0x466: {  	v3 =	vadd.f32 v4, v3;
	v4 =	vmul.f32 v43, v7;
	v7 =	vld.idx.msk [tilespmem:v11+s28+$0x0], $0xffff  }
0x467: {  	v6 =	vadd.f32 v8, v6;
	v8 =	vmul.f32 v44, v9  }
0x468: {  	v3 =	vadd.f32 v4, v3;
	v4 =	vmul.f32 v45, v9;
	v9 =	vld.idx.msk [tilespmem:v17+s28+$0x0], $0xffff  }
0x469: {  	v6 =	vadd.f32 v8, v6;
	v8 =	vmul.f32 v46, v5  }
0x46a: {  	v3 =	vadd.f32 v4, v3;
	v4 =	vmul.f32 v47, v5;
	v5 =	vld.idx.msk [tilespmem:v18+s28+$0x0], $0xffff  }
0x46b: {  	v6 =	vadd.f32 v8, v6;
	v8 =	vmul.f32 v48, v7  }
0x46c: {  	v3 =	vadd.f32 v4, v3;
	v4 =	vmul.f32 v49, v7;
	v7 =	vld.idx.msk [tilespmem:v19+s28+$0x0], $0xffff  }
0x46d: {  	v6 =	vadd.f32 v8, v6;
	v8 =	vmul.f32 v50, v9  }
0x46e: {  	v3 =	vadd.f32 v4, v3;
	v4 =	vmul.f32 v51, v9;
	v9 =	vld.idx.msk [tilespmem:v20+s28+$0x0], $0xffff  }
0x46f: {  	v6 =	vadd.f32 v8, v6;
	v8 =	vmul.f32 v52, v5  }
0x470: {  	v3 =	vadd.f32 v4, v3;
	v4 =	vmul.f32 v53, v5  }
0x471: {  	v5 =	vadd.f32 v8, v6;
	v6 =	vmul.f32 v54, v7;
	v8 =	vld.idx.msk [tilespmem:v21+s28+$0x0], $0xffff  }
0x472: {  	v3 =	vadd.f32 v4, v3;
	v4 =	vmul.f32 v55, v7  }
0x473: {  	v5 =	vadd.f32 v6, v5;
	v6 =	vmul.f32 v56, v9  }
0x474: {  	v3 =	vadd.f32 v4, v3;
	v4 =	vmul.f32 v57, v9  }
0x475: {  	v5 =	vadd.f32 v6, v5  }
0x476: {  	v3 =	vadd.f32 v4, v3;
	v4 =	vmul.f32 v58, v8;
	v6 =	vmul.f32 v59, v8;
	_ =	sdelay $0x1  }
0x477: {  	v4 =	vadd.f32 v4, v5;
	v3 =	vadd.f32 v6, v3;
	_ =	sdelay $0x1  }
0x478: {  	v5 =	vshrl.u32 v4, $0x10;
	v6 =	vshrl.u32 v3, $0x10  }
0x479: {  	v5 =	vand.u32 $0x1, v5;
	v6 =	vand.u32 $0x1, v6  }
0x47a: {  	v4 =	vadd.s32 v5, v4;
	v3 =	vadd.s32 v6, v3  }
0x47b: {  	v4 =	vadd.s32 $0x7FFF, v4;
	v3 =	vadd.s32 $0x7FFF, v3  }
0x47c: {  	v4 =	vand.u32 $0xFFFF0000, v4;
	v3 =	vand.u32 $0xFFFF0000, v3  }
0x47d: {  	v4 =	vmul.f32 v4, v0;
	v3 =	vmul.f32 v3, v2;
	_ =	sdelay $0x1  }
0x47e: {  	v3 =	vadd.f32 v3, v4  }
0x47f: {  	s14 =	sshll.u32 s14, $0x4  }
0x480: {  	s14 =	sand.u32 $0x3FFFFFB0, s14;
	[tilespmem:$0x1B620] =	vst v3  }
0x481: {  	v3 =	vld [tilespmem:s14+$0x19200];
	_ =	sdelay $0x4  }
0x482: {  	v3 =	vnsel vm1, $0x0, v3  }
0x483: {  	v4 =	vshrl.u32 v3, $0x10  }
0x484: {  	v4 =	vand.u32 $0x1, v4  }
0x485: {  	v3 =	vadd.s32 v4, v3;
	v4 =	vimm.s32 $0x1B;
	_ =	sdelay $0x3  }
0x486: {  	v3 =	vadd.s32 $0x7FFF, v3  }
0x487: {  	v3 =	vand.u32 $0xFFFF0000, v3;
	v4 =	vld.idx.msk [tilespmem:v4+s28+$0x0], $0xffff  }
0x488: {  	[tilespmem:$0x1B570] =	vst v3  }
0x489: {  	v3 =	vld.idx.msk [tilespmem:v23+s28+$0x0], $0xffff;
	_ =	sdelay $0x1  }
0x48a: {  	v5 =	vld.idx.msk [tilespmem:v22+s28+$0x0], $0xffff  }
0x48b: {  	v6 =	vmul.f32 v4, v61  }
0x48c: {  	v7 =	vld.idx.msk [tilespmem:v12+s28+$0x0], $0xffff;
	v4 =	vmul.f32 v4, v63  }
0x48d: {  	v8 =	vmul.f32 v32, v3;
	v6 =	vadd.f32 v6, v60  }
0x48e: {  	v9 =	vld.idx.msk [tilespmem:v13+s28+$0x0], $0xffff;
	v3 =	vmul.f32 v33, v3;
	v4 =	vadd.f32 v4, v62  }
0x48f: {  	v6 =	vadd.f32 v8, v6;
	v8 =	vmul.f32 v34, v5  }
0x490: {  	v3 =	vadd.f32 v3, v4;
	v4 =	vmul.f32 v35, v5;
	v5 =	vld.idx.msk [tilespmem:v14+s28+$0x0], $0xffff  }
0x491: {  	v6 =	vadd.f32 v8, v6;
	v8 =	vmul.f32 v36, v7  }
0x492: {  	v3 =	vadd.f32 v4, v3;
	v4 =	vmul.f32 v37, v7;
	v7 =	vld.idx.msk [tilespmem:v15+s28+$0x0], $0xffff  }
0x493: {  	v6 =	vadd.f32 v8, v6;
	v8 =	vmul.f32 v38, v9  }
0x494: {  	v3 =	vadd.f32 v4, v3;
	v4 =	vmul.f32 v39, v9;
	v9 =	vld.idx.msk [tilespmem:v16+s28+$0x0], $0xffff  }
0x495: {  	v6 =	vadd.f32 v8, v6;
	v8 =	vmul.f32 v40, v5  }
0x496: {  	v3 =	vadd.f32 v4, v3;
	v4 =	vmul.f32 v41, v5;
	v5 =	vld.idx.msk [tilespmem:v10+s28+$0x0], $0xffff  }
0x497: {  	v6 =	vadd.f32 v8, v6;
	v8 =	vmul.f32 v42, v7  }
0x498: {  	v3 =	vadd.f32 v4, v3;
	v4 =	vmul.f32 v43, v7;
	v7 =	vld.idx.msk [tilespmem:v11+s28+$0x0], $0xffff  }
0x499: {  	v6 =	vadd.f32 v8, v6;
	v8 =	vmul.f32 v44, v9  }
0x49a: {  	v3 =	vadd.f32 v4, v3;
	v4 =	vmul.f32 v45, v9;
	v9 =	vld.idx.msk [tilespmem:v17+s28+$0x0], $0xffff  }
0x49b: {  	v6 =	vadd.f32 v8, v6;
	v8 =	vmul.f32 v46, v5  }
0x49c: {  	v3 =	vadd.f32 v4, v3;
	v4 =	vmul.f32 v47, v5;
	v5 =	vld.idx.msk [tilespmem:v18+s28+$0x0], $0xffff  }
0x49d: {  	v6 =	vadd.f32 v8, v6;
	v8 =	vmul.f32 v48, v7  }
0x49e: {  	v3 =	vadd.f32 v4, v3;
	v4 =	vmul.f32 v49, v7;
	v7 =	vld.idx.msk [tilespmem:v19+s28+$0x0], $0xffff  }
0x49f: {  	v6 =	vadd.f32 v8, v6;
	v8 =	vmul.f32 v50, v9  }
0x4a0: {  	v3 =	vadd.f32 v4, v3;
	v4 =	vmul.f32 v51, v9;
	v9 =	vld.idx.msk [tilespmem:v20+s28+$0x0], $0xffff  }
0x4a1: {  	v6 =	vadd.f32 v8, v6;
	v8 =	vmul.f32 v52, v5  }
0x4a2: {  	v3 =	vadd.f32 v4, v3;
	v4 =	vmul.f32 v53, v5  }
0x4a3: {  	v5 =	vadd.f32 v8, v6;
	v6 =	vmul.f32 v54, v7;
	v8 =	vld.idx.msk [tilespmem:v21+s28+$0x0], $0xffff  }
0x4a4: {  	v3 =	vadd.f32 v4, v3;
	v4 =	vmul.f32 v55, v7  }
0x4a5: {  	v5 =	vadd.f32 v6, v5;
	v6 =	vmul.f32 v56, v9  }
0x4a6: {  	v3 =	vadd.f32 v4, v3;
	v4 =	vmul.f32 v57, v9  }
0x4a7: {  	v5 =	vadd.f32 v6, v5  }
0x4a8: {  	v3 =	vadd.f32 v4, v3;
	v4 =	vmul.f32 v58, v8;
	v6 =	vmul.f32 v59, v8;
	_ =	sdelay $0x1  }
0x4a9: {  	v4 =	vadd.f32 v4, v5;
	v3 =	vadd.f32 v6, v3;
	_ =	sdelay $0x1  }
0x4aa: {  	v5 =	vshrl.u32 v4, $0x10;
	v6 =	vshrl.u32 v3, $0x10  }
0x4ab: {  	v5 =	vand.u32 $0x1, v5;
	v6 =	vand.u32 $0x1, v6  }
0x4ac: {  	v4 =	vadd.s32 v5, v4;
	v3 =	vadd.s32 v6, v3  }
0x4ad: {  	v4 =	vadd.s32 $0x7FFF, v4;
	v3 =	vadd.s32 $0x7FFF, v3  }
0x4ae: {  	v4 =	vand.u32 $0xFFFF0000, v4;
	v3 =	vand.u32 $0xFFFF0000, v3  }
0x4af: {  	v4 =	vmul.f32 v4, v0;
	v3 =	vmul.f32 v3, v2;
	_ =	sdelay $0x1  }
0x4b0: {  	v3 =	vadd.f32 v3, v4  }
0x4b1: {  	s5 =	sshll.u32 s5, $0x4  }
0x4b2: {  	s5 =	sand.u32 $0x3FFFFFC0, s5;
	[tilespmem:$0x1B630] =	vst v3  }
0x4b3: {  	v3 =	vld [tilespmem:s5+$0x19200];
	_ =	sdelay $0x4  }
0x4b4: {  	v3 =	vnsel vm1, $0x0, v3  }
0x4b5: {  	v4 =	vshrl.u32 v3, $0x10  }
0x4b6: {  	v4 =	vand.u32 $0x1, v4  }
0x4b7: {  	v3 =	vadd.s32 v4, v3;
	v4 =	vimm.s32 $0x1C;
	_ =	sdelay $0x3  }
0x4b8: {  	v3 =	vadd.s32 $0x7FFF, v3  }
0x4b9: {  	v3 =	vand.u32 $0xFFFF0000, v3;
	v4 =	vld.idx.msk [tilespmem:v4+s28+$0x0], $0xffff  }
0x4ba: {  	[tilespmem:$0x1B570] =	vst v3  }
0x4bb: {  	v3 =	vld.idx.msk [tilespmem:v23+s28+$0x0], $0xffff;
	_ =	sdelay $0x1  }
0x4bc: {  	v5 =	vld.idx.msk [tilespmem:v22+s28+$0x0], $0xffff  }
0x4bd: {  	v6 =	vmul.f32 v4, v61  }
0x4be: {  	v7 =	vld.idx.msk [tilespmem:v12+s28+$0x0], $0xffff;
	v4 =	vmul.f32 v4, v63  }
0x4bf: {  	v8 =	vmul.f32 v32, v3;
	v6 =	vadd.f32 v6, v60  }
0x4c0: {  	v9 =	vld.idx.msk [tilespmem:v13+s28+$0x0], $0xffff;
	v3 =	vmul.f32 v33, v3;
	v4 =	vadd.f32 v4, v62  }
0x4c1: {  	v6 =	vadd.f32 v8, v6;
	v8 =	vmul.f32 v34, v5  }
0x4c2: {  	v3 =	vadd.f32 v3, v4;
	v4 =	vmul.f32 v35, v5;
	v5 =	vld.idx.msk [tilespmem:v14+s28+$0x0], $0xffff  }
0x4c3: {  	v6 =	vadd.f32 v8, v6;
	v8 =	vmul.f32 v36, v7  }
0x4c4: {  	v3 =	vadd.f32 v4, v3;
	v4 =	vmul.f32 v37, v7;
	v7 =	vld.idx.msk [tilespmem:v15+s28+$0x0], $0xffff  }
0x4c5: {  	v6 =	vadd.f32 v8, v6;
	v8 =	vmul.f32 v38, v9  }
0x4c6: {  	v3 =	vadd.f32 v4, v3;
	v4 =	vmul.f32 v39, v9;
	v9 =	vld.idx.msk [tilespmem:v16+s28+$0x0], $0xffff  }
0x4c7: {  	v6 =	vadd.f32 v8, v6;
	v8 =	vmul.f32 v40, v5  }
0x4c8: {  	v3 =	vadd.f32 v4, v3;
	v4 =	vmul.f32 v41, v5;
	v5 =	vld.idx.msk [tilespmem:v10+s28+$0x0], $0xffff  }
0x4c9: {  	v6 =	vadd.f32 v8, v6;
	v8 =	vmul.f32 v42, v7  }
0x4ca: {  	v3 =	vadd.f32 v4, v3;
	v4 =	vmul.f32 v43, v7;
	v7 =	vld.idx.msk [tilespmem:v11+s28+$0x0], $0xffff  }
0x4cb: {  	v6 =	vadd.f32 v8, v6;
	v8 =	vmul.f32 v44, v9  }
0x4cc: {  	v3 =	vadd.f32 v4, v3;
	v4 =	vmul.f32 v45, v9;
	v9 =	vld.idx.msk [tilespmem:v17+s28+$0x0], $0xffff  }
0x4cd: {  	v6 =	vadd.f32 v8, v6;
	v8 =	vmul.f32 v46, v5  }
0x4ce: {  	v3 =	vadd.f32 v4, v3;
	v4 =	vmul.f32 v47, v5;
	v5 =	vld.idx.msk [tilespmem:v18+s28+$0x0], $0xffff  }
0x4cf: {  	v6 =	vadd.f32 v8, v6;
	v8 =	vmul.f32 v48, v7  }
0x4d0: {  	v3 =	vadd.f32 v4, v3;
	v4 =	vmul.f32 v49, v7;
	v7 =	vld.idx.msk [tilespmem:v19+s28+$0x0], $0xffff  }
0x4d1: {  	v6 =	vadd.f32 v8, v6;
	v8 =	vmul.f32 v50, v9  }
0x4d2: {  	v3 =	vadd.f32 v4, v3;
	v4 =	vmul.f32 v51, v9;
	v9 =	vld.idx.msk [tilespmem:v20+s28+$0x0], $0xffff  }
0x4d3: {  	v6 =	vadd.f32 v8, v6;
	v8 =	vmul.f32 v52, v5  }
0x4d4: {  	v3 =	vadd.f32 v4, v3;
	v4 =	vmul.f32 v53, v5  }
0x4d5: {  	v5 =	vadd.f32 v8, v6;
	v6 =	vmul.f32 v54, v7;
	v8 =	vld.idx.msk [tilespmem:v21+s28+$0x0], $0xffff  }
0x4d6: {  	v3 =	vadd.f32 v4, v3;
	v4 =	vmul.f32 v55, v7  }
0x4d7: {  	v5 =	vadd.f32 v6, v5;
	v6 =	vmul.f32 v56, v9  }
0x4d8: {  	v3 =	vadd.f32 v4, v3;
	v4 =	vmul.f32 v57, v9  }
0x4d9: {  	v5 =	vadd.f32 v6, v5  }
0x4da: {  	v3 =	vadd.f32 v4, v3;
	v4 =	vmul.f32 v58, v8;
	v6 =	vmul.f32 v59, v8;
	_ =	sdelay $0x1  }
0x4db: {  	v4 =	vadd.f32 v4, v5;
	v3 =	vadd.f32 v6, v3;
	_ =	sdelay $0x1  }
0x4dc: {  	v5 =	vshrl.u32 v4, $0x10;
	v6 =	vshrl.u32 v3, $0x10  }
0x4dd: {  	v5 =	vand.u32 $0x1, v5;
	v6 =	vand.u32 $0x1, v6  }
0x4de: {  	v4 =	vadd.s32 v5, v4;
	v3 =	vadd.s32 v6, v3  }
0x4df: {  	v4 =	vadd.s32 $0x7FFF, v4;
	v3 =	vadd.s32 $0x7FFF, v3  }
0x4e0: {  	v4 =	vand.u32 $0xFFFF0000, v4;
	v3 =	vand.u32 $0xFFFF0000, v3  }
0x4e1: {  	v4 =	vmul.f32 v4, v0;
	v3 =	vmul.f32 v3, v2;
	_ =	sdelay $0x1  }
0x4e2: {  	v3 =	vadd.f32 v3, v4  }
0x4e3: {  	s3 =	sshll.u32 s3, $0x4  }
0x4e4: {  	s3 =	sand.u32 $0x3FFFFFD0, s3;
	[tilespmem:$0x1B640] =	vst v3  }
0x4e5: {  	v3 =	vld [tilespmem:s3+$0x19200];
	_ =	sdelay $0x4  }
0x4e6: {  	v3 =	vnsel vm1, $0x0, v3  }
0x4e7: {  	v4 =	vshrl.u32 v3, $0x10  }
0x4e8: {  	v4 =	vand.u32 $0x1, v4  }
0x4e9: {  	v3 =	vadd.s32 v4, v3;
	v4 =	vimm.s32 $0x1D;
	_ =	sdelay $0x3  }
0x4ea: {  	v3 =	vadd.s32 $0x7FFF, v3  }
0x4eb: {  	v3 =	vand.u32 $0xFFFF0000, v3;
	v4 =	vld.idx.msk [tilespmem:v4+s28+$0x0], $0xffff  }
0x4ec: {  	[tilespmem:$0x1B570] =	vst v3  }
0x4ed: {  	v3 =	vld.idx.msk [tilespmem:v23+s28+$0x0], $0xffff;
	_ =	sdelay $0x1  }
0x4ee: {  	v5 =	vld.idx.msk [tilespmem:v22+s28+$0x0], $0xffff  }
0x4ef: {  	v7 =	vld.idx.msk [tilespmem:v12+s28+$0x0], $0xffff;
	v12 =	vimm.s32 $0x24;
	v6 =	vmul.f32 v4, v61  }
0x4f0: {  	v4 =	vmul.f32 v4, v63  }
0x4f1: {  	v8 =	vmul.f32 v32, v3;
	v6 =	vadd.f32 v6, v60  }
0x4f2: {  	v9 =	vld.idx.msk [tilespmem:v13+s28+$0x0], $0xffff;
	v3 =	vmul.f32 v33, v3;
	v4 =	vadd.f32 v4, v62  }
0x4f3: {  	v6 =	vadd.f32 v8, v6;
	v8 =	vmul.f32 v34, v5  }
0x4f4: {  	v3 =	vadd.f32 v3, v4;
	v4 =	vmul.f32 v35, v5;
	v5 =	vld.idx.msk [tilespmem:v12+s28+$0x0], $0xffff  }
0x4f5: {  	v6 =	vadd.f32 v8, v6;
	v8 =	vmul.f32 v36, v7  }
0x4f6: {  	v3 =	vadd.f32 v4, v3;
	v4 =	vmul.f32 v37, v7;
	v7 =	vld.idx.msk [tilespmem:v15+s28+$0x0], $0xffff  }
0x4f7: {  	v6 =	vadd.f32 v8, v6;
	v8 =	vmul.f32 v38, v9  }
0x4f8: {  	v3 =	vadd.f32 v4, v3;
	v4 =	vmul.f32 v39, v9;
	v9 =	vld.idx.msk [tilespmem:v16+s28+$0x0], $0xffff  }
0x4f9: {  	v6 =	vadd.f32 v8, v6;
	v8 =	vmul.f32 v40, v5  }
0x4fa: {  	v3 =	vadd.f32 v4, v3;
	v4 =	vmul.f32 v41, v5;
	v5 =	vld.idx.msk [tilespmem:v10+s28+$0x0], $0xffff  }
0x4fb: {  	v6 =	vadd.f32 v8, v6;
	v8 =	vmul.f32 v42, v7  }
0x4fc: {  	v3 =	vadd.f32 v4, v3;
	v4 =	vmul.f32 v43, v7;
	v7 =	vld.idx.msk [tilespmem:v11+s28+$0x0], $0xffff  }
0x4fd: {  	v6 =	vadd.f32 v8, v6;
	v8 =	vmul.f32 v44, v9  }
0x4fe: {  	v3 =	vadd.f32 v4, v3;
	v4 =	vmul.f32 v45, v9;
	v9 =	vld.idx.msk [tilespmem:v17+s28+$0x0], $0xffff  }
0x4ff: {  	v6 =	vadd.f32 v8, v6;
	v8 =	vmul.f32 v46, v5  }
0x500: {  	v3 =	vadd.f32 v4, v3;
	v4 =	vmul.f32 v47, v5;
	v5 =	vld.idx.msk [tilespmem:v18+s28+$0x0], $0xffff  }
0x501: {  	v6 =	vadd.f32 v8, v6;
	v8 =	vmul.f32 v48, v7  }
0x502: {  	v3 =	vadd.f32 v4, v3;
	v4 =	vmul.f32 v49, v7;
	v7 =	vld.idx.msk [tilespmem:v19+s28+$0x0], $0xffff  }
0x503: {  	v6 =	vadd.f32 v8, v6;
	v8 =	vmul.f32 v50, v9  }
0x504: {  	v3 =	vadd.f32 v4, v3;
	v4 =	vmul.f32 v51, v9;
	v9 =	vld.idx.msk [tilespmem:v20+s28+$0x0], $0xffff  }
0x505: {  	v6 =	vadd.f32 v8, v6;
	v8 =	vmul.f32 v52, v5  }
0x506: {  	v3 =	vadd.f32 v4, v3;
	v4 =	vmul.f32 v53, v5  }
0x507: {  	v5 =	vadd.f32 v8, v6;
	v6 =	vmul.f32 v54, v7;
	v8 =	vld.idx.msk [tilespmem:v21+s28+$0x0], $0xffff  }
0x508: {  	v3 =	vadd.f32 v4, v3;
	v4 =	vmul.f32 v55, v7  }
0x509: {  	v5 =	vadd.f32 v6, v5;
	v6 =	vmul.f32 v56, v9  }
0x50a: {  	v3 =	vadd.f32 v4, v3;
	v4 =	vmul.f32 v57, v9  }
0x50b: {  	v5 =	vadd.f32 v6, v5  }
0x50c: {  	v3 =	vadd.f32 v4, v3;
	v4 =	vmul.f32 v58, v8;
	v6 =	vmul.f32 v59, v8;
	_ =	sdelay $0x1  }
0x50d: {  	v4 =	vadd.f32 v4, v5;
	v3 =	vadd.f32 v6, v3;
	_ =	sdelay $0x1  }
0x50e: {  	v5 =	vshrl.u32 v4, $0x10;
	v6 =	vshrl.u32 v3, $0x10  }
0x50f: {  	v5 =	vand.u32 $0x1, v5;
	v6 =	vand.u32 $0x1, v6  }
0x510: {  	v4 =	vadd.s32 v5, v4;
	v3 =	vadd.s32 v6, v3  }
0x511: {  	v4 =	vadd.s32 $0x7FFF, v4;
	v3 =	vadd.s32 $0x7FFF, v3  }
0x512: {  	v4 =	vand.u32 $0xFFFF0000, v4;
	v3 =	vand.u32 $0xFFFF0000, v3  }
0x513: {  	v4 =	vmul.f32 v4, v0;
	v3 =	vmul.f32 v3, v2;
	_ =	sdelay $0x1  }
0x514: {  	v3 =	vadd.f32 v3, v4  }
0x515: {  	s2 =	sshll.u32 s2, $0x4  }
0x516: {  	s2 =	sand.u32 $0x3FFFFFE0, s2;
	[tilespmem:$0x1B650] =	vst v3  }
0x517: {  	v3 =	vld [tilespmem:s2+$0x19200];
	_ =	sdelay $0x4  }
0x518: {  	v3 =	vnsel vm1, $0x0, v3  }
0x519: {  	v4 =	vshrl.u32 v3, $0x10  }
0x51a: {  	v4 =	vand.u32 $0x1, v4  }
0x51b: {  	v3 =	vadd.s32 v4, v3;
	v4 =	vimm.s32 $0x1E;
	_ =	sdelay $0x3  }
0x51c: {  	v3 =	vadd.s32 $0x7FFF, v3  }
0x51d: {  	v3 =	vand.u32 $0xFFFF0000, v3;
	v4 =	vld.idx.msk [tilespmem:v4+s28+$0x0], $0xffff  }
0x51e: {  	v14 =	vimm.s32 $0x22;
	[tilespmem:$0x1B570] =	vst v3  }
0x51f: {  	v3 =	vld.idx.msk [tilespmem:v23+s28+$0x0], $0xffff;
	_ =	sdelay $0x1  }
0x520: {  	v5 =	vld.idx.msk [tilespmem:v22+s28+$0x0], $0xffff  }
0x521: {  	v6 =	vmul.f32 v4, v61  }
0x522: {  	v7 =	vld.idx.msk [tilespmem:v14+s28+$0x0], $0xffff;
	v4 =	vmul.f32 v4, v63  }
0x523: {  	v8 =	vmul.f32 v32, v3;
	v6 =	vadd.f32 v6, v60  }
0x524: {  	v9 =	vld.idx.msk [tilespmem:v13+s28+$0x0], $0xffff;
	v3 =	vmul.f32 v33, v3;
	v4 =	vadd.f32 v4, v62  }
0x525: {  	v6 =	vadd.f32 v8, v6;
	v8 =	vmul.f32 v34, v5  }
0x526: {  	v3 =	vadd.f32 v3, v4;
	v4 =	vmul.f32 v35, v5;
	v5 =	vld.idx.msk [tilespmem:v12+s28+$0x0], $0xffff  }
0x527: {  	v6 =	vadd.f32 v8, v6;
	v8 =	vmul.f32 v36, v7  }
0x528: {  	v3 =	vadd.f32 v4, v3;
	v4 =	vmul.f32 v37, v7;
	v7 =	vld.idx.msk [tilespmem:v15+s28+$0x0], $0xffff  }
0x529: {  	v6 =	vadd.f32 v8, v6;
	v8 =	vmul.f32 v38, v9  }
0x52a: {  	v3 =	vadd.f32 v4, v3;
	v4 =	vmul.f32 v39, v9;
	v9 =	vld.idx.msk [tilespmem:v16+s28+$0x0], $0xffff  }
0x52b: {  	v6 =	vadd.f32 v8, v6;
	v8 =	vmul.f32 v40, v5  }
0x52c: {  	v3 =	vadd.f32 v4, v3;
	v4 =	vmul.f32 v41, v5;
	v5 =	vld.idx.msk [tilespmem:v10+s28+$0x0], $0xffff  }
0x52d: {  	v6 =	vadd.f32 v8, v6;
	v8 =	vmul.f32 v42, v7  }
0x52e: {  	v3 =	vadd.f32 v4, v3;
	v4 =	vmul.f32 v43, v7;
	v7 =	vld.idx.msk [tilespmem:v11+s28+$0x0], $0xffff  }
0x52f: {  	v6 =	vadd.f32 v8, v6;
	v8 =	vmul.f32 v44, v9  }
0x530: {  	v3 =	vadd.f32 v4, v3;
	v4 =	vmul.f32 v45, v9;
	v9 =	vld.idx.msk [tilespmem:v17+s28+$0x0], $0xffff  }
0x531: {  	v6 =	vadd.f32 v8, v6;
	v8 =	vmul.f32 v46, v5  }
0x532: {  	v3 =	vadd.f32 v4, v3;
	v4 =	vmul.f32 v47, v5;
	v5 =	vld.idx.msk [tilespmem:v18+s28+$0x0], $0xffff  }
0x533: {  	v6 =	vadd.f32 v8, v6;
	v8 =	vmul.f32 v48, v7  }
0x534: {  	v3 =	vadd.f32 v4, v3;
	v4 =	vmul.f32 v49, v7;
	v7 =	vld.idx.msk [tilespmem:v19+s28+$0x0], $0xffff  }
0x535: {  	v6 =	vadd.f32 v8, v6;
	v8 =	vmul.f32 v50, v9  }
0x536: {  	v3 =	vadd.f32 v4, v3;
	v4 =	vmul.f32 v51, v9;
	v9 =	vld.idx.msk [tilespmem:v20+s28+$0x0], $0xffff  }
0x537: {  	v6 =	vadd.f32 v8, v6;
	v8 =	vmul.f32 v52, v5  }
0x538: {  	v3 =	vadd.f32 v4, v3;
	v4 =	vmul.f32 v53, v5  }
0x539: {  	v5 =	vadd.f32 v8, v6;
	v6 =	vmul.f32 v54, v7;
	v8 =	vld.idx.msk [tilespmem:v21+s28+$0x0], $0xffff  }
0x53a: {  	v3 =	vadd.f32 v4, v3;
	v4 =	vmul.f32 v55, v7  }
0x53b: {  	v5 =	vadd.f32 v6, v5;
	v6 =	vmul.f32 v56, v9  }
0x53c: {  	v3 =	vadd.f32 v4, v3;
	v4 =	vmul.f32 v57, v9  }
0x53d: {  	v5 =	vadd.f32 v6, v5  }
0x53e: {  	v3 =	vadd.f32 v4, v3;
	v4 =	vmul.f32 v58, v8;
	v6 =	vmul.f32 v59, v8;
	_ =	sdelay $0x1  }
0x53f: {  	v4 =	vadd.f32 v4, v5;
	v3 =	vadd.f32 v6, v3;
	_ =	sdelay $0x1  }
0x540: {  	v5 =	vshrl.u32 v4, $0x10;
	v6 =	vshrl.u32 v3, $0x10  }
0x541: {  	v5 =	vand.u32 $0x1, v5;
	v6 =	vand.u32 $0x1, v6  }
0x542: {  	v4 =	vadd.s32 v5, v4;
	v3 =	vadd.s32 v6, v3  }
0x543: {  	v4 =	vadd.s32 $0x7FFF, v4;
	v3 =	vadd.s32 $0x7FFF, v3  }
0x544: {  	v4 =	vand.u32 $0xFFFF0000, v4;
	v3 =	vand.u32 $0xFFFF0000, v3  }
0x545: {  	v4 =	vmul.f32 v4, v0;
	v3 =	vmul.f32 v3, v2;
	_ =	sdelay $0x1  }
0x546: {  	v3 =	vadd.f32 v3, v4  }
0x547: {  	s1 =	sshll.u32 s1, $0x4  }
0x548: {  	s1 =	sand.u32 $0x3FFFFFF0, s1;
	[tilespmem:$0x1B660] =	vst v3  }
0x549: {  	v3 =	vld [tilespmem:s1+$0x19200];
	_ =	sdelay $0x4  }
0x54a: {  	v15 =	vimm.s32 $0x1F;
	v3 =	vnsel vm1, $0x0, v3  }
0x54b: {  	v4 =	vshrl.u32 v3, $0x10  }
0x54c: {  	v4 =	vand.u32 $0x1, v4  }
0x54d: {  	v3 =	vadd.s32 v4, v3  }
0x54e: {  	v10 =	vimm.s32 $0x21;
	v3 =	vadd.s32 $0x7FFF, v3  }
0x54f: {  	v4 =	vld.idx.msk [tilespmem:v15+s28+$0x0], $0xffff;
	v3 =	vand.u32 $0xFFFF0000, v3  }
0x550: {  	[tilespmem:$0x1B570] =	vst v3  }
0x551: {  	v3 =	vld.idx.msk [tilespmem:v23+s28+$0x0], $0xffff;
	_ =	sdelay $0x1  }
0x552: {  	v5 =	vld.idx.msk [tilespmem:v10+s28+$0x0], $0xffff  }
0x553: {  	v6 =	vmul.f32 v4, v61  }
0x554: {  	v4 =	vmul.f32 v4, v63  }
0x555: {  	v6 =	vadd.f32 v6, v60;
	v8 =	vmul.f32 v32, v3  }
0x556: {  	v7 =	vld.idx.msk [tilespmem:v14+s28+$0x0], $0xffff;
	v4 =	vadd.f32 v4, v62;
	v3 =	vmul.f32 v33, v3  }
0x557: {  	v9 =	vld.idx.msk [tilespmem:v13+s28+$0x0], $0xffff;
	v6 =	vadd.f32 v8, v6;
	v8 =	vmul.f32 v34, v5  }
0x558: {  	v3 =	vadd.f32 v3, v4;
	v4 =	vmul.f32 v35, v5;
	v5 =	vld.idx.msk [tilespmem:v12+s28+$0x0], $0xffff;
	v12 =	vimm.s32 $0x25;
	_ =	sdelay $0x2  }
0x559: {  	v6 =	vadd.f32 v8, v6;
	v8 =	vmul.f32 v36, v7  }
0x55a: {  	v3 =	vadd.f32 v4, v3;
	v4 =	vmul.f32 v37, v7  }
0x55b: {  	v6 =	vadd.f32 v8, v6;
	v8 =	vmul.f32 v38, v9;
	v7 =	vld.idx.msk [tilespmem:v12+s28+$0x0], $0xffff;
	v12 =	vimm.s32 $0x26  }
0x55c: {  	v11 =	vimm.s32 $0x28;
	v3 =	vadd.f32 v4, v3;
	v4 =	vmul.f32 v39, v9  }
0x55d: {  	v6 =	vadd.f32 v8, v6  }
0x55e: {  	v8 =	vmul.f32 v40, v5;
	v3 =	vadd.f32 v4, v3;
	v4 =	vmul.f32 v41, v5;
	_ =	sdelay $0x1  }
0x55f: {  	v6 =	vadd.f32 v8, v6;
	v3 =	vadd.f32 v4, v3;
	v9 =	vld.idx.msk [tilespmem:v12+s28+$0x0], $0xffff;
	v12 =	vimm.s32 $0x27  }
0x560: {  	v8 =	vmul.f32 v42, v7;
	v4 =	vmul.f32 v43, v7;
	v7 =	vld.idx.msk [tilespmem:v11+s28+$0x0], $0xffff;
	v11 =	vimm.s32 $0x29;
	_ =	sdelay $0x3  }
0x561: {  	v6 =	vadd.f32 v8, v6;
	v3 =	vadd.f32 v4, v3;
	v5 =	vld.idx.msk [tilespmem:v12+s28+$0x0], $0xffff  }
0x562: {  	v8 =	vmul.f32 v44, v9;
	v4 =	vmul.f32 v45, v9;
	v9 =	vld.idx.msk [tilespmem:v11+s28+$0x0], $0xffff;
	v11 =	vimm.s32 $0x2A;
	_ =	sdelay $0x3  }
0x563: {  	v6 =	vadd.f32 v8, v6;
	v3 =	vadd.f32 v4, v3  }
0x564: {  	v8 =	vmul.f32 v46, v5;
	v4 =	vmul.f32 v47, v5;
	v5 =	vld.idx.msk [tilespmem:v11+s28+$0x0], $0xffff;
	v11 =	vimm.s32 $0x2B;
	_ =	sdelay $0x3  }
0x565: {  	v6 =	vadd.f32 v8, v6;
	v8 =	vmul.f32 v48, v7  }
0x566: {  	v3 =	vadd.f32 v4, v3;
	v4 =	vmul.f32 v49, v7;
	v7 =	vld.idx.msk [tilespmem:v11+s28+$0x0], $0xffff;
	v11 =	vimm.s32 $0x2C;
	_ =	sdelay $0x3  }
0x567: {  	v6 =	vadd.f32 v8, v6;
	v8 =	vmul.f32 v50, v9  }
0x568: {  	v3 =	vadd.f32 v4, v3;
	v4 =	vmul.f32 v51, v9;
	v9 =	vld.idx.msk [tilespmem:v11+s28+$0x0], $0xffff;
	v11 =	vimm.s32 $0x2D;
	_ =	sdelay $0x2  }
0x569: {  	v6 =	vadd.f32 v8, v6;
	v8 =	vmul.f32 v52, v5  }
0x56a: {  	v3 =	vadd.f32 v4, v3;
	v4 =	vmul.f32 v53, v5  }
0x56b: {  	v5 =	vadd.f32 v8, v6;
	v6 =	vmul.f32 v54, v7;
	v8 =	vld.idx.msk [tilespmem:v11+s28+$0x0], $0xffff  }
0x56c: {  	v3 =	vadd.f32 v4, v3;
	v4 =	vmul.f32 v55, v7  }
0x56d: {  	v5 =	vadd.f32 v6, v5;
	v6 =	vmul.f32 v56, v9  }
0x56e: {  	v3 =	vadd.f32 v4, v3;
	v4 =	vmul.f32 v57, v9  }
0x56f: {  	v5 =	vadd.f32 v6, v5  }
0x570: {  	v3 =	vadd.f32 v4, v3;
	v4 =	vmul.f32 v58, v8;
	v6 =	vmul.f32 v59, v8;
	_ =	sdelay $0x1  }
0x571: {  	v4 =	vadd.f32 v4, v5;
	v3 =	vadd.f32 v6, v3;
	_ =	sdelay $0x1  }
0x572: {  	v5 =	vshrl.u32 v4, $0x10;
	v6 =	vshrl.u32 v3, $0x10  }
0x573: {  	v5 =	vand.u32 $0x1, v5;
	v6 =	vand.u32 $0x1, v6  }
0x574: {  	v4 =	vadd.s32 v5, v4;
	v3 =	vadd.s32 v6, v3  }
0x575: {  	v4 =	vadd.s32 $0x7FFF, v4;
	v3 =	vadd.s32 $0x7FFF, v3  }
0x576: {  	v4 =	vand.u32 $0xFFFF0000, v4;
	v3 =	vand.u32 $0xFFFF0000, v3  }
0x577: {  	v4 =	vmul.f32 v4, v0;
	v3 =	vmul.f32 v3, v2;
	_ =	sdelay $0x1  }
0x578: {  	v3 =	vadd.f32 v3, v4;
	v4 =	vld [tilespmem:$0x1FF80];
	_ =	sdelay $0x4  }
0x579: {  	v6 =	vld [tilespmem:$0x1FFF0];
	[tilespmem:$0x1B670] =	vst v3  }
0x57a: {  	v3 =	vld.idx.msk [tilespmem:v1+s29+$0x0], $0xffff;
	_ =	sdelay $0x1  }
0x57b: {  	v4 =	vld.idx.msk [tilespmem:v4+s29+$0x0], $0xffff  }
0x57c: {  	v5 =	vld [tilespmem:$0x1FF90];
	_ =	sdelay $0x1  }
0x57d: {  	v3 =	vadd.f32 v3, v6;
	v6 =	vld [tilespmem:$0x1FFA0];
	_ =	sdelay $0x1  }
0x57e: {  	v3 =	vadd.f32 v4, v3;
	v4 =	vld [tilespmem:$0x1FFB0];
	_ =	sdelay $0x3  }
0x57f: {  	v5 =	vld.idx.msk [tilespmem:v5+s29+$0x0], $0xffff;
	_ =	sdelay $0x1  }
0x580: {  	v6 =	vld.idx.msk [tilespmem:v6+s29+$0x0], $0xffff;
	_ =	sdelay $0x1  }
0x581: {  	v4 =	vld.idx.msk [tilespmem:v4+s29+$0x0], $0xffff  }
0x582: {  	v3 =	vadd.f32 v5, v3;
	v5 =	vld [tilespmem:$0x1FFC0];
	_ =	sdelay $0x1  }
0x583: {  	v3 =	vadd.f32 v6, v3;
	v6 =	vld [tilespmem:$0x1FFD0];
	_ =	sdelay $0x1  }
0x584: {  	v3 =	vadd.f32 v4, v3;
	v4 =	vld [tilespmem:$0x1FFE0];
	_ =	sdelay $0x3  }
0x585: {  	v5 =	vld.idx.msk [tilespmem:v5+s29+$0x0], $0xffff;
	_ =	sdelay $0x1  }
0x586: {  	v6 =	vld.idx.msk [tilespmem:v6+s29+$0x0], $0xffff;
	_ =	sdelay $0x1  }
0x587: {  	v4 =	vld.idx.msk [tilespmem:v4+s29+$0x0], $0xffff  }
0x588: {  	v3 =	vadd.f32 v5, v3  }
0x589: {  	v5 =	vld.idx.msk [tilespmem:v25+s29+$0x0], $0xffff  }
0x58a: {  	v3 =	vadd.f32 v6, v3  }
0x58b: {  	v6 =	vld.idx.msk [tilespmem:v26+s29+$0x0], $0xffff  }
0x58c: {  	v3 =	vadd.f32 v4, v3  }
0x58d: {  	v4 =	vld.idx.msk [tilespmem:v27+s29+$0x0], $0xffff  }
0x58e: {  	v3 =	vadd.f32 v5, v3  }
0x58f: {  	v5 =	vld.idx.msk [tilespmem:v28+s29+$0x0], $0xffff  }
0x590: {  	v3 =	vadd.f32 v6, v3  }
0x591: {  	v6 =	vld.idx.msk [tilespmem:v29+s29+$0x0], $0xffff  }
0x592: {  	v3 =	vadd.f32 v4, v3  }
0x593: {  	v4 =	vld.idx.msk [tilespmem:v30+s29+$0x0], $0xffff  }
0x594: {  	v3 =	vadd.f32 v5, v3  }
0x595: {  	v5 =	vld.idx.msk [tilespmem:v31+s29+$0x0], $0xffff  }
0x596: {  	v3 =	vadd.f32 v6, v3  }
0x597: {  	v6 =	vld.idx.msk [tilespmem:v24+s29+$0x0], $0xffff  }
0x598: {  	v3 =	vadd.f32 v4, v3  }
0x599: {  	p0 =	sne.s32 s4, $0x1F  }
.Ltmp0:
0x59a: {  	v3 =	vadd.f32 v5, v3;
	(pc) =	sbr.rel @p0 .LBB2_2-.Ltmp0, $3  }
0x59b: {  	_ = 	snop  }
0x59c: {  	v3 =	vadd.f32 v6, v3;
	_ =	sdelay $0x1  }
0x59d: {  	s4 =	sadd.s32 $0x1, s4;
	v7 =	vimm.s32 $0x10;
	v8 =	vimm.s32 $0x20;
	[tilespmem:s0+$0x1B680] =	vst v3  }
0x59e: {  	s31 =	sadd.s32 $0x1, s31  }
0x59f: {  	p0 =	sne.s32 s31, s11  }
.Ltmp1:
0x5a0: {  	s0 =	simm.s32 $0x1B680;
	(pc) =	sbr.rel @p0 .LBB2_1-.Ltmp1, $4  }
0x5a1: {  	[hbm4b:s10+s6] =	stream.linear.scatter [tilespmem:s0], [sflag:$0x2], $0x200, $0x38;
	[tilespmem:$0x1B880] =	vst v63  }
0x5a2: {  	_ =	swait.ge [sflag:s12], $0x200  }
0x5a3: {  	[sflag:s12] =	ssyncset.done $0x0  }
0x5a4: {  	[sflag:s12] =	ssyncadd.s32 $0xFFFFFE00  }
0x5a5: {  	_ =	sfence.sel $0x180000  }
0x5a6: {  	[bflag:$0x0] =	sbarrier.arrive $0xFFFF  }
0x5a7: {  	_ =	strace $0x90000047  }
0x5a8: {  	s0 =	stileid.u32;
	[bflag:$0x2] =	sbarrier.arrive $0xFFFF  }
0x5a9: {  	p0 =	sne.s32 s0, $0x0;
	s0 =	rddreg [dreg:$0x7]  }
0x5aa: {  	s0 =	sadd.s32 @!p0 $0x100000, s0  }
0x5ab: {  	[sflag:s0] =	ssyncadd.tile.s32 @!p0 $0x1;
	_ =	shalt  }
.Lfunc_end2:
_tile_overlayer_lowered:
.L_overlay_start_2:
0x5ac: {  	(tag) =	ssettag $0x2  }
0x5ad: {  	s0 =	rddreg [dreg:$0x0];
	s2 =	stileid.u32  }
0x5ae: {  	s1 =	rddreg [dreg:$0x1];
	p0 =	sne.s32 s2, $0x0  }
0x5af: {  	s3 =	rddreg [dreg:$0x2];
	[bflag:$0x3] =	sbarrier.arrive $0xFFFF;
	s2 =	simm.s32 @!p0 $0x1C02  }
0x5b0: {  	[timem:s3], [sflag:s2] =	dma.local @!p0 [hbm:s0], s1  }
0x5b1: {  	s0 =	simm.s32 @!p0 $0x2  }
0x5b2: {  	_ =	swait.ge @!p0 [sflag:s0], s1  }
0x5b3: {  	s1 =	ssub.s32 @!p0 $0x0, s1;
	[sflag:s0] =	ssyncset.done @!p0 $0x0  }
0x5b4: {  	[sflag:s0] =	ssyncadd.s32 @!p0 s1  }
0x5b5: {  	[bflag:$0x3] =	sbarrier.arrive $0xFFFF  }
0x5b6: {  	_ =	shalt  }

</sc_bundles>
